<compile_context>
chip_gen: v7x
topology: tpu7x:2x2x1
jax: 0.10.2.dev20260603
libtpu: 0.0.44.dev20260713+nightly
codegen_flags: <defaults>
</compile_context>

<pallas_src>
import functools

import jax
import jax.numpy as jnp
from jax import lax
from jax.experimental import pallas as pl
from jax.experimental.pallas import tpu as pltpu
from jax.experimental.pallas import tpu_sc as plsc

NUM_CORES = 2
NUM_SUBCORES = 16
NW = NUM_CORES * NUM_SUBCORES


def _deg_body(col_hbm, x_hbm, dis_hbm, g_hbm,
              col_v, ones_v, xbuf, dis_l, acc, semc, semx,
              n_acc, chunks_per_tile, din, chunk, scale_w, rows_per_w):
    c = lax.axis_index("c")
    s = lax.axis_index("s")
    wid = s * NUM_CORES + c
    rows_per_tile = n_acc // NUM_SUBCORES
    scaling = wid < scale_w

    pltpu.async_copy(col_hbm.at[pl.ds(s * chunks_per_tile, chunks_per_tile)],
                     col_v, semc)

    @pl.when(scaling)
    def _():
        pltpu.async_copy(x_hbm.at[pl.ds(wid * rows_per_w, rows_per_w)], xbuf, semx)

    def init_ones(j, _):
        ones_v[pl.ds(j * 16, 16)] = jnp.ones((16,), jnp.float32)
        return 0
    lax.fori_loop(0, ones_v.shape[0] // 16, init_ones, 0)

    def zr(i, _):
        dis_l[pl.ds(i * 16, 16)] = jnp.zeros((16,), jnp.float32)
        return 0
    lax.fori_loop(0, rows_per_w // 16, zr, 0)
    done = 0
    while done < rows_per_tile:
        step_rows = min(rows_per_w, rows_per_tile - done)
        pltpu.sync_copy(dis_l.at[pl.ds(0, step_rows)],
                        acc.at[pl.ds(s * rows_per_tile + done, step_rows)])
        done += step_rows
    pltpu.make_async_copy(
        col_hbm.at[pl.ds(s * chunks_per_tile, chunks_per_tile)], col_v, semc).wait()
    plsc.subcore_barrier()

    def step(j, _):
        pltpu.sync_copy(ones_v.at[pl.ds(0, chunk)], acc.at[col_v.at[j]], add=True)
        return 0
    lax.fori_loop(0, chunks_per_tile, step, 0)
    plsc.subcore_barrier()

    @pl.when(scaling)
    def _():
        pltpu.sync_copy(acc.at[pl.ds(wid * rows_per_w, rows_per_w)], dis_l)

        def newton(i, _):
            d = dis_l[pl.ds(i * 16, 16)]
            y = lax.bitcast_convert_type(
                jnp.int32(0x5F3759DF) - (lax.bitcast_convert_type(d, jnp.int32) >> 1),
                jnp.float32)
            for _ in range(3):
                y = y * (1.5 - 0.5 * d * y * y)
            dis_l[pl.ds(i * 16, 16)] = jnp.where(d > 0, y, 0.0)
            return 0
        lax.fori_loop(0, rows_per_w // 16, newton, 0)
        pltpu.sync_copy(dis_l, dis_hbm.at[pl.ds(wid * rows_per_w, rows_per_w)])

        pltpu.make_async_copy(
            x_hbm.at[pl.ds(wid * rows_per_w, rows_per_w)], xbuf, semx).wait()

        def scale(ib, _):
            dv = dis_l[pl.ds(ib * 16, 16)]
            for k in range(16):
                disv = lax.gather(
                    dv, jnp.full((16, 1), k, dtype=jnp.int32),
                    dimension_numbers=lax.GatherDimensionNumbers(
                        offset_dims=(), collapsed_slice_dims=(0,),
                        start_index_map=(0,)),
                    slice_sizes=(1,),
                    mode=lax.GatherScatterMode.PROMISE_IN_BOUNDS)
                row = ib * 16 + k
                for jj in range(din // 16):
                    sl = pl.ds(jj * 16, 16)
                    xbuf[row, sl] = xbuf[row, sl] * disv
            return 0
        lax.fori_loop(0, rows_per_w // 16, scale, 0)
        pltpu.sync_copy(xbuf, g_hbm.at[pl.ds(wid * rows_per_w, rows_per_w)])


def _spmm_body(row_hbm, col_hbm, g_hbm, out_hbm,
               row_v, col_v, bufs, acc, sem0, sem1,
               n_acc, chunks_per_w, dh):
    c = lax.axis_index("c")
    s = lax.axis_index("s")
    wid = s * NUM_CORES + c
    rows_per_tile = n_acc // NUM_SUBCORES
    half = chunks_per_w // 2
    gsems = (sem0, sem1)

    base0 = wid * chunks_per_w
    pltpu.async_copy(row_hbm.at[pl.ds(base0, half)], row_v, sem0)
    pltpu.async_copy(col_hbm.at[pl.ds(base0, half)], col_v, sem1)

    zrows = 80

    def zr(i, _):
        def zc(jj, _):
            bufs[0, i, pl.ds(jj * 16, 16)] = jnp.zeros((16,), jnp.float32)
            return 0
        return lax.fori_loop(0, dh // 16, zc, 0)
    lax.fori_loop(0, zrows, zr, 0)
    for k in range(rows_per_tile // zrows):
        pltpu.sync_copy(bufs.at[0, pl.ds(0, zrows)],
                        acc.at[pl.ds(s * rows_per_tile + k * zrows, zrows)])
    pltpu.make_async_copy(row_hbm.at[pl.ds(base0, half)], row_v, sem0).wait()
    pltpu.make_async_copy(col_hbm.at[pl.ds(base0, half)], col_v, sem1).wait()
    plsc.subcore_barrier()

    for phase in range(2):
        base = wid * chunks_per_w + phase * half
        if phase:
            pltpu.sync_copy(row_hbm.at[pl.ds(base, half)], row_v)
            pltpu.sync_copy(col_hbm.at[pl.ds(base, half)], col_v)
        pltpu.async_copy(g_hbm.at[row_v.at[0]], bufs.at[0], sem0)
        pltpu.async_copy(g_hbm.at[row_v.at[1]], bufs.at[1], sem1)

        def pair(i, _):
            for b in range(2):
                j = 2 * i + b
                pltpu.make_async_copy(g_hbm.at[row_v.at[j]], bufs.at[b],
                                      gsems[b]).wait()
                pltpu.sync_copy(bufs.at[b], acc.at[col_v.at[j]], add=True)

                @pl.when(j + 2 < half)
                def _():
                    pltpu.async_copy(g_hbm.at[row_v.at[j + 2]], bufs.at[b], gsems[b])
            return 0
        lax.fori_loop(0, half // 2, pair, 0)
    plsc.subcore_barrier()

    sl = pl.ds(s * rows_per_tile, rows_per_tile)
    pltpu.sync_copy(acc.at[sl], out_hbm.at[c, sl])



def _mid_body(p_ref, d_ref, b_ref, w_ref, o_ref):
    dis = d_ref[:, 0]
    y = lax.dot_general((p_ref[0] + p_ref[1]) * dis[:, None], w_ref[...],
                        (((1,), (1,)), ((), ())), preferred_element_type=jnp.float32)
    o_ref[...] = jnp.maximum(y + b_ref[0][None, :], 0.0) * dis[:, None]


def _out_body(q_ref, d_ref, b_ref, w_ref, wo_ref, bo_ref, o_ref):
    dis = d_ref[:, 0]
    y = lax.dot_general((q_ref[0] + q_ref[1]) * dis[:, None], w_ref[...],
                        (((1,), (1,)), ((), ())), preferred_element_type=jnp.float32)
    t = jnp.maximum(y + b_ref[0][None, :], 0.0)
    o_ref[...] = lax.dot_general(t, wo_ref[...], (((1,), (0,)), ((), ())),
                                 preferred_element_type=jnp.float32) + bo_ref[0][None, :]



def kernel(x, edge_index, W1, b1, W2, b2, Wout, bout):
    n, din = x.shape
    dh = W1.shape[0]
    dout = Wout.shape[1]
    e = edge_index.shape[1]

    chunks_per_w = 80
    chunk = e // (NW * chunks_per_w)
    n_acc = -(-n // (NUM_SUBCORES * 128)) * (NUM_SUBCORES * 128)
    scale_w = 25
    rows_per_w = n // scale_w

    row2 = edge_index[0].reshape(-1, chunk)
    col2 = edge_index[1].reshape(-1, chunk)

    mesh = plsc.VectorSubcoreMesh(core_axis_name="c", subcore_axis_name="s")
    chunks_per_tile = (NW * chunks_per_w) // NUM_SUBCORES

    deg_k = pl.kernel(
        functools.partial(_deg_body, n_acc=n_acc, chunks_per_tile=chunks_per_tile,
                          din=din, chunk=chunk, scale_w=scale_w,
                          rows_per_w=rows_per_w),
        out_type=(jax.ShapeDtypeStruct((n,), jnp.float32),
                  jax.ShapeDtypeStruct((n, din), jnp.float32)),
        mesh=mesh,
        scratch_types=[
            pltpu.VMEM((chunks_per_tile, chunk), jnp.int32),
            pltpu.VMEM((128,), jnp.float32),
            pltpu.VMEM((rows_per_w, din), jnp.float32),
            pltpu.VMEM((rows_per_w,), jnp.float32),
            pltpu.VMEM_SHARED((n_acc,), jnp.float32),
            pltpu.SemaphoreType.DMA,
            pltpu.SemaphoreType.DMA,
        ],
    )
    spmm_k = pl.kernel(
        functools.partial(_spmm_body, n_acc=n_acc, chunks_per_w=chunks_per_w, dh=dh),
        out_type=jax.ShapeDtypeStruct((2, n_acc, dh), jnp.float32),
        mesh=mesh,
        scratch_types=[
            pltpu.VMEM((chunks_per_w // 2, chunk), jnp.int32),
            pltpu.VMEM((chunks_per_w // 2, chunk), jnp.int32),
            pltpu.VMEM((2, chunk, dh), jnp.float32),
            pltpu.VMEM_SHARED((n_acc, dh), jnp.float32),
            pltpu.SemaphoreType.DMA,
            pltpu.SemaphoreType.DMA,
        ],
    )

    dis, g0 = deg_k(col2, x)
    d_col = dis.reshape(n, 1)

    br = 5000
    grid = n // br

    p_part = spmm_k(row2, col2, g0)

    mid = pl.pallas_call(
        _mid_body,
        grid=(grid,),
        in_specs=[
            pl.BlockSpec((2, br, dh), lambda i: (0, i, 0)),
            pl.BlockSpec((br, 1), lambda i: (i, 0)),
            pl.BlockSpec((1, dh), lambda i: (0, 0)),
            pl.BlockSpec((dh, dh), lambda i: (0, 0)),
        ],
        out_specs=pl.BlockSpec((br, dh), lambda i: (i, 0)),
        out_shape=jax.ShapeDtypeStruct((n, dh), jnp.float32),
    )
    g1 = mid(p_part, d_col, b1.reshape(1, dh), W1)

    q_part = spmm_k(row2, col2, g1)

    outk = pl.pallas_call(
        _out_body,
        grid=(grid,),
        in_specs=[
            pl.BlockSpec((2, br, dh), lambda i: (0, i, 0)),
            pl.BlockSpec((br, 1), lambda i: (i, 0)),
            pl.BlockSpec((1, dh), lambda i: (0, 0)),
            pl.BlockSpec((dh, dh), lambda i: (0, 0)),
            pl.BlockSpec((dh, dout), lambda i: (0, 0)),
            pl.BlockSpec((1, dout), lambda i: (0, 0)),
        ],
        out_specs=pl.BlockSpec((br, dout), lambda i: (i, 0)),
        out_shape=jax.ShapeDtypeStruct((n, dout), jnp.float32),
    )
    return outk(q_part, d_col, b2.reshape(1, dh), W2, Wout, bout.reshape(1, dout))

# --- scband reference (transcript-rebuilt; emitter-appended) ---
"""Pipeline reference for scband-my-gcn-44839458570483 (READ-ONLY COPY).

The authoritative reference and input builder live on the scoring server;
editing this copy changes nothing except your own understanding.
"""

import jax, jax.numpy as jnp
import numpy as np

N, E, DIN, DH, DOUT = 10000, 320000, 128, 128, 64


def setup_inputs(seed: int = 0) -> dict:
    key = jax.random.key(seed)
    ks = jax.random.split(key, 8)
    x = jax.random.normal(ks[0], (N, DIN), dtype=jnp.float32)
    edge_index = jax.random.randint(ks[1], (2, E), 0, N, dtype=jnp.int32)
    # layer 1: Linear(DIN, DH, bias=False) weight [DH, DIN], conv bias [DH]
    W1 = jax.random.normal(ks[2], (DH, DIN), dtype=jnp.float32) / np.sqrt(DIN)
    b1 = jnp.zeros((DH,), dtype=jnp.float32)
    # layer 2: Linear(DH, DH, bias=False)
    W2 = jax.random.normal(ks[3], (DH, DH), dtype=jnp.float32) / np.sqrt(DH)
    b2 = jnp.zeros((DH,), dtype=jnp.float32)
    # output projection
    Wout = jax.random.normal(ks[4], (DH, DOUT), dtype=jnp.float32) / np.sqrt(DH)
    bout = jnp.zeros((DOUT,), dtype=jnp.float32)
    return {"x": x, "edge_index": edge_index, "W1": W1, "b1": b1, "W2": W2, "b2": b2, "Wout": Wout, "bout": bout}


def _gcn_conv(x, edge_index, W, b):
    # x = self.lin(x)
    x = x @ W.T
    row, col = edge_index[0], edge_index[1]
    n = x.shape[0]
    # deg = degree(col, N); deg_inv_sqrt with inf -> 0
    deg = jnp.zeros((n,), dtype=x.dtype).at[col].add(1.0)
    deg_inv_sqrt = jnp.where(deg > 0, deg ** -0.5, 0.0)
    norm = deg_inv_sqrt[row] * deg_inv_sqrt[col]
    # message: norm * x_j (x_j = x[row]); aggregate 'add' at col
    msg = norm[:, None] * x[row]
    out = jnp.zeros_like(x).at[col].add(msg)
    return out + b[None, :]


def reference(x, edge_index, W1, b1, W2, b2, Wout, bout):
    h = jax.nn.relu(_gcn_conv(x, edge_index, W1, b1))
    h = jax.nn.relu(_gcn_conv(h, edge_index, W2, b2))
    # (x[:, :, None] * output_weights[None]).sum(axis=1) + output_bias == x @ Wout + bout
    out = h @ Wout + bout[None, :]
    return out  # variant == 'equi'

if __name__ == "__main__":
    import jax
    _d = setup_inputs()
    print(jax.jit(kernel)(*tuple(_d.values())))

</pallas_src>

<mosaic_0001>
#map = affine_map<(d0, d1) -> (0, 0)>
#map1 = affine_map<(d0, d1) -> (0, 0, 0)>
module attributes {stable_mosaic.version = 14 : i64} {
  func.func @_spmm_body(%arg0: i32, %arg1: i32, %arg2: memref<2560x125xi32, #tpu.memory_space<hbm>>, %arg3: memref<2560x125xi32, #tpu.memory_space<hbm>>, %arg4: memref<10000x128xf32, #tpu.memory_space<hbm>>, %arg5: memref<2x10240x128xf32, #tpu.memory_space<hbm>>, %arg6: memref<40x125xi32, #tpu.memory_space<vmem>>, %arg7: memref<40x125xi32, #tpu.memory_space<vmem>>, %arg8: memref<2x125x128xf32, #tpu.memory_space<vmem>>, %arg9: memref<10240x128xf32, #tpu.memory_space<vmem_shared>>, %arg10: memref<!tpu.dma_semaphore, #tpu.memory_space<semaphore_mem>>, %arg11: memref<!tpu.dma_semaphore, #tpu.memory_space<semaphore_mem>>) attributes {dimension_semantics = [#tpu.dimension_semantics<core_parallel>, #tpu.dimension_semantics<subcore_parallel>], iteration_bounds = array<i64: 2, 16>, scalar_prefetch = 0 : i64, scratch_operands = 6 : i64, tpu.core_type = #tpu.core_type<sc_vector_subcore>, window_params = [{transform_indices = #map}, {transform_indices = #map}, {transform_indices = #map}, {transform_indices = #map1}]} {
    %mul3A = arith.constant 2 : i32
    %mul3A_0 = arith.muli %arg1, %mul3A : i32
    %add3A = arith.addi %mul3A_0, %arg0 : i32
    %mul3A_1 = arith.constant 80 : i32
    %mul3A_2 = arith.muli %add3A, %mul3A_1 : i32
    %dma_start3A = arith.constant 0 : i32
    %dma_start3A_3 = tpu.memref_slice %arg2[%mul3A_2, %dma_start3A] : memref<2560x125xi32, #tpu.memory_space<hbm>> -> memref<40x125xi32, #tpu.memory_space<hbm>>
    %dma_start3A_4 = arith.constant 0 : i32
    %dma_start3A_5 = tpu.memref_slice %arg2[%mul3A_2, %dma_start3A_4] : memref<2560x125xi32, #tpu.memory_space<hbm>> -> memref<40x125xi32, #tpu.memory_space<hbm>>
    tpu.enqueue_dma source(%dma_start3A_5 : memref<40x125xi32, #tpu.memory_space<hbm>>) target(%arg6 : memref<40x125xi32, #tpu.memory_space<vmem>>) target_semaphore(%arg10 : memref<!tpu.dma_semaphore, #tpu.memory_space<semaphore_mem>>)
    %dma_start3A_6 = arith.constant 0 : i32
    %dma_start3A_7 = tpu.memref_slice %arg3[%mul3A_2, %dma_start3A_6] : memref<2560x125xi32, #tpu.memory_space<hbm>> -> memref<40x125xi32, #tpu.memory_space<hbm>>
    %dma_start3A_8 = arith.constant 0 : i32
    %dma_start3A_9 = tpu.memref_slice %arg3[%mul3A_2, %dma_start3A_8] : memref<2560x125xi32, #tpu.memory_space<hbm>> -> memref<40x125xi32, #tpu.memory_space<hbm>>
    tpu.enqueue_dma source(%dma_start3A_9 : memref<40x125xi32, #tpu.memory_space<hbm>>) target(%arg7 : memref<40x125xi32, #tpu.memory_space<vmem>>) target_semaphore(%arg11 : memref<!tpu.dma_semaphore, #tpu.memory_space<semaphore_mem>>)
    %scan3A = arith.constant 0 : i32
    %scan3A_10 = arith.constant 0 : i32
    %scan3A_11 = arith.constant 80 : i32
    %scan3A_12 = arith.addi %scan3A_10, %scan3A_11 : i32
    %scan3A_13 = arith.constant 1 : i32
    %scan3A_14 = scf.for %scan3A_135 = %scan3A_10 to %scan3A_12 step %scan3A_13 iter_args(%scan3A_136 = %scan3A) -> (i32)  : i32 {
      %scan3A_137 = arith.constant 0 : i32
      %scan3A_138 = arith.constant 0 : i32
      %scan3A_139 = arith.constant 8 : i32
      %scan3A_140 = arith.addi %scan3A_138, %scan3A_139 : i32
      %scan3A_141 = arith.constant 1 : i32
      %scan3A_142 = scf.for %scan3A_144 = %scan3A_138 to %scan3A_140 step %scan3A_141 iter_args(%scan3A_145 = %scan3A_137) -> (i32)  : i32 {
        %broadcast_in_dim3A = arith.constant 0.000000e+00 : f32
        %broadcast_in_dim3A_146 = vector.broadcast %broadcast_in_dim3A : f32 to vector<16xf32>
        %mul3A_147 = arith.constant 16 : i32
        %mul3A_148 = arith.muli %scan3A_144, %mul3A_147 : i32
        %swap3A = arith.constant 0 : i32
        %swap3A_149 = arith.index_cast %swap3A : i32 to index
        %swap3A_150 = arith.index_cast %scan3A_135 : i32 to index
        %swap3A_151 = arith.index_cast %mul3A_148 : i32 to index
        %swap3A_152 = tpu.vector_load %arg8[%swap3A_149, %swap3A_150, %swap3A_151] {strides = array<i32>} : memref<2x125x128xf32, #tpu.memory_space<vmem>>, vector<1x1x16xf32>,
        %swap3A_153 = vector.shape_cast %swap3A_152 : vector<1x1x16xf32> to vector<16xf32>
        %swap3A_154 = vector.shape_cast %broadcast_in_dim3A_146 : vector<16xf32> to vector<1x1x16xf32>
        tpu.vector_store %arg8[%swap3A_149, %swap3A_150, %swap3A_151], %swap3A_154 {strides = array<i32>} : memref<2x125x128xf32, #tpu.memory_space<vmem>>, vector<1x1x16xf32>,
        %scan3A_155 = arith.constant 0 : i32
        scf.yield %scan3A_155 : i32
      }
      %scan3A_143 = arith.constant 8 : i32
      scf.yield %scan3A_142 : i32
    }
    %scan3A_15 = arith.constant 80 : i32
    %mul3A_16 = arith.constant 640 : i32
    %mul3A_17 = arith.muli %arg1, %mul3A_16 : i32
    %add3A_18 = arith.constant 0 : i32
    %add3A_19 = arith.addi %mul3A_17, %add3A_18 : i32
    %run_scoped3A = arith.constant 0 : i32
    "tpu.region"() ({
      %run_scoped3A_135 = tpu.sem_alloc : memref<!tpu.dma_semaphore, #tpu.memory_space<semaphore_mem>>
      %dma_start3A_136 = arith.constant 0 : i32
      %dma_start3A_137 = arith.constant 0 : i32
      %dma_start3A_138 = tpu.memref_slice %arg8[%run_scoped3A, %dma_start3A_136, %dma_start3A_137] : memref<2x125x128xf32, #tpu.memory_space<vmem>> -> memref<1x80x128xf32, #tpu.memory_space<vmem>>
      %dma_start3A_139 = tpu.memref_squeeze %dma_start3A_138 : memref<1x80x128xf32, #tpu.memory_space<vmem>> -> memref<80x128xf32, #tpu.memory_space<vmem>>
      %dma_start3A_140 = arith.constant 0 : i32
      %dma_start3A_141 = tpu.memref_slice %arg9[%add3A_19, %dma_start3A_140] : memref<10240x128xf32, #tpu.memory_space<vmem_shared>> -> memref<80x128xf32, #tpu.memory_space<vmem_shared>>
      %dma_start3A_142 = arith.constant 0 : i32
      %dma_start3A_143 = tpu.memref_slice %arg9[%add3A_19, %dma_start3A_142] : memref<10240x128xf32, #tpu.memory_space<vmem_shared>> -> memref<80x128xf32, #tpu.memory_space<vmem_shared>>
      %dma_start3A_144 = arith.constant 0 : i32
      %dma_start3A_145 = arith.constant 0 : i32
      %dma_start3A_146 = tpu.memref_slice %arg8[%run_scoped3A, %dma_start3A_144, %dma_start3A_145] : memref<2x125x128xf32, #tpu.memory_space<vmem>> -> memref<1x80x128xf32, #tpu.memory_space<vmem>>
      %dma_start3A_147 = tpu.memref_squeeze %dma_start3A_146 : memref<1x80x128xf32, #tpu.memory_space<vmem>> -> memref<80x128xf32, #tpu.memory_space<vmem>>
      tpu.enqueue_dma source(%dma_start3A_147 : memref<80x128xf32, #tpu.memory_space<vmem>>) target(%dma_start3A_143 : memref<80x128xf32, #tpu.memory_space<vmem_shared>>) target_semaphore(%run_scoped3A_135 : memref<!tpu.dma_semaphore, #tpu.memory_space<semaphore_mem>>)
      %dma_wait3A_148 = arith.constant 0 : i32
      %dma_wait3A_149 = arith.constant 0 : i32
      %dma_wait3A_150 = tpu.memref_slice %arg8[%run_scoped3A, %dma_wait3A_148, %dma_wait3A_149] : memref<2x125x128xf32, #tpu.memory_space<vmem>> -> memref<1x80x128xf32, #tpu.memory_space<vmem>>
      %dma_wait3A_151 = tpu.memref_squeeze %dma_wait3A_150 : memref<1x80x128xf32, #tpu.memory_space<vmem>> -> memref<80x128xf32, #tpu.memory_space<vmem>>
      %dma_wait3A_152 = arith.constant 0 : i32
      %dma_wait3A_153 = tpu.memref_slice %arg9[%add3A_19, %dma_wait3A_152] : memref<10240x128xf32, #tpu.memory_space<vmem_shared>> -> memref<80x128xf32, #tpu.memory_space<vmem_shared>>
      %dma_wait3A_154 = arith.constant 0 : i32
      %dma_wait3A_155 = tpu.memref_slice %arg9[%add3A_19, %dma_wait3A_154] : memref<10240x128xf32, #tpu.memory_space<vmem_shared>> -> memref<80x128xf32, #tpu.memory_space<vmem_shared>>
      %dma_wait3A_156 = arith.constant 0 : i32
      %dma_wait3A_157 = arith.constant 0 : i32
      %dma_wait3A_158 = tpu.memref_slice %arg8[%run_scoped3A, %dma_wait3A_156, %dma_wait3A_157] : memref<2x125x128xf32, #tpu.memory_space<vmem>> -> memref<1x80x128xf32, #tpu.memory_space<vmem>>
      %dma_wait3A_159 = tpu.memref_squeeze %dma_wait3A_158 : memref<1x80x128xf32, #tpu.memory_space<vmem>> -> memref<80x128xf32, #tpu.memory_space<vmem>>
      tpu.wait_dma2 semaphore(%run_scoped3A_135 : memref<!tpu.dma_semaphore, #tpu.memory_space<semaphore_mem>>) src(%dma_wait3A_159 : memref<80x128xf32, #tpu.memory_space<vmem>>) dst(%dma_wait3A_155 : memref<80x128xf32, #tpu.memory_space<vmem_shared>>)
      tpu.yield
    }) : () -> ()
    %mul3A_20 = arith.constant 640 : i32
    %mul3A_21 = arith.muli %arg1, %mul3A_20 : i32
    %add3A_22 = arith.constant 80 : i32
    %add3A_23 = arith.addi %mul3A_21, %add3A_22 : i32
    %run_scoped3A_24 = arith.constant 0 : i32
    "tpu.region"() ({
      %run_scoped3A_135 = tpu.sem_alloc : memref<!tpu.dma_semaphore, #tpu.memory_space<semaphore_mem>>
      %dma_start3A_136 = arith.constant 0 : i32
      %dma_start3A_137 = arith.constant 0 : i32
      %dma_start3A_138 = tpu.memref_slice %arg8[%run_scoped3A_24, %dma_start3A_136, %dma_start3A_137] : memref<2x125x128xf32, #tpu.memory_space<vmem>> -> memref<1x80x128xf32, #tpu.memory_space<vmem>>
      %dma_start3A_139 = tpu.memref_squeeze %dma_start3A_138 : memref<1x80x128xf32, #tpu.memory_space<vmem>> -> memref<80x128xf32, #tpu.memory_space<vmem>>
      %dma_start3A_140 = arith.constant 0 : i32
      %dma_start3A_141 = tpu.memref_slice %arg9[%add3A_23, %dma_start3A_140] : memref<10240x128xf32, #tpu.memory_space<vmem_shared>> -> memref<80x128xf32, #tpu.memory_space<vmem_shared>>
      %dma_start3A_142 = arith.constant 0 : i32
      %dma_start3A_143 = tpu.memref_slice %arg9[%add3A_23, %dma_start3A_142] : memref<10240x128xf32, #tpu.memory_space<vmem_shared>> -> memref<80x128xf32, #tpu.memory_space<vmem_shared>>
      %dma_start3A_144 = arith.constant 0 : i32
      %dma_start3A_145 = arith.constant 0 : i32
      %dma_start3A_146 = tpu.memref_slice %arg8[%run_scoped3A_24, %dma_start3A_144, %dma_start3A_145] : memref<2x125x128xf32, #tpu.memory_space<vmem>> -> memref<1x80x128xf32, #tpu.memory_space<vmem>>
      %dma_start3A_147 = tpu.memref_squeeze %dma_start3A_146 : memref<1x80x128xf32, #tpu.memory_space<vmem>> -> memref<80x128xf32, #tpu.memory_space<vmem>>
      tpu.enqueue_dma source(%dma_start3A_147 : memref<80x128xf32, #tpu.memory_space<vmem>>) target(%dma_start3A_143 : memref<80x128xf32, #tpu.memory_space<vmem_shared>>) target_semaphore(%run_scoped3A_135 : memref<!tpu.dma_semaphore, #tpu.memory_space<semaphore_mem>>)
      %dma_wait3A_148 = arith.constant 0 : i32
      %dma_wait3A_149 = arith.constant 0 : i32
      %dma_wait3A_150 = tpu.memref_slice %arg8[%run_scoped3A_24, %dma_wait3A_148, %dma_wait3A_149] : memref<2x125x128xf32, #tpu.memory_space<vmem>> -> memref<1x80x128xf32, #tpu.memory_space<vmem>>
      %dma_wait3A_151 = tpu.memref_squeeze %dma_wait3A_150 : memref<1x80x128xf32, #tpu.memory_space<vmem>> -> memref<80x128xf32, #tpu.memory_space<vmem>>
      %dma_wait3A_152 = arith.constant 0 : i32
      %dma_wait3A_153 = tpu.memref_slice %arg9[%add3A_23, %dma_wait3A_152] : memref<10240x128xf32, #tpu.memory_space<vmem_shared>> -> memref<80x128xf32, #tpu.memory_space<vmem_shared>>
      %dma_wait3A_154 = arith.constant 0 : i32
      %dma_wait3A_155 = tpu.memref_slice %arg9[%add3A_23, %dma_wait3A_154] : memref<10240x128xf32, #tpu.memory_space<vmem_shared>> -> memref<80x128xf32, #tpu.memory_space<vmem_shared>>
      %dma_wait3A_156 = arith.constant 0 : i32
      %dma_wait3A_157 = arith.constant 0 : i32
      %dma_wait3A_158 = tpu.memref_slice %arg8[%run_scoped3A_24, %dma_wait3A_156, %dma_wait3A_157] : memref<2x125x128xf32, #tpu.memory_space<vmem>> -> memref<1x80x128xf32, #tpu.memory_space<vmem>>
      %dma_wait3A_159 = tpu.memref_squeeze %dma_wait3A_158 : memref<1x80x128xf32, #tpu.memory_space<vmem>> -> memref<80x128xf32, #tpu.memory_space<vmem>>
      tpu.wait_dma2 semaphore(%run_scoped3A_135 : memref<!tpu.dma_semaphore, #tpu.memory_space<semaphore_mem>>) src(%dma_wait3A_159 : memref<80x128xf32, #tpu.memory_space<vmem>>) dst(%dma_wait3A_155 : memref<80x128xf32, #tpu.memory_space<vmem_shared>>)
      tpu.yield
    }) : () -> ()
    %mul3A_25 = arith.constant 640 : i32
    %mul3A_26 = arith.muli %arg1, %mul3A_25 : i32
    %add3A_27 = arith.constant 160 : i32
    %add3A_28 = arith.addi %mul3A_26, %add3A_27 : i32
    %run_scoped3A_29 = arith.constant 0 : i32
    "tpu.region"() ({
      %run_scoped3A_135 = tpu.sem_alloc : memref<!tpu.dma_semaphore, #tpu.memory_space<semaphore_mem>>
      %dma_start3A_136 = arith.constant 0 : i32
      %dma_start3A_137 = arith.constant 0 : i32
      %dma_start3A_138 = tpu.memref_slice %arg8[%run_scoped3A_29, %dma_start3A_136, %dma_start3A_137] : memref<2x125x128xf32, #tpu.memory_space<vmem>> -> memref<1x80x128xf32, #tpu.memory_space<vmem>>
      %dma_start3A_139 = tpu.memref_squeeze %dma_start3A_138 : memref<1x80x128xf32, #tpu.memory_space<vmem>> -> memref<80x128xf32, #tpu.memory_space<vmem>>
      %dma_start3A_140 = arith.constant 0 : i32
      %dma_start3A_141 = tpu.memref_slice %arg9[%add3A_28, %dma_start3A_140] : memref<10240x128xf32, #tpu.memory_space<vmem_shared>> -> memref<80x128xf32, #tpu.memory_space<vmem_shared>>
      %dma_start3A_142 = arith.constant 0 : i32
      %dma_start3A_143 = tpu.memref_slice %arg9[%add3A_28, %dma_start3A_142] : memref<10240x128xf32, #tpu.memory_space<vmem_shared>> -> memref<80x128xf32, #tpu.memory_space<vmem_shared>>
      %dma_start3A_144 = arith.constant 0 : i32
      %dma_start3A_145 = arith.constant 0 : i32
      %dma_start3A_146 = tpu.memref_slice %arg8[%run_scoped3A_29, %dma_start3A_144, %dma_start3A_145] : memref<2x125x128xf32, #tpu.memory_space<vmem>> -> memref<1x80x128xf32, #tpu.memory_space<vmem>>
      %dma_start3A_147 = tpu.memref_squeeze %dma_start3A_146 : memref<1x80x128xf32, #tpu.memory_space<vmem>> -> memref<80x128xf32, #tpu.memory_space<vmem>>
      tpu.enqueue_dma source(%dma_start3A_147 : memref<80x128xf32, #tpu.memory_space<vmem>>) target(%dma_start3A_143 : memref<80x128xf32, #tpu.memory_space<vmem_shared>>) target_semaphore(%run_scoped3A_135 : memref<!tpu.dma_semaphore, #tpu.memory_space<semaphore_mem>>)
      %dma_wait3A_148 = arith.constant 0 : i32
      %dma_wait3A_149 = arith.constant 0 : i32
      %dma_wait3A_150 = tpu.memref_slice %arg8[%run_scoped3A_29, %dma_wait3A_148, %dma_wait3A_149] : memref<2x125x128xf32, #tpu.memory_space<vmem>> -> memref<1x80x128xf32, #tpu.memory_space<vmem>>
      %dma_wait3A_151 = tpu.memref_squeeze %dma_wait3A_150 : memref<1x80x128xf32, #tpu.memory_space<vmem>> -> memref<80x128xf32, #tpu.memory_space<vmem>>
      %dma_wait3A_152 = arith.constant 0 : i32
      %dma_wait3A_153 = tpu.memref_slice %arg9[%add3A_28, %dma_wait3A_152] : memref<10240x128xf32, #tpu.memory_space<vmem_shared>> -> memref<80x128xf32, #tpu.memory_space<vmem_shared>>
      %dma_wait3A_154 = arith.constant 0 : i32
      %dma_wait3A_155 = tpu.memref_slice %arg9[%add3A_28, %dma_wait3A_154] : memref<10240x128xf32, #tpu.memory_space<vmem_shared>> -> memref<80x128xf32, #tpu.memory_space<vmem_shared>>
      %dma_wait3A_156 = arith.constant 0 : i32
      %dma_wait3A_157 = arith.constant 0 : i32
      %dma_wait3A_158 = tpu.memref_slice %arg8[%run_scoped3A_29, %dma_wait3A_156, %dma_wait3A_157] : memref<2x125x128xf32, #tpu.memory_space<vmem>> -> memref<1x80x128xf32, #tpu.memory_space<vmem>>
      %dma_wait3A_159 = tpu.memref_squeeze %dma_wait3A_158 : memref<1x80x128xf32, #tpu.memory_space<vmem>> -> memref<80x128xf32, #tpu.memory_space<vmem>>
      tpu.wait_dma2 semaphore(%run_scoped3A_135 : memref<!tpu.dma_semaphore, #tpu.memory_space<semaphore_mem>>) src(%dma_wait3A_159 : memref<80x128xf32, #tpu.memory_space<vmem>>) dst(%dma_wait3A_155 : memref<80x128xf32, #tpu.memory_space<vmem_shared>>)
      tpu.yield
    }) : () -> ()
    %mul3A_30 = arith.constant 640 : i32
    %mul3A_31 = arith.muli %arg1, %mul3A_30 : i32
    %add3A_32 = arith.constant 240 : i32
    %add3A_33 = arith.addi %mul3A_31, %add3A_32 : i32
    %run_scoped3A_34 = arith.constant 0 : i32
    "tpu.region"() ({
      %run_scoped3A_135 = tpu.sem_alloc : memref<!tpu.dma_semaphore, #tpu.memory_space<semaphore_mem>>
      %dma_start3A_136 = arith.constant 0 : i32
      %dma_start3A_137 = arith.constant 0 : i32
      %dma_start3A_138 = tpu.memref_slice %arg8[%run_scoped3A_34, %dma_start3A_136, %dma_start3A_137] : memref<2x125x128xf32, #tpu.memory_space<vmem>> -> memref<1x80x128xf32, #tpu.memory_space<vmem>>
      %dma_start3A_139 = tpu.memref_squeeze %dma_start3A_138 : memref<1x80x128xf32, #tpu.memory_space<vmem>> -> memref<80x128xf32, #tpu.memory_space<vmem>>
      %dma_start3A_140 = arith.constant 0 : i32
      %dma_start3A_141 = tpu.memref_slice %arg9[%add3A_33, %dma_start3A_140] : memref<10240x128xf32, #tpu.memory_space<vmem_shared>> -> memref<80x128xf32, #tpu.memory_space<vmem_shared>>
      %dma_start3A_142 = arith.constant 0 : i32
      %dma_start3A_143 = tpu.memref_slice %arg9[%add3A_33, %dma_start3A_142] : memref<10240x128xf32, #tpu.memory_space<vmem_shared>> -> memref<80x128xf32, #tpu.memory_space<vmem_shared>>
      %dma_start3A_144 = arith.constant 0 : i32
      %dma_start3A_145 = arith.constant 0 : i32
      %dma_start3A_146 = tpu.memref_slice %arg8[%run_scoped3A_34, %dma_start3A_144, %dma_start3A_145] : memref<2x125x128xf32, #tpu.memory_space<vmem>> -> memref<1x80x128xf32, #tpu.memory_space<vmem>>
      %dma_start3A_147 = tpu.memref_squeeze %dma_start3A_146 : memref<1x80x128xf32, #tpu.memory_space<vmem>> -> memref<80x128xf32, #tpu.memory_space<vmem>>
      tpu.enqueue_dma source(%dma_start3A_147 : memref<80x128xf32, #tpu.memory_space<vmem>>) target(%dma_start3A_143 : memref<80x128xf32, #tpu.memory_space<vmem_shared>>) target_semaphore(%run_scoped3A_135 : memref<!tpu.dma_semaphore, #tpu.memory_space<semaphore_mem>>)
      %dma_wait3A_148 = arith.constant 0 : i32
      %dma_wait3A_149 = arith.constant 0 : i32
      %dma_wait3A_150 = tpu.memref_slice %arg8[%run_scoped3A_34, %dma_wait3A_148, %dma_wait3A_149] : memref<2x125x128xf32, #tpu.memory_space<vmem>> -> memref<1x80x128xf32, #tpu.memory_space<vmem>>
      %dma_wait3A_151 = tpu.memref_squeeze %dma_wait3A_150 : memref<1x80x128xf32, #tpu.memory_space<vmem>> -> memref<80x128xf32, #tpu.memory_space<vmem>>
      %dma_wait3A_152 = arith.constant 0 : i32
      %dma_wait3A_153 = tpu.memref_slice %arg9[%add3A_33, %dma_wait3A_152] : memref<10240x128xf32, #tpu.memory_space<vmem_shared>> -> memref<80x128xf32, #tpu.memory_space<vmem_shared>>
      %dma_wait3A_154 = arith.constant 0 : i32
      %dma_wait3A_155 = tpu.memref_slice %arg9[%add3A_33, %dma_wait3A_154] : memref<10240x128xf32, #tpu.memory_space<vmem_shared>> -> memref<80x128xf32, #tpu.memory_space<vmem_shared>>
      %dma_wait3A_156 = arith.constant 0 : i32
      %dma_wait3A_157 = arith.constant 0 : i32
      %dma_wait3A_158 = tpu.memref_slice %arg8[%run_scoped3A_34, %dma_wait3A_156, %dma_wait3A_157] : memref<2x125x128xf32, #tpu.memory_space<vmem>> -> memref<1x80x128xf32, #tpu.memory_space<vmem>>
      %dma_wait3A_159 = tpu.memref_squeeze %dma_wait3A_158 : memref<1x80x128xf32, #tpu.memory_space<vmem>> -> memref<80x128xf32, #tpu.memory_space<vmem>>
      tpu.wait_dma2 semaphore(%run_scoped3A_135 : memref<!tpu.dma_semaphore, #tpu.memory_space<semaphore_mem>>) src(%dma_wait3A_159 : memref<80x128xf32, #tpu.memory_space<vmem>>) dst(%dma_wait3A_155 : memref<80x128xf32, #tpu.memory_space<vmem_shared>>)
      tpu.yield
    }) : () -> ()
    %mul3A_35 = arith.constant 640 : i32
    %mul3A_36 = arith.muli %arg1, %mul3A_35 : i32
    %add3A_37 = arith.constant 320 : i32
    %add3A_38 = arith.addi %mul3A_36, %add3A_37 : i32
    %run_scoped3A_39 = arith.constant 0 : i32
    "tpu.region"() ({
      %run_scoped3A_135 = tpu.sem_alloc : memref<!tpu.dma_semaphore, #tpu.memory_space<semaphore_mem>>
      %dma_start3A_136 = arith.constant 0 : i32
      %dma_start3A_137 = arith.constant 0 : i32
      %dma_start3A_138 = tpu.memref_slice %arg8[%run_scoped3A_39, %dma_start3A_136, %dma_start3A_137] : memref<2x125x128xf32, #tpu.memory_space<vmem>> -> memref<1x80x128xf32, #tpu.memory_space<vmem>>
      %dma_start3A_139 = tpu.memref_squeeze %dma_start3A_138 : memref<1x80x128xf32, #tpu.memory_space<vmem>> -> memref<80x128xf32, #tpu.memory_space<vmem>>
      %dma_start3A_140 = arith.constant 0 : i32
      %dma_start3A_141 = tpu.memref_slice %arg9[%add3A_38, %dma_start3A_140] : memref<10240x128xf32, #tpu.memory_space<vmem_shared>> -> memref<80x128xf32, #tpu.memory_space<vmem_shared>>
      %dma_start3A_142 = arith.constant 0 : i32
      %dma_start3A_143 = tpu.memref_slice %arg9[%add3A_38, %dma_start3A_142] : memref<10240x128xf32, #tpu.memory_space<vmem_shared>> -> memref<80x128xf32, #tpu.memory_space<vmem_shared>>
      %dma_start3A_144 = arith.constant 0 : i32
      %dma_start3A_145 = arith.constant 0 : i32
      %dma_start3A_146 = tpu.memref_slice %arg8[%run_scoped3A_39, %dma_start3A_144, %dma_start3A_145] : memref<2x125x128xf32, #tpu.memory_space<vmem>> -> memref<1x80x128xf32, #tpu.memory_space<vmem>>
      %dma_start3A_147 = tpu.memref_squeeze %dma_start3A_146 : memref<1x80x128xf32, #tpu.memory_space<vmem>> -> memref<80x128xf32, #tpu.memory_space<vmem>>
      tpu.enqueue_dma source(%dma_start3A_147 : memref<80x128xf32, #tpu.memory_space<vmem>>) target(%dma_start3A_143 : memref<80x128xf32, #tpu.memory_space<vmem_shared>>) target_semaphore(%run_scoped3A_135 : memref<!tpu.dma_semaphore, #tpu.memory_space<semaphore_mem>>)
      %dma_wait3A_148 = arith.constant 0 : i32
      %dma_wait3A_149 = arith.constant 0 : i32
      %dma_wait3A_150 = tpu.memref_slice %arg8[%run_scoped3A_39, %dma_wait3A_148, %dma_wait3A_149] : memref<2x125x128xf32, #tpu.memory_space<vmem>> -> memref<1x80x128xf32, #tpu.memory_space<vmem>>
      %dma_wait3A_151 = tpu.memref_squeeze %dma_wait3A_150 : memref<1x80x128xf32, #tpu.memory_space<vmem>> -> memref<80x128xf32, #tpu.memory_space<vmem>>
      %dma_wait3A_152 = arith.constant 0 : i32
      %dma_wait3A_153 = tpu.memref_slice %arg9[%add3A_38, %dma_wait3A_152] : memref<10240x128xf32, #tpu.memory_space<vmem_shared>> -> memref<80x128xf32, #tpu.memory_space<vmem_shared>>
      %dma_wait3A_154 = arith.constant 0 : i32
      %dma_wait3A_155 = tpu.memref_slice %arg9[%add3A_38, %dma_wait3A_154] : memref<10240x128xf32, #tpu.memory_space<vmem_shared>> -> memref<80x128xf32, #tpu.memory_space<vmem_shared>>
      %dma_wait3A_156 = arith.constant 0 : i32
      %dma_wait3A_157 = arith.constant 0 : i32
      %dma_wait3A_158 = tpu.memref_slice %arg8[%run_scoped3A_39, %dma_wait3A_156, %dma_wait3A_157] : memref<2x125x128xf32, #tpu.memory_space<vmem>> -> memref<1x80x128xf32, #tpu.memory_space<vmem>>
      %dma_wait3A_159 = tpu.memref_squeeze %dma_wait3A_158 : memref<1x80x128xf32, #tpu.memory_space<vmem>> -> memref<80x128xf32, #tpu.memory_space<vmem>>
      tpu.wait_dma2 semaphore(%run_scoped3A_135 : memref<!tpu.dma_semaphore, #tpu.memory_space<semaphore_mem>>) src(%dma_wait3A_159 : memref<80x128xf32, #tpu.memory_space<vmem>>) dst(%dma_wait3A_155 : memref<80x128xf32, #tpu.memory_space<vmem_shared>>)
      tpu.yield
    }) : () -> ()
    %mul3A_40 = arith.constant 640 : i32
    %mul3A_41 = arith.muli %arg1, %mul3A_40 : i32
    %add3A_42 = arith.constant 400 : i32
    %add3A_43 = arith.addi %mul3A_41, %add3A_42 : i32
    %run_scoped3A_44 = arith.constant 0 : i32
    "tpu.region"() ({
      %run_scoped3A_135 = tpu.sem_alloc : memref<!tpu.dma_semaphore, #tpu.memory_space<semaphore_mem>>
      %dma_start3A_136 = arith.constant 0 : i32
      %dma_start3A_137 = arith.constant 0 : i32
      %dma_start3A_138 = tpu.memref_slice %arg8[%run_scoped3A_44, %dma_start3A_136, %dma_start3A_137] : memref<2x125x128xf32, #tpu.memory_space<vmem>> -> memref<1x80x128xf32, #tpu.memory_space<vmem>>
      %dma_start3A_139 = tpu.memref_squeeze %dma_start3A_138 : memref<1x80x128xf32, #tpu.memory_space<vmem>> -> memref<80x128xf32, #tpu.memory_space<vmem>>
      %dma_start3A_140 = arith.constant 0 : i32
      %dma_start3A_141 = tpu.memref_slice %arg9[%add3A_43, %dma_start3A_140] : memref<10240x128xf32, #tpu.memory_space<vmem_shared>> -> memref<80x128xf32, #tpu.memory_space<vmem_shared>>
      %dma_start3A_142 = arith.constant 0 : i32
      %dma_start3A_143 = tpu.memref_slice %arg9[%add3A_43, %dma_start3A_142] : memref<10240x128xf32, #tpu.memory_space<vmem_shared>> -> memref<80x128xf32, #tpu.memory_space<vmem_shared>>
      %dma_start3A_144 = arith.constant 0 : i32
      %dma_start3A_145 = arith.constant 0 : i32
      %dma_start3A_146 = tpu.memref_slice %arg8[%run_scoped3A_44, %dma_start3A_144, %dma_start3A_145] : memref<2x125x128xf32, #tpu.memory_space<vmem>> -> memref<1x80x128xf32, #tpu.memory_space<vmem>>
      %dma_start3A_147 = tpu.memref_squeeze %dma_start3A_146 : memref<1x80x128xf32, #tpu.memory_space<vmem>> -> memref<80x128xf32, #tpu.memory_space<vmem>>
      tpu.enqueue_dma source(%dma_start3A_147 : memref<80x128xf32, #tpu.memory_space<vmem>>) target(%dma_start3A_143 : memref<80x128xf32, #tpu.memory_space<vmem_shared>>) target_semaphore(%run_scoped3A_135 : memref<!tpu.dma_semaphore, #tpu.memory_space<semaphore_mem>>)
      %dma_wait3A_148 = arith.constant 0 : i32
      %dma_wait3A_149 = arith.constant 0 : i32
      %dma_wait3A_150 = tpu.memref_slice %arg8[%run_scoped3A_44, %dma_wait3A_148, %dma_wait3A_149] : memref<2x125x128xf32, #tpu.memory_space<vmem>> -> memref<1x80x128xf32, #tpu.memory_space<vmem>>
      %dma_wait3A_151 = tpu.memref_squeeze %dma_wait3A_150 : memref<1x80x128xf32, #tpu.memory_space<vmem>> -> memref<80x128xf32, #tpu.memory_space<vmem>>
      %dma_wait3A_152 = arith.constant 0 : i32
      %dma_wait3A_153 = tpu.memref_slice %arg9[%add3A_43, %dma_wait3A_152] : memref<10240x128xf32, #tpu.memory_space<vmem_shared>> -> memref<80x128xf32, #tpu.memory_space<vmem_shared>>
      %dma_wait3A_154 = arith.constant 0 : i32
      %dma_wait3A_155 = tpu.memref_slice %arg9[%add3A_43, %dma_wait3A_154] : memref<10240x128xf32, #tpu.memory_space<vmem_shared>> -> memref<80x128xf32, #tpu.memory_space<vmem_shared>>
      %dma_wait3A_156 = arith.constant 0 : i32
      %dma_wait3A_157 = arith.constant 0 : i32
      %dma_wait3A_158 = tpu.memref_slice %arg8[%run_scoped3A_44, %dma_wait3A_156, %dma_wait3A_157] : memref<2x125x128xf32, #tpu.memory_space<vmem>> -> memref<1x80x128xf32, #tpu.memory_space<vmem>>
      %dma_wait3A_159 = tpu.memref_squeeze %dma_wait3A_158 : memref<1x80x128xf32, #tpu.memory_space<vmem>> -> memref<80x128xf32, #tpu.memory_space<vmem>>
      tpu.wait_dma2 semaphore(%run_scoped3A_135 : memref<!tpu.dma_semaphore, #tpu.memory_space<semaphore_mem>>) src(%dma_wait3A_159 : memref<80x128xf32, #tpu.memory_space<vmem>>) dst(%dma_wait3A_155 : memref<80x128xf32, #tpu.memory_space<vmem_shared>>)
      tpu.yield
    }) : () -> ()
    %mul3A_45 = arith.constant 640 : i32
    %mul3A_46 = arith.muli %arg1, %mul3A_45 : i32
    %add3A_47 = arith.constant 480 : i32
    %add3A_48 = arith.addi %mul3A_46, %add3A_47 : i32
    %run_scoped3A_49 = arith.constant 0 : i32
    "tpu.region"() ({
      %run_scoped3A_135 = tpu.sem_alloc : memref<!tpu.dma_semaphore, #tpu.memory_space<semaphore_mem>>
      %dma_start3A_136 = arith.constant 0 : i32
      %dma_start3A_137 = arith.constant 0 : i32
      %dma_start3A_138 = tpu.memref_slice %arg8[%run_scoped3A_49, %dma_start3A_136, %dma_start3A_137] : memref<2x125x128xf32, #tpu.memory_space<vmem>> -> memref<1x80x128xf32, #tpu.memory_space<vmem>>
      %dma_start3A_139 = tpu.memref_squeeze %dma_start3A_138 : memref<1x80x128xf32, #tpu.memory_space<vmem>> -> memref<80x128xf32, #tpu.memory_space<vmem>>
      %dma_start3A_140 = arith.constant 0 : i32
      %dma_start3A_141 = tpu.memref_slice %arg9[%add3A_48, %dma_start3A_140] : memref<10240x128xf32, #tpu.memory_space<vmem_shared>> -> memref<80x128xf32, #tpu.memory_space<vmem_shared>>
      %dma_start3A_142 = arith.constant 0 : i32
      %dma_start3A_143 = tpu.memref_slice %arg9[%add3A_48, %dma_start3A_142] : memref<10240x128xf32, #tpu.memory_space<vmem_shared>> -> memref<80x128xf32, #tpu.memory_space<vmem_shared>>
      %dma_start3A_144 = arith.constant 0 : i32
      %dma_start3A_145 = arith.constant 0 : i32
      %dma_start3A_146 = tpu.memref_slice %arg8[%run_scoped3A_49, %dma_start3A_144, %dma_start3A_145] : memref<2x125x128xf32, #tpu.memory_space<vmem>> -> memref<1x80x128xf32, #tpu.memory_space<vmem>>
      %dma_start3A_147 = tpu.memref_squeeze %dma_start3A_146 : memref<1x80x128xf32, #tpu.memory_space<vmem>> -> memref<80x128xf32, #tpu.memory_space<vmem>>
      tpu.enqueue_dma source(%dma_start3A_147 : memref<80x128xf32, #tpu.memory_space<vmem>>) target(%dma_start3A_143 : memref<80x128xf32, #tpu.memory_space<vmem_shared>>) target_semaphore(%run_scoped3A_135 : memref<!tpu.dma_semaphore, #tpu.memory_space<semaphore_mem>>)
      %dma_wait3A_148 = arith.constant 0 : i32
      %dma_wait3A_149 = arith.constant 0 : i32
      %dma_wait3A_150 = tpu.memref_slice %arg8[%run_scoped3A_49, %dma_wait3A_148, %dma_wait3A_149] : memref<2x125x128xf32, #tpu.memory_space<vmem>> -> memref<1x80x128xf32, #tpu.memory_space<vmem>>
      %dma_wait3A_151 = tpu.memref_squeeze %dma_wait3A_150 : memref<1x80x128xf32, #tpu.memory_space<vmem>> -> memref<80x128xf32, #tpu.memory_space<vmem>>
      %dma_wait3A_152 = arith.constant 0 : i32
      %dma_wait3A_153 = tpu.memref_slice %arg9[%add3A_48, %dma_wait3A_152] : memref<10240x128xf32, #tpu.memory_space<vmem_shared>> -> memref<80x128xf32, #tpu.memory_space<vmem_shared>>
      %dma_wait3A_154 = arith.constant 0 : i32
      %dma_wait3A_155 = tpu.memref_slice %arg9[%add3A_48, %dma_wait3A_154] : memref<10240x128xf32, #tpu.memory_space<vmem_shared>> -> memref<80x128xf32, #tpu.memory_space<vmem_shared>>
      %dma_wait3A_156 = arith.constant 0 : i32
      %dma_wait3A_157 = arith.constant 0 : i32
      %dma_wait3A_158 = tpu.memref_slice %arg8[%run_scoped3A_49, %dma_wait3A_156, %dma_wait3A_157] : memref<2x125x128xf32, #tpu.memory_space<vmem>> -> memref<1x80x128xf32, #tpu.memory_space<vmem>>
      %dma_wait3A_159 = tpu.memref_squeeze %dma_wait3A_158 : memref<1x80x128xf32, #tpu.memory_space<vmem>> -> memref<80x128xf32, #tpu.memory_space<vmem>>
      tpu.wait_dma2 semaphore(%run_scoped3A_135 : memref<!tpu.dma_semaphore, #tpu.memory_space<semaphore_mem>>) src(%dma_wait3A_159 : memref<80x128xf32, #tpu.memory_space<vmem>>) dst(%dma_wait3A_155 : memref<80x128xf32, #tpu.memory_space<vmem_shared>>)
      tpu.yield
    }) : () -> ()
    %mul3A_50 = arith.constant 640 : i32
    %mul3A_51 = arith.muli %arg1, %mul3A_50 : i32
    %add3A_52 = arith.constant 560 : i32
    %add3A_53 = arith.addi %mul3A_51, %add3A_52 : i32
    %run_scoped3A_54 = arith.constant 0 : i32
    "tpu.region"() ({
      %run_scoped3A_135 = tpu.sem_alloc : memref<!tpu.dma_semaphore, #tpu.memory_space<semaphore_mem>>
      %dma_start3A_136 = arith.constant 0 : i32
      %dma_start3A_137 = arith.constant 0 : i32
      %dma_start3A_138 = tpu.memref_slice %arg8[%run_scoped3A_54, %dma_start3A_136, %dma_start3A_137] : memref<2x125x128xf32, #tpu.memory_space<vmem>> -> memref<1x80x128xf32, #tpu.memory_space<vmem>>
      %dma_start3A_139 = tpu.memref_squeeze %dma_start3A_138 : memref<1x80x128xf32, #tpu.memory_space<vmem>> -> memref<80x128xf32, #tpu.memory_space<vmem>>
      %dma_start3A_140 = arith.constant 0 : i32
      %dma_start3A_141 = tpu.memref_slice %arg9[%add3A_53, %dma_start3A_140] : memref<10240x128xf32, #tpu.memory_space<vmem_shared>> -> memref<80x128xf32, #tpu.memory_space<vmem_shared>>
      %dma_start3A_142 = arith.constant 0 : i32
      %dma_start3A_143 = tpu.memref_slice %arg9[%add3A_53, %dma_start3A_142] : memref<10240x128xf32, #tpu.memory_space<vmem_shared>> -> memref<80x128xf32, #tpu.memory_space<vmem_shared>>
      %dma_start3A_144 = arith.constant 0 : i32
      %dma_start3A_145 = arith.constant 0 : i32
      %dma_start3A_146 = tpu.memref_slice %arg8[%run_scoped3A_54, %dma_start3A_144, %dma_start3A_145] : memref<2x125x128xf32, #tpu.memory_space<vmem>> -> memref<1x80x128xf32, #tpu.memory_space<vmem>>
      %dma_start3A_147 = tpu.memref_squeeze %dma_start3A_146 : memref<1x80x128xf32, #tpu.memory_space<vmem>> -> memref<80x128xf32, #tpu.memory_space<vmem>>
      tpu.enqueue_dma source(%dma_start3A_147 : memref<80x128xf32, #tpu.memory_space<vmem>>) target(%dma_start3A_143 : memref<80x128xf32, #tpu.memory_space<vmem_shared>>) target_semaphore(%run_scoped3A_135 : memref<!tpu.dma_semaphore, #tpu.memory_space<semaphore_mem>>)
      %dma_wait3A_148 = arith.constant 0 : i32
      %dma_wait3A_149 = arith.constant 0 : i32
      %dma_wait3A_150 = tpu.memref_slice %arg8[%run_scoped3A_54, %dma_wait3A_148, %dma_wait3A_149] : memref<2x125x128xf32, #tpu.memory_space<vmem>> -> memref<1x80x128xf32, #tpu.memory_space<vmem>>
      %dma_wait3A_151 = tpu.memref_squeeze %dma_wait3A_150 : memref<1x80x128xf32, #tpu.memory_space<vmem>> -> memref<80x128xf32, #tpu.memory_space<vmem>>
      %dma_wait3A_152 = arith.constant 0 : i32
      %dma_wait3A_153 = tpu.memref_slice %arg9[%add3A_53, %dma_wait3A_152] : memref<10240x128xf32, #tpu.memory_space<vmem_shared>> -> memref<80x128xf32, #tpu.memory_space<vmem_shared>>
      %dma_wait3A_154 = arith.constant 0 : i32
      %dma_wait3A_155 = tpu.memref_slice %arg9[%add3A_53, %dma_wait3A_154] : memref<10240x128xf32, #tpu.memory_space<vmem_shared>> -> memref<80x128xf32, #tpu.memory_space<vmem_shared>>
      %dma_wait3A_156 = arith.constant 0 : i32
      %dma_wait3A_157 = arith.constant 0 : i32
      %dma_wait3A_158 = tpu.memref_slice %arg8[%run_scoped3A_54, %dma_wait3A_156, %dma_wait3A_157] : memref<2x125x128xf32, #tpu.memory_space<vmem>> -> memref<1x80x128xf32, #tpu.memory_space<vmem>>
      %dma_wait3A_159 = tpu.memref_squeeze %dma_wait3A_158 : memref<1x80x128xf32, #tpu.memory_space<vmem>> -> memref<80x128xf32, #tpu.memory_space<vmem>>
      tpu.wait_dma2 semaphore(%run_scoped3A_135 : memref<!tpu.dma_semaphore, #tpu.memory_space<semaphore_mem>>) src(%dma_wait3A_159 : memref<80x128xf32, #tpu.memory_space<vmem>>) dst(%dma_wait3A_155 : memref<80x128xf32, #tpu.memory_space<vmem_shared>>)
      tpu.yield
    }) : () -> ()
    %dma_wait3A = arith.constant 0 : i32
    %dma_wait3A_55 = tpu.memref_slice %arg2[%mul3A_2, %dma_wait3A] : memref<2560x125xi32, #tpu.memory_space<hbm>> -> memref<40x125xi32, #tpu.memory_space<hbm>>
    %dma_wait3A_56 = arith.constant 0 : i32
    %dma_wait3A_57 = tpu.memref_slice %arg2[%mul3A_2, %dma_wait3A_56] : memref<2560x125xi32, #tpu.memory_space<hbm>> -> memref<40x125xi32, #tpu.memory_space<hbm>>
    tpu.wait_dma2 semaphore(%arg10 : memref<!tpu.dma_semaphore, #tpu.memory_space<semaphore_mem>>) src(%dma_wait3A_57 : memref<40x125xi32, #tpu.memory_space<hbm>>) dst(%arg6 : memref<40x125xi32, #tpu.memory_space<vmem>>)
    %dma_wait3A_58 = arith.constant 0 : i32
    %dma_wait3A_59 = tpu.memref_slice %arg3[%mul3A_2, %dma_wait3A_58] : memref<2560x125xi32, #tpu.memory_space<hbm>> -> memref<40x125xi32, #tpu.memory_space<hbm>>
    %dma_wait3A_60 = arith.constant 0 : i32
    %dma_wait3A_61 = tpu.memref_slice %arg3[%mul3A_2, %dma_wait3A_60] : memref<2560x125xi32, #tpu.memory_space<hbm>> -> memref<40x125xi32, #tpu.memory_space<hbm>>
    tpu.wait_dma2 semaphore(%arg11 : memref<!tpu.dma_semaphore, #tpu.memory_space<semaphore_mem>>) src(%dma_wait3A_61 : memref<40x125xi32, #tpu.memory_space<hbm>>) dst(%arg7 : memref<40x125xi32, #tpu.memory_space<vmem>>)
    %barrier3A = arith.constant 0 : index
    tpu.barrier barrier_id(%barrier3A)
    %mul3A_62 = arith.constant 80 : i32
    %mul3A_63 = arith.muli %add3A, %mul3A_62 : i32
    %add3A_64 = arith.constant 0 : i32
    %add3A_65 = arith.addi %mul3A_63, %add3A_64 : i32
    %dma_start3A_66 = arith.constant 0 : i32
    %dma_start3A_67 = arith.constant 0 : i32
    %dma_start3A_68 = arith.constant 0 : i32
    %dma_start3A_69 = arith.constant 0 : i32
    %dma_start3A_70 = tpu.memref_slice %arg8[%dma_start3A_67, %dma_start3A_68, %dma_start3A_69] : memref<2x125x128xf32, #tpu.memory_space<vmem>> -> memref<1x125x128xf32, #tpu.memory_space<vmem>>
    %dma_start3A_71 = tpu.memref_squeeze %dma_start3A_70 : memref<1x125x128xf32, #tpu.memory_space<vmem>> -> memref<125x128xf32, #tpu.memory_space<vmem>>
    %dma_start3A_72 = arith.constant 0 : i32
    %dma_start3A_73 = tpu.memref_slice %arg6[%dma_start3A_66, %dma_start3A_72] : memref<40x125xi32, #tpu.memory_space<vmem>> -> memref<1x125xi32, #tpu.memory_space<vmem>>
    %dma_start3A_74 = tpu.memref_squeeze %dma_start3A_73 : memref<1x125xi32, #tpu.memory_space<vmem>> -> memref<125xi32, #tpu.memory_space<vmem>>
    %dma_start3A_75 = arith.constant 0 : i32
    %dma_start3A_76 = arith.constant 0 : i32
    %dma_start3A_77 = tpu.memref_slice %arg4[%dma_start3A_75, %dma_start3A_76] : memref<10000x128xf32, #tpu.memory_space<hbm>> -> memref<10000x128xf32, #tpu.memory_space<hbm>>
    tpu.enqueue_indirect_dma source(%dma_start3A_77 : memref<10000x128xf32, #tpu.memory_space<hbm>>) target(%dma_start3A_71 : memref<125x128xf32, #tpu.memory_space<vmem>>) offsets(%dma_start3A_74 : memref<125xi32, #tpu.memory_space<vmem>>) semaphore(%arg10 : memref<!tpu.dma_semaphore, #tpu.memory_space<semaphore_mem>>)
    %dma_start3A_78 = arith.constant 1 : i32
    %dma_start3A_79 = arith.constant 1 : i32
    %dma_start3A_80 = arith.constant 0 : i32
    %dma_start3A_81 = arith.constant 0 : i32
    %dma_start3A_82 = tpu.memref_slice %arg8[%dma_start3A_79, %dma_start3A_80, %dma_start3A_81] : memref<2x125x128xf32, #tpu.memory_space<vmem>> -> memref<1x125x128xf32, #tpu.memory_space<vmem>>
    %dma_start3A_83 = tpu.memref_squeeze %dma_start3A_82 : memref<1x125x128xf32, #tpu.memory_space<vmem>> -> memref<125x128xf32, #tpu.memory_space<vmem>>
    %dma_start3A_84 = arith.constant 0 : i32
    %dma_start3A_85 = tpu.memref_slice %arg6[%dma_start3A_78, %dma_start3A_84] : memref<40x125xi32, #tpu.memory_space<vmem>> -> memref<1x125xi32, #tpu.memory_space<vmem>>
    %dma_start3A_86 = tpu.memref_squeeze %dma_start3A_85 : memref<1x125xi32, #tpu.memory_space<vmem>> -> memref<125xi32, #tpu.memory_space<vmem>>
    %dma_start3A_87 = arith.constant 0 : i32
    %dma_start3A_88 = arith.constant 0 : i32
    %dma_start3A_89 = tpu.memref_slice %arg4[%dma_start3A_87, %dma_start3A_88] : memref<10000x128xf32, #tpu.memory_space<hbm>> -> memref<10000x128xf32, #tpu.memory_space<hbm>>
    tpu.enqueue_indirect_dma source(%dma_start3A_89 : memref<10000x128xf32, #tpu.memory_space<hbm>>) target(%dma_start3A_83 : memref<125x128xf32, #tpu.memory_space<vmem>>) offsets(%dma_start3A_86 : memref<125xi32, #tpu.memory_space<vmem>>) semaphore(%arg11 : memref<!tpu.dma_semaphore, #tpu.memory_space<semaphore_mem>>)
    %scan3A_90 = arith.constant 0 : i32
    %scan3A_91 = arith.constant 0 : i32
    %scan3A_92 = arith.constant 20 : i32
    %scan3A_93 = arith.addi %scan3A_91, %scan3A_92 : i32
    %scan3A_94 = arith.constant 1 : i32
    %scan3A_95 = scf.for %scan3A_135 = %scan3A_91 to %scan3A_93 step %scan3A_94 iter_args(%scan3A_136 = %scan3A_90) -> (i32)  : i32 {
      %mul3A_137 = arith.constant 2 : i32
      %mul3A_138 = arith.muli %mul3A_137, %scan3A_135 : i32
      %add3A_139 = arith.constant 0 : i32
      %add3A_140 = arith.addi %mul3A_138, %add3A_139 : i32
      %dma_wait3A_141 = arith.constant 0 : i32
      %dma_wait3A_142 = arith.constant 0 : i32
      %dma_wait3A_143 = arith.constant 0 : i32
      %dma_wait3A_144 = tpu.memref_slice %arg8[%dma_wait3A_141, %dma_wait3A_142, %dma_wait3A_143] : memref<2x125x128xf32, #tpu.memory_space<vmem>> -> memref<1x125x128xf32, #tpu.memory_space<vmem>>
      %dma_wait3A_145 = tpu.memref_squeeze %dma_wait3A_144 : memref<1x125x128xf32, #tpu.memory_space<vmem>> -> memref<125x128xf32, #tpu.memory_space<vmem>>
      %dma_wait3A_146 = arith.constant 0 : i32
      %dma_wait3A_147 = tpu.memref_slice %arg6[%add3A_140, %dma_wait3A_146] : memref<40x125xi32, #tpu.memory_space<vmem>> -> memref<1x125xi32, #tpu.memory_space<vmem>>
      %dma_wait3A_148 = tpu.memref_squeeze %dma_wait3A_147 : memref<1x125xi32, #tpu.memory_space<vmem>> -> memref<125xi32, #tpu.memory_space<vmem>>
      %dma_wait3A_149 = arith.constant 0 : i32
      %dma_wait3A_150 = arith.constant 0 : i32
      %dma_wait3A_151 = tpu.memref_slice %arg4[%dma_wait3A_149, %dma_wait3A_150] : memref<10000x128xf32, #tpu.memory_space<hbm>> -> memref<10000x128xf32, #tpu.memory_space<hbm>>
      tpu.wait_indirect_dma semaphore(%arg10 : memref<!tpu.dma_semaphore, #tpu.memory_space<semaphore_mem>>) src(%dma_wait3A_151 : memref<10000x128xf32, #tpu.memory_space<hbm>>) dst(%dma_wait3A_145 : memref<125x128xf32, #tpu.memory_space<vmem>>)
      %run_scoped3A_152 = arith.constant 0 : i32
      "tpu.region"() ({
        %run_scoped3A_181 = tpu.sem_alloc : memref<!tpu.dma_semaphore, #tpu.memory_space<semaphore_mem>>
        %dma_start3A_182 = arith.constant 0 : i32
        %dma_start3A_183 = arith.constant 0 : i32
        %dma_start3A_184 = tpu.memref_slice %arg8[%run_scoped3A_152, %dma_start3A_182, %dma_start3A_183] : memref<2x125x128xf32, #tpu.memory_space<vmem>> -> memref<1x125x128xf32, #tpu.memory_space<vmem>>
        %dma_start3A_185 = tpu.memref_squeeze %dma_start3A_184 : memref<1x125x128xf32, #tpu.memory_space<vmem>> -> memref<125x128xf32, #tpu.memory_space<vmem>>
        %dma_start3A_186 = arith.constant 0 : i32
        %dma_start3A_187 = tpu.memref_slice %arg7[%add3A_140, %dma_start3A_186] : memref<40x125xi32, #tpu.memory_space<vmem>> -> memref<1x125xi32, #tpu.memory_space<vmem>>
        %dma_start3A_188 = tpu.memref_squeeze %dma_start3A_187 : memref<1x125xi32, #tpu.memory_space<vmem>> -> memref<125xi32, #tpu.memory_space<vmem>>
        %dma_start3A_189 = arith.constant 0 : i32
        %dma_start3A_190 = arith.constant 0 : i32
        %dma_start3A_191 = tpu.memref_slice %arg9[%dma_start3A_189, %dma_start3A_190] : memref<10240x128xf32, #tpu.memory_space<vmem_shared>> -> memref<10240x128xf32, #tpu.memory_space<vmem_shared>>
        tpu.enqueue_indirect_dma source(%dma_start3A_185 : memref<125x128xf32, #tpu.memory_space<vmem>>) target(%dma_start3A_191 : memref<10240x128xf32, #tpu.memory_space<vmem_shared>>) offsets(%dma_start3A_188 : memref<125xi32, #tpu.memory_space<vmem>>) semaphore(%run_scoped3A_181 : memref<!tpu.dma_semaphore, #tpu.memory_space<semaphore_mem>>) {add = true}
        %dma_wait3A_192 = arith.constant 0 : i32
        %dma_wait3A_193 = arith.constant 0 : i32
        %dma_wait3A_194 = tpu.memref_slice %arg8[%run_scoped3A_152, %dma_wait3A_192, %dma_wait3A_193] : memref<2x125x128xf32, #tpu.memory_space<vmem>> -> memref<1x125x128xf32, #tpu.memory_space<vmem>>
        %dma_wait3A_195 = tpu.memref_squeeze %dma_wait3A_194 : memref<1x125x128xf32, #tpu.memory_space<vmem>> -> memref<125x128xf32, #tpu.memory_space<vmem>>
        %dma_wait3A_196 = arith.constant 0 : i32
        %dma_wait3A_197 = tpu.memref_slice %arg7[%add3A_140, %dma_wait3A_196] : memref<40x125xi32, #tpu.memory_space<vmem>> -> memref<1x125xi32, #tpu.memory_space<vmem>>
        %dma_wait3A_198 = tpu.memref_squeeze %dma_wait3A_197 : memref<1x125xi32, #tpu.memory_space<vmem>> -> memref<125xi32, #tpu.memory_space<vmem>>
        %dma_wait3A_199 = arith.constant 0 : i32
        %dma_wait3A_200 = arith.constant 0 : i32
        %dma_wait3A_201 = tpu.memref_slice %arg9[%dma_wait3A_199, %dma_wait3A_200] : memref<10240x128xf32, #tpu.memory_space<vmem_shared>> -> memref<10240x128xf32, #tpu.memory_space<vmem_shared>>
        tpu.wait_indirect_dma semaphore(%run_scoped3A_181 : memref<!tpu.dma_semaphore, #tpu.memory_space<semaphore_mem>>) src(%dma_wait3A_195 : memref<125x128xf32, #tpu.memory_space<vmem>>) dst(%dma_wait3A_201 : memref<10240x128xf32, #tpu.memory_space<vmem_shared>>)
        tpu.yield
      }) : () -> ()
      %add3A_153 = arith.constant 2 : i32
      %add3A_154 = arith.addi %add3A_140, %add3A_153 : i32
      %lt3A = arith.constant 40 : i32
      %lt3A_155 = arith.cmpi slt, %add3A_154, %lt3A : i32
      %convert_element_type3A = arith.extui %lt3A_155 : i1 to i32
      %cond3A = arith.constant 0 : i32
      %cond3A_156 = arith.cmpi ne, %convert_element_type3A, %cond3A : i32
      scf.if %cond3A_156 {
        %add3A_181 = arith.constant 2 : i32
        %add3A_182 = arith.addi %add3A_140, %add3A_181 : i32
        %dma_start3A_183 = arith.constant 0 : i32
        %dma_start3A_184 = arith.constant 0 : i32
        %dma_start3A_185 = arith.constant 0 : i32
        %dma_start3A_186 = tpu.memref_slice %arg8[%dma_start3A_183, %dma_start3A_184, %dma_start3A_185] : memref<2x125x128xf32, #tpu.memory_space<vmem>> -> memref<1x125x128xf32, #tpu.memory_space<vmem>>
        %dma_start3A_187 = tpu.memref_squeeze %dma_start3A_186 : memref<1x125x128xf32, #tpu.memory_space<vmem>> -> memref<125x128xf32, #tpu.memory_space<vmem>>
        %dma_start3A_188 = arith.constant 0 : i32
        %dma_start3A_189 = tpu.memref_slice %arg6[%add3A_182, %dma_start3A_188] : memref<40x125xi32, #tpu.memory_space<vmem>> -> memref<1x125xi32, #tpu.memory_space<vmem>>
        %dma_start3A_190 = tpu.memref_squeeze %dma_start3A_189 : memref<1x125xi32, #tpu.memory_space<vmem>> -> memref<125xi32, #tpu.memory_space<vmem>>
        %dma_start3A_191 = arith.constant 0 : i32
        %dma_start3A_192 = arith.constant 0 : i32
        %dma_start3A_193 = tpu.memref_slice %arg4[%dma_start3A_191, %dma_start3A_192] : memref<10000x128xf32, #tpu.memory_space<hbm>> -> memref<10000x128xf32, #tpu.memory_space<hbm>>
        tpu.enqueue_indirect_dma source(%dma_start3A_193 : memref<10000x128xf32, #tpu.memory_space<hbm>>) target(%dma_start3A_187 : memref<125x128xf32, #tpu.memory_space<vmem>>) offsets(%dma_start3A_190 : memref<125xi32, #tpu.memory_space<vmem>>) semaphore(%arg10 : memref<!tpu.dma_semaphore, #tpu.memory_space<semaphore_mem>>)
      } else {
      }
      %mul3A_157 = arith.constant 2 : i32
      %mul3A_158 = arith.muli %mul3A_157, %scan3A_135 : i32
      %add3A_159 = arith.constant 1 : i32
      %add3A_160 = arith.addi %mul3A_158, %add3A_159 : i32
      %dma_wait3A_161 = arith.constant 1 : i32
      %dma_wait3A_162 = arith.constant 0 : i32
      %dma_wait3A_163 = arith.constant 0 : i32
      %dma_wait3A_164 = tpu.memref_slice %arg8[%dma_wait3A_161, %dma_wait3A_162, %dma_wait3A_163] : memref<2x125x128xf32, #tpu.memory_space<vmem>> -> memref<1x125x128xf32, #tpu.memory_space<vmem>>
      %dma_wait3A_165 = tpu.memref_squeeze %dma_wait3A_164 : memref<1x125x128xf32, #tpu.memory_space<vmem>> -> memref<125x128xf32, #tpu.memory_space<vmem>>
      %dma_wait3A_166 = arith.constant 0 : i32
      %dma_wait3A_167 = tpu.memref_slice %arg6[%add3A_160, %dma_wait3A_166] : memref<40x125xi32, #tpu.memory_space<vmem>> -> memref<1x125xi32, #tpu.memory_space<vmem>>
      %dma_wait3A_168 = tpu.memref_squeeze %dma_wait3A_167 : memref<1x125xi32, #tpu.memory_space<vmem>> -> memref<125xi32, #tpu.memory_space<vmem>>
      %dma_wait3A_169 = arith.constant 0 : i32
      %dma_wait3A_170 = arith.constant 0 : i32
      %dma_wait3A_171 = tpu.memref_slice %arg4[%dma_wait3A_169, %dma_wait3A_170] : memref<10000x128xf32, #tpu.memory_space<hbm>> -> memref<10000x128xf32, #tpu.memory_space<hbm>>
      tpu.wait_indirect_dma semaphore(%arg11 : memref<!tpu.dma_semaphore, #tpu.memory_space<semaphore_mem>>) src(%dma_wait3A_171 : memref<10000x128xf32, #tpu.memory_space<hbm>>) dst(%dma_wait3A_165 : memref<125x128xf32, #tpu.memory_space<vmem>>)
      %run_scoped3A_172 = arith.constant 1 : i32
      "tpu.region"() ({
        %run_scoped3A_181 = tpu.sem_alloc : memref<!tpu.dma_semaphore, #tpu.memory_space<semaphore_mem>>
        %dma_start3A_182 = arith.constant 0 : i32
        %dma_start3A_183 = arith.constant 0 : i32
        %dma_start3A_184 = tpu.memref_slice %arg8[%run_scoped3A_172, %dma_start3A_182, %dma_start3A_183] : memref<2x125x128xf32, #tpu.memory_space<vmem>> -> memref<1x125x128xf32, #tpu.memory_space<vmem>>
        %dma_start3A_185 = tpu.memref_squeeze %dma_start3A_184 : memref<1x125x128xf32, #tpu.memory_space<vmem>> -> memref<125x128xf32, #tpu.memory_space<vmem>>
        %dma_start3A_186 = arith.constant 0 : i32
        %dma_start3A_187 = tpu.memref_slice %arg7[%add3A_160, %dma_start3A_186] : memref<40x125xi32, #tpu.memory_space<vmem>> -> memref<1x125xi32, #tpu.memory_space<vmem>>
        %dma_start3A_188 = tpu.memref_squeeze %dma_start3A_187 : memref<1x125xi32, #tpu.memory_space<vmem>> -> memref<125xi32, #tpu.memory_space<vmem>>
        %dma_start3A_189 = arith.constant 0 : i32
        %dma_start3A_190 = arith.constant 0 : i32
        %dma_start3A_191 = tpu.memref_slice %arg9[%dma_start3A_189, %dma_start3A_190] : memref<10240x128xf32, #tpu.memory_space<vmem_shared>> -> memref<10240x128xf32, #tpu.memory_space<vmem_shared>>
        tpu.enqueue_indirect_dma source(%dma_start3A_185 : memref<125x128xf32, #tpu.memory_space<vmem>>) target(%dma_start3A_191 : memref<10240x128xf32, #tpu.memory_space<vmem_shared>>) offsets(%dma_start3A_188 : memref<125xi32, #tpu.memory_space<vmem>>) semaphore(%run_scoped3A_181 : memref<!tpu.dma_semaphore, #tpu.memory_space<semaphore_mem>>) {add = true}
        %dma_wait3A_192 = arith.constant 0 : i32
        %dma_wait3A_193 = arith.constant 0 : i32
        %dma_wait3A_194 = tpu.memref_slice %arg8[%run_scoped3A_172, %dma_wait3A_192, %dma_wait3A_193] : memref<2x125x128xf32, #tpu.memory_space<vmem>> -> memref<1x125x128xf32, #tpu.memory_space<vmem>>
        %dma_wait3A_195 = tpu.memref_squeeze %dma_wait3A_194 : memref<1x125x128xf32, #tpu.memory_space<vmem>> -> memref<125x128xf32, #tpu.memory_space<vmem>>
        %dma_wait3A_196 = arith.constant 0 : i32
        %dma_wait3A_197 = tpu.memref_slice %arg7[%add3A_160, %dma_wait3A_196] : memref<40x125xi32, #tpu.memory_space<vmem>> -> memref<1x125xi32, #tpu.memory_space<vmem>>
        %dma_wait3A_198 = tpu.memref_squeeze %dma_wait3A_197 : memref<1x125xi32, #tpu.memory_space<vmem>> -> memref<125xi32, #tpu.memory_space<vmem>>
        %dma_wait3A_199 = arith.constant 0 : i32
        %dma_wait3A_200 = arith.constant 0 : i32
        %dma_wait3A_201 = tpu.memref_slice %arg9[%dma_wait3A_199, %dma_wait3A_200] : memref<10240x128xf32, #tpu.memory_space<vmem_shared>> -> memref<10240x128xf32, #tpu.memory_space<vmem_shared>>
        tpu.wait_indirect_dma semaphore(%run_scoped3A_181 : memref<!tpu.dma_semaphore, #tpu.memory_space<semaphore_mem>>) src(%dma_wait3A_195 : memref<125x128xf32, #tpu.memory_space<vmem>>) dst(%dma_wait3A_201 : memref<10240x128xf32, #tpu.memory_space<vmem_shared>>)
        tpu.yield
      }) : () -> ()
      %add3A_173 = arith.constant 2 : i32
      %add3A_174 = arith.addi %add3A_160, %add3A_173 : i32
      %lt3A_175 = arith.constant 40 : i32
      %lt3A_176 = arith.cmpi slt, %add3A_174, %lt3A_175 : i32
      %convert_element_type3A_177 = arith.extui %lt3A_176 : i1 to i32
      %cond3A_178 = arith.constant 0 : i32
      %cond3A_179 = arith.cmpi ne, %convert_element_type3A_177, %cond3A_178 : i32
      scf.if %cond3A_179 {
        %add3A_181 = arith.constant 2 : i32
        %add3A_182 = arith.addi %add3A_160, %add3A_181 : i32
        %dma_start3A_183 = arith.constant 1 : i32
        %dma_start3A_184 = arith.constant 0 : i32
        %dma_start3A_185 = arith.constant 0 : i32
        %dma_start3A_186 = tpu.memref_slice %arg8[%dma_start3A_183, %dma_start3A_184, %dma_start3A_185] : memref<2x125x128xf32, #tpu.memory_space<vmem>> -> memref<1x125x128xf32, #tpu.memory_space<vmem>>
        %dma_start3A_187 = tpu.memref_squeeze %dma_start3A_186 : memref<1x125x128xf32, #tpu.memory_space<vmem>> -> memref<125x128xf32, #tpu.memory_space<vmem>>
        %dma_start3A_188 = arith.constant 0 : i32
        %dma_start3A_189 = tpu.memref_slice %arg6[%add3A_182, %dma_start3A_188] : memref<40x125xi32, #tpu.memory_space<vmem>> -> memref<1x125xi32, #tpu.memory_space<vmem>>
        %dma_start3A_190 = tpu.memref_squeeze %dma_start3A_189 : memref<1x125xi32, #tpu.memory_space<vmem>> -> memref<125xi32, #tpu.memory_space<vmem>>
        %dma_start3A_191 = arith.constant 0 : i32
        %dma_start3A_192 = arith.constant 0 : i32
        %dma_start3A_193 = tpu.memref_slice %arg4[%dma_start3A_191, %dma_start3A_192] : memref<10000x128xf32, #tpu.memory_space<hbm>> -> memref<10000x128xf32, #tpu.memory_space<hbm>>
        tpu.enqueue_indirect_dma source(%dma_start3A_193 : memref<10000x128xf32, #tpu.memory_space<hbm>>) target(%dma_start3A_187 : memref<125x128xf32, #tpu.memory_space<vmem>>) offsets(%dma_start3A_190 : memref<125xi32, #tpu.memory_space<vmem>>) semaphore(%arg11 : memref<!tpu.dma_semaphore, #tpu.memory_space<semaphore_mem>>)
      } else {
      }
      %scan3A_180 = arith.constant 0 : i32
      scf.yield %scan3A_180 : i32
    }
    %scan3A_96 = arith.constant 20 : i32
    %mul3A_97 = arith.constant 80 : i32
    %mul3A_98 = arith.muli %add3A, %mul3A_97 : i32
    %add3A_99 = arith.constant 40 : i32
    %add3A_100 = arith.addi %mul3A_98, %add3A_99 : i32
    "tpu.region"() ({
      %run_scoped3A_135 = tpu.sem_alloc : memref<!tpu.dma_semaphore, #tpu.memory_space<semaphore_mem>>
      %dma_start3A_136 = arith.constant 0 : i32
      %dma_start3A_137 = tpu.memref_slice %arg2[%add3A_100, %dma_start3A_136] : memref<2560x125xi32, #tpu.memory_space<hbm>> -> memref<40x125xi32, #tpu.memory_space<hbm>>
      %dma_start3A_138 = arith.constant 0 : i32
      %dma_start3A_139 = tpu.memref_slice %arg2[%add3A_100, %dma_start3A_138] : memref<2560x125xi32, #tpu.memory_space<hbm>> -> memref<40x125xi32, #tpu.memory_space<hbm>>
      tpu.enqueue_dma source(%dma_start3A_139 : memref<40x125xi32, #tpu.memory_space<hbm>>) target(%arg6 : memref<40x125xi32, #tpu.memory_space<vmem>>) target_semaphore(%run_scoped3A_135 : memref<!tpu.dma_semaphore, #tpu.memory_space<semaphore_mem>>)
      %dma_wait3A_140 = arith.constant 0 : i32
      %dma_wait3A_141 = tpu.memref_slice %arg2[%add3A_100, %dma_wait3A_140] : memref<2560x125xi32, #tpu.memory_space<hbm>> -> memref<40x125xi32, #tpu.memory_space<hbm>>
      %dma_wait3A_142 = arith.constant 0 : i32
      %dma_wait3A_143 = tpu.memref_slice %arg2[%add3A_100, %dma_wait3A_142] : memref<2560x125xi32, #tpu.memory_space<hbm>> -> memref<40x125xi32, #tpu.memory_space<hbm>>
      tpu.wait_dma2 semaphore(%run_scoped3A_135 : memref<!tpu.dma_semaphore, #tpu.memory_space<semaphore_mem>>) src(%dma_wait3A_143 : memref<40x125xi32, #tpu.memory_space<hbm>>) dst(%arg6 : memref<40x125xi32, #tpu.memory_space<vmem>>)
      tpu.yield
    }) : () -> ()
    "tpu.region"() ({
      %run_scoped3A_135 = tpu.sem_alloc : memref<!tpu.dma_semaphore, #tpu.memory_space<semaphore_mem>>
      %dma_start3A_136 = arith.constant 0 : i32
      %dma_start3A_137 = tpu.memref_slice %arg3[%add3A_100, %dma_start3A_136] : memref<2560x125xi32, #tpu.memory_space<hbm>> -> memref<40x125xi32, #tpu.memory_space<hbm>>
      %dma_start3A_138 = arith.constant 0 : i32
      %dma_start3A_139 = tpu.memref_slice %arg3[%add3A_100, %dma_start3A_138] : memref<2560x125xi32, #tpu.memory_space<hbm>> -> memref<40x125xi32, #tpu.memory_space<hbm>>
      tpu.enqueue_dma source(%dma_start3A_139 : memref<40x125xi32, #tpu.memory_space<hbm>>) target(%arg7 : memref<40x125xi32, #tpu.memory_space<vmem>>) target_semaphore(%run_scoped3A_135 : memref<!tpu.dma_semaphore, #tpu.memory_space<semaphore_mem>>)
      %dma_wait3A_140 = arith.constant 0 : i32
      %dma_wait3A_141 = tpu.memref_slice %arg3[%add3A_100, %dma_wait3A_140] : memref<2560x125xi32, #tpu.memory_space<hbm>> -> memref<40x125xi32, #tpu.memory_space<hbm>>
      %dma_wait3A_142 = arith.constant 0 : i32
      %dma_wait3A_143 = tpu.memref_slice %arg3[%add3A_100, %dma_wait3A_142] : memref<2560x125xi32, #tpu.memory_space<hbm>> -> memref<40x125xi32, #tpu.memory_space<hbm>>
      tpu.wait_dma2 semaphore(%run_scoped3A_135 : memref<!tpu.dma_semaphore, #tpu.memory_space<semaphore_mem>>) src(%dma_wait3A_143 : memref<40x125xi32, #tpu.memory_space<hbm>>) dst(%arg7 : memref<40x125xi32, #tpu.memory_space<vmem>>)
      tpu.yield
    }) : () -> ()
    %dma_start3A_101 = arith.constant 0 : i32
    %dma_start3A_102 = arith.constant 0 : i32
    %dma_start3A_103 = arith.constant 0 : i32
    %dma_start3A_104 = arith.constant 0 : i32
    %dma_start3A_105 = tpu.memref_slice %arg8[%dma_start3A_102, %dma_start3A_103, %dma_start3A_104] : memref<2x125x128xf32, #tpu.memory_space<vmem>> -> memref<1x125x128xf32, #tpu.memory_space<vmem>>
    %dma_start3A_106 = tpu.memref_squeeze %dma_start3A_105 : memref<1x125x128xf32, #tpu.memory_space<vmem>> -> memref<125x128xf32, #tpu.memory_space<vmem>>
    %dma_start3A_107 = arith.constant 0 : i32
    %dma_start3A_108 = tpu.memref_slice %arg6[%dma_start3A_101, %dma_start3A_107] : memref<40x125xi32, #tpu.memory_space<vmem>> -> memref<1x125xi32, #tpu.memory_space<vmem>>
    %dma_start3A_109 = tpu.memref_squeeze %dma_start3A_108 : memref<1x125xi32, #tpu.memory_space<vmem>> -> memref<125xi32, #tpu.memory_space<vmem>>
    %dma_start3A_110 = arith.constant 0 : i32
    %dma_start3A_111 = arith.constant 0 : i32
    %dma_start3A_112 = tpu.memref_slice %arg4[%dma_start3A_110, %dma_start3A_111] : memref<10000x128xf32, #tpu.memory_space<hbm>> -> memref<10000x128xf32, #tpu.memory_space<hbm>>
    tpu.enqueue_indirect_dma source(%dma_start3A_112 : memref<10000x128xf32, #tpu.memory_space<hbm>>) target(%dma_start3A_106 : memref<125x128xf32, #tpu.memory_space<vmem>>) offsets(%dma_start3A_109 : memref<125xi32, #tpu.memory_space<vmem>>) semaphore(%arg10 : memref<!tpu.dma_semaphore, #tpu.memory_space<semaphore_mem>>)
    %dma_start3A_113 = arith.constant 1 : i32
    %dma_start3A_114 = arith.constant 1 : i32
    %dma_start3A_115 = arith.constant 0 : i32
    %dma_start3A_116 = arith.constant 0 : i32
    %dma_start3A_117 = tpu.memref_slice %arg8[%dma_start3A_114, %dma_start3A_115, %dma_start3A_116] : memref<2x125x128xf32, #tpu.memory_space<vmem>> -> memref<1x125x128xf32, #tpu.memory_space<vmem>>
    %dma_start3A_118 = tpu.memref_squeeze %dma_start3A_117 : memref<1x125x128xf32, #tpu.memory_space<vmem>> -> memref<125x128xf32, #tpu.memory_space<vmem>>
    %dma_start3A_119 = arith.constant 0 : i32
    %dma_start3A_120 = tpu.memref_slice %arg6[%dma_start3A_113, %dma_start3A_119] : memref<40x125xi32, #tpu.memory_space<vmem>> -> memref<1x125xi32, #tpu.memory_space<vmem>>
    %dma_start3A_121 = tpu.memref_squeeze %dma_start3A_120 : memref<1x125xi32, #tpu.memory_space<vmem>> -> memref<125xi32, #tpu.memory_space<vmem>>
    %dma_start3A_122 = arith.constant 0 : i32
    %dma_start3A_123 = arith.constant 0 : i32
    %dma_start3A_124 = tpu.memref_slice %arg4[%dma_start3A_122, %dma_start3A_123] : memref<10000x128xf32, #tpu.memory_space<hbm>> -> memref<10000x128xf32, #tpu.memory_space<hbm>>
    tpu.enqueue_indirect_dma source(%dma_start3A_124 : memref<10000x128xf32, #tpu.memory_space<hbm>>) target(%dma_start3A_118 : memref<125x128xf32, #tpu.memory_space<vmem>>) offsets(%dma_start3A_121 : memref<125xi32, #tpu.memory_space<vmem>>) semaphore(%arg11 : memref<!tpu.dma_semaphore, #tpu.memory_space<semaphore_mem>>)
    %scan3A_125 = arith.constant 0 : i32
    %scan3A_126 = arith.constant 0 : i32
    %scan3A_127 = arith.constant 20 : i32
    %scan3A_128 = arith.addi %scan3A_126, %scan3A_127 : i32
    %scan3A_129 = arith.constant 1 : i32
    %scan3A_130 = scf.for %scan3A_135 = %scan3A_126 to %scan3A_128 step %scan3A_129 iter_args(%scan3A_136 = %scan3A_125) -> (i32)  : i32 {
      %mul3A_137 = arith.constant 2 : i32
      %mul3A_138 = arith.muli %mul3A_137, %scan3A_135 : i32
      %add3A_139 = arith.constant 0 : i32
      %add3A_140 = arith.addi %mul3A_138, %add3A_139 : i32
      %dma_wait3A_141 = arith.constant 0 : i32
      %dma_wait3A_142 = arith.constant 0 : i32
      %dma_wait3A_143 = arith.constant 0 : i32
      %dma_wait3A_144 = tpu.memref_slice %arg8[%dma_wait3A_141, %dma_wait3A_142, %dma_wait3A_143] : memref<2x125x128xf32, #tpu.memory_space<vmem>> -> memref<1x125x128xf32, #tpu.memory_space<vmem>>
      %dma_wait3A_145 = tpu.memref_squeeze %dma_wait3A_144 : memref<1x125x128xf32, #tpu.memory_space<vmem>> -> memref<125x128xf32, #tpu.memory_space<vmem>>
      %dma_wait3A_146 = arith.constant 0 : i32
      %dma_wait3A_147 = tpu.memref_slice %arg6[%add3A_140, %dma_wait3A_146] : memref<40x125xi32, #tpu.memory_space<vmem>> -> memref<1x125xi32, #tpu.memory_space<vmem>>
      %dma_wait3A_148 = tpu.memref_squeeze %dma_wait3A_147 : memref<1x125xi32, #tpu.memory_space<vmem>> -> memref<125xi32, #tpu.memory_space<vmem>>
      %dma_wait3A_149 = arith.constant 0 : i32
      %dma_wait3A_150 = arith.constant 0 : i32
      %dma_wait3A_151 = tpu.memref_slice %arg4[%dma_wait3A_149, %dma_wait3A_150] : memref<10000x128xf32, #tpu.memory_space<hbm>> -> memref<10000x128xf32, #tpu.memory_space<hbm>>
      tpu.wait_indirect_dma semaphore(%arg10 : memref<!tpu.dma_semaphore, #tpu.memory_space<semaphore_mem>>) src(%dma_wait3A_151 : memref<10000x128xf32, #tpu.memory_space<hbm>>) dst(%dma_wait3A_145 : memref<125x128xf32, #tpu.memory_space<vmem>>)
      %run_scoped3A_152 = arith.constant 0 : i32
      "tpu.region"() ({
        %run_scoped3A_181 = tpu.sem_alloc : memref<!tpu.dma_semaphore, #tpu.memory_space<semaphore_mem>>
        %dma_start3A_182 = arith.constant 0 : i32
        %dma_start3A_183 = arith.constant 0 : i32
        %dma_start3A_184 = tpu.memref_slice %arg8[%run_scoped3A_152, %dma_start3A_182, %dma_start3A_183] : memref<2x125x128xf32, #tpu.memory_space<vmem>> -> memref<1x125x128xf32, #tpu.memory_space<vmem>>
        %dma_start3A_185 = tpu.memref_squeeze %dma_start3A_184 : memref<1x125x128xf32, #tpu.memory_space<vmem>> -> memref<125x128xf32, #tpu.memory_space<vmem>>
        %dma_start3A_186 = arith.constant 0 : i32
        %dma_start3A_187 = tpu.memref_slice %arg7[%add3A_140, %dma_start3A_186] : memref<40x125xi32, #tpu.memory_space<vmem>> -> memref<1x125xi32, #tpu.memory_space<vmem>>
        %dma_start3A_188 = tpu.memref_squeeze %dma_start3A_187 : memref<1x125xi32, #tpu.memory_space<vmem>> -> memref<125xi32, #tpu.memory_space<vmem>>
        %dma_start3A_189 = arith.constant 0 : i32
        %dma_start3A_190 = arith.constant 0 : i32
        %dma_start3A_191 = tpu.memref_slice %arg9[%dma_start3A_189, %dma_start3A_190] : memref<10240x128xf32, #tpu.memory_space<vmem_shared>> -> memref<10240x128xf32, #tpu.memory_space<vmem_shared>>
        tpu.enqueue_indirect_dma source(%dma_start3A_185 : memref<125x128xf32, #tpu.memory_space<vmem>>) target(%dma_start3A_191 : memref<10240x128xf32, #tpu.memory_space<vmem_shared>>) offsets(%dma_start3A_188 : memref<125xi32, #tpu.memory_space<vmem>>) semaphore(%run_scoped3A_181 : memref<!tpu.dma_semaphore, #tpu.memory_space<semaphore_mem>>) {add = true}
        %dma_wait3A_192 = arith.constant 0 : i32
        %dma_wait3A_193 = arith.constant 0 : i32
        %dma_wait3A_194 = tpu.memref_slice %arg8[%run_scoped3A_152, %dma_wait3A_192, %dma_wait3A_193] : memref<2x125x128xf32, #tpu.memory_space<vmem>> -> memref<1x125x128xf32, #tpu.memory_space<vmem>>
        %dma_wait3A_195 = tpu.memref_squeeze %dma_wait3A_194 : memref<1x125x128xf32, #tpu.memory_space<vmem>> -> memref<125x128xf32, #tpu.memory_space<vmem>>
        %dma_wait3A_196 = arith.constant 0 : i32
        %dma_wait3A_197 = tpu.memref_slice %arg7[%add3A_140, %dma_wait3A_196] : memref<40x125xi32, #tpu.memory_space<vmem>> -> memref<1x125xi32, #tpu.memory_space<vmem>>
        %dma_wait3A_198 = tpu.memref_squeeze %dma_wait3A_197 : memref<1x125xi32, #tpu.memory_space<vmem>> -> memref<125xi32, #tpu.memory_space<vmem>>
        %dma_wait3A_199 = arith.constant 0 : i32
        %dma_wait3A_200 = arith.constant 0 : i32
        %dma_wait3A_201 = tpu.memref_slice %arg9[%dma_wait3A_199, %dma_wait3A_200] : memref<10240x128xf32, #tpu.memory_space<vmem_shared>> -> memref<10240x128xf32, #tpu.memory_space<vmem_shared>>
        tpu.wait_indirect_dma semaphore(%run_scoped3A_181 : memref<!tpu.dma_semaphore, #tpu.memory_space<semaphore_mem>>) src(%dma_wait3A_195 : memref<125x128xf32, #tpu.memory_space<vmem>>) dst(%dma_wait3A_201 : memref<10240x128xf32, #tpu.memory_space<vmem_shared>>)
        tpu.yield
      }) : () -> ()
      %add3A_153 = arith.constant 2 : i32
      %add3A_154 = arith.addi %add3A_140, %add3A_153 : i32
      %lt3A = arith.constant 40 : i32
      %lt3A_155 = arith.cmpi slt, %add3A_154, %lt3A : i32
      %convert_element_type3A = arith.extui %lt3A_155 : i1 to i32
      %cond3A = arith.constant 0 : i32
      %cond3A_156 = arith.cmpi ne, %convert_element_type3A, %cond3A : i32
      scf.if %cond3A_156 {
        %add3A_181 = arith.constant 2 : i32
        %add3A_182 = arith.addi %add3A_140, %add3A_181 : i32
        %dma_start3A_183 = arith.constant 0 : i32
        %dma_start3A_184 = arith.constant 0 : i32
        %dma_start3A_185 = arith.constant 0 : i32
        %dma_start3A_186 = tpu.memref_slice %arg8[%dma_start3A_183, %dma_start3A_184, %dma_start3A_185] : memref<2x125x128xf32, #tpu.memory_space<vmem>> -> memref<1x125x128xf32, #tpu.memory_space<vmem>>
        %dma_start3A_187 = tpu.memref_squeeze %dma_start3A_186 : memref<1x125x128xf32, #tpu.memory_space<vmem>> -> memref<125x128xf32, #tpu.memory_space<vmem>>
        %dma_start3A_188 = arith.constant 0 : i32
        %dma_start3A_189 = tpu.memref_slice %arg6[%add3A_182, %dma_start3A_188] : memref<40x125xi32, #tpu.memory_space<vmem>> -> memref<1x125xi32, #tpu.memory_space<vmem>>
        %dma_start3A_190 = tpu.memref_squeeze %dma_start3A_189 : memref<1x125xi32, #tpu.memory_space<vmem>> -> memref<125xi32, #tpu.memory_space<vmem>>
        %dma_start3A_191 = arith.constant 0 : i32
        %dma_start3A_192 = arith.constant 0 : i32
        %dma_start3A_193 = tpu.memref_slice %arg4[%dma_start3A_191, %dma_start3A_192] : memref<10000x128xf32, #tpu.memory_space<hbm>> -> memref<10000x128xf32, #tpu.memory_space<hbm>>
        tpu.enqueue_indirect_dma source(%dma_start3A_193 : memref<10000x128xf32, #tpu.memory_space<hbm>>) target(%dma_start3A_187 : memref<125x128xf32, #tpu.memory_space<vmem>>) offsets(%dma_start3A_190 : memref<125xi32, #tpu.memory_space<vmem>>) semaphore(%arg10 : memref<!tpu.dma_semaphore, #tpu.memory_space<semaphore_mem>>)
      } else {
      }
      %mul3A_157 = arith.constant 2 : i32
      %mul3A_158 = arith.muli %mul3A_157, %scan3A_135 : i32
      %add3A_159 = arith.constant 1 : i32
      %add3A_160 = arith.addi %mul3A_158, %add3A_159 : i32
      %dma_wait3A_161 = arith.constant 1 : i32
      %dma_wait3A_162 = arith.constant 0 : i32
      %dma_wait3A_163 = arith.constant 0 : i32
      %dma_wait3A_164 = tpu.memref_slice %arg8[%dma_wait3A_161, %dma_wait3A_162, %dma_wait3A_163] : memref<2x125x128xf32, #tpu.memory_space<vmem>> -> memref<1x125x128xf32, #tpu.memory_space<vmem>>
      %dma_wait3A_165 = tpu.memref_squeeze %dma_wait3A_164 : memref<1x125x128xf32, #tpu.memory_space<vmem>> -> memref<125x128xf32, #tpu.memory_space<vmem>>
      %dma_wait3A_166 = arith.constant 0 : i32
      %dma_wait3A_167 = tpu.memref_slice %arg6[%add3A_160, %dma_wait3A_166] : memref<40x125xi32, #tpu.memory_space<vmem>> -> memref<1x125xi32, #tpu.memory_space<vmem>>
      %dma_wait3A_168 = tpu.memref_squeeze %dma_wait3A_167 : memref<1x125xi32, #tpu.memory_space<vmem>> -> memref<125xi32, #tpu.memory_space<vmem>>
      %dma_wait3A_169 = arith.constant 0 : i32
      %dma_wait3A_170 = arith.constant 0 : i32
      %dma_wait3A_171 = tpu.memref_slice %arg4[%dma_wait3A_169, %dma_wait3A_170] : memref<10000x128xf32, #tpu.memory_space<hbm>> -> memref<10000x128xf32, #tpu.memory_space<hbm>>
      tpu.wait_indirect_dma semaphore(%arg11 : memref<!tpu.dma_semaphore, #tpu.memory_space<semaphore_mem>>) src(%dma_wait3A_171 : memref<10000x128xf32, #tpu.memory_space<hbm>>) dst(%dma_wait3A_165 : memref<125x128xf32, #tpu.memory_space<vmem>>)
      %run_scoped3A_172 = arith.constant 1 : i32
      "tpu.region"() ({
        %run_scoped3A_181 = tpu.sem_alloc : memref<!tpu.dma_semaphore, #tpu.memory_space<semaphore_mem>>
        %dma_start3A_182 = arith.constant 0 : i32
        %dma_start3A_183 = arith.constant 0 : i32
        %dma_start3A_184 = tpu.memref_slice %arg8[%run_scoped3A_172, %dma_start3A_182, %dma_start3A_183] : memref<2x125x128xf32, #tpu.memory_space<vmem>> -> memref<1x125x128xf32, #tpu.memory_space<vmem>>
        %dma_start3A_185 = tpu.memref_squeeze %dma_start3A_184 : memref<1x125x128xf32, #tpu.memory_space<vmem>> -> memref<125x128xf32, #tpu.memory_space<vmem>>
        %dma_start3A_186 = arith.constant 0 : i32
        %dma_start3A_187 = tpu.memref_slice %arg7[%add3A_160, %dma_start3A_186] : memref<40x125xi32, #tpu.memory_space<vmem>> -> memref<1x125xi32, #tpu.memory_space<vmem>>
        %dma_start3A_188 = tpu.memref_squeeze %dma_start3A_187 : memref<1x125xi32, #tpu.memory_space<vmem>> -> memref<125xi32, #tpu.memory_space<vmem>>
        %dma_start3A_189 = arith.constant 0 : i32
        %dma_start3A_190 = arith.constant 0 : i32
        %dma_start3A_191 = tpu.memref_slice %arg9[%dma_start3A_189, %dma_start3A_190] : memref<10240x128xf32, #tpu.memory_space<vmem_shared>> -> memref<10240x128xf32, #tpu.memory_space<vmem_shared>>
        tpu.enqueue_indirect_dma source(%dma_start3A_185 : memref<125x128xf32, #tpu.memory_space<vmem>>) target(%dma_start3A_191 : memref<10240x128xf32, #tpu.memory_space<vmem_shared>>) offsets(%dma_start3A_188 : memref<125xi32, #tpu.memory_space<vmem>>) semaphore(%run_scoped3A_181 : memref<!tpu.dma_semaphore, #tpu.memory_space<semaphore_mem>>) {add = true}
        %dma_wait3A_192 = arith.constant 0 : i32
        %dma_wait3A_193 = arith.constant 0 : i32
        %dma_wait3A_194 = tpu.memref_slice %arg8[%run_scoped3A_172, %dma_wait3A_192, %dma_wait3A_193] : memref<2x125x128xf32, #tpu.memory_space<vmem>> -> memref<1x125x128xf32, #tpu.memory_space<vmem>>
        %dma_wait3A_195 = tpu.memref_squeeze %dma_wait3A_194 : memref<1x125x128xf32, #tpu.memory_space<vmem>> -> memref<125x128xf32, #tpu.memory_space<vmem>>
        %dma_wait3A_196 = arith.constant 0 : i32
        %dma_wait3A_197 = tpu.memref_slice %arg7[%add3A_160, %dma_wait3A_196] : memref<40x125xi32, #tpu.memory_space<vmem>> -> memref<1x125xi32, #tpu.memory_space<vmem>>
        %dma_wait3A_198 = tpu.memref_squeeze %dma_wait3A_197 : memref<1x125xi32, #tpu.memory_space<vmem>> -> memref<125xi32, #tpu.memory_space<vmem>>
        %dma_wait3A_199 = arith.constant 0 : i32
        %dma_wait3A_200 = arith.constant 0 : i32
        %dma_wait3A_201 = tpu.memref_slice %arg9[%dma_wait3A_199, %dma_wait3A_200] : memref<10240x128xf32, #tpu.memory_space<vmem_shared>> -> memref<10240x128xf32, #tpu.memory_space<vmem_shared>>
        tpu.wait_indirect_dma semaphore(%run_scoped3A_181 : memref<!tpu.dma_semaphore, #tpu.memory_space<semaphore_mem>>) src(%dma_wait3A_195 : memref<125x128xf32, #tpu.memory_space<vmem>>) dst(%dma_wait3A_201 : memref<10240x128xf32, #tpu.memory_space<vmem_shared>>)
        tpu.yield
      }) : () -> ()
      %add3A_173 = arith.constant 2 : i32
      %add3A_174 = arith.addi %add3A_160, %add3A_173 : i32
      %lt3A_175 = arith.constant 40 : i32
      %lt3A_176 = arith.cmpi slt, %add3A_174, %lt3A_175 : i32
      %convert_element_type3A_177 = arith.extui %lt3A_176 : i1 to i32
      %cond3A_178 = arith.constant 0 : i32
      %cond3A_179 = arith.cmpi ne, %convert_element_type3A_177, %cond3A_178 : i32
      scf.if %cond3A_179 {
        %add3A_181 = arith.constant 2 : i32
        %add3A_182 = arith.addi %add3A_160, %add3A_181 : i32
        %dma_start3A_183 = arith.constant 1 : i32
        %dma_start3A_184 = arith.constant 0 : i32
        %dma_start3A_185 = arith.constant 0 : i32
        %dma_start3A_186 = tpu.memref_slice %arg8[%dma_start3A_183, %dma_start3A_184, %dma_start3A_185] : memref<2x125x128xf32, #tpu.memory_space<vmem>> -> memref<1x125x128xf32, #tpu.memory_space<vmem>>
        %dma_start3A_187 = tpu.memref_squeeze %dma_start3A_186 : memref<1x125x128xf32, #tpu.memory_space<vmem>> -> memref<125x128xf32, #tpu.memory_space<vmem>>
        %dma_start3A_188 = arith.constant 0 : i32
        %dma_start3A_189 = tpu.memref_slice %arg6[%add3A_182, %dma_start3A_188] : memref<40x125xi32, #tpu.memory_space<vmem>> -> memref<1x125xi32, #tpu.memory_space<vmem>>
        %dma_start3A_190 = tpu.memref_squeeze %dma_start3A_189 : memref<1x125xi32, #tpu.memory_space<vmem>> -> memref<125xi32, #tpu.memory_space<vmem>>
        %dma_start3A_191 = arith.constant 0 : i32
        %dma_start3A_192 = arith.constant 0 : i32
        %dma_start3A_193 = tpu.memref_slice %arg4[%dma_start3A_191, %dma_start3A_192] : memref<10000x128xf32, #tpu.memory_space<hbm>> -> memref<10000x128xf32, #tpu.memory_space<hbm>>
        tpu.enqueue_indirect_dma source(%dma_start3A_193 : memref<10000x128xf32, #tpu.memory_space<hbm>>) target(%dma_start3A_187 : memref<125x128xf32, #tpu.memory_space<vmem>>) offsets(%dma_start3A_190 : memref<125xi32, #tpu.memory_space<vmem>>) semaphore(%arg11 : memref<!tpu.dma_semaphore, #tpu.memory_space<semaphore_mem>>)
      } else {
      }
      %scan3A_180 = arith.constant 0 : i32
      scf.yield %scan3A_180 : i32
    }
    %scan3A_131 = arith.constant 20 : i32
    %barrier3A_132 = arith.constant 0 : index
    tpu.barrier barrier_id(%barrier3A_132)
    %mul3A_133 = arith.constant 640 : i32
    %mul3A_134 = arith.muli %arg1, %mul3A_133 : i32
    "tpu.region"() ({
      %run_scoped3A_135 = tpu.sem_alloc : memref<!tpu.dma_semaphore, #tpu.memory_space<semaphore_mem>>
      %dma_start3A_136 = arith.constant 0 : i32
      %dma_start3A_137 = tpu.memref_slice %arg5[%arg0, %mul3A_134, %dma_start3A_136] : memref<2x10240x128xf32, #tpu.memory_space<hbm>> -> memref<1x640x128xf32, #tpu.memory_space<hbm>>
      %dma_start3A_138 = tpu.memref_squeeze %dma_start3A_137 : memref<1x640x128xf32, #tpu.memory_space<hbm>> -> memref<640x128xf32, #tpu.memory_space<hbm>>
      %dma_start3A_139 = arith.constant 0 : i32
      %dma_start3A_140 = tpu.memref_slice %arg9[%mul3A_134, %dma_start3A_139] : memref<10240x128xf32, #tpu.memory_space<vmem_shared>> -> memref<640x128xf32, #tpu.memory_space<vmem_shared>>
      tpu.enqueue_dma source(%dma_start3A_140 : memref<640x128xf32, #tpu.memory_space<vmem_shared>>) target(%dma_start3A_138 : memref<640x128xf32, #tpu.memory_space<hbm>>) target_semaphore(%run_scoped3A_135 : memref<!tpu.dma_semaphore, #tpu.memory_space<semaphore_mem>>)
      %dma_wait3A_141 = arith.constant 0 : i32
      %dma_wait3A_142 = tpu.memref_slice %arg5[%arg0, %mul3A_134, %dma_wait3A_141] : memref<2x10240x128xf32, #tpu.memory_space<hbm>> -> memref<1x640x128xf32, #tpu.memory_space<hbm>>
      %dma_wait3A_143 = tpu.memref_squeeze %dma_wait3A_142 : memref<1x640x128xf32, #tpu.memory_space<hbm>> -> memref<640x128xf32, #tpu.memory_space<hbm>>
      %dma_wait3A_144 = arith.constant 0 : i32
      %dma_wait3A_145 = tpu.memref_slice %arg9[%mul3A_134, %dma_wait3A_144] : memref<10240x128xf32, #tpu.memory_space<vmem_shared>> -> memref<640x128xf32, #tpu.memory_space<vmem_shared>>
      tpu.wait_dma2 semaphore(%run_scoped3A_135 : memref<!tpu.dma_semaphore, #tpu.memory_space<semaphore_mem>>) src(%dma_wait3A_145 : memref<640x128xf32, #tpu.memory_space<vmem_shared>>) dst(%dma_wait3A_143 : memref<640x128xf32, #tpu.memory_space<hbm>>)
      tpu.yield
    }) : () -> ()
    return
  }
}

#map = affine_map<(d0, d1) -> (0, 0)>
#map1 = affine_map<(d0, d1) -> (0)>
module attributes {stable_mosaic.version = 14 : i64} {
  func.func @_deg_body(%arg0: i32, %arg1: i32, %arg2: memref<2560x125xi32, #tpu.memory_space<hbm>>, %arg3: memref<10000x128xf32, #tpu.memory_space<hbm>>, %arg4: memref<10000xf32, #tpu.memory_space<hbm>>, %arg5: memref<10000x128xf32, #tpu.memory_space<hbm>>, %arg6: memref<160x125xi32, #tpu.memory_space<vmem>>, %arg7: memref<128xf32, #tpu.memory_space<vmem>>, %arg8: memref<400x128xf32, #tpu.memory_space<vmem>>, %arg9: memref<400xf32, #tpu.memory_space<vmem>>, %arg10: memref<10240xf32, #tpu.memory_space<vmem_shared>>, %arg11: memref<!tpu.dma_semaphore, #tpu.memory_space<semaphore_mem>>, %arg12: memref<!tpu.dma_semaphore, #tpu.memory_space<semaphore_mem>>) attributes {dimension_semantics = [#tpu.dimension_semantics<core_parallel>, #tpu.dimension_semantics<subcore_parallel>], iteration_bounds = array<i64: 2, 16>, scalar_prefetch = 0 : i64, scratch_operands = 7 : i64, tpu.core_type = #tpu.core_type<sc_vector_subcore>, window_params = [{transform_indices = #map}, {transform_indices = #map}, {transform_indices = #map1}, {transform_indices = #map}]} {
    %mul3A = arith.constant 2 : i32
    %mul3A_0 = arith.muli %arg1, %mul3A : i32
    %add3A = arith.addi %mul3A_0, %arg0 : i32
    %lt3A = arith.constant 25 : i32
    %lt3A_1 = arith.cmpi slt, %add3A, %lt3A : i32
    %mul3A_2 = arith.constant 160 : i32
    %mul3A_3 = arith.muli %arg1, %mul3A_2 : i32
    %dma_start3A = arith.constant 0 : i32
    %dma_start3A_4 = tpu.memref_slice %arg2[%mul3A_3, %dma_start3A] : memref<2560x125xi32, #tpu.memory_space<hbm>> -> memref<160x125xi32, #tpu.memory_space<hbm>>
    %dma_start3A_5 = arith.constant 0 : i32
    %dma_start3A_6 = tpu.memref_slice %arg2[%mul3A_3, %dma_start3A_5] : memref<2560x125xi32, #tpu.memory_space<hbm>> -> memref<160x125xi32, #tpu.memory_space<hbm>>
    tpu.enqueue_dma source(%dma_start3A_6 : memref<160x125xi32, #tpu.memory_space<hbm>>) target(%arg6 : memref<160x125xi32, #tpu.memory_space<vmem>>) target_semaphore(%arg11 : memref<!tpu.dma_semaphore, #tpu.memory_space<semaphore_mem>>)
    %convert_element_type3A = arith.extui %lt3A_1 : i1 to i32
    %cond3A = arith.constant 0 : i32
    %cond3A_7 = arith.cmpi ne, %convert_element_type3A, %cond3A : i32
    scf.if %cond3A_7 {
      %mul3A_45 = arith.constant 400 : i32
      %mul3A_46 = arith.muli %add3A, %mul3A_45 : i32
      %dma_start3A_47 = arith.constant 0 : i32
      %dma_start3A_48 = tpu.memref_slice %arg3[%mul3A_46, %dma_start3A_47] : memref<10000x128xf32, #tpu.memory_space<hbm>> -> memref<400x128xf32, #tpu.memory_space<hbm>>
      %dma_start3A_49 = arith.constant 0 : i32
      %dma_start3A_50 = tpu.memref_slice %arg3[%mul3A_46, %dma_start3A_49] : memref<10000x128xf32, #tpu.memory_space<hbm>> -> memref<400x128xf32, #tpu.memory_space<hbm>>
      tpu.enqueue_dma source(%dma_start3A_50 : memref<400x128xf32, #tpu.memory_space<hbm>>) target(%arg8 : memref<400x128xf32, #tpu.memory_space<vmem>>) target_semaphore(%arg12 : memref<!tpu.dma_semaphore, #tpu.memory_space<semaphore_mem>>)
    } else {
    }
    %scan3A = arith.constant 0 : i32
    %scan3A_8 = arith.constant 0 : i32
    %scan3A_9 = arith.constant 8 : i32
    %scan3A_10 = arith.addi %scan3A_8, %scan3A_9 : i32
    %scan3A_11 = arith.constant 1 : i32
    %scan3A_12 = scf.for %scan3A_45 = %scan3A_8 to %scan3A_10 step %scan3A_11 iter_args(%scan3A_46 = %scan3A) -> (i32)  : i32 {
      %broadcast_in_dim3A = arith.constant 1.000000e+00 : f32
      %broadcast_in_dim3A_47 = vector.broadcast %broadcast_in_dim3A : f32 to vector<16xf32>
      %mul3A_48 = arith.constant 16 : i32
      %mul3A_49 = arith.muli %scan3A_45, %mul3A_48 : i32
      %swap3A = arith.index_cast %mul3A_49 : i32 to index
      %swap3A_50 = tpu.vector_load %arg7[%swap3A] {strides = array<i32>} : memref<128xf32, #tpu.memory_space<vmem>>, vector<16xf32>,
      %swap3A_51 = vector.shape_cast %swap3A_50 : vector<16xf32> to vector<16xf32>
      %swap3A_52 = vector.shape_cast %broadcast_in_dim3A_47 : vector<16xf32> to vector<16xf32>
      tpu.vector_store %arg7[%swap3A], %swap3A_52 {strides = array<i32>} : memref<128xf32, #tpu.memory_space<vmem>>, vector<16xf32>,
      %scan3A_53 = arith.constant 0 : i32
      scf.yield %scan3A_53 : i32
    }
    %scan3A_13 = arith.constant 8 : i32
    %scan3A_14 = arith.constant 0 : i32
    %scan3A_15 = arith.constant 0 : i32
    %scan3A_16 = arith.constant 25 : i32
    %scan3A_17 = arith.addi %scan3A_15, %scan3A_16 : i32
    %scan3A_18 = arith.constant 1 : i32
    %scan3A_19 = scf.for %scan3A_45 = %scan3A_15 to %scan3A_17 step %scan3A_18 iter_args(%scan3A_46 = %scan3A_14) -> (i32)  : i32 {
      %broadcast_in_dim3A = arith.constant 0.000000e+00 : f32
      %broadcast_in_dim3A_47 = vector.broadcast %broadcast_in_dim3A : f32 to vector<16xf32>
      %mul3A_48 = arith.constant 16 : i32
      %mul3A_49 = arith.muli %scan3A_45, %mul3A_48 : i32
      %swap3A = arith.index_cast %mul3A_49 : i32 to index
      %swap3A_50 = tpu.vector_load %arg9[%swap3A] {strides = array<i32>} : memref<400xf32, #tpu.memory_space<vmem>>, vector<16xf32>,
      %swap3A_51 = vector.shape_cast %swap3A_50 : vector<16xf32> to vector<16xf32>
      %swap3A_52 = vector.shape_cast %broadcast_in_dim3A_47 : vector<16xf32> to vector<16xf32>
      tpu.vector_store %arg9[%swap3A], %swap3A_52 {strides = array<i32>} : memref<400xf32, #tpu.memory_space<vmem>>, vector<16xf32>,
      %scan3A_53 = arith.constant 0 : i32
      scf.yield %scan3A_53 : i32
    }
    %scan3A_20 = arith.constant 25 : i32
    %mul3A_21 = arith.constant 640 : i32
    %mul3A_22 = arith.muli %arg1, %mul3A_21 : i32
    %add3A_23 = arith.constant 0 : i32
    %add3A_24 = arith.addi %mul3A_22, %add3A_23 : i32
    "tpu.region"() ({
      %run_scoped3A = tpu.sem_alloc : memref<!tpu.dma_semaphore, #tpu.memory_space<semaphore_mem>>
      %dma_start3A_45 = arith.constant 0 : i32
      %dma_start3A_46 = tpu.memref_slice %arg9[%dma_start3A_45] : memref<400xf32, #tpu.memory_space<vmem>> -> memref<400xf32, #tpu.memory_space<vmem>>
      %dma_start3A_47 = tpu.memref_slice %arg10[%add3A_24] : memref<10240xf32, #tpu.memory_space<vmem_shared>> -> memref<400xf32, #tpu.memory_space<vmem_shared>>
      %dma_start3A_48 = tpu.memref_slice %arg10[%add3A_24] : memref<10240xf32, #tpu.memory_space<vmem_shared>> -> memref<400xf32, #tpu.memory_space<vmem_shared>>
      %dma_start3A_49 = arith.constant 0 : i32
      %dma_start3A_50 = tpu.memref_slice %arg9[%dma_start3A_49] : memref<400xf32, #tpu.memory_space<vmem>> -> memref<400xf32, #tpu.memory_space<vmem>>
      tpu.enqueue_dma source(%dma_start3A_50 : memref<400xf32, #tpu.memory_space<vmem>>) target(%dma_start3A_48 : memref<400xf32, #tpu.memory_space<vmem_shared>>) target_semaphore(%run_scoped3A : memref<!tpu.dma_semaphore, #tpu.memory_space<semaphore_mem>>)
      %dma_wait3A_51 = arith.constant 0 : i32
      %dma_wait3A_52 = tpu.memref_slice %arg9[%dma_wait3A_51] : memref<400xf32, #tpu.memory_space<vmem>> -> memref<400xf32, #tpu.memory_space<vmem>>
      %dma_wait3A_53 = tpu.memref_slice %arg10[%add3A_24] : memref<10240xf32, #tpu.memory_space<vmem_shared>> -> memref<400xf32, #tpu.memory_space<vmem_shared>>
      %dma_wait3A_54 = tpu.memref_slice %arg10[%add3A_24] : memref<10240xf32, #tpu.memory_space<vmem_shared>> -> memref<400xf32, #tpu.memory_space<vmem_shared>>
      %dma_wait3A_55 = arith.constant 0 : i32
      %dma_wait3A_56 = tpu.memref_slice %arg9[%dma_wait3A_55] : memref<400xf32, #tpu.memory_space<vmem>> -> memref<400xf32, #tpu.memory_space<vmem>>
      tpu.wait_dma2 semaphore(%run_scoped3A : memref<!tpu.dma_semaphore, #tpu.memory_space<semaphore_mem>>) src(%dma_wait3A_56 : memref<400xf32, #tpu.memory_space<vmem>>) dst(%dma_wait3A_54 : memref<400xf32, #tpu.memory_space<vmem_shared>>)
      tpu.yield
    }) : () -> ()
    %mul3A_25 = arith.constant 640 : i32
    %mul3A_26 = arith.muli %arg1, %mul3A_25 : i32
    %add3A_27 = arith.constant 400 : i32
    %add3A_28 = arith.addi %mul3A_26, %add3A_27 : i32
    "tpu.region"() ({
      %run_scoped3A = tpu.sem_alloc : memref<!tpu.dma_semaphore, #tpu.memory_space<semaphore_mem>>
      %dma_start3A_45 = arith.constant 0 : i32
      %dma_start3A_46 = tpu.memref_slice %arg9[%dma_start3A_45] : memref<400xf32, #tpu.memory_space<vmem>> -> memref<240xf32, #tpu.memory_space<vmem>>
      %dma_start3A_47 = tpu.memref_slice %arg10[%add3A_28] : memref<10240xf32, #tpu.memory_space<vmem_shared>> -> memref<240xf32, #tpu.memory_space<vmem_shared>>
      %dma_start3A_48 = tpu.memref_slice %arg10[%add3A_28] : memref<10240xf32, #tpu.memory_space<vmem_shared>> -> memref<240xf32, #tpu.memory_space<vmem_shared>>
      %dma_start3A_49 = arith.constant 0 : i32
      %dma_start3A_50 = tpu.memref_slice %arg9[%dma_start3A_49] : memref<400xf32, #tpu.memory_space<vmem>> -> memref<240xf32, #tpu.memory_space<vmem>>
      tpu.enqueue_dma source(%dma_start3A_50 : memref<240xf32, #tpu.memory_space<vmem>>) target(%dma_start3A_48 : memref<240xf32, #tpu.memory_space<vmem_shared>>) target_semaphore(%run_scoped3A : memref<!tpu.dma_semaphore, #tpu.memory_space<semaphore_mem>>)
      %dma_wait3A_51 = arith.constant 0 : i32
      %dma_wait3A_52 = tpu.memref_slice %arg9[%dma_wait3A_51] : memref<400xf32, #tpu.memory_space<vmem>> -> memref<240xf32, #tpu.memory_space<vmem>>
      %dma_wait3A_53 = tpu.memref_slice %arg10[%add3A_28] : memref<10240xf32, #tpu.memory_space<vmem_shared>> -> memref<240xf32, #tpu.memory_space<vmem_shared>>
      %dma_wait3A_54 = tpu.memref_slice %arg10[%add3A_28] : memref<10240xf32, #tpu.memory_space<vmem_shared>> -> memref<240xf32, #tpu.memory_space<vmem_shared>>
      %dma_wait3A_55 = arith.constant 0 : i32
      %dma_wait3A_56 = tpu.memref_slice %arg9[%dma_wait3A_55] : memref<400xf32, #tpu.memory_space<vmem>> -> memref<240xf32, #tpu.memory_space<vmem>>
      tpu.wait_dma2 semaphore(%run_scoped3A : memref<!tpu.dma_semaphore, #tpu.memory_space<semaphore_mem>>) src(%dma_wait3A_56 : memref<240xf32, #tpu.memory_space<vmem>>) dst(%dma_wait3A_54 : memref<240xf32, #tpu.memory_space<vmem_shared>>)
      tpu.yield
    }) : () -> ()
    %mul3A_29 = arith.constant 160 : i32
    %mul3A_30 = arith.muli %arg1, %mul3A_29 : i32
    %dma_wait3A = arith.constant 0 : i32
    %dma_wait3A_31 = tpu.memref_slice %arg2[%mul3A_30, %dma_wait3A] : memref<2560x125xi32, #tpu.memory_space<hbm>> -> memref<160x125xi32, #tpu.memory_space<hbm>>
    %dma_wait3A_32 = arith.constant 0 : i32
    %dma_wait3A_33 = tpu.memref_slice %arg2[%mul3A_30, %dma_wait3A_32] : memref<2560x125xi32, #tpu.memory_space<hbm>> -> memref<160x125xi32, #tpu.memory_space<hbm>>
    tpu.wait_dma2 semaphore(%arg11 : memref<!tpu.dma_semaphore, #tpu.memory_space<semaphore_mem>>) src(%dma_wait3A_33 : memref<160x125xi32, #tpu.memory_space<hbm>>) dst(%arg6 : memref<160x125xi32, #tpu.memory_space<vmem>>)
    %barrier3A = arith.constant 0 : index
    tpu.barrier barrier_id(%barrier3A)
    %scan3A_34 = arith.constant 0 : i32
    %scan3A_35 = arith.constant 0 : i32
    %scan3A_36 = arith.constant 160 : i32
    %scan3A_37 = arith.addi %scan3A_35, %scan3A_36 : i32
    %scan3A_38 = arith.constant 1 : i32
    %scan3A_39 = scf.for %scan3A_45 = %scan3A_35 to %scan3A_37 step %scan3A_38 iter_args(%scan3A_46 = %scan3A_34) -> (i32)  : i32 {
      "tpu.region"() ({
        %run_scoped3A = tpu.sem_alloc : memref<!tpu.dma_semaphore, #tpu.memory_space<semaphore_mem>>
        %dma_start3A_48 = arith.constant 0 : i32
        %dma_start3A_49 = tpu.memref_slice %arg7[%dma_start3A_48] : memref<128xf32, #tpu.memory_space<vmem>> -> memref<125xf32, #tpu.memory_space<vmem>>
        %dma_start3A_50 = arith.constant 0 : i32
        %dma_start3A_51 = tpu.memref_slice %arg6[%scan3A_45, %dma_start3A_50] : memref<160x125xi32, #tpu.memory_space<vmem>> -> memref<1x125xi32, #tpu.memory_space<vmem>>
        %dma_start3A_52 = tpu.memref_squeeze %dma_start3A_51 : memref<1x125xi32, #tpu.memory_space<vmem>> -> memref<125xi32, #tpu.memory_space<vmem>>
        %dma_start3A_53 = arith.constant 0 : i32
        %dma_start3A_54 = tpu.memref_slice %arg10[%dma_start3A_53] : memref<10240xf32, #tpu.memory_space<vmem_shared>> -> memref<10240xf32, #tpu.memory_space<vmem_shared>>
        tpu.enqueue_indirect_dma source(%dma_start3A_49 : memref<125xf32, #tpu.memory_space<vmem>>) target(%dma_start3A_54 : memref<10240xf32, #tpu.memory_space<vmem_shared>>) offsets(%dma_start3A_52 : memref<125xi32, #tpu.memory_space<vmem>>) semaphore(%run_scoped3A : memref<!tpu.dma_semaphore, #tpu.memory_space<semaphore_mem>>) {add = true}
        %dma_wait3A_55 = arith.constant 0 : i32
        %dma_wait3A_56 = tpu.memref_slice %arg7[%dma_wait3A_55] : memref<128xf32, #tpu.memory_space<vmem>> -> memref<125xf32, #tpu.memory_space<vmem>>
        %dma_wait3A_57 = arith.constant 0 : i32
        %dma_wait3A_58 = tpu.memref_slice %arg6[%scan3A_45, %dma_wait3A_57] : memref<160x125xi32, #tpu.memory_space<vmem>> -> memref<1x125xi32, #tpu.memory_space<vmem>>
        %dma_wait3A_59 = tpu.memref_squeeze %dma_wait3A_58 : memref<1x125xi32, #tpu.memory_space<vmem>> -> memref<125xi32, #tpu.memory_space<vmem>>
        %dma_wait3A_60 = arith.constant 0 : i32
        %dma_wait3A_61 = tpu.memref_slice %arg10[%dma_wait3A_60] : memref<10240xf32, #tpu.memory_space<vmem_shared>> -> memref<10240xf32, #tpu.memory_space<vmem_shared>>
        tpu.wait_indirect_dma semaphore(%run_scoped3A : memref<!tpu.dma_semaphore, #tpu.memory_space<semaphore_mem>>) src(%dma_wait3A_56 : memref<125xf32, #tpu.memory_space<vmem>>) dst(%dma_wait3A_61 : memref<10240xf32, #tpu.memory_space<vmem_shared>>)
        tpu.yield
      }) : () -> ()
      %scan3A_47 = arith.constant 0 : i32
      scf.yield %scan3A_47 : i32
    }
    %scan3A_40 = arith.constant 160 : i32
    %barrier3A_41 = arith.constant 0 : index
    tpu.barrier barrier_id(%barrier3A_41)
    %convert_element_type3A_42 = arith.extui %lt3A_1 : i1 to i32
    %cond3A_43 = arith.constant 0 : i32
    %cond3A_44 = arith.cmpi ne, %convert_element_type3A_42, %cond3A_43 : i32
    scf.if %cond3A_44 {
      %mul3A_45 = arith.constant 400 : i32
      %mul3A_46 = arith.muli %add3A, %mul3A_45 : i32
      "tpu.region"() ({
        %run_scoped3A = tpu.sem_alloc : memref<!tpu.dma_semaphore, #tpu.memory_space<semaphore_mem>>
        %dma_start3A_71 = tpu.memref_slice %arg10[%mul3A_46] : memref<10240xf32, #tpu.memory_space<vmem_shared>> -> memref<400xf32, #tpu.memory_space<vmem_shared>>
        %dma_start3A_72 = tpu.memref_slice %arg10[%mul3A_46] : memref<10240xf32, #tpu.memory_space<vmem_shared>> -> memref<400xf32, #tpu.memory_space<vmem_shared>>
        tpu.enqueue_dma source(%dma_start3A_72 : memref<400xf32, #tpu.memory_space<vmem_shared>>) target(%arg9 : memref<400xf32, #tpu.memory_space<vmem>>) target_semaphore(%run_scoped3A : memref<!tpu.dma_semaphore, #tpu.memory_space<semaphore_mem>>)
        %dma_wait3A_73 = tpu.memref_slice %arg10[%mul3A_46] : memref<10240xf32, #tpu.memory_space<vmem_shared>> -> memref<400xf32, #tpu.memory_space<vmem_shared>>
        %dma_wait3A_74 = tpu.memref_slice %arg10[%mul3A_46] : memref<10240xf32, #tpu.memory_space<vmem_shared>> -> memref<400xf32, #tpu.memory_space<vmem_shared>>
        tpu.wait_dma2 semaphore(%run_scoped3A : memref<!tpu.dma_semaphore, #tpu.memory_space<semaphore_mem>>) src(%dma_wait3A_74 : memref<400xf32, #tpu.memory_space<vmem_shared>>) dst(%arg9 : memref<400xf32, #tpu.memory_space<vmem>>)
        tpu.yield
      }) : () -> ()
      %scan3A_47 = arith.constant 0 : i32
      %scan3A_48 = arith.constant 0 : i32
      %scan3A_49 = arith.constant 25 : i32
      %scan3A_50 = arith.addi %scan3A_48, %scan3A_49 : i32
      %scan3A_51 = arith.constant 1 : i32
      %scan3A_52 = scf.for %scan3A_71 = %scan3A_48 to %scan3A_50 step %scan3A_51 iter_args(%scan3A_72 = %scan3A_47) -> (i32)  : i32 {
        %mul3A_73 = arith.constant 16 : i32
        %mul3A_74 = arith.muli %scan3A_71, %mul3A_73 : i32
        %get3A = arith.index_cast %mul3A_74 : i32 to index
        %get3A_75 = tpu.vector_load %arg9[%get3A] {strides = array<i32>} : memref<400xf32, #tpu.memory_space<vmem>>, vector<16xf32>,
        %get3A_76 = vector.shape_cast %get3A_75 : vector<16xf32> to vector<16xf32>
        %bitcast_convert_type3A = tpu.bitcast %get3A_76 : vector<16xf32> -> vector<16xi32>
        %shift_right_arithmetic3A = arith.constant 1 : i32
        %shift_right_arithmetic3A_77 = vector.broadcast %shift_right_arithmetic3A : i32 to vector<16xi32>
        %shift_right_arithmetic3A_78 = arith.shrsi %bitcast_convert_type3A, %shift_right_arithmetic3A_77 : vector<16xi32>
        %sub3A = arith.constant 1597463007 : i32
        %sub3A_79 = vector.broadcast %sub3A : i32 to vector<16xi32>
        %sub3A_80 = arith.subi %sub3A_79, %shift_right_arithmetic3A_78 : vector<16xi32>
        %bitcast_convert_type3A_81 = tpu.bitcast %sub3A_80 : vector<16xi32> -> vector<16xf32>
        %mul3A_82 = arith.constant 5.000000e-01 : f32
        %mul3A_83 = vector.broadcast %mul3A_82 : f32 to vector<16xf32>
        %mul3A_84 = arith.mulf %mul3A_83, %get3A_76 : vector<16xf32>
        %mul3A_85 = arith.mulf %mul3A_84, %bitcast_convert_type3A_81 : vector<16xf32>
        %mul3A_86 = arith.mulf %mul3A_85, %bitcast_convert_type3A_81 : vector<16xf32>
        %sub3A_87 = arith.constant 1.500000e+00 : f32
        %sub3A_88 = vector.broadcast %sub3A_87 : f32 to vector<16xf32>
        %sub3A_89 = arith.subf %sub3A_88, %mul3A_86 : vector<16xf32>
        %mul3A_90 = arith.mulf %bitcast_convert_type3A_81, %sub3A_89 : vector<16xf32>
        %mul3A_91 = arith.constant 5.000000e-01 : f32
        %mul3A_92 = vector.broadcast %mul3A_91 : f32 to vector<16xf32>
        %mul3A_93 = arith.mulf %mul3A_92, %get3A_76 : vector<16xf32>
        %mul3A_94 = arith.mulf %mul3A_93, %mul3A_90 : vector<16xf32>
        %mul3A_95 = arith.mulf %mul3A_94, %mul3A_90 : vector<16xf32>
        %sub3A_96 = arith.constant 1.500000e+00 : f32
        %sub3A_97 = vector.broadcast %sub3A_96 : f32 to vector<16xf32>
        %sub3A_98 = arith.subf %sub3A_97, %mul3A_95 : vector<16xf32>
        %mul3A_99 = arith.mulf %mul3A_90, %sub3A_98 : vector<16xf32>
        %mul3A_100 = arith.constant 5.000000e-01 : f32
        %mul3A_101 = vector.broadcast %mul3A_100 : f32 to vector<16xf32>
        %mul3A_102 = arith.mulf %mul3A_101, %get3A_76 : vector<16xf32>
        %mul3A_103 = arith.mulf %mul3A_102, %mul3A_99 : vector<16xf32>
        %mul3A_104 = arith.mulf %mul3A_103, %mul3A_99 : vector<16xf32>
        %sub3A_105 = arith.constant 1.500000e+00 : f32
        %sub3A_106 = vector.broadcast %sub3A_105 : f32 to vector<16xf32>
        %sub3A_107 = arith.subf %sub3A_106, %mul3A_104 : vector<16xf32>
        %mul3A_108 = arith.mulf %mul3A_99, %sub3A_107 : vector<16xf32>
        %gt3A = arith.constant 0.000000e+00 : f32
        %gt3A_109 = vector.broadcast %gt3A : f32 to vector<16xf32>
        %gt3A_110 = arith.cmpf ogt, %get3A_76, %gt3A_109 : vector<16xf32>
        %jit3A = arith.constant 0.000000e+00 : f32
        %broadcast_in_dim3A = vector.broadcast %jit3A : f32 to vector<16xf32>
        %select_n3A = arith.select %gt3A_110, %mul3A_108, %broadcast_in_dim3A : vector<16xi1>, vector<16xf32>
        %mul3A_111 = arith.constant 16 : i32
        %mul3A_112 = arith.muli %scan3A_71, %mul3A_111 : i32
        %swap3A = arith.index_cast %mul3A_112 : i32 to index
        %swap3A_113 = tpu.vector_load %arg9[%swap3A] {strides = array<i32>} : memref<400xf32, #tpu.memory_space<vmem>>, vector<16xf32>,
        %swap3A_114 = vector.shape_cast %swap3A_113 : vector<16xf32> to vector<16xf32>
        %swap3A_115 = vector.shape_cast %select_n3A : vector<16xf32> to vector<16xf32>
        tpu.vector_store %arg9[%swap3A], %swap3A_115 {strides = array<i32>} : memref<400xf32, #tpu.memory_space<vmem>>, vector<16xf32>,
        %scan3A_116 = arith.constant 0 : i32
        scf.yield %scan3A_116 : i32
      }
      %scan3A_53 = arith.constant 25 : i32
      %mul3A_54 = arith.constant 400 : i32
      %mul3A_55 = arith.muli %add3A, %mul3A_54 : i32
      "tpu.region"() ({
        %run_scoped3A = tpu.sem_alloc : memref<!tpu.dma_semaphore, #tpu.memory_space<semaphore_mem>>
        %dma_start3A_71 = tpu.memref_slice %arg4[%mul3A_55] : memref<10000xf32, #tpu.memory_space<hbm>> -> memref<400xf32, #tpu.memory_space<hbm>>
        %dma_start3A_72 = tpu.memref_slice %arg4[%mul3A_55] : memref<10000xf32, #tpu.memory_space<hbm>> -> memref<400xf32, #tpu.memory_space<hbm>>
        tpu.enqueue_dma source(%arg9 : memref<400xf32, #tpu.memory_space<vmem>>) target(%dma_start3A_72 : memref<400xf32, #tpu.memory_space<hbm>>) target_semaphore(%run_scoped3A : memref<!tpu.dma_semaphore, #tpu.memory_space<semaphore_mem>>)
        %dma_wait3A_73 = tpu.memref_slice %arg4[%mul3A_55] : memref<10000xf32, #tpu.memory_space<hbm>> -> memref<400xf32, #tpu.memory_space<hbm>>
        %dma_wait3A_74 = tpu.memref_slice %arg4[%mul3A_55] : memref<10000xf32, #tpu.memory_space<hbm>> -> memref<400xf32, #tpu.memory_space<hbm>>
        tpu.wait_dma2 semaphore(%run_scoped3A : memref<!tpu.dma_semaphore, #tpu.memory_space<semaphore_mem>>) src(%arg9 : memref<400xf32, #tpu.memory_space<vmem>>) dst(%dma_wait3A_74 : memref<400xf32, #tpu.memory_space<hbm>>)
        tpu.yield
      }) : () -> ()
      %mul3A_56 = arith.constant 400 : i32
      %mul3A_57 = arith.muli %add3A, %mul3A_56 : i32
      %dma_wait3A_58 = arith.constant 0 : i32
      %dma_wait3A_59 = tpu.memref_slice %arg3[%mul3A_57, %dma_wait3A_58] : memref<10000x128xf32, #tpu.memory_space<hbm>> -> memref<400x128xf32, #tpu.memory_space<hbm>>
      %dma_wait3A_60 = arith.constant 0 : i32
      %dma_wait3A_61 = tpu.memref_slice %arg3[%mul3A_57, %dma_wait3A_60] : memref<10000x128xf32, #tpu.memory_space<hbm>> -> memref<400x128xf32, #tpu.memory_space<hbm>>
      tpu.wait_dma2 semaphore(%arg12 : memref<!tpu.dma_semaphore, #tpu.memory_space<semaphore_mem>>) src(%dma_wait3A_61 : memref<400x128xf32, #tpu.memory_space<hbm>>) dst(%arg8 : memref<400x128xf32, #tpu.memory_space<vmem>>)
      %scan3A_62 = arith.constant 0 : i32
      %scan3A_63 = arith.constant 0 : i32
      %scan3A_64 = arith.constant 25 : i32
      %scan3A_65 = arith.addi %scan3A_63, %scan3A_64 : i32
      %scan3A_66 = arith.constant 1 : i32
      %scan3A_67 = scf.for %scan3A_71 = %scan3A_63 to %scan3A_65 step %scan3A_66 iter_args(%scan3A_72 = %scan3A_62) -> (i32)  : i32 {
        %mul3A_73 = arith.constant 16 : i32
        %mul3A_74 = arith.muli %scan3A_71, %mul3A_73 : i32
        %get3A = arith.index_cast %mul3A_74 : i32 to index
        %get3A_75 = tpu.vector_load %arg9[%get3A] {strides = array<i32>} : memref<400xf32, #tpu.memory_space<vmem>>, vector<16xf32>,
        %get3A_76 = vector.shape_cast %get3A_75 : vector<16xf32> to vector<16xf32>
        %broadcast_in_dim3A = arith.constant 0 : i32
        %broadcast_in_dim3A_77 = vector.broadcast %broadcast_in_dim3A : i32 to vector<16x1xi32>
        %gather3A = vector.shape_cast %broadcast_in_dim3A_77 : vector<16x1xi32> to vector<16xi32>
        %gather3A_78 = tpu.dynamic_gather %get3A_76[%gather3A] in [0] : vector<16xf32>, vector<16xi32> -> vector<16xf32>
        %mul3A_79 = arith.constant 16 : i32
        %mul3A_80 = arith.muli %scan3A_71, %mul3A_79 : i32
        %add3A_81 = arith.constant 0 : i32
        %add3A_82 = arith.addi %mul3A_80, %add3A_81 : i32
        %get3A_83 = arith.index_cast %add3A_82 : i32 to index
        %get3A_84 = arith.constant 0 : index
        %get3A_85 = tpu.vector_load %arg8[%get3A_83, %get3A_84] {strides = array<i32>} : memref<400x128xf32, #tpu.memory_space<vmem>>, vector<1x16xf32>,
        %get3A_86 = vector.shape_cast %get3A_85 : vector<1x16xf32> to vector<16xf32>
        %mul3A_87 = arith.mulf %get3A_86, %gather3A_78 : vector<16xf32>
        %swap3A = arith.index_cast %add3A_82 : i32 to index
        %swap3A_88 = arith.constant 0 : index
        %swap3A_89 = tpu.vector_load %arg8[%swap3A, %swap3A_88] {strides = array<i32>} : memref<400x128xf32, #tpu.memory_space<vmem>>, vector<1x16xf32>,
        %swap3A_90 = vector.shape_cast %swap3A_89 : vector<1x16xf32> to vector<16xf32>
        %swap3A_91 = vector.shape_cast %mul3A_87 : vector<16xf32> to vector<1x16xf32>
        tpu.vector_store %arg8[%swap3A, %swap3A_88], %swap3A_91 {strides = array<i32>} : memref<400x128xf32, #tpu.memory_space<vmem>>, vector<1x16xf32>,
        %get3A_92 = arith.index_cast %add3A_82 : i32 to index
        %get3A_93 = arith.constant 16 : index
        %get3A_94 = tpu.vector_load %arg8[%get3A_92, %get3A_93] {strides = array<i32>} : memref<400x128xf32, #tpu.memory_space<vmem>>, vector<1x16xf32>,
        %get3A_95 = vector.shape_cast %get3A_94 : vector<1x16xf32> to vector<16xf32>
        %mul3A_96 = arith.mulf %get3A_95, %gather3A_78 : vector<16xf32>
        %swap3A_97 = arith.index_cast %add3A_82 : i32 to index
        %swap3A_98 = arith.constant 16 : index
        %swap3A_99 = tpu.vector_load %arg8[%swap3A_97, %swap3A_98] {strides = array<i32>} : memref<400x128xf32, #tpu.memory_space<vmem>>, vector<1x16xf32>,
        %swap3A_100 = vector.shape_cast %swap3A_99 : vector<1x16xf32> to vector<16xf32>
        %swap3A_101 = vector.shape_cast %mul3A_96 : vector<16xf32> to vector<1x16xf32>
        tpu.vector_store %arg8[%swap3A_97, %swap3A_98], %swap3A_101 {strides = array<i32>} : memref<400x128xf32, #tpu.memory_space<vmem>>, vector<1x16xf32>,
        %get3A_102 = arith.index_cast %add3A_82 : i32 to index
        %get3A_103 = arith.constant 32 : index
        %get3A_104 = tpu.vector_load %arg8[%get3A_102, %get3A_103] {strides = array<i32>} : memref<400x128xf32, #tpu.memory_space<vmem>>, vector<1x16xf32>,
        %get3A_105 = vector.shape_cast %get3A_104 : vector<1x16xf32> to vector<16xf32>
        %mul3A_106 = arith.mulf %get3A_105, %gather3A_78 : vector<16xf32>
        %swap3A_107 = arith.index_cast %add3A_82 : i32 to index
        %swap3A_108 = arith.constant 32 : index
        %swap3A_109 = tpu.vector_load %arg8[%swap3A_107, %swap3A_108] {strides = array<i32>} : memref<400x128xf32, #tpu.memory_space<vmem>>, vector<1x16xf32>,
        %swap3A_110 = vector.shape_cast %swap3A_109 : vector<1x16xf32> to vector<16xf32>
        %swap3A_111 = vector.shape_cast %mul3A_106 : vector<16xf32> to vector<1x16xf32>
        tpu.vector_store %arg8[%swap3A_107, %swap3A_108], %swap3A_111 {strides = array<i32>} : memref<400x128xf32, #tpu.memory_space<vmem>>, vector<1x16xf32>,
        %get3A_112 = arith.index_cast %add3A_82 : i32 to index
        %get3A_113 = arith.constant 48 : index
        %get3A_114 = tpu.vector_load %arg8[%get3A_112, %get3A_113] {strides = array<i32>} : memref<400x128xf32, #tpu.memory_space<vmem>>, vector<1x16xf32>,
        %get3A_115 = vector.shape_cast %get3A_114 : vector<1x16xf32> to vector<16xf32>
        %mul3A_116 = arith.mulf %get3A_115, %gather3A_78 : vector<16xf32>
        %swap3A_117 = arith.index_cast %add3A_82 : i32 to index
        %swap3A_118 = arith.constant 48 : index
        %swap3A_119 = tpu.vector_load %arg8[%swap3A_117, %swap3A_118] {strides = array<i32>} : memref<400x128xf32, #tpu.memory_space<vmem>>, vector<1x16xf32>,
        %swap3A_120 = vector.shape_cast %swap3A_119 : vector<1x16xf32> to vector<16xf32>
        %swap3A_121 = vector.shape_cast %mul3A_116 : vector<16xf32> to vector<1x16xf32>
        tpu.vector_store %arg8[%swap3A_117, %swap3A_118], %swap3A_121 {strides = array<i32>} : memref<400x128xf32, #tpu.memory_space<vmem>>, vector<1x16xf32>,
        %get3A_122 = arith.index_cast %add3A_82 : i32 to index
        %get3A_123 = arith.constant 64 : index
        %get3A_124 = tpu.vector_load %arg8[%get3A_122, %get3A_123] {strides = array<i32>} : memref<400x128xf32, #tpu.memory_space<vmem>>, vector<1x16xf32>,
        %get3A_125 = vector.shape_cast %get3A_124 : vector<1x16xf32> to vector<16xf32>
        %mul3A_126 = arith.mulf %get3A_125, %gather3A_78 : vector<16xf32>
        %swap3A_127 = arith.index_cast %add3A_82 : i32 to index
        %swap3A_128 = arith.constant 64 : index
        %swap3A_129 = tpu.vector_load %arg8[%swap3A_127, %swap3A_128] {strides = array<i32>} : memref<400x128xf32, #tpu.memory_space<vmem>>, vector<1x16xf32>,
        %swap3A_130 = vector.shape_cast %swap3A_129 : vector<1x16xf32> to vector<16xf32>
        %swap3A_131 = vector.shape_cast %mul3A_126 : vector<16xf32> to vector<1x16xf32>
        tpu.vector_store %arg8[%swap3A_127, %swap3A_128], %swap3A_131 {strides = array<i32>} : memref<400x128xf32, #tpu.memory_space<vmem>>, vector<1x16xf32>,
        %get3A_132 = arith.index_cast %add3A_82 : i32 to index
        %get3A_133 = arith.constant 80 : index
        %get3A_134 = tpu.vector_load %arg8[%get3A_132, %get3A_133] {strides = array<i32>} : memref<400x128xf32, #tpu.memory_space<vmem>>, vector<1x16xf32>,
        %get3A_135 = vector.shape_cast %get3A_134 : vector<1x16xf32> to vector<16xf32>
        %mul3A_136 = arith.mulf %get3A_135, %gather3A_78 : vector<16xf32>
        %swap3A_137 = arith.index_cast %add3A_82 : i32 to index
        %swap3A_138 = arith.constant 80 : index
        %swap3A_139 = tpu.vector_load %arg8[%swap3A_137, %swap3A_138] {strides = array<i32>} : memref<400x128xf32, #tpu.memory_space<vmem>>, vector<1x16xf32>,
        %swap3A_140 = vector.shape_cast %swap3A_139 : vector<1x16xf32> to vector<16xf32>
        %swap3A_141 = vector.shape_cast %mul3A_136 : vector<16xf32> to vector<1x16xf32>
        tpu.vector_store %arg8[%swap3A_137, %swap3A_138], %swap3A_141 {strides = array<i32>} : memref<400x128xf32, #tpu.memory_space<vmem>>, vector<1x16xf32>,
        %get3A_142 = arith.index_cast %add3A_82 : i32 to index
        %get3A_143 = arith.constant 96 : index
        %get3A_144 = tpu.vector_load %arg8[%get3A_142, %get3A_143] {strides = array<i32>} : memref<400x128xf32, #tpu.memory_space<vmem>>, vector<1x16xf32>,
        %get3A_145 = vector.shape_cast %get3A_144 : vector<1x16xf32> to vector<16xf32>
        %mul3A_146 = arith.mulf %get3A_145, %gather3A_78 : vector<16xf32>
        %swap3A_147 = arith.index_cast %add3A_82 : i32 to index
        %swap3A_148 = arith.constant 96 : index
        %swap3A_149 = tpu.vector_load %arg8[%swap3A_147, %swap3A_148] {strides = array<i32>} : memref<400x128xf32, #tpu.memory_space<vmem>>, vector<1x16xf32>,
        %swap3A_150 = vector.shape_cast %swap3A_149 : vector<1x16xf32> to vector<16xf32>
        %swap3A_151 = vector.shape_cast %mul3A_146 : vector<16xf32> to vector<1x16xf32>
        tpu.vector_store %arg8[%swap3A_147, %swap3A_148], %swap3A_151 {strides = array<i32>} : memref<400x128xf32, #tpu.memory_space<vmem>>, vector<1x16xf32>,
        %get3A_152 = arith.index_cast %add3A_82 : i32 to index
        %get3A_153 = arith.constant 112 : index
        %get3A_154 = tpu.vector_load %arg8[%get3A_152, %get3A_153] {strides = array<i32>} : memref<400x128xf32, #tpu.memory_space<vmem>>, vector<1x16xf32>,
        %get3A_155 = vector.shape_cast %get3A_154 : vector<1x16xf32> to vector<16xf32>
        %mul3A_156 = arith.mulf %get3A_155, %gather3A_78 : vector<16xf32>
        %swap3A_157 = arith.index_cast %add3A_82 : i32 to index
        %swap3A_158 = arith.constant 112 : index
        %swap3A_159 = tpu.vector_load %arg8[%swap3A_157, %swap3A_158] {strides = array<i32>} : memref<400x128xf32, #tpu.memory_space<vmem>>, vector<1x16xf32>,
        %swap3A_160 = vector.shape_cast %swap3A_159 : vector<1x16xf32> to vector<16xf32>
        %swap3A_161 = vector.shape_cast %mul3A_156 : vector<16xf32> to vector<1x16xf32>
        tpu.vector_store %arg8[%swap3A_157, %swap3A_158], %swap3A_161 {strides = array<i32>} : memref<400x128xf32, #tpu.memory_space<vmem>>, vector<1x16xf32>,
        %broadcast_in_dim3A_162 = arith.constant 1 : i32
        %broadcast_in_dim3A_163 = vector.broadcast %broadcast_in_dim3A_162 : i32 to vector<16x1xi32>
        %gather3A_164 = vector.shape_cast %broadcast_in_dim3A_163 : vector<16x1xi32> to vector<16xi32>
        %gather3A_165 = tpu.dynamic_gather %get3A_76[%gather3A_164] in [0] : vector<16xf32>, vector<16xi32> -> vector<16xf32>
        %mul3A_166 = arith.constant 16 : i32
        %mul3A_167 = arith.muli %scan3A_71, %mul3A_166 : i32
        %add3A_168 = arith.constant 1 : i32
        %add3A_169 = arith.addi %mul3A_167, %add3A_168 : i32
        %get3A_170 = arith.index_cast %add3A_169 : i32 to index
        %get3A_171 = arith.constant 0 : index
        %get3A_172 = tpu.vector_load %arg8[%get3A_170, %get3A_171] {strides = array<i32>} : memref<400x128xf32, #tpu.memory_space<vmem>>, vector<1x16xf32>,
        %get3A_173 = vector.shape_cast %get3A_172 : vector<1x16xf32> to vector<16xf32>
        %mul3A_174 = arith.mulf %get3A_173, %gather3A_165 : vector<16xf32>
        %swap3A_175 = arith.index_cast %add3A_169 : i32 to index
        %swap3A_176 = arith.constant 0 : index
        %swap3A_177 = tpu.vector_load %arg8[%swap3A_175, %swap3A_176] {strides = array<i32>} : memref<400x128xf32, #tpu.memory_space<vmem>>, vector<1x16xf32>,
        %swap3A_178 = vector.shape_cast %swap3A_177 : vector<1x16xf32> to vector<16xf32>
        %swap3A_179 = vector.shape_cast %mul3A_174 : vector<16xf32> to vector<1x16xf32>
        tpu.vector_store %arg8[%swap3A_175, %swap3A_176], %swap3A_179 {strides = array<i32>} : memref<400x128xf32, #tpu.memory_space<vmem>>, vector<1x16xf32>,
        %get3A_180 = arith.index_cast %add3A_169 : i32 to index
        %get3A_181 = arith.constant 16 : index
        %get3A_182 = tpu.vector_load %arg8[%get3A_180, %get3A_181] {strides = array<i32>} : memref<400x128xf32, #tpu.memory_space<vmem>>, vector<1x16xf32>,
        %get3A_183 = vector.shape_cast %get3A_182 : vector<1x16xf32> to vector<16xf32>
        %mul3A_184 = arith.mulf %get3A_183, %gather3A_165 : vector<16xf32>
        %swap3A_185 = arith.index_cast %add3A_169 : i32 to index
        %swap3A_186 = arith.constant 16 : index
        %swap3A_187 = tpu.vector_load %arg8[%swap3A_185, %swap3A_186] {strides = array<i32>} : memref<400x128xf32, #tpu.memory_space<vmem>>, vector<1x16xf32>,
        %swap3A_188 = vector.shape_cast %swap3A_187 : vector<1x16xf32> to vector<16xf32>
        %swap3A_189 = vector.shape_cast %mul3A_184 : vector<16xf32> to vector<1x16xf32>
        tpu.vector_store %arg8[%swap3A_185, %swap3A_186], %swap3A_189 {strides = array<i32>} : memref<400x128xf32, #tpu.memory_space<vmem>>, vector<1x16xf32>,
        %get3A_190 = arith.index_cast %add3A_169 : i32 to index
        %get3A_191 = arith.constant 32 : index
        %get3A_192 = tpu.vector_load %arg8[%get3A_190, %get3A_191] {strides = array<i32>} : memref<400x128xf32, #tpu.memory_space<vmem>>, vector<1x16xf32>,
        %get3A_193 = vector.shape_cast %get3A_192 : vector<1x16xf32> to vector<16xf32>
        %mul3A_194 = arith.mulf %get3A_193, %gather3A_165 : vector<16xf32>
        %swap3A_195 = arith.index_cast %add3A_169 : i32 to index
        %swap3A_196 = arith.constant 32 : index
        %swap3A_197 = tpu.vector_load %arg8[%swap3A_195, %swap3A_196] {strides = array<i32>} : memref<400x128xf32, #tpu.memory_space<vmem>>, vector<1x16xf32>,
        %swap3A_198 = vector.shape_cast %swap3A_197 : vector<1x16xf32> to vector<16xf32>
        %swap3A_199 = vector.shape_cast %mul3A_194 : vector<16xf32> to vector<1x16xf32>
        tpu.vector_store %arg8[%swap3A_195, %swap3A_196], %swap3A_199 {strides = array<i32>} : memref<400x128xf32, #tpu.memory_space<vmem>>, vector<1x16xf32>,
        %get3A_200 = arith.index_cast %add3A_169 : i32 to index
        %get3A_201 = arith.constant 48 : index
        %get3A_202 = tpu.vector_load %arg8[%get3A_200, %get3A_201] {strides = array<i32>} : memref<400x128xf32, #tpu.memory_space<vmem>>, vector<1x16xf32>,
        %get3A_203 = vector.shape_cast %get3A_202 : vector<1x16xf32> to vector<16xf32>
        %mul3A_204 = arith.mulf %get3A_203, %gather3A_165 : vector<16xf32>
        %swap3A_205 = arith.index_cast %add3A_169 : i32 to index
        %swap3A_206 = arith.constant 48 : index
        %swap3A_207 = tpu.vector_load %arg8[%swap3A_205, %swap3A_206] {strides = array<i32>} : memref<400x128xf32, #tpu.memory_space<vmem>>, vector<1x16xf32>,
        %swap3A_208 = vector.shape_cast %swap3A_207 : vector<1x16xf32> to vector<16xf32>
        %swap3A_209 = vector.shape_cast %mul3A_204 : vector<16xf32> to vector<1x16xf32>
        tpu.vector_store %arg8[%swap3A_205, %swap3A_206], %swap3A_209 {strides = array<i32>} : memref<400x128xf32, #tpu.memory_space<vmem>>, vector<1x16xf32>,
        %get3A_210 = arith.index_cast %add3A_169 : i32 to index
        %get3A_211 = arith.constant 64 : index
        %get3A_212 = tpu.vector_load %arg8[%get3A_210, %get3A_211] {strides = array<i32>} : memref<400x128xf32, #tpu.memory_space<vmem>>, vector<1x16xf32>,
        %get3A_213 = vector.shape_cast %get3A_212 : vector<1x16xf32> to vector<16xf32>
        %mul3A_214 = arith.mulf %get3A_213, %gather3A_165 : vector<16xf32>
        %swap3A_215 = arith.index_cast %add3A_169 : i32 to index
        %swap3A_216 = arith.constant 64 : index
        %swap3A_217 = tpu.vector_load %arg8[%swap3A_215, %swap3A_216] {strides = array<i32>} : memref<400x128xf32, #tpu.memory_space<vmem>>, vector<1x16xf32>,
        %swap3A_218 = vector.shape_cast %swap3A_217 : vector<1x16xf32> to vector<16xf32>
        %swap3A_219 = vector.shape_cast %mul3A_214 : vector<16xf32> to vector<1x16xf32>
        tpu.vector_store %arg8[%swap3A_215, %swap3A_216], %swap3A_219 {strides = array<i32>} : memref<400x128xf32, #tpu.memory_space<vmem>>, vector<1x16xf32>,
        %get3A_220 = arith.index_cast %add3A_169 : i32 to index
        %get3A_221 = arith.constant 80 : index
        %get3A_222 = tpu.vector_load %arg8[%get3A_220, %get3A_221] {strides = array<i32>} : memref<400x128xf32, #tpu.memory_space<vmem>>, vector<1x16xf32>,
        %get3A_223 = vector.shape_cast %get3A_222 : vector<1x16xf32> to vector<16xf32>
        %mul3A_224 = arith.mulf %get3A_223, %gather3A_165 : vector<16xf32>
        %swap3A_225 = arith.index_cast %add3A_169 : i32 to index
        %swap3A_226 = arith.constant 80 : index
        %swap3A_227 = tpu.vector_load %arg8[%swap3A_225, %swap3A_226] {strides = array<i32>} : memref<400x128xf32, #tpu.memory_space<vmem>>, vector<1x16xf32>,
        %swap3A_228 = vector.shape_cast %swap3A_227 : vector<1x16xf32> to vector<16xf32>
        %swap3A_229 = vector.shape_cast %mul3A_224 : vector<16xf32> to vector<1x16xf32>
        tpu.vector_store %arg8[%swap3A_225, %swap3A_226], %swap3A_229 {strides = array<i32>} : memref<400x128xf32, #tpu.memory_space<vmem>>, vector<1x16xf32>,
        %get3A_230 = arith.index_cast %add3A_169 : i32 to index
        %get3A_231 = arith.constant 96 : index
        %get3A_232 = tpu.vector_load %arg8[%get3A_230, %get3A_231] {strides = array<i32>} : memref<400x128xf32, #tpu.memory_space<vmem>>, vector<1x16xf32>,
        %get3A_233 = vector.shape_cast %get3A_232 : vector<1x16xf32> to vector<16xf32>
        %mul3A_234 = arith.mulf %get3A_233, %gather3A_165 : vector<16xf32>
        %swap3A_235 = arith.index_cast %add3A_169 : i32 to index
        %swap3A_236 = arith.constant 96 : index
        %swap3A_237 = tpu.vector_load %arg8[%swap3A_235, %swap3A_236] {strides = array<i32>} : memref<400x128xf32, #tpu.memory_space<vmem>>, vector<1x16xf32>,
        %swap3A_238 = vector.shape_cast %swap3A_237 : vector<1x16xf32> to vector<16xf32>
        %swap3A_239 = vector.shape_cast %mul3A_234 : vector<16xf32> to vector<1x16xf32>
        tpu.vector_store %arg8[%swap3A_235, %swap3A_236], %swap3A_239 {strides = array<i32>} : memref<400x128xf32, #tpu.memory_space<vmem>>, vector<1x16xf32>,
        %get3A_240 = arith.index_cast %add3A_169 : i32 to index
        %get3A_241 = arith.constant 112 : index
        %get3A_242 = tpu.vector_load %arg8[%get3A_240, %get3A_241] {strides = array<i32>} : memref<400x128xf32, #tpu.memory_space<vmem>>, vector<1x16xf32>,
        %get3A_243 = vector.shape_cast %get3A_242 : vector<1x16xf32> to vector<16xf32>
        %mul3A_244 = arith.mulf %get3A_243, %gather3A_165 : vector<16xf32>
        %swap3A_245 = arith.index_cast %add3A_169 : i32 to index
        %swap3A_246 = arith.constant 112 : index
        %swap3A_247 = tpu.vector_load %arg8[%swap3A_245, %swap3A_246] {strides = array<i32>} : memref<400x128xf32, #tpu.memory_space<vmem>>, vector<1x16xf32>,
        %swap3A_248 = vector.shape_cast %swap3A_247 : vector<1x16xf32> to vector<16xf32>
        %swap3A_249 = vector.shape_cast %mul3A_244 : vector<16xf32> to vector<1x16xf32>
        tpu.vector_store %arg8[%swap3A_245, %swap3A_246], %swap3A_249 {strides = array<i32>} : memref<400x128xf32, #tpu.memory_space<vmem>>, vector<1x16xf32>,
        %broadcast_in_dim3A_250 = arith.constant 2 : i32
        %broadcast_in_dim3A_251 = vector.broadcast %broadcast_in_dim3A_250 : i32 to vector<16x1xi32>
        %gather3A_252 = vector.shape_cast %broadcast_in_dim3A_251 : vector<16x1xi32> to vector<16xi32>
        %gather3A_253 = tpu.dynamic_gather %get3A_76[%gather3A_252] in [0] : vector<16xf32>, vector<16xi32> -> vector<16xf32>
        %mul3A_254 = arith.constant 16 : i32
        %mul3A_255 = arith.muli %scan3A_71, %mul3A_254 : i32
        %add3A_256 = arith.constant 2 : i32
        %add3A_257 = arith.addi %mul3A_255, %add3A_256 : i32
        %get3A_258 = arith.index_cast %add3A_257 : i32 to index
        %get3A_259 = arith.constant 0 : index
        %get3A_260 = tpu.vector_load %arg8[%get3A_258, %get3A_259] {strides = array<i32>} : memref<400x128xf32, #tpu.memory_space<vmem>>, vector<1x16xf32>,
        %get3A_261 = vector.shape_cast %get3A_260 : vector<1x16xf32> to vector<16xf32>
        %mul3A_262 = arith.mulf %get3A_261, %gather3A_253 : vector<16xf32>
        %swap3A_263 = arith.index_cast %add3A_257 : i32 to index
        %swap3A_264 = arith.constant 0 : index
        %swap3A_265 = tpu.vector_load %arg8[%swap3A_263, %swap3A_264] {strides = array<i32>} : memref<400x128xf32, #tpu.memory_space<vmem>>, vector<1x16xf32>,
        %swap3A_266 = vector.shape_cast %swap3A_265 : vector<1x16xf32> to vector<16xf32>
        %swap3A_267 = vector.shape_cast %mul3A_262 : vector<16xf32> to vector<1x16xf32>
        tpu.vector_store %arg8[%swap3A_263, %swap3A_264], %swap3A_267 {strides = array<i32>} : memref<400x128xf32, #tpu.memory_space<vmem>>, vector<1x16xf32>,
        %get3A_268 = arith.index_cast %add3A_257 : i32 to index
        %get3A_269 = arith.constant 16 : index
        %get3A_270 = tpu.vector_load %arg8[%get3A_268, %get3A_269] {strides = array<i32>} : memref<400x128xf32, #tpu.memory_space<vmem>>, vector<1x16xf32>,
        %get3A_271 = vector.shape_cast %get3A_270 : vector<1x16xf32> to vector<16xf32>
        %mul3A_272 = arith.mulf %get3A_271, %gather3A_253 : vector<16xf32>
        %swap3A_273 = arith.index_cast %add3A_257 : i32 to index
        %swap3A_274 = arith.constant 16 : index
        %swap3A_275 = tpu.vector_load %arg8[%swap3A_273, %swap3A_274] {strides = array<i32>} : memref<400x128xf32, #tpu.memory_space<vmem>>, vector<1x16xf32>,
        %swap3A_276 = vector.shape_cast %swap3A_275 : vector<1x16xf32> to vector<16xf32>
        %swap3A_277 = vector.shape_cast %mul3A_272 : vector<16xf32> to vector<1x16xf32>
        tpu.vector_store %arg8[%swap3A_273, %swap3A_274], %swap3A_277 {strides = array<i32>} : memref<400x128xf32, #tpu.memory_space<vmem>>, vector<1x16xf32>,
        %get3A_278 = arith.index_cast %add3A_257 : i32 to index
        %get3A_279 = arith.constant 32 : index
        %get3A_280 = tpu.vector_load %arg8[%get3A_278, %get3A_279] {strides = array<i32>} : memref<400x128xf32, #tpu.memory_space<vmem>>, vector<1x16xf32>,
        %get3A_281 = vector.shape_cast %get3A_280 : vector<1x16xf32> to vector<16xf32>
        %mul3A_282 = arith.mulf %get3A_281, %gather3A_253 : vector<16xf32>
        %swap3A_283 = arith.index_cast %add3A_257 : i32 to index
        %swap3A_284 = arith.constant 32 : index
        %swap3A_285 = tpu.vector_load %arg8[%swap3A_283, %swap3A_284] {strides = array<i32>} : memref<400x128xf32, #tpu.memory_space<vmem>>, vector<1x16xf32>,
        %swap3A_286 = vector.shape_cast %swap3A_285 : vector<1x16xf32> to vector<16xf32>
        %swap3A_287 = vector.shape_cast %mul3A_282 : vector<16xf32> to vector<1x16xf32>
        tpu.vector_store %arg8[%swap3A_283, %swap3A_284], %swap3A_287 {strides = array<i32>} : memref<400x128xf32, #tpu.memory_space<vmem>>, vector<1x16xf32>,
        %get3A_288 = arith.index_cast %add3A_257 : i32 to index
        %get3A_289 = arith.constant 48 : index
        %get3A_290 = tpu.vector_load %arg8[%get3A_288, %get3A_289] {strides = array<i32>} : memref<400x128xf32, #tpu.memory_space<vmem>>, vector<1x16xf32>,
        %get3A_291 = vector.shape_cast %get3A_290 : vector<1x16xf32> to vector<16xf32>
        %mul3A_292 = arith.mulf %get3A_291, %gather3A_253 : vector<16xf32>
        %swap3A_293 = arith.index_cast %add3A_257 : i32 to index
        %swap3A_294 = arith.constant 48 : index
        %swap3A_295 = tpu.vector_load %arg8[%swap3A_293, %swap3A_294] {strides = array<i32>} : memref<400x128xf32, #tpu.memory_space<vmem>>, vector<1x16xf32>,
        %swap3A_296 = vector.shape_cast %swap3A_295 : vector<1x16xf32> to vector<16xf32>
        %swap3A_297 = vector.shape_cast %mul3A_292 : vector<16xf32> to vector<1x16xf32>
        tpu.vector_store %arg8[%swap3A_293, %swap3A_294], %swap3A_297 {strides = array<i32>} : memref<400x128xf32, #tpu.memory_space<vmem>>, vector<1x16xf32>,
        %get3A_298 = arith.index_cast %add3A_257 : i32 to index
        %get3A_299 = arith.constant 64 : index
        %get3A_300 = tpu.vector_load %arg8[%get3A_298, %get3A_299] {strides = array<i32>} : memref<400x128xf32, #tpu.memory_space<vmem>>, vector<1x16xf32>,
        %get3A_301 = vector.shape_cast %get3A_300 : vector<1x16xf32> to vector<16xf32>
        %mul3A_302 = arith.mulf %get3A_301, %gather3A_253 : vector<16xf32>
        %swap3A_303 = arith.index_cast %add3A_257 : i32 to index
        %swap3A_304 = arith.constant 64 : index
        %swap3A_305 = tpu.vector_load %arg8[%swap3A_303, %swap3A_304] {strides = array<i32>} : memref<400x128xf32, #tpu.memory_space<vmem>>, vector<1x16xf32>,
        %swap3A_306 = vector.shape_cast %swap3A_305 : vector<1x16xf32> to vector<16xf32>
        %swap3A_307 = vector.shape_cast %mul3A_302 : vector<16xf32> to vector<1x16xf32>
        tpu.vector_store %arg8[%swap3A_303, %swap3A_304], %swap3A_307 {strides = array<i32>} : memref<400x128xf32, #tpu.memory_space<vmem>>, vector<1x16xf32>,
        %get3A_308 = arith.index_cast %add3A_257 : i32 to index
        %get3A_309 = arith.constant 80 : index
        %get3A_310 = tpu.vector_load %arg8[%get3A_308, %get3A_309] {strides = array<i32>} : memref<400x128xf32, #tpu.memory_space<vmem>>, vector<1x16xf32>,
        %get3A_311 = vector.shape_cast %get3A_310 : vector<1x16xf32> to vector<16xf32>
        %mul3A_312 = arith.mulf %get3A_311, %gather3A_253 : vector<16xf32>
        %swap3A_313 = arith.index_cast %add3A_257 : i32 to index
        %swap3A_314 = arith.constant 80 : index
        %swap3A_315 = tpu.vector_load %arg8[%swap3A_313, %swap3A_314] {strides = array<i32>} : memref<400x128xf32, #tpu.memory_space<vmem>>, vector<1x16xf32>,
        %swap3A_316 = vector.shape_cast %swap3A_315 : vector<1x16xf32> to vector<16xf32>
        %swap3A_317 = vector.shape_cast %mul3A_312 : vector<16xf32> to vector<1x16xf32>
        tpu.vector_store %arg8[%swap3A_313, %swap3A_314], %swap3A_317 {strides = array<i32>} : memref<400x128xf32, #tpu.memory_space<vmem>>, vector<1x16xf32>,
        %get3A_318 = arith.index_cast %add3A_257 : i32 to index
        %get3A_319 = arith.constant 96 : index
        %get3A_320 = tpu.vector_load %arg8[%get3A_318, %get3A_319] {strides = array<i32>} : memref<400x128xf32, #tpu.memory_space<vmem>>, vector<1x16xf32>,
        %get3A_321 = vector.shape_cast %get3A_320 : vector<1x16xf32> to vector<16xf32>
        %mul3A_322 = arith.mulf %get3A_321, %gather3A_253 : vector<16xf32>
        %swap3A_323 = arith.index_cast %add3A_257 : i32 to index
        %swap3A_324 = arith.constant 96 : index
        %swap3A_325 = tpu.vector_load %arg8[%swap3A_323, %swap3A_324] {strides = array<i32>} : memref<400x128xf32, #tpu.memory_space<vmem>>, vector<1x16xf32>,
        %swap3A_326 = vector.shape_cast %swap3A_325 : vector<1x16xf32> to vector<16xf32>
        %swap3A_327 = vector.shape_cast %mul3A_322 : vector<16xf32> to vector<1x16xf32>
        tpu.vector_store %arg8[%swap3A_323, %swap3A_324], %swap3A_327 {strides = array<i32>} : memref<400x128xf32, #tpu.memory_space<vmem>>, vector<1x16xf32>,
        %get3A_328 = arith.index_cast %add3A_257 : i32 to index
        %get3A_329 = arith.constant 112 : index
        %get3A_330 = tpu.vector_load %arg8[%get3A_328, %get3A_329] {strides = array<i32>} : memref<400x128xf32, #tpu.memory_space<vmem>>, vector<1x16xf32>,
        %get3A_331 = vector.shape_cast %get3A_330 : vector<1x16xf32> to vector<16xf32>
        %mul3A_332 = arith.mulf %get3A_331, %gather3A_253 : vector<16xf32>
        %swap3A_333 = arith.index_cast %add3A_257 : i32 to index
        %swap3A_334 = arith.constant 112 : index
        %swap3A_335 = tpu.vector_load %arg8[%swap3A_333, %swap3A_334] {strides = array<i32>} : memref<400x128xf32, #tpu.memory_space<vmem>>, vector<1x16xf32>,
        %swap3A_336 = vector.shape_cast %swap3A_335 : vector<1x16xf32> to vector<16xf32>
        %swap3A_337 = vector.shape_cast %mul3A_332 : vector<16xf32> to vector<1x16xf32>
        tpu.vector_store %arg8[%swap3A_333, %swap3A_334], %swap3A_337 {strides = array<i32>} : memref<400x128xf32, #tpu.memory_space<vmem>>, vector<1x16xf32>,
        %broadcast_in_dim3A_338 = arith.constant 3 : i32
        %broadcast_in_dim3A_339 = vector.broadcast %broadcast_in_dim3A_338 : i32 to vector<16x1xi32>
        %gather3A_340 = vector.shape_cast %broadcast_in_dim3A_339 : vector<16x1xi32> to vector<16xi32>
        %gather3A_341 = tpu.dynamic_gather %get3A_76[%gather3A_340] in [0] : vector<16xf32>, vector<16xi32> -> vector<16xf32>
        %mul3A_342 = arith.constant 16 : i32
        %mul3A_343 = arith.muli %scan3A_71, %mul3A_342 : i32
        %add3A_344 = arith.constant 3 : i32
        %add3A_345 = arith.addi %mul3A_343, %add3A_344 : i32
        %get3A_346 = arith.index_cast %add3A_345 : i32 to index
        %get3A_347 = arith.constant 0 : index
        %get3A_348 = tpu.vector_load %arg8[%get3A_346, %get3A_347] {strides = array<i32>} : memref<400x128xf32, #tpu.memory_space<vmem>>, vector<1x16xf32>,
        %get3A_349 = vector.shape_cast %get3A_348 : vector<1x16xf32> to vector<16xf32>
        %mul3A_350 = arith.mulf %get3A_349, %gather3A_341 : vector<16xf32>
        %swap3A_351 = arith.index_cast %add3A_345 : i32 to index
        %swap3A_352 = arith.constant 0 : index
        %swap3A_353 = tpu.vector_load %arg8[%swap3A_351, %swap3A_352] {strides = array<i32>} : memref<400x128xf32, #tpu.memory_space<vmem>>, vector<1x16xf32>,
        %swap3A_354 = vector.shape_cast %swap3A_353 : vector<1x16xf32> to vector<16xf32>
        %swap3A_355 = vector.shape_cast %mul3A_350 : vector<16xf32> to vector<1x16xf32>
        tpu.vector_store %arg8[%swap3A_351, %swap3A_352], %swap3A_355 {strides = array<i32>} : memref<400x128xf32, #tpu.memory_space<vmem>>, vector<1x16xf32>,
        %get3A_356 = arith.index_cast %add3A_345 : i32 to index
        %get3A_357 = arith.constant 16 : index
        %get3A_358 = tpu.vector_load %arg8[%get3A_356, %get3A_357] {strides = array<i32>} : memref<400x128xf32, #tpu.memory_space<vmem>>, vector<1x16xf32>,
        %get3A_359 = vector.shape_cast %get3A_358 : vector<1x16xf32> to vector<16xf32>
        %mul3A_360 = arith.mulf %get3A_359, %gather3A_341 : vector<16xf32>
        %swap3A_361 = arith.index_cast %add3A_345 : i32 to index
        %swap3A_362 = arith.constant 16 : index
        %swap3A_363 = tpu.vector_load %arg8[%swap3A_361, %swap3A_362] {strides = array<i32>} : memref<400x128xf32, #tpu.memory_space<vmem>>, vector<1x16xf32>,
        %swap3A_364 = vector.shape_cast %swap3A_363 : vector<1x16xf32> to vector<16xf32>
        %swap3A_365 = vector.shape_cast %mul3A_360 : vector<16xf32> to vector<1x16xf32>
        tpu.vector_store %arg8[%swap3A_361, %swap3A_362], %swap3A_365 {strides = array<i32>} : memref<400x128xf32, #tpu.memory_space<vmem>>, vector<1x16xf32>,
        %get3A_366 = arith.index_cast %add3A_345 : i32 to index
        %get3A_367 = arith.constant 32 : index
        %get3A_368 = tpu.vector_load %arg8[%get3A_366, %get3A_367] {strides = array<i32>} : memref<400x128xf32, #tpu.memory_space<vmem>>, vector<1x16xf32>,
        %get3A_369 = vector.shape_cast %get3A_368 : vector<1x16xf32> to vector<16xf32>
        %mul3A_370 = arith.mulf %get3A_369, %gather3A_341 : vector<16xf32>
        %swap3A_371 = arith.index_cast %add3A_345 : i32 to index
        %swap3A_372 = arith.constant 32 : index
        %swap3A_373 = tpu.vector_load %arg8[%swap3A_371, %swap3A_372] {strides = array<i32>} : memref<400x128xf32, #tpu.memory_space<vmem>>, vector<1x16xf32>,
        %swap3A_374 = vector.shape_cast %swap3A_373 : vector<1x16xf32> to vector<16xf32>
        %swap3A_375 = vector.shape_cast %mul3A_370 : vector<16xf32> to vector<1x16xf32>
        tpu.vector_store %arg8[%swap3A_371, %swap3A_372], %swap3A_375 {strides = array<i32>} : memref<400x128xf32, #tpu.memory_space<vmem>>, vector<1x16xf32>,
        %get3A_376 = arith.index_cast %add3A_345 : i32 to index
        %get3A_377 = arith.constant 48 : index
        %get3A_378 = tpu.vector_load %arg8[%get3A_376, %get3A_377] {strides = array<i32>} : memref<400x128xf32, #tpu.memory_space<vmem>>, vector<1x16xf32>,
        %get3A_379 = vector.shape_cast %get3A_378 : vector<1x16xf32> to vector<16xf32>
        %mul3A_380 = arith.mulf %get3A_379, %gather3A_341 : vector<16xf32>
        %swap3A_381 = arith.index_cast %add3A_345 : i32 to index
        %swap3A_382 = arith.constant 48 : index
        %swap3A_383 = tpu.vector_load %arg8[%swap3A_381, %swap3A_382] {strides = array<i32>} : memref<400x128xf32, #tpu.memory_space<vmem>>, vector<1x16xf32>,
        %swap3A_384 = vector.shape_cast %swap3A_383 : vector<1x16xf32> to vector<16xf32>
        %swap3A_385 = vector.shape_cast %mul3A_380 : vector<16xf32> to vector<1x16xf32>
        tpu.vector_store %arg8[%swap3A_381, %swap3A_382], %swap3A_385 {strides = array<i32>} : memref<400x128xf32, #tpu.memory_space<vmem>>, vector<1x16xf32>,
        %get3A_386 = arith.index_cast %add3A_345 : i32 to index
        %get3A_387 = arith.constant 64 : index
        %get3A_388 = tpu.vector_load %arg8[%get3A_386, %get3A_387] {strides = array<i32>} : memref<400x128xf32, #tpu.memory_space<vmem>>, vector<1x16xf32>,
        %get3A_389 = vector.shape_cast %get3A_388 : vector<1x16xf32> to vector<16xf32>
        %mul3A_390 = arith.mulf %get3A_389, %gather3A_341 : vector<16xf32>
        %swap3A_391 = arith.index_cast %add3A_345 : i32 to index
        %swap3A_392 = arith.constant 64 : index
        %swap3A_393 = tpu.vector_load %arg8[%swap3A_391, %swap3A_392] {strides = array<i32>} : memref<400x128xf32, #tpu.memory_space<vmem>>, vector<1x16xf32>,
        %swap3A_394 = vector.shape_cast %swap3A_393 : vector<1x16xf32> to vector<16xf32>
        %swap3A_395 = vector.shape_cast %mul3A_390 : vector<16xf32> to vector<1x16xf32>
        tpu.vector_store %arg8[%swap3A_391, %swap3A_392], %swap3A_395 {strides = array<i32>} : memref<400x128xf32, #tpu.memory_space<vmem>>, vector<1x16xf32>,
        %get3A_396 = arith.index_cast %add3A_345 : i32 to index
        %get3A_397 = arith.constant 80 : index
        %get3A_398 = tpu.vector_load %arg8[%get3A_396, %get3A_397] {strides = array<i32>} : memref<400x128xf32, #tpu.memory_space<vmem>>, vector<1x16xf32>,
        %get3A_399 = vector.shape_cast %get3A_398 : vector<1x16xf32> to vector<16xf32>
        %mul3A_400 = arith.mulf %get3A_399, %gather3A_341 : vector<16xf32>
        %swap3A_401 = arith.index_cast %add3A_345 : i32 to index
        %swap3A_402 = arith.constant 80 : index
        %swap3A_403 = tpu.vector_load %arg8[%swap3A_401, %swap3A_402] {strides = array<i32>} : memref<400x128xf32, #tpu.memory_space<vmem>>, vector<1x16xf32>,
        %swap3A_404 = vector.shape_cast %swap3A_403 : vector<1x16xf32> to vector<16xf32>
        %swap3A_405 = vector.shape_cast %mul3A_400 : vector<16xf32> to vector<1x16xf32>
        tpu.vector_store %arg8[%swap3A_401, %swap3A_402], %swap3A_405 {strides = array<i32>} : memref<400x128xf32, #tpu.memory_space<vmem>>, vector<1x16xf32>,
        %get3A_406 = arith.index_cast %add3A_345 : i32 to index
        %get3A_407 = arith.constant 96 : index
        %get3A_408 = tpu.vector_load %arg8[%get3A_406, %get3A_407] {strides = array<i32>} : memref<400x128xf32, #tpu.memory_space<vmem>>, vector<1x16xf32>,
        %get3A_409 = vector.shape_cast %get3A_408 : vector<1x16xf32> to vector<16xf32>
        %mul3A_410 = arith.mulf %get3A_409, %gather3A_341 : vector<16xf32>
        %swap3A_411 = arith.index_cast %add3A_345 : i32 to index
        %swap3A_412 = arith.constant 96 : index
        %swap3A_413 = tpu.vector_load %arg8[%swap3A_411, %swap3A_412] {strides = array<i32>} : memref<400x128xf32, #tpu.memory_space<vmem>>, vector<1x16xf32>,
        %swap3A_414 = vector.shape_cast %swap3A_413 : vector<1x16xf32> to vector<16xf32>
        %swap3A_415 = vector.shape_cast %mul3A_410 : vector<16xf32> to vector<1x16xf32>
        tpu.vector_store %arg8[%swap3A_411, %swap3A_412], %swap3A_415 {strides = array<i32>} : memref<400x128xf32, #tpu.memory_space<vmem>>, vector<1x16xf32>,
        %get3A_416 = arith.index_cast %add3A_345 : i32 to index
        %get3A_417 = arith.constant 112 : index
        %get3A_418 = tpu.vector_load %arg8[%get3A_416, %get3A_417] {strides = array<i32>} : memref<400x128xf32, #tpu.memory_space<vmem>>, vector<1x16xf32>,
        %get3A_419 = vector.shape_cast %get3A_418 : vector<1x16xf32> to vector<16xf32>
        %mul3A_420 = arith.mulf %get3A_419, %gather3A_341 : vector<16xf32>
        %swap3A_421 = arith.index_cast %add3A_345 : i32 to index
        %swap3A_422 = arith.constant 112 : index
        %swap3A_423 = tpu.vector_load %arg8[%swap3A_421, %swap3A_422] {strides = array<i32>} : memref<400x128xf32, #tpu.memory_space<vmem>>, vector<1x16xf32>,
        %swap3A_424 = vector.shape_cast %swap3A_423 : vector<1x16xf32> to vector<16xf32>
        %swap3A_425 = vector.shape_cast %mul3A_420 : vector<16xf32> to vector<1x16xf32>
        tpu.vector_store %arg8[%swap3A_421, %swap3A_422], %swap3A_425 {strides = array<i32>} : memref<400x128xf32, #tpu.memory_space<vmem>>, vector<1x16xf32>,
        %broadcast_in_dim3A_426 = arith.constant 4 : i32
        %broadcast_in_dim3A_427 = vector.broadcast %broadcast_in_dim3A_426 : i32 to vector<16x1xi32>
        %gather3A_428 = vector.shape_cast %broadcast_in_dim3A_427 : vector<16x1xi32> to vector<16xi32>
        %gather3A_429 = tpu.dynamic_gather %get3A_76[%gather3A_428] in [0] : vector<16xf32>, vector<16xi32> -> vector<16xf32>
        %mul3A_430 = arith.constant 16 : i32
        %mul3A_431 = arith.muli %scan3A_71, %mul3A_430 : i32
        %add3A_432 = arith.constant 4 : i32
        %add3A_433 = arith.addi %mul3A_431, %add3A_432 : i32
        %get3A_434 = arith.index_cast %add3A_433 : i32 to index
        %get3A_435 = arith.constant 0 : index
        %get3A_436 = tpu.vector_load %arg8[%get3A_434, %get3A_435] {strides = array<i32>} : memref<400x128xf32, #tpu.memory_space<vmem>>, vector<1x16xf32>,
        %get3A_437 = vector.shape_cast %get3A_436 : vector<1x16xf32> to vector<16xf32>
        %mul3A_438 = arith.mulf %get3A_437, %gather3A_429 : vector<16xf32>
        %swap3A_439 = arith.index_cast %add3A_433 : i32 to index
        %swap3A_440 = arith.constant 0 : index
        %swap3A_441 = tpu.vector_load %arg8[%swap3A_439, %swap3A_440] {strides = array<i32>} : memref<400x128xf32, #tpu.memory_space<vmem>>, vector<1x16xf32>,
        %swap3A_442 = vector.shape_cast %swap3A_441 : vector<1x16xf32> to vector<16xf32>
        %swap3A_443 = vector.shape_cast %mul3A_438 : vector<16xf32> to vector<1x16xf32>
        tpu.vector_store %arg8[%swap3A_439, %swap3A_440], %swap3A_443 {strides = array<i32>} : memref<400x128xf32, #tpu.memory_space<vmem>>, vector<1x16xf32>,
        %get3A_444 = arith.index_cast %add3A_433 : i32 to index
        %get3A_445 = arith.constant 16 : index
        %get3A_446 = tpu.vector_load %arg8[%get3A_444, %get3A_445] {strides = array<i32>} : memref<400x128xf32, #tpu.memory_space<vmem>>, vector<1x16xf32>,
        %get3A_447 = vector.shape_cast %get3A_446 : vector<1x16xf32> to vector<16xf32>
        %mul3A_448 = arith.mulf %get3A_447, %gather3A_429 : vector<16xf32>
        %swap3A_449 = arith.index_cast %add3A_433 : i32 to index
        %swap3A_450 = arith.constant 16 : index
        %swap3A_451 = tpu.vector_load %arg8[%swap3A_449, %swap3A_450] {strides = array<i32>} : memref<400x128xf32, #tpu.memory_space<vmem>>, vector<1x16xf32>,
        %swap3A_452 = vector.shape_cast %swap3A_451 : vector<1x16xf32> to vector<16xf32>
        %swap3A_453 = vector.shape_cast %mul3A_448 : vector<16xf32> to vector<1x16xf32>
        tpu.vector_store %arg8[%swap3A_449, %swap3A_450], %swap3A_453 {strides = array<i32>} : memref<400x128xf32, #tpu.memory_space<vmem>>, vector<1x16xf32>,
        %get3A_454 = arith.index_cast %add3A_433 : i32 to index
        %get3A_455 = arith.constant 32 : index
        %get3A_456 = tpu.vector_load %arg8[%get3A_454, %get3A_455] {strides = array<i32>} : memref<400x128xf32, #tpu.memory_space<vmem>>, vector<1x16xf32>,
        %get3A_457 = vector.shape_cast %get3A_456 : vector<1x16xf32> to vector<16xf32>
        %mul3A_458 = arith.mulf %get3A_457, %gather3A_429 : vector<16xf32>
        %swap3A_459 = arith.index_cast %add3A_433 : i32 to index
        %swap3A_460 = arith.constant 32 : index
        %swap3A_461 = tpu.vector_load %arg8[%swap3A_459, %swap3A_460] {strides = array<i32>} : memref<400x128xf32, #tpu.memory_space<vmem>>, vector<1x16xf32>,
        %swap3A_462 = vector.shape_cast %swap3A_461 : vector<1x16xf32> to vector<16xf32>
        %swap3A_463 = vector.shape_cast %mul3A_458 : vector<16xf32> to vector<1x16xf32>
        tpu.vector_store %arg8[%swap3A_459, %swap3A_460], %swap3A_463 {strides = array<i32>} : memref<400x128xf32, #tpu.memory_space<vmem>>, vector<1x16xf32>,
        %get3A_464 = arith.index_cast %add3A_433 : i32 to index
        %get3A_465 = arith.constant 48 : index
        %get3A_466 = tpu.vector_load %arg8[%get3A_464, %get3A_465] {strides = array<i32>} : memref<400x128xf32, #tpu.memory_space<vmem>>, vector<1x16xf32>,
        %get3A_467 = vector.shape_cast %get3A_466 : vector<1x16xf32> to vector<16xf32>
        %mul3A_468 = arith.mulf %get3A_467, %gather3A_429 : vector<16xf32>
        %swap3A_469 = arith.index_cast %add3A_433 : i32 to index
        %swap3A_470 = arith.constant 48 : index
        %swap3A_471 = tpu.vector_load %arg8[%swap3A_469, %swap3A_470] {strides = array<i32>} : memref<400x128xf32, #tpu.memory_space<vmem>>, vector<1x16xf32>,
        %swap3A_472 = vector.shape_cast %swap3A_471 : vector<1x16xf32> to vector<16xf32>
        %swap3A_473 = vector.shape_cast %mul3A_468 : vector<16xf32> to vector<1x16xf32>
        tpu.vector_store %arg8[%swap3A_469, %swap3A_470], %swap3A_473 {strides = array<i32>} : memref<400x128xf32, #tpu.memory_space<vmem>>, vector<1x16xf32>,
        %get3A_474 = arith.index_cast %add3A_433 : i32 to index
        %get3A_475 = arith.constant 64 : index
        %get3A_476 = tpu.vector_load %arg8[%get3A_474, %get3A_475] {strides = array<i32>} : memref<400x128xf32, #tpu.memory_space<vmem>>, vector<1x16xf32>,
        %get3A_477 = vector.shape_cast %get3A_476 : vector<1x16xf32> to vector<16xf32>
        %mul3A_478 = arith.mulf %get3A_477, %gather3A_429 : vector<16xf32>
        %swap3A_479 = arith.index_cast %add3A_433 : i32 to index
        %swap3A_480 = arith.constant 64 : index
        %swap3A_481 = tpu.vector_load %arg8[%swap3A_479, %swap3A_480] {strides = array<i32>} : memref<400x128xf32, #tpu.memory_space<vmem>>, vector<1x16xf32>,
        %swap3A_482 = vector.shape_cast %swap3A_481 : vector<1x16xf32> to vector<16xf32>
        %swap3A_483 = vector.shape_cast %mul3A_478 : vector<16xf32> to vector<1x16xf32>
        tpu.vector_store %arg8[%swap3A_479, %swap3A_480], %swap3A_483 {strides = array<i32>} : memref<400x128xf32, #tpu.memory_space<vmem>>, vector<1x16xf32>,
        %get3A_484 = arith.index_cast %add3A_433 : i32 to index
        %get3A_485 = arith.constant 80 : index
        %get3A_486 = tpu.vector_load %arg8[%get3A_484, %get3A_485] {strides = array<i32>} : memref<400x128xf32, #tpu.memory_space<vmem>>, vector<1x16xf32>,
        %get3A_487 = vector.shape_cast %get3A_486 : vector<1x16xf32> to vector<16xf32>
        %mul3A_488 = arith.mulf %get3A_487, %gather3A_429 : vector<16xf32>
        %swap3A_489 = arith.index_cast %add3A_433 : i32 to index
        %swap3A_490 = arith.constant 80 : index
        %swap3A_491 = tpu.vector_load %arg8[%swap3A_489, %swap3A_490] {strides = array<i32>} : memref<400x128xf32, #tpu.memory_space<vmem>>, vector<1x16xf32>,
        %swap3A_492 = vector.shape_cast %swap3A_491 : vector<1x16xf32> to vector<16xf32>
        %swap3A_493 = vector.shape_cast %mul3A_488 : vector<16xf32> to vector<1x16xf32>
        tpu.vector_store %arg8[%swap3A_489, %swap3A_490], %swap3A_493 {strides = array<i32>} : memref<400x128xf32, #tpu.memory_space<vmem>>, vector<1x16xf32>,
        %get3A_494 = arith.index_cast %add3A_433 : i32 to index
        %get3A_495 = arith.constant 96 : index
        %get3A_496 = tpu.vector_load %arg8[%get3A_494, %get3A_495] {strides = array<i32>} : memref<400x128xf32, #tpu.memory_space<vmem>>, vector<1x16xf32>,
        %get3A_497 = vector.shape_cast %get3A_496 : vector<1x16xf32> to vector<16xf32>
        %mul3A_498 = arith.mulf %get3A_497, %gather3A_429 : vector<16xf32>
        %swap3A_499 = arith.index_cast %add3A_433 : i32 to index
        %swap3A_500 = arith.constant 96 : index
        %swap3A_501 = tpu.vector_load %arg8[%swap3A_499, %swap3A_500] {strides = array<i32>} : memref<400x128xf32, #tpu.memory_space<vmem>>, vector<1x16xf32>,
        %swap3A_502 = vector.shape_cast %swap3A_501 : vector<1x16xf32> to vector<16xf32>
        %swap3A_503 = vector.shape_cast %mul3A_498 : vector<16xf32> to vector<1x16xf32>
        tpu.vector_store %arg8[%swap3A_499, %swap3A_500], %swap3A_503 {strides = array<i32>} : memref<400x128xf32, #tpu.memory_space<vmem>>, vector<1x16xf32>,
        %get3A_504 = arith.index_cast %add3A_433 : i32 to index
        %get3A_505 = arith.constant 112 : index
        %get3A_506 = tpu.vector_load %arg8[%get3A_504, %get3A_505] {strides = array<i32>} : memref<400x128xf32, #tpu.memory_space<vmem>>, vector<1x16xf32>,
        %get3A_507 = vector.shape_cast %get3A_506 : vector<1x16xf32> to vector<16xf32>
        %mul3A_508 = arith.mulf %get3A_507, %gather3A_429 : vector<16xf32>
        %swap3A_509 = arith.index_cast %add3A_433 : i32 to index
        %swap3A_510 = arith.constant 112 : index
        %swap3A_511 = tpu.vector_load %arg8[%swap3A_509, %swap3A_510] {strides = array<i32>} : memref<400x128xf32, #tpu.memory_space<vmem>>, vector<1x16xf32>,
        %swap3A_512 = vector.shape_cast %swap3A_511 : vector<1x16xf32> to vector<16xf32>
        %swap3A_513 = vector.shape_cast %mul3A_508 : vector<16xf32> to vector<1x16xf32>
        tpu.vector_store %arg8[%swap3A_509, %swap3A_510], %swap3A_513 {strides = array<i32>} : memref<400x128xf32, #tpu.memory_space<vmem>>, vector<1x16xf32>,
        %broadcast_in_dim3A_514 = arith.constant 5 : i32
        %broadcast_in_dim3A_515 = vector.broadcast %broadcast_in_dim3A_514 : i32 to vector<16x1xi32>
        %gather3A_516 = vector.shape_cast %broadcast_in_dim3A_515 : vector<16x1xi32> to vector<16xi32>
        %gather3A_517 = tpu.dynamic_gather %get3A_76[%gather3A_516] in [0] : vector<16xf32>, vector<16xi32> -> vector<16xf32>
        %mul3A_518 = arith.constant 16 : i32
        %mul3A_519 = arith.muli %scan3A_71, %mul3A_518 : i32
        %add3A_520 = arith.constant 5 : i32
        %add3A_521 = arith.addi %mul3A_519, %add3A_520 : i32
        %get3A_522 = arith.index_cast %add3A_521 : i32 to index
        %get3A_523 = arith.constant 0 : index
        %get3A_524 = tpu.vector_load %arg8[%get3A_522, %get3A_523] {strides = array<i32>} : memref<400x128xf32, #tpu.memory_space<vmem>>, vector<1x16xf32>,
        %get3A_525 = vector.shape_cast %get3A_524 : vector<1x16xf32> to vector<16xf32>
        %mul3A_526 = arith.mulf %get3A_525, %gather3A_517 : vector<16xf32>
        %swap3A_527 = arith.index_cast %add3A_521 : i32 to index
        %swap3A_528 = arith.constant 0 : index
        %swap3A_529 = tpu.vector_load %arg8[%swap3A_527, %swap3A_528] {strides = array<i32>} : memref<400x128xf32, #tpu.memory_space<vmem>>, vector<1x16xf32>,
        %swap3A_530 = vector.shape_cast %swap3A_529 : vector<1x16xf32> to vector<16xf32>
        %swap3A_531 = vector.shape_cast %mul3A_526 : vector<16xf32> to vector<1x16xf32>
        tpu.vector_store %arg8[%swap3A_527, %swap3A_528], %swap3A_531 {strides = array<i32>} : memref<400x128xf32, #tpu.memory_space<vmem>>, vector<1x16xf32>,
        %get3A_532 = arith.index_cast %add3A_521 : i32 to index
        %get3A_533 = arith.constant 16 : index
        %get3A_534 = tpu.vector_load %arg8[%get3A_532, %get3A_533] {strides = array<i32>} : memref<400x128xf32, #tpu.memory_space<vmem>>, vector<1x16xf32>,
        %get3A_535 = vector.shape_cast %get3A_534 : vector<1x16xf32> to vector<16xf32>
        %mul3A_536 = arith.mulf %get3A_535, %gather3A_517 : vector<16xf32>
        %swap3A_537 = arith.index_cast %add3A_521 : i32 to index
        %swap3A_538 = arith.constant 16 : index
        %swap3A_539 = tpu.vector_load %arg8[%swap3A_537, %swap3A_538] {strides = array<i32>} : memref<400x128xf32, #tpu.memory_space<vmem>>, vector<1x16xf32>,
        %swap3A_540 = vector.shape_cast %swap3A_539 : vector<1x16xf32> to vector<16xf32>
        %swap3A_541 = vector.shape_cast %mul3A_536 : vector<16xf32> to vector<1x16xf32>
        tpu.vector_store %arg8[%swap3A_537, %swap3A_538], %swap3A_541 {strides = array<i32>} : memref<400x128xf32, #tpu.memory_space<vmem>>, vector<1x16xf32>,
        %get3A_542 = arith.index_cast %add3A_521 : i32 to index
        %get3A_543 = arith.constant 32 : index
        %get3A_544 = tpu.vector_load %arg8[%get3A_542, %get3A_543] {strides = array<i32>} : memref<400x128xf32, #tpu.memory_space<vmem>>, vector<1x16xf32>,
        %get3A_545 = vector.shape_cast %get3A_544 : vector<1x16xf32> to vector<16xf32>
        %mul3A_546 = arith.mulf %get3A_545, %gather3A_517 : vector<16xf32>
        %swap3A_547 = arith.index_cast %add3A_521 : i32 to index
        %swap3A_548 = arith.constant 32 : index
        %swap3A_549 = tpu.vector_load %arg8[%swap3A_547, %swap3A_548] {strides = array<i32>} : memref<400x128xf32, #tpu.memory_space<vmem>>, vector<1x16xf32>,
        %swap3A_550 = vector.shape_cast %swap3A_549 : vector<1x16xf32> to vector<16xf32>
        %swap3A_551 = vector.shape_cast %mul3A_546 : vector<16xf32> to vector<1x16xf32>
        tpu.vector_store %arg8[%swap3A_547, %swap3A_548], %swap3A_551 {strides = array<i32>} : memref<400x128xf32, #tpu.memory_space<vmem>>, vector<1x16xf32>,
        %get3A_552 = arith.index_cast %add3A_521 : i32 to index
        %get3A_553 = arith.constant 48 : index
        %get3A_554 = tpu.vector_load %arg8[%get3A_552, %get3A_553] {strides = array<i32>} : memref<400x128xf32, #tpu.memory_space<vmem>>, vector<1x16xf32>,
        %get3A_555 = vector.shape_cast %get3A_554 : vector<1x16xf32> to vector<16xf32>
        %mul3A_556 = arith.mulf %get3A_555, %gather3A_517 : vector<16xf32>
        %swap3A_557 = arith.index_cast %add3A_521 : i32 to index
        %swap3A_558 = arith.constant 48 : index
        %swap3A_559 = tpu.vector_load %arg8[%swap3A_557, %swap3A_558] {strides = array<i32>} : memref<400x128xf32, #tpu.memory_space<vmem>>, vector<1x16xf32>,
        %swap3A_560 = vector.shape_cast %swap3A_559 : vector<1x16xf32> to vector<16xf32>
        %swap3A_561 = vector.shape_cast %mul3A_556 : vector<16xf32> to vector<1x16xf32>
        tpu.vector_store %arg8[%swap3A_557, %swap3A_558], %swap3A_561 {strides = array<i32>} : memref<400x128xf32, #tpu.memory_space<vmem>>, vector<1x16xf32>,
        %get3A_562 = arith.index_cast %add3A_521 : i32 to index
        %get3A_563 = arith.constant 64 : index
        %get3A_564 = tpu.vector_load %arg8[%get3A_562, %get3A_563] {strides = array<i32>} : memref<400x128xf32, #tpu.memory_space<vmem>>, vector<1x16xf32>,
        %get3A_565 = vector.shape_cast %get3A_564 : vector<1x16xf32> to vector<16xf32>
        %mul3A_566 = arith.mulf %get3A_565, %gather3A_517 : vector<16xf32>
        %swap3A_567 = arith.index_cast %add3A_521 : i32 to index
        %swap3A_568 = arith.constant 64 : index
        %swap3A_569 = tpu.vector_load %arg8[%swap3A_567, %swap3A_568] {strides = array<i32>} : memref<400x128xf32, #tpu.memory_space<vmem>>, vector<1x16xf32>,
        %swap3A_570 = vector.shape_cast %swap3A_569 : vector<1x16xf32> to vector<16xf32>
        %swap3A_571 = vector.shape_cast %mul3A_566 : vector<16xf32> to vector<1x16xf32>
        tpu.vector_store %arg8[%swap3A_567, %swap3A_568], %swap3A_571 {strides = array<i32>} : memref<400x128xf32, #tpu.memory_space<vmem>>, vector<1x16xf32>,
        %get3A_572 = arith.index_cast %add3A_521 : i32 to index
        %get3A_573 = arith.constant 80 : index
        %get3A_574 = tpu.vector_load %arg8[%get3A_572, %get3A_573] {strides = array<i32>} : memref<400x128xf32, #tpu.memory_space<vmem>>, vector<1x16xf32>,
        %get3A_575 = vector.shape_cast %get3A_574 : vector<1x16xf32> to vector<16xf32>
        %mul3A_576 = arith.mulf %get3A_575, %gather3A_517 : vector<16xf32>
        %swap3A_577 = arith.index_cast %add3A_521 : i32 to index
        %swap3A_578 = arith.constant 80 : index
        %swap3A_579 = tpu.vector_load %arg8[%swap3A_577, %swap3A_578] {strides = array<i32>} : memref<400x128xf32, #tpu.memory_space<vmem>>, vector<1x16xf32>,
        %swap3A_580 = vector.shape_cast %swap3A_579 : vector<1x16xf32> to vector<16xf32>
        %swap3A_581 = vector.shape_cast %mul3A_576 : vector<16xf32> to vector<1x16xf32>
        tpu.vector_store %arg8[%swap3A_577, %swap3A_578], %swap3A_581 {strides = array<i32>} : memref<400x128xf32, #tpu.memory_space<vmem>>, vector<1x16xf32>,
        %get3A_582 = arith.index_cast %add3A_521 : i32 to index
        %get3A_583 = arith.constant 96 : index
        %get3A_584 = tpu.vector_load %arg8[%get3A_582, %get3A_583] {strides = array<i32>} : memref<400x128xf32, #tpu.memory_space<vmem>>, vector<1x16xf32>,
        %get3A_585 = vector.shape_cast %get3A_584 : vector<1x16xf32> to vector<16xf32>
        %mul3A_586 = arith.mulf %get3A_585, %gather3A_517 : vector<16xf32>
        %swap3A_587 = arith.index_cast %add3A_521 : i32 to index
        %swap3A_588 = arith.constant 96 : index
        %swap3A_589 = tpu.vector_load %arg8[%swap3A_587, %swap3A_588] {strides = array<i32>} : memref<400x128xf32, #tpu.memory_space<vmem>>, vector<1x16xf32>,
        %swap3A_590 = vector.shape_cast %swap3A_589 : vector<1x16xf32> to vector<16xf32>
        %swap3A_591 = vector.shape_cast %mul3A_586 : vector<16xf32> to vector<1x16xf32>
        tpu.vector_store %arg8[%swap3A_587, %swap3A_588], %swap3A_591 {strides = array<i32>} : memref<400x128xf32, #tpu.memory_space<vmem>>, vector<1x16xf32>,
        %get3A_592 = arith.index_cast %add3A_521 : i32 to index
        %get3A_593 = arith.constant 112 : index
        %get3A_594 = tpu.vector_load %arg8[%get3A_592, %get3A_593] {strides = array<i32>} : memref<400x128xf32, #tpu.memory_space<vmem>>, vector<1x16xf32>,
        %get3A_595 = vector.shape_cast %get3A_594 : vector<1x16xf32> to vector<16xf32>
        %mul3A_596 = arith.mulf %get3A_595, %gather3A_517 : vector<16xf32>
        %swap3A_597 = arith.index_cast %add3A_521 : i32 to index
        %swap3A_598 = arith.constant 112 : index
        %swap3A_599 = tpu.vector_load %arg8[%swap3A_597, %swap3A_598] {strides = array<i32>} : memref<400x128xf32, #tpu.memory_space<vmem>>, vector<1x16xf32>,
        %swap3A_600 = vector.shape_cast %swap3A_599 : vector<1x16xf32> to vector<16xf32>
        %swap3A_601 = vector.shape_cast %mul3A_596 : vector<16xf32> to vector<1x16xf32>
        tpu.vector_store %arg8[%swap3A_597, %swap3A_598], %swap3A_601 {strides = array<i32>} : memref<400x128xf32, #tpu.memory_space<vmem>>, vector<1x16xf32>,
        %broadcast_in_dim3A_602 = arith.constant 6 : i32
        %broadcast_in_dim3A_603 = vector.broadcast %broadcast_in_dim3A_602 : i32 to vector<16x1xi32>
        %gather3A_604 = vector.shape_cast %broadcast_in_dim3A_603 : vector<16x1xi32> to vector<16xi32>
        %gather3A_605 = tpu.dynamic_gather %get3A_76[%gather3A_604] in [0] : vector<16xf32>, vector<16xi32> -> vector<16xf32>
        %mul3A_606 = arith.constant 16 : i32
        %mul3A_607 = arith.muli %scan3A_71, %mul3A_606 : i32
        %add3A_608 = arith.constant 6 : i32
        %add3A_609 = arith.addi %mul3A_607, %add3A_608 : i32
        %get3A_610 = arith.index_cast %add3A_609 : i32 to index
        %get3A_611 = arith.constant 0 : index
        %get3A_612 = tpu.vector_load %arg8[%get3A_610, %get3A_611] {strides = array<i32>} : memref<400x128xf32, #tpu.memory_space<vmem>>, vector<1x16xf32>,
        %get3A_613 = vector.shape_cast %get3A_612 : vector<1x16xf32> to vector<16xf32>
        %mul3A_614 = arith.mulf %get3A_613, %gather3A_605 : vector<16xf32>
        %swap3A_615 = arith.index_cast %add3A_609 : i32 to index
        %swap3A_616 = arith.constant 0 : index
        %swap3A_617 = tpu.vector_load %arg8[%swap3A_615, %swap3A_616] {strides = array<i32>} : memref<400x128xf32, #tpu.memory_space<vmem>>, vector<1x16xf32>,
        %swap3A_618 = vector.shape_cast %swap3A_617 : vector<1x16xf32> to vector<16xf32>
        %swap3A_619 = vector.shape_cast %mul3A_614 : vector<16xf32> to vector<1x16xf32>
        tpu.vector_store %arg8[%swap3A_615, %swap3A_616], %swap3A_619 {strides = array<i32>} : memref<400x128xf32, #tpu.memory_space<vmem>>, vector<1x16xf32>,
        %get3A_620 = arith.index_cast %add3A_609 : i32 to index
        %get3A_621 = arith.constant 16 : index
        %get3A_622 = tpu.vector_load %arg8[%get3A_620, %get3A_621] {strides = array<i32>} : memref<400x128xf32, #tpu.memory_space<vmem>>, vector<1x16xf32>,
        %get3A_623 = vector.shape_cast %get3A_622 : vector<1x16xf32> to vector<16xf32>
        %mul3A_624 = arith.mulf %get3A_623, %gather3A_605 : vector<16xf32>
        %swap3A_625 = arith.index_cast %add3A_609 : i32 to index
        %swap3A_626 = arith.constant 16 : index
        %swap3A_627 = tpu.vector_load %arg8[%swap3A_625, %swap3A_626] {strides = array<i32>} : memref<400x128xf32, #tpu.memory_space<vmem>>, vector<1x16xf32>,
        %swap3A_628 = vector.shape_cast %swap3A_627 : vector<1x16xf32> to vector<16xf32>
        %swap3A_629 = vector.shape_cast %mul3A_624 : vector<16xf32> to vector<1x16xf32>
        tpu.vector_store %arg8[%swap3A_625, %swap3A_626], %swap3A_629 {strides = array<i32>} : memref<400x128xf32, #tpu.memory_space<vmem>>, vector<1x16xf32>,
        %get3A_630 = arith.index_cast %add3A_609 : i32 to index
        %get3A_631 = arith.constant 32 : index
        %get3A_632 = tpu.vector_load %arg8[%get3A_630, %get3A_631] {strides = array<i32>} : memref<400x128xf32, #tpu.memory_space<vmem>>, vector<1x16xf32>,
        %get3A_633 = vector.shape_cast %get3A_632 : vector<1x16xf32> to vector<16xf32>
        %mul3A_634 = arith.mulf %get3A_633, %gather3A_605 : vector<16xf32>
        %swap3A_635 = arith.index_cast %add3A_609 : i32 to index
        %swap3A_636 = arith.constant 32 : index
        %swap3A_637 = tpu.vector_load %arg8[%swap3A_635, %swap3A_636] {strides = array<i32>} : memref<400x128xf32, #tpu.memory_space<vmem>>, vector<1x16xf32>,
        %swap3A_638 = vector.shape_cast %swap3A_637 : vector<1x16xf32> to vector<16xf32>
        %swap3A_639 = vector.shape_cast %mul3A_634 : vector<16xf32> to vector<1x16xf32>
        tpu.vector_store %arg8[%swap3A_635, %swap3A_636], %swap3A_639 {strides = array<i32>} : memref<400x128xf32, #tpu.memory_space<vmem>>, vector<1x16xf32>,
        %get3A_640 = arith.index_cast %add3A_609 : i32 to index
        %get3A_641 = arith.constant 48 : index
        %get3A_642 = tpu.vector_load %arg8[%get3A_640, %get3A_641] {strides = array<i32>} : memref<400x128xf32, #tpu.memory_space<vmem>>, vector<1x16xf32>,
        %get3A_643 = vector.shape_cast %get3A_642 : vector<1x16xf32> to vector<16xf32>
        %mul3A_644 = arith.mulf %get3A_643, %gather3A_605 : vector<16xf32>
        %swap3A_645 = arith.index_cast %add3A_609 : i32 to index
        %swap3A_646 = arith.constant 48 : index
        %swap3A_647 = tpu.vector_load %arg8[%swap3A_645, %swap3A_646] {strides = array<i32>} : memref<400x128xf32, #tpu.memory_space<vmem>>, vector<1x16xf32>,
        %swap3A_648 = vector.shape_cast %swap3A_647 : vector<1x16xf32> to vector<16xf32>
        %swap3A_649 = vector.shape_cast %mul3A_644 : vector<16xf32> to vector<1x16xf32>
        tpu.vector_store %arg8[%swap3A_645, %swap3A_646], %swap3A_649 {strides = array<i32>} : memref<400x128xf32, #tpu.memory_space<vmem>>, vector<1x16xf32>,
        %get3A_650 = arith.index_cast %add3A_609 : i32 to index
        %get3A_651 = arith.constant 64 : index
        %get3A_652 = tpu.vector_load %arg8[%get3A_650, %get3A_651] {strides = array<i32>} : memref<400x128xf32, #tpu.memory_space<vmem>>, vector<1x16xf32>,
        %get3A_653 = vector.shape_cast %get3A_652 : vector<1x16xf32> to vector<16xf32>
        %mul3A_654 = arith.mulf %get3A_653, %gather3A_605 : vector<16xf32>
        %swap3A_655 = arith.index_cast %add3A_609 : i32 to index
        %swap3A_656 = arith.constant 64 : index
        %swap3A_657 = tpu.vector_load %arg8[%swap3A_655, %swap3A_656] {strides = array<i32>} : memref<400x128xf32, #tpu.memory_space<vmem>>, vector<1x16xf32>,
        %swap3A_658 = vector.shape_cast %swap3A_657 : vector<1x16xf32> to vector<16xf32>
        %swap3A_659 = vector.shape_cast %mul3A_654 : vector<16xf32> to vector<1x16xf32>
        tpu.vector_store %arg8[%swap3A_655, %swap3A_656], %swap3A_659 {strides = array<i32>} : memref<400x128xf32, #tpu.memory_space<vmem>>, vector<1x16xf32>,
        %get3A_660 = arith.index_cast %add3A_609 : i32 to index
        %get3A_661 = arith.constant 80 : index
        %get3A_662 = tpu.vector_load %arg8[%get3A_660, %get3A_661] {strides = array<i32>} : memref<400x128xf32, #tpu.memory_space<vmem>>, vector<1x16xf32>,
        %get3A_663 = vector.shape_cast %get3A_662 : vector<1x16xf32> to vector<16xf32>
        %mul3A_664 = arith.mulf %get3A_663, %gather3A_605 : vector<16xf32>
        %swap3A_665 = arith.index_cast %add3A_609 : i32 to index
        %swap3A_666 = arith.constant 80 : index
        %swap3A_667 = tpu.vector_load %arg8[%swap3A_665, %swap3A_666] {strides = array<i32>} : memref<400x128xf32, #tpu.memory_space<vmem>>, vector<1x16xf32>,
        %swap3A_668 = vector.shape_cast %swap3A_667 : vector<1x16xf32> to vector<16xf32>
        %swap3A_669 = vector.shape_cast %mul3A_664 : vector<16xf32> to vector<1x16xf32>
        tpu.vector_store %arg8[%swap3A_665, %swap3A_666], %swap3A_669 {strides = array<i32>} : memref<400x128xf32, #tpu.memory_space<vmem>>, vector<1x16xf32>,
        %get3A_670 = arith.index_cast %add3A_609 : i32 to index
        %get3A_671 = arith.constant 96 : index
        %get3A_672 = tpu.vector_load %arg8[%get3A_670, %get3A_671] {strides = array<i32>} : memref<400x128xf32, #tpu.memory_space<vmem>>, vector<1x16xf32>,
        %get3A_673 = vector.shape_cast %get3A_672 : vector<1x16xf32> to vector<16xf32>
        %mul3A_674 = arith.mulf %get3A_673, %gather3A_605 : vector<16xf32>
        %swap3A_675 = arith.index_cast %add3A_609 : i32 to index
        %swap3A_676 = arith.constant 96 : index
        %swap3A_677 = tpu.vector_load %arg8[%swap3A_675, %swap3A_676] {strides = array<i32>} : memref<400x128xf32, #tpu.memory_space<vmem>>, vector<1x16xf32>,
        %swap3A_678 = vector.shape_cast %swap3A_677 : vector<1x16xf32> to vector<16xf32>
        %swap3A_679 = vector.shape_cast %mul3A_674 : vector<16xf32> to vector<1x16xf32>
        tpu.vector_store %arg8[%swap3A_675, %swap3A_676], %swap3A_679 {strides = array<i32>} : memref<400x128xf32, #tpu.memory_space<vmem>>, vector<1x16xf32>,
        %get3A_680 = arith.index_cast %add3A_609 : i32 to index
        %get3A_681 = arith.constant 112 : index
        %get3A_682 = tpu.vector_load %arg8[%get3A_680, %get3A_681] {strides = array<i32>} : memref<400x128xf32, #tpu.memory_space<vmem>>, vector<1x16xf32>,
        %get3A_683 = vector.shape_cast %get3A_682 : vector<1x16xf32> to vector<16xf32>
        %mul3A_684 = arith.mulf %get3A_683, %gather3A_605 : vector<16xf32>
        %swap3A_685 = arith.index_cast %add3A_609 : i32 to index
        %swap3A_686 = arith.constant 112 : index
        %swap3A_687 = tpu.vector_load %arg8[%swap3A_685, %swap3A_686] {strides = array<i32>} : memref<400x128xf32, #tpu.memory_space<vmem>>, vector<1x16xf32>,
        %swap3A_688 = vector.shape_cast %swap3A_687 : vector<1x16xf32> to vector<16xf32>
        %swap3A_689 = vector.shape_cast %mul3A_684 : vector<16xf32> to vector<1x16xf32>
        tpu.vector_store %arg8[%swap3A_685, %swap3A_686], %swap3A_689 {strides = array<i32>} : memref<400x128xf32, #tpu.memory_space<vmem>>, vector<1x16xf32>,
        %broadcast_in_dim3A_690 = arith.constant 7 : i32
        %broadcast_in_dim3A_691 = vector.broadcast %broadcast_in_dim3A_690 : i32 to vector<16x1xi32>
        %gather3A_692 = vector.shape_cast %broadcast_in_dim3A_691 : vector<16x1xi32> to vector<16xi32>
        %gather3A_693 = tpu.dynamic_gather %get3A_76[%gather3A_692] in [0] : vector<16xf32>, vector<16xi32> -> vector<16xf32>
        %mul3A_694 = arith.constant 16 : i32
        %mul3A_695 = arith.muli %scan3A_71, %mul3A_694 : i32
        %add3A_696 = arith.constant 7 : i32
        %add3A_697 = arith.addi %mul3A_695, %add3A_696 : i32
        %get3A_698 = arith.index_cast %add3A_697 : i32 to index
        %get3A_699 = arith.constant 0 : index
        %get3A_700 = tpu.vector_load %arg8[%get3A_698, %get3A_699] {strides = array<i32>} : memref<400x128xf32, #tpu.memory_space<vmem>>, vector<1x16xf32>,
        %get3A_701 = vector.shape_cast %get3A_700 : vector<1x16xf32> to vector<16xf32>
        %mul3A_702 = arith.mulf %get3A_701, %gather3A_693 : vector<16xf32>
        %swap3A_703 = arith.index_cast %add3A_697 : i32 to index
        %swap3A_704 = arith.constant 0 : index
        %swap3A_705 = tpu.vector_load %arg8[%swap3A_703, %swap3A_704] {strides = array<i32>} : memref<400x128xf32, #tpu.memory_space<vmem>>, vector<1x16xf32>,
        %swap3A_706 = vector.shape_cast %swap3A_705 : vector<1x16xf32> to vector<16xf32>
        %swap3A_707 = vector.shape_cast %mul3A_702 : vector<16xf32> to vector<1x16xf32>
        tpu.vector_store %arg8[%swap3A_703, %swap3A_704], %swap3A_707 {strides = array<i32>} : memref<400x128xf32, #tpu.memory_space<vmem>>, vector<1x16xf32>,
        %get3A_708 = arith.index_cast %add3A_697 : i32 to index
        %get3A_709 = arith.constant 16 : index
        %get3A_710 = tpu.vector_load %arg8[%get3A_708, %get3A_709] {strides = array<i32>} : memref<400x128xf32, #tpu.memory_space<vmem>>, vector<1x16xf32>,
        %get3A_711 = vector.shape_cast %get3A_710 : vector<1x16xf32> to vector<16xf32>
        %mul3A_712 = arith.mulf %get3A_711, %gather3A_693 : vector<16xf32>
        %swap3A_713 = arith.index_cast %add3A_697 : i32 to index
        %swap3A_714 = arith.constant 16 : index
        %swap3A_715 = tpu.vector_load %arg8[%swap3A_713, %swap3A_714] {strides = array<i32>} : memref<400x128xf32, #tpu.memory_space<vmem>>, vector<1x16xf32>,
        %swap3A_716 = vector.shape_cast %swap3A_715 : vector<1x16xf32> to vector<16xf32>
        %swap3A_717 = vector.shape_cast %mul3A_712 : vector<16xf32> to vector<1x16xf32>
        tpu.vector_store %arg8[%swap3A_713, %swap3A_714], %swap3A_717 {strides = array<i32>} : memref<400x128xf32, #tpu.memory_space<vmem>>, vector<1x16xf32>,
        %get3A_718 = arith.index_cast %add3A_697 : i32 to index
        %get3A_719 = arith.constant 32 : index
        %get3A_720 = tpu.vector_load %arg8[%get3A_718, %get3A_719] {strides = array<i32>} : memref<400x128xf32, #tpu.memory_space<vmem>>, vector<1x16xf32>,
        %get3A_721 = vector.shape_cast %get3A_720 : vector<1x16xf32> to vector<16xf32>
        %mul3A_722 = arith.mulf %get3A_721, %gather3A_693 : vector<16xf32>
        %swap3A_723 = arith.index_cast %add3A_697 : i32 to index
        %swap3A_724 = arith.constant 32 : index
        %swap3A_725 = tpu.vector_load %arg8[%swap3A_723, %swap3A_724] {strides = array<i32>} : memref<400x128xf32, #tpu.memory_space<vmem>>, vector<1x16xf32>,
        %swap3A_726 = vector.shape_cast %swap3A_725 : vector<1x16xf32> to vector<16xf32>
        %swap3A_727 = vector.shape_cast %mul3A_722 : vector<16xf32> to vector<1x16xf32>
        tpu.vector_store %arg8[%swap3A_723, %swap3A_724], %swap3A_727 {strides = array<i32>} : memref<400x128xf32, #tpu.memory_space<vmem>>, vector<1x16xf32>,
        %get3A_728 = arith.index_cast %add3A_697 : i32 to index
        %get3A_729 = arith.constant 48 : index
        %get3A_730 = tpu.vector_load %arg8[%get3A_728, %get3A_729] {strides = array<i32>} : memref<400x128xf32, #tpu.memory_space<vmem>>, vector<1x16xf32>,
        %get3A_731 = vector.shape_cast %get3A_730 : vector<1x16xf32> to vector<16xf32>
        %mul3A_732 = arith.mulf %get3A_731, %gather3A_693 : vector<16xf32>
        %swap3A_733 = arith.index_cast %add3A_697 : i32 to index
        %swap3A_734 = arith.constant 48 : index
        %swap3A_735 = tpu.vector_load %arg8[%swap3A_733, %swap3A_734] {strides = array<i32>} : memref<400x128xf32, #tpu.memory_space<vmem>>, vector<1x16xf32>,
        %swap3A_736 = vector.shape_cast %swap3A_735 : vector<1x16xf32> to vector<16xf32>
        %swap3A_737 = vector.shape_cast %mul3A_732 : vector<16xf32> to vector<1x16xf32>
        tpu.vector_store %arg8[%swap3A_733, %swap3A_734], %swap3A_737 {strides = array<i32>} : memref<400x128xf32, #tpu.memory_space<vmem>>, vector<1x16xf32>,
        %get3A_738 = arith.index_cast %add3A_697 : i32 to index
        %get3A_739 = arith.constant 64 : index
        %get3A_740 = tpu.vector_load %arg8[%get3A_738, %get3A_739] {strides = array<i32>} : memref<400x128xf32, #tpu.memory_space<vmem>>, vector<1x16xf32>,
        %get3A_741 = vector.shape_cast %get3A_740 : vector<1x16xf32> to vector<16xf32>
        %mul3A_742 = arith.mulf %get3A_741, %gather3A_693 : vector<16xf32>
        %swap3A_743 = arith.index_cast %add3A_697 : i32 to index
        %swap3A_744 = arith.constant 64 : index
        %swap3A_745 = tpu.vector_load %arg8[%swap3A_743, %swap3A_744] {strides = array<i32>} : memref<400x128xf32, #tpu.memory_space<vmem>>, vector<1x16xf32>,
        %swap3A_746 = vector.shape_cast %swap3A_745 : vector<1x16xf32> to vector<16xf32>
        %swap3A_747 = vector.shape_cast %mul3A_742 : vector<16xf32> to vector<1x16xf32>
        tpu.vector_store %arg8[%swap3A_743, %swap3A_744], %swap3A_747 {strides = array<i32>} : memref<400x128xf32, #tpu.memory_space<vmem>>, vector<1x16xf32>,
        %get3A_748 = arith.index_cast %add3A_697 : i32 to index
        %get3A_749 = arith.constant 80 : index
        %get3A_750 = tpu.vector_load %arg8[%get3A_748, %get3A_749] {strides = array<i32>} : memref<400x128xf32, #tpu.memory_space<vmem>>, vector<1x16xf32>,
        %get3A_751 = vector.shape_cast %get3A_750 : vector<1x16xf32> to vector<16xf32>
        %mul3A_752 = arith.mulf %get3A_751, %gather3A_693 : vector<16xf32>
        %swap3A_753 = arith.index_cast %add3A_697 : i32 to index
        %swap3A_754 = arith.constant 80 : index
        %swap3A_755 = tpu.vector_load %arg8[%swap3A_753, %swap3A_754] {strides = array<i32>} : memref<400x128xf32, #tpu.memory_space<vmem>>, vector<1x16xf32>,
        %swap3A_756 = vector.shape_cast %swap3A_755 : vector<1x16xf32> to vector<16xf32>
        %swap3A_757 = vector.shape_cast %mul3A_752 : vector<16xf32> to vector<1x16xf32>
        tpu.vector_store %arg8[%swap3A_753, %swap3A_754], %swap3A_757 {strides = array<i32>} : memref<400x128xf32, #tpu.memory_space<vmem>>, vector<1x16xf32>,
        %get3A_758 = arith.index_cast %add3A_697 : i32 to index
        %get3A_759 = arith.constant 96 : index
        %get3A_760 = tpu.vector_load %arg8[%get3A_758, %get3A_759] {strides = array<i32>} : memref<400x128xf32, #tpu.memory_space<vmem>>, vector<1x16xf32>,
        %get3A_761 = vector.shape_cast %get3A_760 : vector<1x16xf32> to vector<16xf32>
        %mul3A_762 = arith.mulf %get3A_761, %gather3A_693 : vector<16xf32>
        %swap3A_763 = arith.index_cast %add3A_697 : i32 to index
        %swap3A_764 = arith.constant 96 : index
        %swap3A_765 = tpu.vector_load %arg8[%swap3A_763, %swap3A_764] {strides = array<i32>} : memref<400x128xf32, #tpu.memory_space<vmem>>, vector<1x16xf32>,
        %swap3A_766 = vector.shape_cast %swap3A_765 : vector<1x16xf32> to vector<16xf32>
        %swap3A_767 = vector.shape_cast %mul3A_762 : vector<16xf32> to vector<1x16xf32>
        tpu.vector_store %arg8[%swap3A_763, %swap3A_764], %swap3A_767 {strides = array<i32>} : memref<400x128xf32, #tpu.memory_space<vmem>>, vector<1x16xf32>,
        %get3A_768 = arith.index_cast %add3A_697 : i32 to index
        %get3A_769 = arith.constant 112 : index
        %get3A_770 = tpu.vector_load %arg8[%get3A_768, %get3A_769] {strides = array<i32>} : memref<400x128xf32, #tpu.memory_space<vmem>>, vector<1x16xf32>,
        %get3A_771 = vector.shape_cast %get3A_770 : vector<1x16xf32> to vector<16xf32>
        %mul3A_772 = arith.mulf %get3A_771, %gather3A_693 : vector<16xf32>
        %swap3A_773 = arith.index_cast %add3A_697 : i32 to index
        %swap3A_774 = arith.constant 112 : index
        %swap3A_775 = tpu.vector_load %arg8[%swap3A_773, %swap3A_774] {strides = array<i32>} : memref<400x128xf32, #tpu.memory_space<vmem>>, vector<1x16xf32>,
        %swap3A_776 = vector.shape_cast %swap3A_775 : vector<1x16xf32> to vector<16xf32>
        %swap3A_777 = vector.shape_cast %mul3A_772 : vector<16xf32> to vector<1x16xf32>
        tpu.vector_store %arg8[%swap3A_773, %swap3A_774], %swap3A_777 {strides = array<i32>} : memref<400x128xf32, #tpu.memory_space<vmem>>, vector<1x16xf32>,
        %broadcast_in_dim3A_778 = arith.constant 8 : i32
        %broadcast_in_dim3A_779 = vector.broadcast %broadcast_in_dim3A_778 : i32 to vector<16x1xi32>
        %gather3A_780 = vector.shape_cast %broadcast_in_dim3A_779 : vector<16x1xi32> to vector<16xi32>
        %gather3A_781 = tpu.dynamic_gather %get3A_76[%gather3A_780] in [0] : vector<16xf32>, vector<16xi32> -> vector<16xf32>
        %mul3A_782 = arith.constant 16 : i32
        %mul3A_783 = arith.muli %scan3A_71, %mul3A_782 : i32
        %add3A_784 = arith.constant 8 : i32
        %add3A_785 = arith.addi %mul3A_783, %add3A_784 : i32
        %get3A_786 = arith.index_cast %add3A_785 : i32 to index
        %get3A_787 = arith.constant 0 : index
        %get3A_788 = tpu.vector_load %arg8[%get3A_786, %get3A_787] {strides = array<i32>} : memref<400x128xf32, #tpu.memory_space<vmem>>, vector<1x16xf32>,
        %get3A_789 = vector.shape_cast %get3A_788 : vector<1x16xf32> to vector<16xf32>
        %mul3A_790 = arith.mulf %get3A_789, %gather3A_781 : vector<16xf32>
        %swap3A_791 = arith.index_cast %add3A_785 : i32 to index
        %swap3A_792 = arith.constant 0 : index
        %swap3A_793 = tpu.vector_load %arg8[%swap3A_791, %swap3A_792] {strides = array<i32>} : memref<400x128xf32, #tpu.memory_space<vmem>>, vector<1x16xf32>,
        %swap3A_794 = vector.shape_cast %swap3A_793 : vector<1x16xf32> to vector<16xf32>
        %swap3A_795 = vector.shape_cast %mul3A_790 : vector<16xf32> to vector<1x16xf32>
        tpu.vector_store %arg8[%swap3A_791, %swap3A_792], %swap3A_795 {strides = array<i32>} : memref<400x128xf32, #tpu.memory_space<vmem>>, vector<1x16xf32>,
        %get3A_796 = arith.index_cast %add3A_785 : i32 to index
        %get3A_797 = arith.constant 16 : index
        %get3A_798 = tpu.vector_load %arg8[%get3A_796, %get3A_797] {strides = array<i32>} : memref<400x128xf32, #tpu.memory_space<vmem>>, vector<1x16xf32>,
        %get3A_799 = vector.shape_cast %get3A_798 : vector<1x16xf32> to vector<16xf32>
        %mul3A_800 = arith.mulf %get3A_799, %gather3A_781 : vector<16xf32>
        %swap3A_801 = arith.index_cast %add3A_785 : i32 to index
        %swap3A_802 = arith.constant 16 : index
        %swap3A_803 = tpu.vector_load %arg8[%swap3A_801, %swap3A_802] {strides = array<i32>} : memref<400x128xf32, #tpu.memory_space<vmem>>, vector<1x16xf32>,
        %swap3A_804 = vector.shape_cast %swap3A_803 : vector<1x16xf32> to vector<16xf32>
        %swap3A_805 = vector.shape_cast %mul3A_800 : vector<16xf32> to vector<1x16xf32>
        tpu.vector_store %arg8[%swap3A_801, %swap3A_802], %swap3A_805 {strides = array<i32>} : memref<400x128xf32, #tpu.memory_space<vmem>>, vector<1x16xf32>,
        %get3A_806 = arith.index_cast %add3A_785 : i32 to index
        %get3A_807 = arith.constant 32 : index
        %get3A_808 = tpu.vector_load %arg8[%get3A_806, %get3A_807] {strides = array<i32>} : memref<400x128xf32, #tpu.memory_space<vmem>>, vector<1x16xf32>,
        %get3A_809 = vector.shape_cast %get3A_808 : vector<1x16xf32> to vector<16xf32>
        %mul3A_810 = arith.mulf %get3A_809, %gather3A_781 : vector<16xf32>
        %swap3A_811 = arith.index_cast %add3A_785 : i32 to index
        %swap3A_812 = arith.constant 32 : index
        %swap3A_813 = tpu.vector_load %arg8[%swap3A_811, %swap3A_812] {strides = array<i32>} : memref<400x128xf32, #tpu.memory_space<vmem>>, vector<1x16xf32>,
        %swap3A_814 = vector.shape_cast %swap3A_813 : vector<1x16xf32> to vector<16xf32>
        %swap3A_815 = vector.shape_cast %mul3A_810 : vector<16xf32> to vector<1x16xf32>
        tpu.vector_store %arg8[%swap3A_811, %swap3A_812], %swap3A_815 {strides = array<i32>} : memref<400x128xf32, #tpu.memory_space<vmem>>, vector<1x16xf32>,
        %get3A_816 = arith.index_cast %add3A_785 : i32 to index
        %get3A_817 = arith.constant 48 : index
        %get3A_818 = tpu.vector_load %arg8[%get3A_816, %get3A_817] {strides = array<i32>} : memref<400x128xf32, #tpu.memory_space<vmem>>, vector<1x16xf32>,
        %get3A_819 = vector.shape_cast %get3A_818 : vector<1x16xf32> to vector<16xf32>
        %mul3A_820 = arith.mulf %get3A_819, %gather3A_781 : vector<16xf32>
        %swap3A_821 = arith.index_cast %add3A_785 : i32 to index
        %swap3A_822 = arith.constant 48 : index
        %swap3A_823 = tpu.vector_load %arg8[%swap3A_821, %swap3A_822] {strides = array<i32>} : memref<400x128xf32, #tpu.memory_space<vmem>>, vector<1x16xf32>,
        %swap3A_824 = vector.shape_cast %swap3A_823 : vector<1x16xf32> to vector<16xf32>
        %swap3A_825 = vector.shape_cast %mul3A_820 : vector<16xf32> to vector<1x16xf32>
        tpu.vector_store %arg8[%swap3A_821, %swap3A_822], %swap3A_825 {strides = array<i32>} : memref<400x128xf32, #tpu.memory_space<vmem>>, vector<1x16xf32>,
        %get3A_826 = arith.index_cast %add3A_785 : i32 to index
        %get3A_827 = arith.constant 64 : index
        %get3A_828 = tpu.vector_load %arg8[%get3A_826, %get3A_827] {strides = array<i32>} : memref<400x128xf32, #tpu.memory_space<vmem>>, vector<1x16xf32>,
        %get3A_829 = vector.shape_cast %get3A_828 : vector<1x16xf32> to vector<16xf32>
        %mul3A_830 = arith.mulf %get3A_829, %gather3A_781 : vector<16xf32>
        %swap3A_831 = arith.index_cast %add3A_785 : i32 to index
        %swap3A_832 = arith.constant 64 : index
        %swap3A_833 = tpu.vector_load %arg8[%swap3A_831, %swap3A_832] {strides = array<i32>} : memref<400x128xf32, #tpu.memory_space<vmem>>, vector<1x16xf32>,
        %swap3A_834 = vector.shape_cast %swap3A_833 : vector<1x16xf32> to vector<16xf32>
        %swap3A_835 = vector.shape_cast %mul3A_830 : vector<16xf32> to vector<1x16xf32>
        tpu.vector_store %arg8[%swap3A_831, %swap3A_832], %swap3A_835 {strides = array<i32>} : memref<400x128xf32, #tpu.memory_space<vmem>>, vector<1x16xf32>,
        %get3A_836 = arith.index_cast %add3A_785 : i32 to index
        %get3A_837 = arith.constant 80 : index
        %get3A_838 = tpu.vector_load %arg8[%get3A_836, %get3A_837] {strides = array<i32>} : memref<400x128xf32, #tpu.memory_space<vmem>>, vector<1x16xf32>,
        %get3A_839 = vector.shape_cast %get3A_838 : vector<1x16xf32> to vector<16xf32>
        %mul3A_840 = arith.mulf %get3A_839, %gather3A_781 : vector<16xf32>
        %swap3A_841 = arith.index_cast %add3A_785 : i32 to index
        %swap3A_842 = arith.constant 80 : index
        %swap3A_843 = tpu.vector_load %arg8[%swap3A_841, %swap3A_842] {strides = array<i32>} : memref<400x128xf32, #tpu.memory_space<vmem>>, vector<1x16xf32>,
        %swap3A_844 = vector.shape_cast %swap3A_843 : vector<1x16xf32> to vector<16xf32>
        %swap3A_845 = vector.shape_cast %mul3A_840 : vector<16xf32> to vector<1x16xf32>
        tpu.vector_store %arg8[%swap3A_841, %swap3A_842], %swap3A_845 {strides = array<i32>} : memref<400x128xf32, #tpu.memory_space<vmem>>, vector<1x16xf32>,
        %get3A_846 = arith.index_cast %add3A_785 : i32 to index
        %get3A_847 = arith.constant 96 : index
        %get3A_848 = tpu.vector_load %arg8[%get3A_846, %get3A_847] {strides = array<i32>} : memref<400x128xf32, #tpu.memory_space<vmem>>, vector<1x16xf32>,
        %get3A_849 = vector.shape_cast %get3A_848 : vector<1x16xf32> to vector<16xf32>
        %mul3A_850 = arith.mulf %get3A_849, %gather3A_781 : vector<16xf32>
        %swap3A_851 = arith.index_cast %add3A_785 : i32 to index
        %swap3A_852 = arith.constant 96 : index
        %swap3A_853 = tpu.vector_load %arg8[%swap3A_851, %swap3A_852] {strides = array<i32>} : memref<400x128xf32, #tpu.memory_space<vmem>>, vector<1x16xf32>,
        %swap3A_854 = vector.shape_cast %swap3A_853 : vector<1x16xf32> to vector<16xf32>
        %swap3A_855 = vector.shape_cast %mul3A_850 : vector<16xf32> to vector<1x16xf32>
        tpu.vector_store %arg8[%swap3A_851, %swap3A_852], %swap3A_855 {strides = array<i32>} : memref<400x128xf32, #tpu.memory_space<vmem>>, vector<1x16xf32>,
        %get3A_856 = arith.index_cast %add3A_785 : i32 to index
        %get3A_857 = arith.constant 112 : index
        %get3A_858 = tpu.vector_load %arg8[%get3A_856, %get3A_857] {strides = array<i32>} : memref<400x128xf32, #tpu.memory_space<vmem>>, vector<1x16xf32>,
        %get3A_859 = vector.shape_cast %get3A_858 : vector<1x16xf32> to vector<16xf32>
        %mul3A_860 = arith.mulf %get3A_859, %gather3A_781 : vector<16xf32>
        %swap3A_861 = arith.index_cast %add3A_785 : i32 to index
        %swap3A_862 = arith.constant 112 : index
        %swap3A_863 = tpu.vector_load %arg8[%swap3A_861, %swap3A_862] {strides = array<i32>} : memref<400x128xf32, #tpu.memory_space<vmem>>, vector<1x16xf32>,
        %swap3A_864 = vector.shape_cast %swap3A_863 : vector<1x16xf32> to vector<16xf32>
        %swap3A_865 = vector.shape_cast %mul3A_860 : vector<16xf32> to vector<1x16xf32>
        tpu.vector_store %arg8[%swap3A_861, %swap3A_862], %swap3A_865 {strides = array<i32>} : memref<400x128xf32, #tpu.memory_space<vmem>>, vector<1x16xf32>,
        %broadcast_in_dim3A_866 = arith.constant 9 : i32
        %broadcast_in_dim3A_867 = vector.broadcast %broadcast_in_dim3A_866 : i32 to vector<16x1xi32>
        %gather3A_868 = vector.shape_cast %broadcast_in_dim3A_867 : vector<16x1xi32> to vector<16xi32>
        %gather3A_869 = tpu.dynamic_gather %get3A_76[%gather3A_868] in [0] : vector<16xf32>, vector<16xi32> -> vector<16xf32>
        %mul3A_870 = arith.constant 16 : i32
        %mul3A_871 = arith.muli %scan3A_71, %mul3A_870 : i32
        %add3A_872 = arith.constant 9 : i32
        %add3A_873 = arith.addi %mul3A_871, %add3A_872 : i32
        %get3A_874 = arith.index_cast %add3A_873 : i32 to index
        %get3A_875 = arith.constant 0 : index
        %get3A_876 = tpu.vector_load %arg8[%get3A_874, %get3A_875] {strides = array<i32>} : memref<400x128xf32, #tpu.memory_space<vmem>>, vector<1x16xf32>,
        %get3A_877 = vector.shape_cast %get3A_876 : vector<1x16xf32> to vector<16xf32>
        %mul3A_878 = arith.mulf %get3A_877, %gather3A_869 : vector<16xf32>
        %swap3A_879 = arith.index_cast %add3A_873 : i32 to index
        %swap3A_880 = arith.constant 0 : index
        %swap3A_881 = tpu.vector_load %arg8[%swap3A_879, %swap3A_880] {strides = array<i32>} : memref<400x128xf32, #tpu.memory_space<vmem>>, vector<1x16xf32>,
        %swap3A_882 = vector.shape_cast %swap3A_881 : vector<1x16xf32> to vector<16xf32>
        %swap3A_883 = vector.shape_cast %mul3A_878 : vector<16xf32> to vector<1x16xf32>
        tpu.vector_store %arg8[%swap3A_879, %swap3A_880], %swap3A_883 {strides = array<i32>} : memref<400x128xf32, #tpu.memory_space<vmem>>, vector<1x16xf32>,
        %get3A_884 = arith.index_cast %add3A_873 : i32 to index
        %get3A_885 = arith.constant 16 : index
        %get3A_886 = tpu.vector_load %arg8[%get3A_884, %get3A_885] {strides = array<i32>} : memref<400x128xf32, #tpu.memory_space<vmem>>, vector<1x16xf32>,
        %get3A_887 = vector.shape_cast %get3A_886 : vector<1x16xf32> to vector<16xf32>
        %mul3A_888 = arith.mulf %get3A_887, %gather3A_869 : vector<16xf32>
        %swap3A_889 = arith.index_cast %add3A_873 : i32 to index
        %swap3A_890 = arith.constant 16 : index
        %swap3A_891 = tpu.vector_load %arg8[%swap3A_889, %swap3A_890] {strides = array<i32>} : memref<400x128xf32, #tpu.memory_space<vmem>>, vector<1x16xf32>,
        %swap3A_892 = vector.shape_cast %swap3A_891 : vector<1x16xf32> to vector<16xf32>
        %swap3A_893 = vector.shape_cast %mul3A_888 : vector<16xf32> to vector<1x16xf32>
        tpu.vector_store %arg8[%swap3A_889, %swap3A_890], %swap3A_893 {strides = array<i32>} : memref<400x128xf32, #tpu.memory_space<vmem>>, vector<1x16xf32>,
        %get3A_894 = arith.index_cast %add3A_873 : i32 to index
        %get3A_895 = arith.constant 32 : index
        %get3A_896 = tpu.vector_load %arg8[%get3A_894, %get3A_895] {strides = array<i32>} : memref<400x128xf32, #tpu.memory_space<vmem>>, vector<1x16xf32>,
        %get3A_897 = vector.shape_cast %get3A_896 : vector<1x16xf32> to vector<16xf32>
        %mul3A_898 = arith.mulf %get3A_897, %gather3A_869 : vector<16xf32>
        %swap3A_899 = arith.index_cast %add3A_873 : i32 to index
        %swap3A_900 = arith.constant 32 : index
        %swap3A_901 = tpu.vector_load %arg8[%swap3A_899, %swap3A_900] {strides = array<i32>} : memref<400x128xf32, #tpu.memory_space<vmem>>, vector<1x16xf32>,
        %swap3A_902 = vector.shape_cast %swap3A_901 : vector<1x16xf32> to vector<16xf32>
        %swap3A_903 = vector.shape_cast %mul3A_898 : vector<16xf32> to vector<1x16xf32>
        tpu.vector_store %arg8[%swap3A_899, %swap3A_900], %swap3A_903 {strides = array<i32>} : memref<400x128xf32, #tpu.memory_space<vmem>>, vector<1x16xf32>,
        %get3A_904 = arith.index_cast %add3A_873 : i32 to index
        %get3A_905 = arith.constant 48 : index
        %get3A_906 = tpu.vector_load %arg8[%get3A_904, %get3A_905] {strides = array<i32>} : memref<400x128xf32, #tpu.memory_space<vmem>>, vector<1x16xf32>,
        %get3A_907 = vector.shape_cast %get3A_906 : vector<1x16xf32> to vector<16xf32>
        %mul3A_908 = arith.mulf %get3A_907, %gather3A_869 : vector<16xf32>
        %swap3A_909 = arith.index_cast %add3A_873 : i32 to index
        %swap3A_910 = arith.constant 48 : index
        %swap3A_911 = tpu.vector_load %arg8[%swap3A_909, %swap3A_910] {strides = array<i32>} : memref<400x128xf32, #tpu.memory_space<vmem>>, vector<1x16xf32>,
        %swap3A_912 = vector.shape_cast %swap3A_911 : vector<1x16xf32> to vector<16xf32>
        %swap3A_913 = vector.shape_cast %mul3A_908 : vector<16xf32> to vector<1x16xf32>
        tpu.vector_store %arg8[%swap3A_909, %swap3A_910], %swap3A_913 {strides = array<i32>} : memref<400x128xf32, #tpu.memory_space<vmem>>, vector<1x16xf32>,
        %get3A_914 = arith.index_cast %add3A_873 : i32 to index
        %get3A_915 = arith.constant 64 : index
        %get3A_916 = tpu.vector_load %arg8[%get3A_914, %get3A_915] {strides = array<i32>} : memref<400x128xf32, #tpu.memory_space<vmem>>, vector<1x16xf32>,
        %get3A_917 = vector.shape_cast %get3A_916 : vector<1x16xf32> to vector<16xf32>
        %mul3A_918 = arith.mulf %get3A_917, %gather3A_869 : vector<16xf32>
        %swap3A_919 = arith.index_cast %add3A_873 : i32 to index
        %swap3A_920 = arith.constant 64 : index
        %swap3A_921 = tpu.vector_load %arg8[%swap3A_919, %swap3A_920] {strides = array<i32>} : memref<400x128xf32, #tpu.memory_space<vmem>>, vector<1x16xf32>,
        %swap3A_922 = vector.shape_cast %swap3A_921 : vector<1x16xf32> to vector<16xf32>
        %swap3A_923 = vector.shape_cast %mul3A_918 : vector<16xf32> to vector<1x16xf32>
        tpu.vector_store %arg8[%swap3A_919, %swap3A_920], %swap3A_923 {strides = array<i32>} : memref<400x128xf32, #tpu.memory_space<vmem>>, vector<1x16xf32>,
        %get3A_924 = arith.index_cast %add3A_873 : i32 to index
        %get3A_925 = arith.constant 80 : index
        %get3A_926 = tpu.vector_load %arg8[%get3A_924, %get3A_925] {strides = array<i32>} : memref<400x128xf32, #tpu.memory_space<vmem>>, vector<1x16xf32>,
        %get3A_927 = vector.shape_cast %get3A_926 : vector<1x16xf32> to vector<16xf32>
        %mul3A_928 = arith.mulf %get3A_927, %gather3A_869 : vector<16xf32>
        %swap3A_929 = arith.index_cast %add3A_873 : i32 to index
        %swap3A_930 = arith.constant 80 : index
        %swap3A_931 = tpu.vector_load %arg8[%swap3A_929, %swap3A_930] {strides = array<i32>} : memref<400x128xf32, #tpu.memory_space<vmem>>, vector<1x16xf32>,
        %swap3A_932 = vector.shape_cast %swap3A_931 : vector<1x16xf32> to vector<16xf32>
        %swap3A_933 = vector.shape_cast %mul3A_928 : vector<16xf32> to vector<1x16xf32>
        tpu.vector_store %arg8[%swap3A_929, %swap3A_930], %swap3A_933 {strides = array<i32>} : memref<400x128xf32, #tpu.memory_space<vmem>>, vector<1x16xf32>,
        %get3A_934 = arith.index_cast %add3A_873 : i32 to index
        %get3A_935 = arith.constant 96 : index
        %get3A_936 = tpu.vector_load %arg8[%get3A_934, %get3A_935] {strides = array<i32>} : memref<400x128xf32, #tpu.memory_space<vmem>>, vector<1x16xf32>,
        %get3A_937 = vector.shape_cast %get3A_936 : vector<1x16xf32> to vector<16xf32>
        %mul3A_938 = arith.mulf %get3A_937, %gather3A_869 : vector<16xf32>
        %swap3A_939 = arith.index_cast %add3A_873 : i32 to index
        %swap3A_940 = arith.constant 96 : index
        %swap3A_941 = tpu.vector_load %arg8[%swap3A_939, %swap3A_940] {strides = array<i32>} : memref<400x128xf32, #tpu.memory_space<vmem>>, vector<1x16xf32>,
        %swap3A_942 = vector.shape_cast %swap3A_941 : vector<1x16xf32> to vector<16xf32>
        %swap3A_943 = vector.shape_cast %mul3A_938 : vector<16xf32> to vector<1x16xf32>
        tpu.vector_store %arg8[%swap3A_939, %swap3A_940], %swap3A_943 {strides = array<i32>} : memref<400x128xf32, #tpu.memory_space<vmem>>, vector<1x16xf32>,
        %get3A_944 = arith.index_cast %add3A_873 : i32 to index
        %get3A_945 = arith.constant 112 : index
        %get3A_946 = tpu.vector_load %arg8[%get3A_944, %get3A_945] {strides = array<i32>} : memref<400x128xf32, #tpu.memory_space<vmem>>, vector<1x16xf32>,
        %get3A_947 = vector.shape_cast %get3A_946 : vector<1x16xf32> to vector<16xf32>
        %mul3A_948 = arith.mulf %get3A_947, %gather3A_869 : vector<16xf32>
        %swap3A_949 = arith.index_cast %add3A_873 : i32 to index
        %swap3A_950 = arith.constant 112 : index
        %swap3A_951 = tpu.vector_load %arg8[%swap3A_949, %swap3A_950] {strides = array<i32>} : memref<400x128xf32, #tpu.memory_space<vmem>>, vector<1x16xf32>,
        %swap3A_952 = vector.shape_cast %swap3A_951 : vector<1x16xf32> to vector<16xf32>
        %swap3A_953 = vector.shape_cast %mul3A_948 : vector<16xf32> to vector<1x16xf32>
        tpu.vector_store %arg8[%swap3A_949, %swap3A_950], %swap3A_953 {strides = array<i32>} : memref<400x128xf32, #tpu.memory_space<vmem>>, vector<1x16xf32>,
        %broadcast_in_dim3A_954 = arith.constant 10 : i32
        %broadcast_in_dim3A_955 = vector.broadcast %broadcast_in_dim3A_954 : i32 to vector<16x1xi32>
        %gather3A_956 = vector.shape_cast %broadcast_in_dim3A_955 : vector<16x1xi32> to vector<16xi32>
        %gather3A_957 = tpu.dynamic_gather %get3A_76[%gather3A_956] in [0] : vector<16xf32>, vector<16xi32> -> vector<16xf32>
        %mul3A_958 = arith.constant 16 : i32
        %mul3A_959 = arith.muli %scan3A_71, %mul3A_958 : i32
        %add3A_960 = arith.constant 10 : i32
        %add3A_961 = arith.addi %mul3A_959, %add3A_960 : i32
        %get3A_962 = arith.index_cast %add3A_961 : i32 to index
        %get3A_963 = arith.constant 0 : index
        %get3A_964 = tpu.vector_load %arg8[%get3A_962, %get3A_963] {strides = array<i32>} : memref<400x128xf32, #tpu.memory_space<vmem>>, vector<1x16xf32>,
        %get3A_965 = vector.shape_cast %get3A_964 : vector<1x16xf32> to vector<16xf32>
        %mul3A_966 = arith.mulf %get3A_965, %gather3A_957 : vector<16xf32>
        %swap3A_967 = arith.index_cast %add3A_961 : i32 to index
        %swap3A_968 = arith.constant 0 : index
        %swap3A_969 = tpu.vector_load %arg8[%swap3A_967, %swap3A_968] {strides = array<i32>} : memref<400x128xf32, #tpu.memory_space<vmem>>, vector<1x16xf32>,
        %swap3A_970 = vector.shape_cast %swap3A_969 : vector<1x16xf32> to vector<16xf32>
        %swap3A_971 = vector.shape_cast %mul3A_966 : vector<16xf32> to vector<1x16xf32>
        tpu.vector_store %arg8[%swap3A_967, %swap3A_968], %swap3A_971 {strides = array<i32>} : memref<400x128xf32, #tpu.memory_space<vmem>>, vector<1x16xf32>,
        %get3A_972 = arith.index_cast %add3A_961 : i32 to index
        %get3A_973 = arith.constant 16 : index
        %get3A_974 = tpu.vector_load %arg8[%get3A_972, %get3A_973] {strides = array<i32>} : memref<400x128xf32, #tpu.memory_space<vmem>>, vector<1x16xf32>,
        %get3A_975 = vector.shape_cast %get3A_974 : vector<1x16xf32> to vector<16xf32>
        %mul3A_976 = arith.mulf %get3A_975, %gather3A_957 : vector<16xf32>
        %swap3A_977 = arith.index_cast %add3A_961 : i32 to index
        %swap3A_978 = arith.constant 16 : index
        %swap3A_979 = tpu.vector_load %arg8[%swap3A_977, %swap3A_978] {strides = array<i32>} : memref<400x128xf32, #tpu.memory_space<vmem>>, vector<1x16xf32>,
        %swap3A_980 = vector.shape_cast %swap3A_979 : vector<1x16xf32> to vector<16xf32>
        %swap3A_981 = vector.shape_cast %mul3A_976 : vector<16xf32> to vector<1x16xf32>
        tpu.vector_store %arg8[%swap3A_977, %swap3A_978], %swap3A_981 {strides = array<i32>} : memref<400x128xf32, #tpu.memory_space<vmem>>, vector<1x16xf32>,
        %get3A_982 = arith.index_cast %add3A_961 : i32 to index
        %get3A_983 = arith.constant 32 : index
        %get3A_984 = tpu.vector_load %arg8[%get3A_982, %get3A_983] {strides = array<i32>} : memref<400x128xf32, #tpu.memory_space<vmem>>, vector<1x16xf32>,
        %get3A_985 = vector.shape_cast %get3A_984 : vector<1x16xf32> to vector<16xf32>
        %mul3A_986 = arith.mulf %get3A_985, %gather3A_957 : vector<16xf32>
        %swap3A_987 = arith.index_cast %add3A_961 : i32 to index
        %swap3A_988 = arith.constant 32 : index
        %swap3A_989 = tpu.vector_load %arg8[%swap3A_987, %swap3A_988] {strides = array<i32>} : memref<400x128xf32, #tpu.memory_space<vmem>>, vector<1x16xf32>,
        %swap3A_990 = vector.shape_cast %swap3A_989 : vector<1x16xf32> to vector<16xf32>
        %swap3A_991 = vector.shape_cast %mul3A_986 : vector<16xf32> to vector<1x16xf32>
        tpu.vector_store %arg8[%swap3A_987, %swap3A_988], %swap3A_991 {strides = array<i32>} : memref<400x128xf32, #tpu.memory_space<vmem>>, vector<1x16xf32>,
        %get3A_992 = arith.index_cast %add3A_961 : i32 to index
        %get3A_993 = arith.constant 48 : index
        %get3A_994 = tpu.vector_load %arg8[%get3A_992, %get3A_993] {strides = array<i32>} : memref<400x128xf32, #tpu.memory_space<vmem>>, vector<1x16xf32>,
        %get3A_995 = vector.shape_cast %get3A_994 : vector<1x16xf32> to vector<16xf32>
        %mul3A_996 = arith.mulf %get3A_995, %gather3A_957 : vector<16xf32>
        %swap3A_997 = arith.index_cast %add3A_961 : i32 to index
        %swap3A_998 = arith.constant 48 : index
        %swap3A_999 = tpu.vector_load %arg8[%swap3A_997, %swap3A_998] {strides = array<i32>} : memref<400x128xf32, #tpu.memory_space<vmem>>, vector<1x16xf32>,
        %swap3A_1000 = vector.shape_cast %swap3A_999 : vector<1x16xf32> to vector<16xf32>
        %swap3A_1001 = vector.shape_cast %mul3A_996 : vector<16xf32> to vector<1x16xf32>
        tpu.vector_store %arg8[%swap3A_997, %swap3A_998], %swap3A_1001 {strides = array<i32>} : memref<400x128xf32, #tpu.memory_space<vmem>>, vector<1x16xf32>,
        %get3A_1002 = arith.index_cast %add3A_961 : i32 to index
        %get3A_1003 = arith.constant 64 : index
        %get3A_1004 = tpu.vector_load %arg8[%get3A_1002, %get3A_1003] {strides = array<i32>} : memref<400x128xf32, #tpu.memory_space<vmem>>, vector<1x16xf32>,
        %get3A_1005 = vector.shape_cast %get3A_1004 : vector<1x16xf32> to vector<16xf32>
        %mul3A_1006 = arith.mulf %get3A_1005, %gather3A_957 : vector<16xf32>
        %swap3A_1007 = arith.index_cast %add3A_961 : i32 to index
        %swap3A_1008 = arith.constant 64 : index
        %swap3A_1009 = tpu.vector_load %arg8[%swap3A_1007, %swap3A_1008] {strides = array<i32>} : memref<400x128xf32, #tpu.memory_space<vmem>>, vector<1x16xf32>,
        %swap3A_1010 = vector.shape_cast %swap3A_1009 : vector<1x16xf32> to vector<16xf32>
        %swap3A_1011 = vector.shape_cast %mul3A_1006 : vector<16xf32> to vector<1x16xf32>
        tpu.vector_store %arg8[%swap3A_1007, %swap3A_1008], %swap3A_1011 {strides = array<i32>} : memref<400x128xf32, #tpu.memory_space<vmem>>, vector<1x16xf32>,
        %get3A_1012 = arith.index_cast %add3A_961 : i32 to index
        %get3A_1013 = arith.constant 80 : index
        %get3A_1014 = tpu.vector_load %arg8[%get3A_1012, %get3A_1013] {strides = array<i32>} : memref<400x128xf32, #tpu.memory_space<vmem>>, vector<1x16xf32>,
        %get3A_1015 = vector.shape_cast %get3A_1014 : vector<1x16xf32> to vector<16xf32>
        %mul3A_1016 = arith.mulf %get3A_1015, %gather3A_957 : vector<16xf32>
        %swap3A_1017 = arith.index_cast %add3A_961 : i32 to index
        %swap3A_1018 = arith.constant 80 : index
        %swap3A_1019 = tpu.vector_load %arg8[%swap3A_1017, %swap3A_1018] {strides = array<i32>} : memref<400x128xf32, #tpu.memory_space<vmem>>, vector<1x16xf32>,
        %swap3A_1020 = vector.shape_cast %swap3A_1019 : vector<1x16xf32> to vector<16xf32>
        %swap3A_1021 = vector.shape_cast %mul3A_1016 : vector<16xf32> to vector<1x16xf32>
        tpu.vector_store %arg8[%swap3A_1017, %swap3A_1018], %swap3A_1021 {strides = array<i32>} : memref<400x128xf32, #tpu.memory_space<vmem>>, vector<1x16xf32>,
        %get3A_1022 = arith.index_cast %add3A_961 : i32 to index
        %get3A_1023 = arith.constant 96 : index
        %get3A_1024 = tpu.vector_load %arg8[%get3A_1022, %get3A_1023] {strides = array<i32>} : memref<400x128xf32, #tpu.memory_space<vmem>>, vector<1x16xf32>,
        %get3A_1025 = vector.shape_cast %get3A_1024 : vector<1x16xf32> to vector<16xf32>
        %mul3A_1026 = arith.mulf %get3A_1025, %gather3A_957 : vector<16xf32>
        %swap3A_1027 = arith.index_cast %add3A_961 : i32 to index
        %swap3A_1028 = arith.constant 96 : index
        %swap3A_1029 = tpu.vector_load %arg8[%swap3A_1027, %swap3A_1028] {strides = array<i32>} : memref<400x128xf32, #tpu.memory_space<vmem>>, vector<1x16xf32>,
        %swap3A_1030 = vector.shape_cast %swap3A_1029 : vector<1x16xf32> to vector<16xf32>
        %swap3A_1031 = vector.shape_cast %mul3A_1026 : vector<16xf32> to vector<1x16xf32>
        tpu.vector_store %arg8[%swap3A_1027, %swap3A_1028], %swap3A_1031 {strides = array<i32>} : memref<400x128xf32, #tpu.memory_space<vmem>>, vector<1x16xf32>,
        %get3A_1032 = arith.index_cast %add3A_961 : i32 to index
        %get3A_1033 = arith.constant 112 : index
        %get3A_1034 = tpu.vector_load %arg8[%get3A_1032, %get3A_1033] {strides = array<i32>} : memref<400x128xf32, #tpu.memory_space<vmem>>, vector<1x16xf32>,
        %get3A_1035 = vector.shape_cast %get3A_1034 : vector<1x16xf32> to vector<16xf32>
        %mul3A_1036 = arith.mulf %get3A_1035, %gather3A_957 : vector<16xf32>
        %swap3A_1037 = arith.index_cast %add3A_961 : i32 to index
        %swap3A_1038 = arith.constant 112 : index
        %swap3A_1039 = tpu.vector_load %arg8[%swap3A_1037, %swap3A_1038] {strides = array<i32>} : memref<400x128xf32, #tpu.memory_space<vmem>>, vector<1x16xf32>,
        %swap3A_1040 = vector.shape_cast %swap3A_1039 : vector<1x16xf32> to vector<16xf32>
        %swap3A_1041 = vector.shape_cast %mul3A_1036 : vector<16xf32> to vector<1x16xf32>
        tpu.vector_store %arg8[%swap3A_1037, %swap3A_1038], %swap3A_1041 {strides = array<i32>} : memref<400x128xf32, #tpu.memory_space<vmem>>, vector<1x16xf32>,
        %broadcast_in_dim3A_1042 = arith.constant 11 : i32
        %broadcast_in_dim3A_1043 = vector.broadcast %broadcast_in_dim3A_1042 : i32 to vector<16x1xi32>
        %gather3A_1044 = vector.shape_cast %broadcast_in_dim3A_1043 : vector<16x1xi32> to vector<16xi32>
        %gather3A_1045 = tpu.dynamic_gather %get3A_76[%gather3A_1044] in [0] : vector<16xf32>, vector<16xi32> -> vector<16xf32>
        %mul3A_1046 = arith.constant 16 : i32
        %mul3A_1047 = arith.muli %scan3A_71, %mul3A_1046 : i32
        %add3A_1048 = arith.constant 11 : i32
        %add3A_1049 = arith.addi %mul3A_1047, %add3A_1048 : i32
        %get3A_1050 = arith.index_cast %add3A_1049 : i32 to index
        %get3A_1051 = arith.constant 0 : index
        %get3A_1052 = tpu.vector_load %arg8[%get3A_1050, %get3A_1051] {strides = array<i32>} : memref<400x128xf32, #tpu.memory_space<vmem>>, vector<1x16xf32>,
        %get3A_1053 = vector.shape_cast %get3A_1052 : vector<1x16xf32> to vector<16xf32>
        %mul3A_1054 = arith.mulf %get3A_1053, %gather3A_1045 : vector<16xf32>
        %swap3A_1055 = arith.index_cast %add3A_1049 : i32 to index
        %swap3A_1056 = arith.constant 0 : index
        %swap3A_1057 = tpu.vector_load %arg8[%swap3A_1055, %swap3A_1056] {strides = array<i32>} : memref<400x128xf32, #tpu.memory_space<vmem>>, vector<1x16xf32>,
        %swap3A_1058 = vector.shape_cast %swap3A_1057 : vector<1x16xf32> to vector<16xf32>
        %swap3A_1059 = vector.shape_cast %mul3A_1054 : vector<16xf32> to vector<1x16xf32>
        tpu.vector_store %arg8[%swap3A_1055, %swap3A_1056], %swap3A_1059 {strides = array<i32>} : memref<400x128xf32, #tpu.memory_space<vmem>>, vector<1x16xf32>,
        %get3A_1060 = arith.index_cast %add3A_1049 : i32 to index
        %get3A_1061 = arith.constant 16 : index
        %get3A_1062 = tpu.vector_load %arg8[%get3A_1060, %get3A_1061] {strides = array<i32>} : memref<400x128xf32, #tpu.memory_space<vmem>>, vector<1x16xf32>,
        %get3A_1063 = vector.shape_cast %get3A_1062 : vector<1x16xf32> to vector<16xf32>
        %mul3A_1064 = arith.mulf %get3A_1063, %gather3A_1045 : vector<16xf32>
        %swap3A_1065 = arith.index_cast %add3A_1049 : i32 to index
        %swap3A_1066 = arith.constant 16 : index
        %swap3A_1067 = tpu.vector_load %arg8[%swap3A_1065, %swap3A_1066] {strides = array<i32>} : memref<400x128xf32, #tpu.memory_space<vmem>>, vector<1x16xf32>,
        %swap3A_1068 = vector.shape_cast %swap3A_1067 : vector<1x16xf32> to vector<16xf32>
        %swap3A_1069 = vector.shape_cast %mul3A_1064 : vector<16xf32> to vector<1x16xf32>
        tpu.vector_store %arg8[%swap3A_1065, %swap3A_1066], %swap3A_1069 {strides = array<i32>} : memref<400x128xf32, #tpu.memory_space<vmem>>, vector<1x16xf32>,
        %get3A_1070 = arith.index_cast %add3A_1049 : i32 to index
        %get3A_1071 = arith.constant 32 : index
        %get3A_1072 = tpu.vector_load %arg8[%get3A_1070, %get3A_1071] {strides = array<i32>} : memref<400x128xf32, #tpu.memory_space<vmem>>, vector<1x16xf32>,
        %get3A_1073 = vector.shape_cast %get3A_1072 : vector<1x16xf32> to vector<16xf32>
        %mul3A_1074 = arith.mulf %get3A_1073, %gather3A_1045 : vector<16xf32>
        %swap3A_1075 = arith.index_cast %add3A_1049 : i32 to index
        %swap3A_1076 = arith.constant 32 : index
        %swap3A_1077 = tpu.vector_load %arg8[%swap3A_1075, %swap3A_1076] {strides = array<i32>} : memref<400x128xf32, #tpu.memory_space<vmem>>, vector<1x16xf32>,
        %swap3A_1078 = vector.shape_cast %swap3A_1077 : vector<1x16xf32> to vector<16xf32>
        %swap3A_1079 = vector.shape_cast %mul3A_1074 : vector<16xf32> to vector<1x16xf32>
        tpu.vector_store %arg8[%swap3A_1075, %swap3A_1076], %swap3A_1079 {strides = array<i32>} : memref<400x128xf32, #tpu.memory_space<vmem>>, vector<1x16xf32>,
        %get3A_1080 = arith.index_cast %add3A_1049 : i32 to index
        %get3A_1081 = arith.constant 48 : index
        %get3A_1082 = tpu.vector_load %arg8[%get3A_1080, %get3A_1081] {strides = array<i32>} : memref<400x128xf32, #tpu.memory_space<vmem>>, vector<1x16xf32>,
        %get3A_1083 = vector.shape_cast %get3A_1082 : vector<1x16xf32> to vector<16xf32>
        %mul3A_1084 = arith.mulf %get3A_1083, %gather3A_1045 : vector<16xf32>
        %swap3A_1085 = arith.index_cast %add3A_1049 : i32 to index
        %swap3A_1086 = arith.constant 48 : index
        %swap3A_1087 = tpu.vector_load %arg8[%swap3A_1085, %swap3A_1086] {strides = array<i32>} : memref<400x128xf32, #tpu.memory_space<vmem>>, vector<1x16xf32>,
        %swap3A_1088 = vector.shape_cast %swap3A_1087 : vector<1x16xf32> to vector<16xf32>
        %swap3A_1089 = vector.shape_cast %mul3A_1084 : vector<16xf32> to vector<1x16xf32>
        tpu.vector_store %arg8[%swap3A_1085, %swap3A_1086], %swap3A_1089 {strides = array<i32>} : memref<400x128xf32, #tpu.memory_space<vmem>>, vector<1x16xf32>,
        %get3A_1090 = arith.index_cast %add3A_1049 : i32 to index
        %get3A_1091 = arith.constant 64 : index
        %get3A_1092 = tpu.vector_load %arg8[%get3A_1090, %get3A_1091] {strides = array<i32>} : memref<400x128xf32, #tpu.memory_space<vmem>>, vector<1x16xf32>,
        %get3A_1093 = vector.shape_cast %get3A_1092 : vector<1x16xf32> to vector<16xf32>
        %mul3A_1094 = arith.mulf %get3A_1093, %gather3A_1045 : vector<16xf32>
        %swap3A_1095 = arith.index_cast %add3A_1049 : i32 to index
        %swap3A_1096 = arith.constant 64 : index
        %swap3A_1097 = tpu.vector_load %arg8[%swap3A_1095, %swap3A_1096] {strides = array<i32>} : memref<400x128xf32, #tpu.memory_space<vmem>>, vector<1x16xf32>,
        %swap3A_1098 = vector.shape_cast %swap3A_1097 : vector<1x16xf32> to vector<16xf32>
        %swap3A_1099 = vector.shape_cast %mul3A_1094 : vector<16xf32> to vector<1x16xf32>
        tpu.vector_store %arg8[%swap3A_1095, %swap3A_1096], %swap3A_1099 {strides = array<i32>} : memref<400x128xf32, #tpu.memory_space<vmem>>, vector<1x16xf32>,
        %get3A_1100 = arith.index_cast %add3A_1049 : i32 to index
        %get3A_1101 = arith.constant 80 : index
        %get3A_1102 = tpu.vector_load %arg8[%get3A_1100, %get3A_1101] {strides = array<i32>} : memref<400x128xf32, #tpu.memory_space<vmem>>, vector<1x16xf32>,
        %get3A_1103 = vector.shape_cast %get3A_1102 : vector<1x16xf32> to vector<16xf32>
        %mul3A_1104 = arith.mulf %get3A_1103, %gather3A_1045 : vector<16xf32>
        %swap3A_1105 = arith.index_cast %add3A_1049 : i32 to index
        %swap3A_1106 = arith.constant 80 : index
        %swap3A_1107 = tpu.vector_load %arg8[%swap3A_1105, %swap3A_1106] {strides = array<i32>} : memref<400x128xf32, #tpu.memory_space<vmem>>, vector<1x16xf32>,
        %swap3A_1108 = vector.shape_cast %swap3A_1107 : vector<1x16xf32> to vector<16xf32>
        %swap3A_1109 = vector.shape_cast %mul3A_1104 : vector<16xf32> to vector<1x16xf32>
        tpu.vector_store %arg8[%swap3A_1105, %swap3A_1106], %swap3A_1109 {strides = array<i32>} : memref<400x128xf32, #tpu.memory_space<vmem>>, vector<1x16xf32>,
        %get3A_1110 = arith.index_cast %add3A_1049 : i32 to index
        %get3A_1111 = arith.constant 96 : index
        %get3A_1112 = tpu.vector_load %arg8[%get3A_1110, %get3A_1111] {strides = array<i32>} : memref<400x128xf32, #tpu.memory_space<vmem>>, vector<1x16xf32>,
        %get3A_1113 = vector.shape_cast %get3A_1112 : vector<1x16xf32> to vector<16xf32>
        %mul3A_1114 = arith.mulf %get3A_1113, %gather3A_1045 : vector<16xf32>
        %swap3A_1115 = arith.index_cast %add3A_1049 : i32 to index
        %swap3A_1116 = arith.constant 96 : index
        %swap3A_1117 = tpu.vector_load %arg8[%swap3A_1115, %swap3A_1116] {strides = array<i32>} : memref<400x128xf32, #tpu.memory_space<vmem>>, vector<1x16xf32>,
        %swap3A_1118 = vector.shape_cast %swap3A_1117 : vector<1x16xf32> to vector<16xf32>
        %swap3A_1119 = vector.shape_cast %mul3A_1114 : vector<16xf32> to vector<1x16xf32>
        tpu.vector_store %arg8[%swap3A_1115, %swap3A_1116], %swap3A_1119 {strides = array<i32>} : memref<400x128xf32, #tpu.memory_space<vmem>>, vector<1x16xf32>,
        %get3A_1120 = arith.index_cast %add3A_1049 : i32 to index
        %get3A_1121 = arith.constant 112 : index
        %get3A_1122 = tpu.vector_load %arg8[%get3A_1120, %get3A_1121] {strides = array<i32>} : memref<400x128xf32, #tpu.memory_space<vmem>>, vector<1x16xf32>,
        %get3A_1123 = vector.shape_cast %get3A_1122 : vector<1x16xf32> to vector<16xf32>
        %mul3A_1124 = arith.mulf %get3A_1123, %gather3A_1045 : vector<16xf32>
        %swap3A_1125 = arith.index_cast %add3A_1049 : i32 to index
        %swap3A_1126 = arith.constant 112 : index
        %swap3A_1127 = tpu.vector_load %arg8[%swap3A_1125, %swap3A_1126] {strides = array<i32>} : memref<400x128xf32, #tpu.memory_space<vmem>>, vector<1x16xf32>,
        %swap3A_1128 = vector.shape_cast %swap3A_1127 : vector<1x16xf32> to vector<16xf32>
        %swap3A_1129 = vector.shape_cast %mul3A_1124 : vector<16xf32> to vector<1x16xf32>
        tpu.vector_store %arg8[%swap3A_1125, %swap3A_1126], %swap3A_1129 {strides = array<i32>} : memref<400x128xf32, #tpu.memory_space<vmem>>, vector<1x16xf32>,
        %broadcast_in_dim3A_1130 = arith.constant 12 : i32
        %broadcast_in_dim3A_1131 = vector.broadcast %broadcast_in_dim3A_1130 : i32 to vector<16x1xi32>
        %gather3A_1132 = vector.shape_cast %broadcast_in_dim3A_1131 : vector<16x1xi32> to vector<16xi32>
        %gather3A_1133 = tpu.dynamic_gather %get3A_76[%gather3A_1132] in [0] : vector<16xf32>, vector<16xi32> -> vector<16xf32>
        %mul3A_1134 = arith.constant 16 : i32
        %mul3A_1135 = arith.muli %scan3A_71, %mul3A_1134 : i32
        %add3A_1136 = arith.constant 12 : i32
        %add3A_1137 = arith.addi %mul3A_1135, %add3A_1136 : i32
        %get3A_1138 = arith.index_cast %add3A_1137 : i32 to index
        %get3A_1139 = arith.constant 0 : index
        %get3A_1140 = tpu.vector_load %arg8[%get3A_1138, %get3A_1139] {strides = array<i32>} : memref<400x128xf32, #tpu.memory_space<vmem>>, vector<1x16xf32>,
        %get3A_1141 = vector.shape_cast %get3A_1140 : vector<1x16xf32> to vector<16xf32>
        %mul3A_1142 = arith.mulf %get3A_1141, %gather3A_1133 : vector<16xf32>
        %swap3A_1143 = arith.index_cast %add3A_1137 : i32 to index
        %swap3A_1144 = arith.constant 0 : index
        %swap3A_1145 = tpu.vector_load %arg8[%swap3A_1143, %swap3A_1144] {strides = array<i32>} : memref<400x128xf32, #tpu.memory_space<vmem>>, vector<1x16xf32>,
        %swap3A_1146 = vector.shape_cast %swap3A_1145 : vector<1x16xf32> to vector<16xf32>
        %swap3A_1147 = vector.shape_cast %mul3A_1142 : vector<16xf32> to vector<1x16xf32>
        tpu.vector_store %arg8[%swap3A_1143, %swap3A_1144], %swap3A_1147 {strides = array<i32>} : memref<400x128xf32, #tpu.memory_space<vmem>>, vector<1x16xf32>,
        %get3A_1148 = arith.index_cast %add3A_1137 : i32 to index
        %get3A_1149 = arith.constant 16 : index
        %get3A_1150 = tpu.vector_load %arg8[%get3A_1148, %get3A_1149] {strides = array<i32>} : memref<400x128xf32, #tpu.memory_space<vmem>>, vector<1x16xf32>,
        %get3A_1151 = vector.shape_cast %get3A_1150 : vector<1x16xf32> to vector<16xf32>
        %mul3A_1152 = arith.mulf %get3A_1151, %gather3A_1133 : vector<16xf32>
        %swap3A_1153 = arith.index_cast %add3A_1137 : i32 to index
        %swap3A_1154 = arith.constant 16 : index
        %swap3A_1155 = tpu.vector_load %arg8[%swap3A_1153, %swap3A_1154] {strides = array<i32>} : memref<400x128xf32, #tpu.memory_space<vmem>>, vector<1x16xf32>,
        %swap3A_1156 = vector.shape_cast %swap3A_1155 : vector<1x16xf32> to vector<16xf32>
        %swap3A_1157 = vector.shape_cast %mul3A_1152 : vector<16xf32> to vector<1x16xf32>
        tpu.vector_store %arg8[%swap3A_1153, %swap3A_1154], %swap3A_1157 {strides = array<i32>} : memref<400x128xf32, #tpu.memory_space<vmem>>, vector<1x16xf32>,
        %get3A_1158 = arith.index_cast %add3A_1137 : i32 to index
        %get3A_1159 = arith.constant 32 : index
        %get3A_1160 = tpu.vector_load %arg8[%get3A_1158, %get3A_1159] {strides = array<i32>} : memref<400x128xf32, #tpu.memory_space<vmem>>, vector<1x16xf32>,
        %get3A_1161 = vector.shape_cast %get3A_1160 : vector<1x16xf32> to vector<16xf32>
        %mul3A_1162 = arith.mulf %get3A_1161, %gather3A_1133 : vector<16xf32>
        %swap3A_1163 = arith.index_cast %add3A_1137 : i32 to index
        %swap3A_1164 = arith.constant 32 : index
        %swap3A_1165 = tpu.vector_load %arg8[%swap3A_1163, %swap3A_1164] {strides = array<i32>} : memref<400x128xf32, #tpu.memory_space<vmem>>, vector<1x16xf32>,
        %swap3A_1166 = vector.shape_cast %swap3A_1165 : vector<1x16xf32> to vector<16xf32>
        %swap3A_1167 = vector.shape_cast %mul3A_1162 : vector<16xf32> to vector<1x16xf32>
        tpu.vector_store %arg8[%swap3A_1163, %swap3A_1164], %swap3A_1167 {strides = array<i32>} : memref<400x128xf32, #tpu.memory_space<vmem>>, vector<1x16xf32>,
        %get3A_1168 = arith.index_cast %add3A_1137 : i32 to index
        %get3A_1169 = arith.constant 48 : index
        %get3A_1170 = tpu.vector_load %arg8[%get3A_1168, %get3A_1169] {strides = array<i32>} : memref<400x128xf32, #tpu.memory_space<vmem>>, vector<1x16xf32>,
        %get3A_1171 = vector.shape_cast %get3A_1170 : vector<1x16xf32> to vector<16xf32>
        %mul3A_1172 = arith.mulf %get3A_1171, %gather3A_1133 : vector<16xf32>
        %swap3A_1173 = arith.index_cast %add3A_1137 : i32 to index
        %swap3A_1174 = arith.constant 48 : index
        %swap3A_1175 = tpu.vector_load %arg8[%swap3A_1173, %swap3A_1174] {strides = array<i32>} : memref<400x128xf32, #tpu.memory_space<vmem>>, vector<1x16xf32>,
        %swap3A_1176 = vector.shape_cast %swap3A_1175 : vector<1x16xf32> to vector<16xf32>
        %swap3A_1177 = vector.shape_cast %mul3A_1172 : vector<16xf32> to vector<1x16xf32>
        tpu.vector_store %arg8[%swap3A_1173, %swap3A_1174], %swap3A_1177 {strides = array<i32>} : memref<400x128xf32, #tpu.memory_space<vmem>>, vector<1x16xf32>,
        %get3A_1178 = arith.index_cast %add3A_1137 : i32 to index
        %get3A_1179 = arith.constant 64 : index
        %get3A_1180 = tpu.vector_load %arg8[%get3A_1178, %get3A_1179] {strides = array<i32>} : memref<400x128xf32, #tpu.memory_space<vmem>>, vector<1x16xf32>,
        %get3A_1181 = vector.shape_cast %get3A_1180 : vector<1x16xf32> to vector<16xf32>
        %mul3A_1182 = arith.mulf %get3A_1181, %gather3A_1133 : vector<16xf32>
        %swap3A_1183 = arith.index_cast %add3A_1137 : i32 to index
        %swap3A_1184 = arith.constant 64 : index
        %swap3A_1185 = tpu.vector_load %arg8[%swap3A_1183, %swap3A_1184] {strides = array<i32>} : memref<400x128xf32, #tpu.memory_space<vmem>>, vector<1x16xf32>,
        %swap3A_1186 = vector.shape_cast %swap3A_1185 : vector<1x16xf32> to vector<16xf32>
        %swap3A_1187 = vector.shape_cast %mul3A_1182 : vector<16xf32> to vector<1x16xf32>
        tpu.vector_store %arg8[%swap3A_1183, %swap3A_1184], %swap3A_1187 {strides = array<i32>} : memref<400x128xf32, #tpu.memory_space<vmem>>, vector<1x16xf32>,
        %get3A_1188 = arith.index_cast %add3A_1137 : i32 to index
        %get3A_1189 = arith.constant 80 : index
        %get3A_1190 = tpu.vector_load %arg8[%get3A_1188, %get3A_1189] {strides = array<i32>} : memref<400x128xf32, #tpu.memory_space<vmem>>, vector<1x16xf32>,
        %get3A_1191 = vector.shape_cast %get3A_1190 : vector<1x16xf32> to vector<16xf32>
        %mul3A_1192 = arith.mulf %get3A_1191, %gather3A_1133 : vector<16xf32>
        %swap3A_1193 = arith.index_cast %add3A_1137 : i32 to index
        %swap3A_1194 = arith.constant 80 : index
        %swap3A_1195 = tpu.vector_load %arg8[%swap3A_1193, %swap3A_1194] {strides = array<i32>} : memref<400x128xf32, #tpu.memory_space<vmem>>, vector<1x16xf32>,
        %swap3A_1196 = vector.shape_cast %swap3A_1195 : vector<1x16xf32> to vector<16xf32>
        %swap3A_1197 = vector.shape_cast %mul3A_1192 : vector<16xf32> to vector<1x16xf32>
        tpu.vector_store %arg8[%swap3A_1193, %swap3A_1194], %swap3A_1197 {strides = array<i32>} : memref<400x128xf32, #tpu.memory_space<vmem>>, vector<1x16xf32>,
        %get3A_1198 = arith.index_cast %add3A_1137 : i32 to index
        %get3A_1199 = arith.constant 96 : index
        %get3A_1200 = tpu.vector_load %arg8[%get3A_1198, %get3A_1199] {strides = array<i32>} : memref<400x128xf32, #tpu.memory_space<vmem>>, vector<1x16xf32>,
        %get3A_1201 = vector.shape_cast %get3A_1200 : vector<1x16xf32> to vector<16xf32>
        %mul3A_1202 = arith.mulf %get3A_1201, %gather3A_1133 : vector<16xf32>
        %swap3A_1203 = arith.index_cast %add3A_1137 : i32 to index
        %swap3A_1204 = arith.constant 96 : index
        %swap3A_1205 = tpu.vector_load %arg8[%swap3A_1203, %swap3A_1204] {strides = array<i32>} : memref<400x128xf32, #tpu.memory_space<vmem>>, vector<1x16xf32>,
        %swap3A_1206 = vector.shape_cast %swap3A_1205 : vector<1x16xf32> to vector<16xf32>
        %swap3A_1207 = vector.shape_cast %mul3A_1202 : vector<16xf32> to vector<1x16xf32>
        tpu.vector_store %arg8[%swap3A_1203, %swap3A_1204], %swap3A_1207 {strides = array<i32>} : memref<400x128xf32, #tpu.memory_space<vmem>>, vector<1x16xf32>,
        %get3A_1208 = arith.index_cast %add3A_1137 : i32 to index
        %get3A_1209 = arith.constant 112 : index
        %get3A_1210 = tpu.vector_load %arg8[%get3A_1208, %get3A_1209] {strides = array<i32>} : memref<400x128xf32, #tpu.memory_space<vmem>>, vector<1x16xf32>,
        %get3A_1211 = vector.shape_cast %get3A_1210 : vector<1x16xf32> to vector<16xf32>
        %mul3A_1212 = arith.mulf %get3A_1211, %gather3A_1133 : vector<16xf32>
        %swap3A_1213 = arith.index_cast %add3A_1137 : i32 to index
        %swap3A_1214 = arith.constant 112 : index
        %swap3A_1215 = tpu.vector_load %arg8[%swap3A_1213, %swap3A_1214] {strides = array<i32>} : memref<400x128xf32, #tpu.memory_space<vmem>>, vector<1x16xf32>,
        %swap3A_1216 = vector.shape_cast %swap3A_1215 : vector<1x16xf32> to vector<16xf32>
        %swap3A_1217 = vector.shape_cast %mul3A_1212 : vector<16xf32> to vector<1x16xf32>
        tpu.vector_store %arg8[%swap3A_1213, %swap3A_1214], %swap3A_1217 {strides = array<i32>} : memref<400x128xf32, #tpu.memory_space<vmem>>, vector<1x16xf32>,
        %broadcast_in_dim3A_1218 = arith.constant 13 : i32
        %broadcast_in_dim3A_1219 = vector.broadcast %broadcast_in_dim3A_1218 : i32 to vector<16x1xi32>
        %gather3A_1220 = vector.shape_cast %broadcast_in_dim3A_1219 : vector<16x1xi32> to vector<16xi32>
        %gather3A_1221 = tpu.dynamic_gather %get3A_76[%gather3A_1220] in [0] : vector<16xf32>, vector<16xi32> -> vector<16xf32>
        %mul3A_1222 = arith.constant 16 : i32
        %mul3A_1223 = arith.muli %scan3A_71, %mul3A_1222 : i32
        %add3A_1224 = arith.constant 13 : i32
        %add3A_1225 = arith.addi %mul3A_1223, %add3A_1224 : i32
        %get3A_1226 = arith.index_cast %add3A_1225 : i32 to index
        %get3A_1227 = arith.constant 0 : index
        %get3A_1228 = tpu.vector_load %arg8[%get3A_1226, %get3A_1227] {strides = array<i32>} : memref<400x128xf32, #tpu.memory_space<vmem>>, vector<1x16xf32>,
        %get3A_1229 = vector.shape_cast %get3A_1228 : vector<1x16xf32> to vector<16xf32>
        %mul3A_1230 = arith.mulf %get3A_1229, %gather3A_1221 : vector<16xf32>
        %swap3A_1231 = arith.index_cast %add3A_1225 : i32 to index
        %swap3A_1232 = arith.constant 0 : index
        %swap3A_1233 = tpu.vector_load %arg8[%swap3A_1231, %swap3A_1232] {strides = array<i32>} : memref<400x128xf32, #tpu.memory_space<vmem>>, vector<1x16xf32>,
        %swap3A_1234 = vector.shape_cast %swap3A_1233 : vector<1x16xf32> to vector<16xf32>
        %swap3A_1235 = vector.shape_cast %mul3A_1230 : vector<16xf32> to vector<1x16xf32>
        tpu.vector_store %arg8[%swap3A_1231, %swap3A_1232], %swap3A_1235 {strides = array<i32>} : memref<400x128xf32, #tpu.memory_space<vmem>>, vector<1x16xf32>,
        %get3A_1236 = arith.index_cast %add3A_1225 : i32 to index
        %get3A_1237 = arith.constant 16 : index
        %get3A_1238 = tpu.vector_load %arg8[%get3A_1236, %get3A_1237] {strides = array<i32>} : memref<400x128xf32, #tpu.memory_space<vmem>>, vector<1x16xf32>,
        %get3A_1239 = vector.shape_cast %get3A_1238 : vector<1x16xf32> to vector<16xf32>
        %mul3A_1240 = arith.mulf %get3A_1239, %gather3A_1221 : vector<16xf32>
        %swap3A_1241 = arith.index_cast %add3A_1225 : i32 to index
        %swap3A_1242 = arith.constant 16 : index
        %swap3A_1243 = tpu.vector_load %arg8[%swap3A_1241, %swap3A_1242] {strides = array<i32>} : memref<400x128xf32, #tpu.memory_space<vmem>>, vector<1x16xf32>,
        %swap3A_1244 = vector.shape_cast %swap3A_1243 : vector<1x16xf32> to vector<16xf32>
        %swap3A_1245 = vector.shape_cast %mul3A_1240 : vector<16xf32> to vector<1x16xf32>
        tpu.vector_store %arg8[%swap3A_1241, %swap3A_1242], %swap3A_1245 {strides = array<i32>} : memref<400x128xf32, #tpu.memory_space<vmem>>, vector<1x16xf32>,
        %get3A_1246 = arith.index_cast %add3A_1225 : i32 to index
        %get3A_1247 = arith.constant 32 : index
        %get3A_1248 = tpu.vector_load %arg8[%get3A_1246, %get3A_1247] {strides = array<i32>} : memref<400x128xf32, #tpu.memory_space<vmem>>, vector<1x16xf32>,
        %get3A_1249 = vector.shape_cast %get3A_1248 : vector<1x16xf32> to vector<16xf32>
        %mul3A_1250 = arith.mulf %get3A_1249, %gather3A_1221 : vector<16xf32>
        %swap3A_1251 = arith.index_cast %add3A_1225 : i32 to index
        %swap3A_1252 = arith.constant 32 : index
        %swap3A_1253 = tpu.vector_load %arg8[%swap3A_1251, %swap3A_1252] {strides = array<i32>} : memref<400x128xf32, #tpu.memory_space<vmem>>, vector<1x16xf32>,
        %swap3A_1254 = vector.shape_cast %swap3A_1253 : vector<1x16xf32> to vector<16xf32>
        %swap3A_1255 = vector.shape_cast %mul3A_1250 : vector<16xf32> to vector<1x16xf32>
        tpu.vector_store %arg8[%swap3A_1251, %swap3A_1252], %swap3A_1255 {strides = array<i32>} : memref<400x128xf32, #tpu.memory_space<vmem>>, vector<1x16xf32>,
        %get3A_1256 = arith.index_cast %add3A_1225 : i32 to index
        %get3A_1257 = arith.constant 48 : index
        %get3A_1258 = tpu.vector_load %arg8[%get3A_1256, %get3A_1257] {strides = array<i32>} : memref<400x128xf32, #tpu.memory_space<vmem>>, vector<1x16xf32>,
        %get3A_1259 = vector.shape_cast %get3A_1258 : vector<1x16xf32> to vector<16xf32>
        %mul3A_1260 = arith.mulf %get3A_1259, %gather3A_1221 : vector<16xf32>
        %swap3A_1261 = arith.index_cast %add3A_1225 : i32 to index
        %swap3A_1262 = arith.constant 48 : index
        %swap3A_1263 = tpu.vector_load %arg8[%swap3A_1261, %swap3A_1262] {strides = array<i32>} : memref<400x128xf32, #tpu.memory_space<vmem>>, vector<1x16xf32>,
        %swap3A_1264 = vector.shape_cast %swap3A_1263 : vector<1x16xf32> to vector<16xf32>
        %swap3A_1265 = vector.shape_cast %mul3A_1260 : vector<16xf32> to vector<1x16xf32>
        tpu.vector_store %arg8[%swap3A_1261, %swap3A_1262], %swap3A_1265 {strides = array<i32>} : memref<400x128xf32, #tpu.memory_space<vmem>>, vector<1x16xf32>,
        %get3A_1266 = arith.index_cast %add3A_1225 : i32 to index
        %get3A_1267 = arith.constant 64 : index
        %get3A_1268 = tpu.vector_load %arg8[%get3A_1266, %get3A_1267] {strides = array<i32>} : memref<400x128xf32, #tpu.memory_space<vmem>>, vector<1x16xf32>,
        %get3A_1269 = vector.shape_cast %get3A_1268 : vector<1x16xf32> to vector<16xf32>
        %mul3A_1270 = arith.mulf %get3A_1269, %gather3A_1221 : vector<16xf32>
        %swap3A_1271 = arith.index_cast %add3A_1225 : i32 to index
        %swap3A_1272 = arith.constant 64 : index
        %swap3A_1273 = tpu.vector_load %arg8[%swap3A_1271, %swap3A_1272] {strides = array<i32>} : memref<400x128xf32, #tpu.memory_space<vmem>>, vector<1x16xf32>,
        %swap3A_1274 = vector.shape_cast %swap3A_1273 : vector<1x16xf32> to vector<16xf32>
        %swap3A_1275 = vector.shape_cast %mul3A_1270 : vector<16xf32> to vector<1x16xf32>
        tpu.vector_store %arg8[%swap3A_1271, %swap3A_1272], %swap3A_1275 {strides = array<i32>} : memref<400x128xf32, #tpu.memory_space<vmem>>, vector<1x16xf32>,
        %get3A_1276 = arith.index_cast %add3A_1225 : i32 to index
        %get3A_1277 = arith.constant 80 : index
        %get3A_1278 = tpu.vector_load %arg8[%get3A_1276, %get3A_1277] {strides = array<i32>} : memref<400x128xf32, #tpu.memory_space<vmem>>, vector<1x16xf32>,
        %get3A_1279 = vector.shape_cast %get3A_1278 : vector<1x16xf32> to vector<16xf32>
        %mul3A_1280 = arith.mulf %get3A_1279, %gather3A_1221 : vector<16xf32>
        %swap3A_1281 = arith.index_cast %add3A_1225 : i32 to index
        %swap3A_1282 = arith.constant 80 : index
        %swap3A_1283 = tpu.vector_load %arg8[%swap3A_1281, %swap3A_1282] {strides = array<i32>} : memref<400x128xf32, #tpu.memory_space<vmem>>, vector<1x16xf32>,
        %swap3A_1284 = vector.shape_cast %swap3A_1283 : vector<1x16xf32> to vector<16xf32>
        %swap3A_1285 = vector.shape_cast %mul3A_1280 : vector<16xf32> to vector<1x16xf32>
        tpu.vector_store %arg8[%swap3A_1281, %swap3A_1282], %swap3A_1285 {strides = array<i32>} : memref<400x128xf32, #tpu.memory_space<vmem>>, vector<1x16xf32>,
        %get3A_1286 = arith.index_cast %add3A_1225 : i32 to index
        %get3A_1287 = arith.constant 96 : index
        %get3A_1288 = tpu.vector_load %arg8[%get3A_1286, %get3A_1287] {strides = array<i32>} : memref<400x128xf32, #tpu.memory_space<vmem>>, vector<1x16xf32>,
        %get3A_1289 = vector.shape_cast %get3A_1288 : vector<1x16xf32> to vector<16xf32>
        %mul3A_1290 = arith.mulf %get3A_1289, %gather3A_1221 : vector<16xf32>
        %swap3A_1291 = arith.index_cast %add3A_1225 : i32 to index
        %swap3A_1292 = arith.constant 96 : index
        %swap3A_1293 = tpu.vector_load %arg8[%swap3A_1291, %swap3A_1292] {strides = array<i32>} : memref<400x128xf32, #tpu.memory_space<vmem>>, vector<1x16xf32>,
        %swap3A_1294 = vector.shape_cast %swap3A_1293 : vector<1x16xf32> to vector<16xf32>
        %swap3A_1295 = vector.shape_cast %mul3A_1290 : vector<16xf32> to vector<1x16xf32>
        tpu.vector_store %arg8[%swap3A_1291, %swap3A_1292], %swap3A_1295 {strides = array<i32>} : memref<400x128xf32, #tpu.memory_space<vmem>>, vector<1x16xf32>,
        %get3A_1296 = arith.index_cast %add3A_1225 : i32 to index
        %get3A_1297 = arith.constant 112 : index
        %get3A_1298 = tpu.vector_load %arg8[%get3A_1296, %get3A_1297] {strides = array<i32>} : memref<400x128xf32, #tpu.memory_space<vmem>>, vector<1x16xf32>,
        %get3A_1299 = vector.shape_cast %get3A_1298 : vector<1x16xf32> to vector<16xf32>
        %mul3A_1300 = arith.mulf %get3A_1299, %gather3A_1221 : vector<16xf32>
        %swap3A_1301 = arith.index_cast %add3A_1225 : i32 to index
        %swap3A_1302 = arith.constant 112 : index
        %swap3A_1303 = tpu.vector_load %arg8[%swap3A_1301, %swap3A_1302] {strides = array<i32>} : memref<400x128xf32, #tpu.memory_space<vmem>>, vector<1x16xf32>,
        %swap3A_1304 = vector.shape_cast %swap3A_1303 : vector<1x16xf32> to vector<16xf32>
        %swap3A_1305 = vector.shape_cast %mul3A_1300 : vector<16xf32> to vector<1x16xf32>
        tpu.vector_store %arg8[%swap3A_1301, %swap3A_1302], %swap3A_1305 {strides = array<i32>} : memref<400x128xf32, #tpu.memory_space<vmem>>, vector<1x16xf32>,
        %broadcast_in_dim3A_1306 = arith.constant 14 : i32
        %broadcast_in_dim3A_1307 = vector.broadcast %broadcast_in_dim3A_1306 : i32 to vector<16x1xi32>
        %gather3A_1308 = vector.shape_cast %broadcast_in_dim3A_1307 : vector<16x1xi32> to vector<16xi32>
        %gather3A_1309 = tpu.dynamic_gather %get3A_76[%gather3A_1308] in [0] : vector<16xf32>, vector<16xi32> -> vector<16xf32>
        %mul3A_1310 = arith.constant 16 : i32
        %mul3A_1311 = arith.muli %scan3A_71, %mul3A_1310 : i32
        %add3A_1312 = arith.constant 14 : i32
        %add3A_1313 = arith.addi %mul3A_1311, %add3A_1312 : i32
        %get3A_1314 = arith.index_cast %add3A_1313 : i32 to index
        %get3A_1315 = arith.constant 0 : index
        %get3A_1316 = tpu.vector_load %arg8[%get3A_1314, %get3A_1315] {strides = array<i32>} : memref<400x128xf32, #tpu.memory_space<vmem>>, vector<1x16xf32>,
        %get3A_1317 = vector.shape_cast %get3A_1316 : vector<1x16xf32> to vector<16xf32>
        %mul3A_1318 = arith.mulf %get3A_1317, %gather3A_1309 : vector<16xf32>
        %swap3A_1319 = arith.index_cast %add3A_1313 : i32 to index
        %swap3A_1320 = arith.constant 0 : index
        %swap3A_1321 = tpu.vector_load %arg8[%swap3A_1319, %swap3A_1320] {strides = array<i32>} : memref<400x128xf32, #tpu.memory_space<vmem>>, vector<1x16xf32>,
        %swap3A_1322 = vector.shape_cast %swap3A_1321 : vector<1x16xf32> to vector<16xf32>
        %swap3A_1323 = vector.shape_cast %mul3A_1318 : vector<16xf32> to vector<1x16xf32>
        tpu.vector_store %arg8[%swap3A_1319, %swap3A_1320], %swap3A_1323 {strides = array<i32>} : memref<400x128xf32, #tpu.memory_space<vmem>>, vector<1x16xf32>,
        %get3A_1324 = arith.index_cast %add3A_1313 : i32 to index
        %get3A_1325 = arith.constant 16 : index
        %get3A_1326 = tpu.vector_load %arg8[%get3A_1324, %get3A_1325] {strides = array<i32>} : memref<400x128xf32, #tpu.memory_space<vmem>>, vector<1x16xf32>,
        %get3A_1327 = vector.shape_cast %get3A_1326 : vector<1x16xf32> to vector<16xf32>
        %mul3A_1328 = arith.mulf %get3A_1327, %gather3A_1309 : vector<16xf32>
        %swap3A_1329 = arith.index_cast %add3A_1313 : i32 to index
        %swap3A_1330 = arith.constant 16 : index
        %swap3A_1331 = tpu.vector_load %arg8[%swap3A_1329, %swap3A_1330] {strides = array<i32>} : memref<400x128xf32, #tpu.memory_space<vmem>>, vector<1x16xf32>,
        %swap3A_1332 = vector.shape_cast %swap3A_1331 : vector<1x16xf32> to vector<16xf32>
        %swap3A_1333 = vector.shape_cast %mul3A_1328 : vector<16xf32> to vector<1x16xf32>
        tpu.vector_store %arg8[%swap3A_1329, %swap3A_1330], %swap3A_1333 {strides = array<i32>} : memref<400x128xf32, #tpu.memory_space<vmem>>, vector<1x16xf32>,
        %get3A_1334 = arith.index_cast %add3A_1313 : i32 to index
        %get3A_1335 = arith.constant 32 : index
        %get3A_1336 = tpu.vector_load %arg8[%get3A_1334, %get3A_1335] {strides = array<i32>} : memref<400x128xf32, #tpu.memory_space<vmem>>, vector<1x16xf32>,
        %get3A_1337 = vector.shape_cast %get3A_1336 : vector<1x16xf32> to vector<16xf32>
        %mul3A_1338 = arith.mulf %get3A_1337, %gather3A_1309 : vector<16xf32>
        %swap3A_1339 = arith.index_cast %add3A_1313 : i32 to index
        %swap3A_1340 = arith.constant 32 : index
        %swap3A_1341 = tpu.vector_load %arg8[%swap3A_1339, %swap3A_1340] {strides = array<i32>} : memref<400x128xf32, #tpu.memory_space<vmem>>, vector<1x16xf32>,
        %swap3A_1342 = vector.shape_cast %swap3A_1341 : vector<1x16xf32> to vector<16xf32>
        %swap3A_1343 = vector.shape_cast %mul3A_1338 : vector<16xf32> to vector<1x16xf32>
        tpu.vector_store %arg8[%swap3A_1339, %swap3A_1340], %swap3A_1343 {strides = array<i32>} : memref<400x128xf32, #tpu.memory_space<vmem>>, vector<1x16xf32>,
        %get3A_1344 = arith.index_cast %add3A_1313 : i32 to index
        %get3A_1345 = arith.constant 48 : index
        %get3A_1346 = tpu.vector_load %arg8[%get3A_1344, %get3A_1345] {strides = array<i32>} : memref<400x128xf32, #tpu.memory_space<vmem>>, vector<1x16xf32>,
        %get3A_1347 = vector.shape_cast %get3A_1346 : vector<1x16xf32> to vector<16xf32>
        %mul3A_1348 = arith.mulf %get3A_1347, %gather3A_1309 : vector<16xf32>
        %swap3A_1349 = arith.index_cast %add3A_1313 : i32 to index
        %swap3A_1350 = arith.constant 48 : index
        %swap3A_1351 = tpu.vector_load %arg8[%swap3A_1349, %swap3A_1350] {strides = array<i32>} : memref<400x128xf32, #tpu.memory_space<vmem>>, vector<1x16xf32>,
        %swap3A_1352 = vector.shape_cast %swap3A_1351 : vector<1x16xf32> to vector<16xf32>
        %swap3A_1353 = vector.shape_cast %mul3A_1348 : vector<16xf32> to vector<1x16xf32>
        tpu.vector_store %arg8[%swap3A_1349, %swap3A_1350], %swap3A_1353 {strides = array<i32>} : memref<400x128xf32, #tpu.memory_space<vmem>>, vector<1x16xf32>,
        %get3A_1354 = arith.index_cast %add3A_1313 : i32 to index
        %get3A_1355 = arith.constant 64 : index
        %get3A_1356 = tpu.vector_load %arg8[%get3A_1354, %get3A_1355] {strides = array<i32>} : memref<400x128xf32, #tpu.memory_space<vmem>>, vector<1x16xf32>,
        %get3A_1357 = vector.shape_cast %get3A_1356 : vector<1x16xf32> to vector<16xf32>
        %mul3A_1358 = arith.mulf %get3A_1357, %gather3A_1309 : vector<16xf32>
        %swap3A_1359 = arith.index_cast %add3A_1313 : i32 to index
        %swap3A_1360 = arith.constant 64 : index
        %swap3A_1361 = tpu.vector_load %arg8[%swap3A_1359, %swap3A_1360] {strides = array<i32>} : memref<400x128xf32, #tpu.memory_space<vmem>>, vector<1x16xf32>,
        %swap3A_1362 = vector.shape_cast %swap3A_1361 : vector<1x16xf32> to vector<16xf32>
        %swap3A_1363 = vector.shape_cast %mul3A_1358 : vector<16xf32> to vector<1x16xf32>
        tpu.vector_store %arg8[%swap3A_1359, %swap3A_1360], %swap3A_1363 {strides = array<i32>} : memref<400x128xf32, #tpu.memory_space<vmem>>, vector<1x16xf32>,
        %get3A_1364 = arith.index_cast %add3A_1313 : i32 to index
        %get3A_1365 = arith.constant 80 : index
        %get3A_1366 = tpu.vector_load %arg8[%get3A_1364, %get3A_1365] {strides = array<i32>} : memref<400x128xf32, #tpu.memory_space<vmem>>, vector<1x16xf32>,
        %get3A_1367 = vector.shape_cast %get3A_1366 : vector<1x16xf32> to vector<16xf32>
        %mul3A_1368 = arith.mulf %get3A_1367, %gather3A_1309 : vector<16xf32>
        %swap3A_1369 = arith.index_cast %add3A_1313 : i32 to index
        %swap3A_1370 = arith.constant 80 : index
        %swap3A_1371 = tpu.vector_load %arg8[%swap3A_1369, %swap3A_1370] {strides = array<i32>} : memref<400x128xf32, #tpu.memory_space<vmem>>, vector<1x16xf32>,
        %swap3A_1372 = vector.shape_cast %swap3A_1371 : vector<1x16xf32> to vector<16xf32>
        %swap3A_1373 = vector.shape_cast %mul3A_1368 : vector<16xf32> to vector<1x16xf32>
        tpu.vector_store %arg8[%swap3A_1369, %swap3A_1370], %swap3A_1373 {strides = array<i32>} : memref<400x128xf32, #tpu.memory_space<vmem>>, vector<1x16xf32>,
        %get3A_1374 = arith.index_cast %add3A_1313 : i32 to index
        %get3A_1375 = arith.constant 96 : index
        %get3A_1376 = tpu.vector_load %arg8[%get3A_1374, %get3A_1375] {strides = array<i32>} : memref<400x128xf32, #tpu.memory_space<vmem>>, vector<1x16xf32>,
        %get3A_1377 = vector.shape_cast %get3A_1376 : vector<1x16xf32> to vector<16xf32>
        %mul3A_1378 = arith.mulf %get3A_1377, %gather3A_1309 : vector<16xf32>
        %swap3A_1379 = arith.index_cast %add3A_1313 : i32 to index
        %swap3A_1380 = arith.constant 96 : index
        %swap3A_1381 = tpu.vector_load %arg8[%swap3A_1379, %swap3A_1380] {strides = array<i32>} : memref<400x128xf32, #tpu.memory_space<vmem>>, vector<1x16xf32>,
        %swap3A_1382 = vector.shape_cast %swap3A_1381 : vector<1x16xf32> to vector<16xf32>
        %swap3A_1383 = vector.shape_cast %mul3A_1378 : vector<16xf32> to vector<1x16xf32>
        tpu.vector_store %arg8[%swap3A_1379, %swap3A_1380], %swap3A_1383 {strides = array<i32>} : memref<400x128xf32, #tpu.memory_space<vmem>>, vector<1x16xf32>,
        %get3A_1384 = arith.index_cast %add3A_1313 : i32 to index
        %get3A_1385 = arith.constant 112 : index
        %get3A_1386 = tpu.vector_load %arg8[%get3A_1384, %get3A_1385] {strides = array<i32>} : memref<400x128xf32, #tpu.memory_space<vmem>>, vector<1x16xf32>,
        %get3A_1387 = vector.shape_cast %get3A_1386 : vector<1x16xf32> to vector<16xf32>
        %mul3A_1388 = arith.mulf %get3A_1387, %gather3A_1309 : vector<16xf32>
        %swap3A_1389 = arith.index_cast %add3A_1313 : i32 to index
        %swap3A_1390 = arith.constant 112 : index
        %swap3A_1391 = tpu.vector_load %arg8[%swap3A_1389, %swap3A_1390] {strides = array<i32>} : memref<400x128xf32, #tpu.memory_space<vmem>>, vector<1x16xf32>,
        %swap3A_1392 = vector.shape_cast %swap3A_1391 : vector<1x16xf32> to vector<16xf32>
        %swap3A_1393 = vector.shape_cast %mul3A_1388 : vector<16xf32> to vector<1x16xf32>
        tpu.vector_store %arg8[%swap3A_1389, %swap3A_1390], %swap3A_1393 {strides = array<i32>} : memref<400x128xf32, #tpu.memory_space<vmem>>, vector<1x16xf32>,
        %broadcast_in_dim3A_1394 = arith.constant 15 : i32
        %broadcast_in_dim3A_1395 = vector.broadcast %broadcast_in_dim3A_1394 : i32 to vector<16x1xi32>
        %gather3A_1396 = vector.shape_cast %broadcast_in_dim3A_1395 : vector<16x1xi32> to vector<16xi32>
        %gather3A_1397 = tpu.dynamic_gather %get3A_76[%gather3A_1396] in [0] : vector<16xf32>, vector<16xi32> -> vector<16xf32>
        %mul3A_1398 = arith.constant 16 : i32
        %mul3A_1399 = arith.muli %scan3A_71, %mul3A_1398 : i32
        %add3A_1400 = arith.constant 15 : i32
        %add3A_1401 = arith.addi %mul3A_1399, %add3A_1400 : i32
        %get3A_1402 = arith.index_cast %add3A_1401 : i32 to index
        %get3A_1403 = arith.constant 0 : index
        %get3A_1404 = tpu.vector_load %arg8[%get3A_1402, %get3A_1403] {strides = array<i32>} : memref<400x128xf32, #tpu.memory_space<vmem>>, vector<1x16xf32>,
        %get3A_1405 = vector.shape_cast %get3A_1404 : vector<1x16xf32> to vector<16xf32>
        %mul3A_1406 = arith.mulf %get3A_1405, %gather3A_1397 : vector<16xf32>
        %swap3A_1407 = arith.index_cast %add3A_1401 : i32 to index
        %swap3A_1408 = arith.constant 0 : index
        %swap3A_1409 = tpu.vector_load %arg8[%swap3A_1407, %swap3A_1408] {strides = array<i32>} : memref<400x128xf32, #tpu.memory_space<vmem>>, vector<1x16xf32>,
        %swap3A_1410 = vector.shape_cast %swap3A_1409 : vector<1x16xf32> to vector<16xf32>
        %swap3A_1411 = vector.shape_cast %mul3A_1406 : vector<16xf32> to vector<1x16xf32>
        tpu.vector_store %arg8[%swap3A_1407, %swap3A_1408], %swap3A_1411 {strides = array<i32>} : memref<400x128xf32, #tpu.memory_space<vmem>>, vector<1x16xf32>,
        %get3A_1412 = arith.index_cast %add3A_1401 : i32 to index
        %get3A_1413 = arith.constant 16 : index
        %get3A_1414 = tpu.vector_load %arg8[%get3A_1412, %get3A_1413] {strides = array<i32>} : memref<400x128xf32, #tpu.memory_space<vmem>>, vector<1x16xf32>,
        %get3A_1415 = vector.shape_cast %get3A_1414 : vector<1x16xf32> to vector<16xf32>
        %mul3A_1416 = arith.mulf %get3A_1415, %gather3A_1397 : vector<16xf32>
        %swap3A_1417 = arith.index_cast %add3A_1401 : i32 to index
        %swap3A_1418 = arith.constant 16 : index
        %swap3A_1419 = tpu.vector_load %arg8[%swap3A_1417, %swap3A_1418] {strides = array<i32>} : memref<400x128xf32, #tpu.memory_space<vmem>>, vector<1x16xf32>,
        %swap3A_1420 = vector.shape_cast %swap3A_1419 : vector<1x16xf32> to vector<16xf32>
        %swap3A_1421 = vector.shape_cast %mul3A_1416 : vector<16xf32> to vector<1x16xf32>
        tpu.vector_store %arg8[%swap3A_1417, %swap3A_1418], %swap3A_1421 {strides = array<i32>} : memref<400x128xf32, #tpu.memory_space<vmem>>, vector<1x16xf32>,
        %get3A_1422 = arith.index_cast %add3A_1401 : i32 to index
        %get3A_1423 = arith.constant 32 : index
        %get3A_1424 = tpu.vector_load %arg8[%get3A_1422, %get3A_1423] {strides = array<i32>} : memref<400x128xf32, #tpu.memory_space<vmem>>, vector<1x16xf32>,
        %get3A_1425 = vector.shape_cast %get3A_1424 : vector<1x16xf32> to vector<16xf32>
        %mul3A_1426 = arith.mulf %get3A_1425, %gather3A_1397 : vector<16xf32>
        %swap3A_1427 = arith.index_cast %add3A_1401 : i32 to index
        %swap3A_1428 = arith.constant 32 : index
        %swap3A_1429 = tpu.vector_load %arg8[%swap3A_1427, %swap3A_1428] {strides = array<i32>} : memref<400x128xf32, #tpu.memory_space<vmem>>, vector<1x16xf32>,
        %swap3A_1430 = vector.shape_cast %swap3A_1429 : vector<1x16xf32> to vector<16xf32>
        %swap3A_1431 = vector.shape_cast %mul3A_1426 : vector<16xf32> to vector<1x16xf32>
        tpu.vector_store %arg8[%swap3A_1427, %swap3A_1428], %swap3A_1431 {strides = array<i32>} : memref<400x128xf32, #tpu.memory_space<vmem>>, vector<1x16xf32>,
        %get3A_1432 = arith.index_cast %add3A_1401 : i32 to index
        %get3A_1433 = arith.constant 48 : index
        %get3A_1434 = tpu.vector_load %arg8[%get3A_1432, %get3A_1433] {strides = array<i32>} : memref<400x128xf32, #tpu.memory_space<vmem>>, vector<1x16xf32>,
        %get3A_1435 = vector.shape_cast %get3A_1434 : vector<1x16xf32> to vector<16xf32>
        %mul3A_1436 = arith.mulf %get3A_1435, %gather3A_1397 : vector<16xf32>
        %swap3A_1437 = arith.index_cast %add3A_1401 : i32 to index
        %swap3A_1438 = arith.constant 48 : index
        %swap3A_1439 = tpu.vector_load %arg8[%swap3A_1437, %swap3A_1438] {strides = array<i32>} : memref<400x128xf32, #tpu.memory_space<vmem>>, vector<1x16xf32>,
        %swap3A_1440 = vector.shape_cast %swap3A_1439 : vector<1x16xf32> to vector<16xf32>
        %swap3A_1441 = vector.shape_cast %mul3A_1436 : vector<16xf32> to vector<1x16xf32>
        tpu.vector_store %arg8[%swap3A_1437, %swap3A_1438], %swap3A_1441 {strides = array<i32>} : memref<400x128xf32, #tpu.memory_space<vmem>>, vector<1x16xf32>,
        %get3A_1442 = arith.index_cast %add3A_1401 : i32 to index
        %get3A_1443 = arith.constant 64 : index
        %get3A_1444 = tpu.vector_load %arg8[%get3A_1442, %get3A_1443] {strides = array<i32>} : memref<400x128xf32, #tpu.memory_space<vmem>>, vector<1x16xf32>,
        %get3A_1445 = vector.shape_cast %get3A_1444 : vector<1x16xf32> to vector<16xf32>
        %mul3A_1446 = arith.mulf %get3A_1445, %gather3A_1397 : vector<16xf32>
        %swap3A_1447 = arith.index_cast %add3A_1401 : i32 to index
        %swap3A_1448 = arith.constant 64 : index
        %swap3A_1449 = tpu.vector_load %arg8[%swap3A_1447, %swap3A_1448] {strides = array<i32>} : memref<400x128xf32, #tpu.memory_space<vmem>>, vector<1x16xf32>,
        %swap3A_1450 = vector.shape_cast %swap3A_1449 : vector<1x16xf32> to vector<16xf32>
        %swap3A_1451 = vector.shape_cast %mul3A_1446 : vector<16xf32> to vector<1x16xf32>
        tpu.vector_store %arg8[%swap3A_1447, %swap3A_1448], %swap3A_1451 {strides = array<i32>} : memref<400x128xf32, #tpu.memory_space<vmem>>, vector<1x16xf32>,
        %get3A_1452 = arith.index_cast %add3A_1401 : i32 to index
        %get3A_1453 = arith.constant 80 : index
        %get3A_1454 = tpu.vector_load %arg8[%get3A_1452, %get3A_1453] {strides = array<i32>} : memref<400x128xf32, #tpu.memory_space<vmem>>, vector<1x16xf32>,
        %get3A_1455 = vector.shape_cast %get3A_1454 : vector<1x16xf32> to vector<16xf32>
        %mul3A_1456 = arith.mulf %get3A_1455, %gather3A_1397 : vector<16xf32>
        %swap3A_1457 = arith.index_cast %add3A_1401 : i32 to index
        %swap3A_1458 = arith.constant 80 : index
        %swap3A_1459 = tpu.vector_load %arg8[%swap3A_1457, %swap3A_1458] {strides = array<i32>} : memref<400x128xf32, #tpu.memory_space<vmem>>, vector<1x16xf32>,
        %swap3A_1460 = vector.shape_cast %swap3A_1459 : vector<1x16xf32> to vector<16xf32>
        %swap3A_1461 = vector.shape_cast %mul3A_1456 : vector<16xf32> to vector<1x16xf32>
        tpu.vector_store %arg8[%swap3A_1457, %swap3A_1458], %swap3A_1461 {strides = array<i32>} : memref<400x128xf32, #tpu.memory_space<vmem>>, vector<1x16xf32>,
        %get3A_1462 = arith.index_cast %add3A_1401 : i32 to index
        %get3A_1463 = arith.constant 96 : index
        %get3A_1464 = tpu.vector_load %arg8[%get3A_1462, %get3A_1463] {strides = array<i32>} : memref<400x128xf32, #tpu.memory_space<vmem>>, vector<1x16xf32>,
        %get3A_1465 = vector.shape_cast %get3A_1464 : vector<1x16xf32> to vector<16xf32>
        %mul3A_1466 = arith.mulf %get3A_1465, %gather3A_1397 : vector<16xf32>
        %swap3A_1467 = arith.index_cast %add3A_1401 : i32 to index
        %swap3A_1468 = arith.constant 96 : index
        %swap3A_1469 = tpu.vector_load %arg8[%swap3A_1467, %swap3A_1468] {strides = array<i32>} : memref<400x128xf32, #tpu.memory_space<vmem>>, vector<1x16xf32>,
        %swap3A_1470 = vector.shape_cast %swap3A_1469 : vector<1x16xf32> to vector<16xf32>
        %swap3A_1471 = vector.shape_cast %mul3A_1466 : vector<16xf32> to vector<1x16xf32>
        tpu.vector_store %arg8[%swap3A_1467, %swap3A_1468], %swap3A_1471 {strides = array<i32>} : memref<400x128xf32, #tpu.memory_space<vmem>>, vector<1x16xf32>,
        %get3A_1472 = arith.index_cast %add3A_1401 : i32 to index
        %get3A_1473 = arith.constant 112 : index
        %get3A_1474 = tpu.vector_load %arg8[%get3A_1472, %get3A_1473] {strides = array<i32>} : memref<400x128xf32, #tpu.memory_space<vmem>>, vector<1x16xf32>,
        %get3A_1475 = vector.shape_cast %get3A_1474 : vector<1x16xf32> to vector<16xf32>
        %mul3A_1476 = arith.mulf %get3A_1475, %gather3A_1397 : vector<16xf32>
        %swap3A_1477 = arith.index_cast %add3A_1401 : i32 to index
        %swap3A_1478 = arith.constant 112 : index
        %swap3A_1479 = tpu.vector_load %arg8[%swap3A_1477, %swap3A_1478] {strides = array<i32>} : memref<400x128xf32, #tpu.memory_space<vmem>>, vector<1x16xf32>,
        %swap3A_1480 = vector.shape_cast %swap3A_1479 : vector<1x16xf32> to vector<16xf32>
        %swap3A_1481 = vector.shape_cast %mul3A_1476 : vector<16xf32> to vector<1x16xf32>
        tpu.vector_store %arg8[%swap3A_1477, %swap3A_1478], %swap3A_1481 {strides = array<i32>} : memref<400x128xf32, #tpu.memory_space<vmem>>, vector<1x16xf32>,
        %scan3A_1482 = arith.constant 0 : i32
        scf.yield %scan3A_1482 : i32
      }
      %scan3A_68 = arith.constant 25 : i32
      %mul3A_69 = arith.constant 400 : i32
      %mul3A_70 = arith.muli %add3A, %mul3A_69 : i32
      "tpu.region"() ({
        %run_scoped3A = tpu.sem_alloc : memref<!tpu.dma_semaphore, #tpu.memory_space<semaphore_mem>>
        %dma_start3A_71 = arith.constant 0 : i32
        %dma_start3A_72 = tpu.memref_slice %arg5[%mul3A_70, %dma_start3A_71] : memref<10000x128xf32, #tpu.memory_space<hbm>> -> memref<400x128xf32, #tpu.memory_space<hbm>>
        %dma_start3A_73 = arith.constant 0 : i32
        %dma_start3A_74 = tpu.memref_slice %arg5[%mul3A_70, %dma_start3A_73] : memref<10000x128xf32, #tpu.memory_space<hbm>> -> memref<400x128xf32, #tpu.memory_space<hbm>>
        tpu.enqueue_dma source(%arg8 : memref<400x128xf32, #tpu.memory_space<vmem>>) target(%dma_start3A_74 : memref<400x128xf32, #tpu.memory_space<hbm>>) target_semaphore(%run_scoped3A : memref<!tpu.dma_semaphore, #tpu.memory_space<semaphore_mem>>)
        %dma_wait3A_75 = arith.constant 0 : i32
        %dma_wait3A_76 = tpu.memref_slice %arg5[%mul3A_70, %dma_wait3A_75] : memref<10000x128xf32, #tpu.memory_space<hbm>> -> memref<400x128xf32, #tpu.memory_space<hbm>>
        %dma_wait3A_77 = arith.constant 0 : i32
        %dma_wait3A_78 = tpu.memref_slice %arg5[%mul3A_70, %dma_wait3A_77] : memref<10000x128xf32, #tpu.memory_space<hbm>> -> memref<400x128xf32, #tpu.memory_space<hbm>>
        tpu.wait_dma2 semaphore(%run_scoped3A : memref<!tpu.dma_semaphore, #tpu.memory_space<semaphore_mem>>) src(%arg8 : memref<400x128xf32, #tpu.memory_space<vmem>>) dst(%dma_wait3A_78 : memref<400x128xf32, #tpu.memory_space<hbm>>)
        tpu.yield
      }) : () -> ()
    } else {
    }
    return
  }
}

#map = affine_map<(d0, d1) -> (0, 0)>
#map1 = affine_map<(d0, d1) -> (0, 0, 0)>
module attributes {stable_mosaic.version = 14 : i64} {
  func.func @_spmm_body(%arg0: i32, %arg1: i32, %arg2: memref<2560x125xi32, #tpu.memory_space<hbm>>, %arg3: memref<2560x125xi32, #tpu.memory_space<hbm>>, %arg4: memref<10000x128xf32, #tpu.memory_space<hbm>>, %arg5: memref<2x10240x128xf32, #tpu.memory_space<hbm>>, %arg6: memref<40x125xi32, #tpu.memory_space<vmem>>, %arg7: memref<40x125xi32, #tpu.memory_space<vmem>>, %arg8: memref<2x125x128xf32, #tpu.memory_space<vmem>>, %arg9: memref<10240x128xf32, #tpu.memory_space<vmem_shared>>, %arg10: memref<!tpu.dma_semaphore, #tpu.memory_space<semaphore_mem>>, %arg11: memref<!tpu.dma_semaphore, #tpu.memory_space<semaphore_mem>>) attributes {dimension_semantics = [#tpu.dimension_semantics<core_parallel>, #tpu.dimension_semantics<subcore_parallel>], iteration_bounds = array<i64: 2, 16>, scalar_prefetch = 0 : i64, scratch_operands = 6 : i64, tpu.core_type = #tpu.core_type<sc_vector_subcore>, window_params = [{transform_indices = #map}, {transform_indices = #map}, {transform_indices = #map}, {transform_indices = #map1}]} {
    %mul3A = arith.constant 2 : i32
    %mul3A_0 = arith.muli %arg1, %mul3A : i32
    %add3A = arith.addi %mul3A_0, %arg0 : i32
    %mul3A_1 = arith.constant 80 : i32
    %mul3A_2 = arith.muli %add3A, %mul3A_1 : i32
    %dma_start3A = arith.constant 0 : i32
    %dma_start3A_3 = tpu.memref_slice %arg2[%mul3A_2, %dma_start3A] : memref<2560x125xi32, #tpu.memory_space<hbm>> -> memref<40x125xi32, #tpu.memory_space<hbm>>
    %dma_start3A_4 = arith.constant 0 : i32
    %dma_start3A_5 = tpu.memref_slice %arg2[%mul3A_2, %dma_start3A_4] : memref<2560x125xi32, #tpu.memory_space<hbm>> -> memref<40x125xi32, #tpu.memory_space<hbm>>
    tpu.enqueue_dma source(%dma_start3A_5 : memref<40x125xi32, #tpu.memory_space<hbm>>) target(%arg6 : memref<40x125xi32, #tpu.memory_space<vmem>>) target_semaphore(%arg10 : memref<!tpu.dma_semaphore, #tpu.memory_space<semaphore_mem>>)
    %dma_start3A_6 = arith.constant 0 : i32
    %dma_start3A_7 = tpu.memref_slice %arg3[%mul3A_2, %dma_start3A_6] : memref<2560x125xi32, #tpu.memory_space<hbm>> -> memref<40x125xi32, #tpu.memory_space<hbm>>
    %dma_start3A_8 = arith.constant 0 : i32
    %dma_start3A_9 = tpu.memref_slice %arg3[%mul3A_2, %dma_start3A_8] : memref<2560x125xi32, #tpu.memory_space<hbm>> -> memref<40x125xi32, #tpu.memory_space<hbm>>
    tpu.enqueue_dma source(%dma_start3A_9 : memref<40x125xi32, #tpu.memory_space<hbm>>) target(%arg7 : memref<40x125xi32, #tpu.memory_space<vmem>>) target_semaphore(%arg11 : memref<!tpu.dma_semaphore, #tpu.memory_space<semaphore_mem>>)
    %scan3A = arith.constant 0 : i32
    %scan3A_10 = arith.constant 0 : i32
    %scan3A_11 = arith.constant 80 : i32
    %scan3A_12 = arith.addi %scan3A_10, %scan3A_11 : i32
    %scan3A_13 = arith.constant 1 : i32
    %scan3A_14 = scf.for %scan3A_135 = %scan3A_10 to %scan3A_12 step %scan3A_13 iter_args(%scan3A_136 = %scan3A) -> (i32)  : i32 {
      %scan3A_137 = arith.constant 0 : i32
      %scan3A_138 = arith.constant 0 : i32
      %scan3A_139 = arith.constant 8 : i32
      %scan3A_140 = arith.addi %scan3A_138, %scan3A_139 : i32
      %scan3A_141 = arith.constant 1 : i32
      %scan3A_142 = scf.for %scan3A_144 = %scan3A_138 to %scan3A_140 step %scan3A_141 iter_args(%scan3A_145 = %scan3A_137) -> (i32)  : i32 {
        %broadcast_in_dim3A = arith.constant 0.000000e+00 : f32
        %broadcast_in_dim3A_146 = vector.broadcast %broadcast_in_dim3A : f32 to vector<16xf32>
        %mul3A_147 = arith.constant 16 : i32
        %mul3A_148 = arith.muli %scan3A_144, %mul3A_147 : i32
        %swap3A = arith.constant 0 : i32
        %swap3A_149 = arith.index_cast %swap3A : i32 to index
        %swap3A_150 = arith.index_cast %scan3A_135 : i32 to index
        %swap3A_151 = arith.index_cast %mul3A_148 : i32 to index
        %swap3A_152 = tpu.vector_load %arg8[%swap3A_149, %swap3A_150, %swap3A_151] {strides = array<i32>} : memref<2x125x128xf32, #tpu.memory_space<vmem>>, vector<1x1x16xf32>,
        %swap3A_153 = vector.shape_cast %swap3A_152 : vector<1x1x16xf32> to vector<16xf32>
        %swap3A_154 = vector.shape_cast %broadcast_in_dim3A_146 : vector<16xf32> to vector<1x1x16xf32>
        tpu.vector_store %arg8[%swap3A_149, %swap3A_150, %swap3A_151], %swap3A_154 {strides = array<i32>} : memref<2x125x128xf32, #tpu.memory_space<vmem>>, vector<1x1x16xf32>,
        %scan3A_155 = arith.constant 0 : i32
        scf.yield %scan3A_155 : i32
      }
      %scan3A_143 = arith.constant 8 : i32
      scf.yield %scan3A_142 : i32
    }
    %scan3A_15 = arith.constant 80 : i32
    %mul3A_16 = arith.constant 640 : i32
    %mul3A_17 = arith.muli %arg1, %mul3A_16 : i32
    %add3A_18 = arith.constant 0 : i32
    %add3A_19 = arith.addi %mul3A_17, %add3A_18 : i32
    %run_scoped3A = arith.constant 0 : i32
    "tpu.region"() ({
      %run_scoped3A_135 = tpu.sem_alloc : memref<!tpu.dma_semaphore, #tpu.memory_space<semaphore_mem>>
      %dma_start3A_136 = arith.constant 0 : i32
      %dma_start3A_137 = arith.constant 0 : i32
      %dma_start3A_138 = tpu.memref_slice %arg8[%run_scoped3A, %dma_start3A_136, %dma_start3A_137] : memref<2x125x128xf32, #tpu.memory_space<vmem>> -> memref<1x80x128xf32, #tpu.memory_space<vmem>>
      %dma_start3A_139 = tpu.memref_squeeze %dma_start3A_138 : memref<1x80x128xf32, #tpu.memory_space<vmem>> -> memref<80x128xf32, #tpu.memory_space<vmem>>
      %dma_start3A_140 = arith.constant 0 : i32
      %dma_start3A_141 = tpu.memref_slice %arg9[%add3A_19, %dma_start3A_140] : memref<10240x128xf32, #tpu.memory_space<vmem_shared>> -> memref<80x128xf32, #tpu.memory_space<vmem_shared>>
      %dma_start3A_142 = arith.constant 0 : i32
      %dma_start3A_143 = tpu.memref_slice %arg9[%add3A_19, %dma_start3A_142] : memref<10240x128xf32, #tpu.memory_space<vmem_shared>> -> memref<80x128xf32, #tpu.memory_space<vmem_shared>>
      %dma_start3A_144 = arith.constant 0 : i32
      %dma_start3A_145 = arith.constant 0 : i32
      %dma_start3A_146 = tpu.memref_slice %arg8[%run_scoped3A, %dma_start3A_144, %dma_start3A_145] : memref<2x125x128xf32, #tpu.memory_space<vmem>> -> memref<1x80x128xf32, #tpu.memory_space<vmem>>
      %dma_start3A_147 = tpu.memref_squeeze %dma_start3A_146 : memref<1x80x128xf32, #tpu.memory_space<vmem>> -> memref<80x128xf32, #tpu.memory_space<vmem>>
      tpu.enqueue_dma source(%dma_start3A_147 : memref<80x128xf32, #tpu.memory_space<vmem>>) target(%dma_start3A_143 : memref<80x128xf32, #tpu.memory_space<vmem_shared>>) target_semaphore(%run_scoped3A_135 : memref<!tpu.dma_semaphore, #tpu.memory_space<semaphore_mem>>)
      %dma_wait3A_148 = arith.constant 0 : i32
      %dma_wait3A_149 = arith.constant 0 : i32
      %dma_wait3A_150 = tpu.memref_slice %arg8[%run_scoped3A, %dma_wait3A_148, %dma_wait3A_149] : memref<2x125x128xf32, #tpu.memory_space<vmem>> -> memref<1x80x128xf32, #tpu.memory_space<vmem>>
      %dma_wait3A_151 = tpu.memref_squeeze %dma_wait3A_150 : memref<1x80x128xf32, #tpu.memory_space<vmem>> -> memref<80x128xf32, #tpu.memory_space<vmem>>
      %dma_wait3A_152 = arith.constant 0 : i32
      %dma_wait3A_153 = tpu.memref_slice %arg9[%add3A_19, %dma_wait3A_152] : memref<10240x128xf32, #tpu.memory_space<vmem_shared>> -> memref<80x128xf32, #tpu.memory_space<vmem_shared>>
      %dma_wait3A_154 = arith.constant 0 : i32
      %dma_wait3A_155 = tpu.memref_slice %arg9[%add3A_19, %dma_wait3A_154] : memref<10240x128xf32, #tpu.memory_space<vmem_shared>> -> memref<80x128xf32, #tpu.memory_space<vmem_shared>>
      %dma_wait3A_156 = arith.constant 0 : i32
      %dma_wait3A_157 = arith.constant 0 : i32
      %dma_wait3A_158 = tpu.memref_slice %arg8[%run_scoped3A, %dma_wait3A_156, %dma_wait3A_157] : memref<2x125x128xf32, #tpu.memory_space<vmem>> -> memref<1x80x128xf32, #tpu.memory_space<vmem>>
      %dma_wait3A_159 = tpu.memref_squeeze %dma_wait3A_158 : memref<1x80x128xf32, #tpu.memory_space<vmem>> -> memref<80x128xf32, #tpu.memory_space<vmem>>
      tpu.wait_dma2 semaphore(%run_scoped3A_135 : memref<!tpu.dma_semaphore, #tpu.memory_space<semaphore_mem>>) src(%dma_wait3A_159 : memref<80x128xf32, #tpu.memory_space<vmem>>) dst(%dma_wait3A_155 : memref<80x128xf32, #tpu.memory_space<vmem_shared>>)
      tpu.yield
    }) : () -> ()
    %mul3A_20 = arith.constant 640 : i32
    %mul3A_21 = arith.muli %arg1, %mul3A_20 : i32
    %add3A_22 = arith.constant 80 : i32
    %add3A_23 = arith.addi %mul3A_21, %add3A_22 : i32
    %run_scoped3A_24 = arith.constant 0 : i32
    "tpu.region"() ({
      %run_scoped3A_135 = tpu.sem_alloc : memref<!tpu.dma_semaphore, #tpu.memory_space<semaphore_mem>>
      %dma_start3A_136 = arith.constant 0 : i32
      %dma_start3A_137 = arith.constant 0 : i32
      %dma_start3A_138 = tpu.memref_slice %arg8[%run_scoped3A_24, %dma_start3A_136, %dma_start3A_137] : memref<2x125x128xf32, #tpu.memory_space<vmem>> -> memref<1x80x128xf32, #tpu.memory_space<vmem>>
      %dma_start3A_139 = tpu.memref_squeeze %dma_start3A_138 : memref<1x80x128xf32, #tpu.memory_space<vmem>> -> memref<80x128xf32, #tpu.memory_space<vmem>>
      %dma_start3A_140 = arith.constant 0 : i32
      %dma_start3A_141 = tpu.memref_slice %arg9[%add3A_23, %dma_start3A_140] : memref<10240x128xf32, #tpu.memory_space<vmem_shared>> -> memref<80x128xf32, #tpu.memory_space<vmem_shared>>
      %dma_start3A_142 = arith.constant 0 : i32
      %dma_start3A_143 = tpu.memref_slice %arg9[%add3A_23, %dma_start3A_142] : memref<10240x128xf32, #tpu.memory_space<vmem_shared>> -> memref<80x128xf32, #tpu.memory_space<vmem_shared>>
      %dma_start3A_144 = arith.constant 0 : i32
      %dma_start3A_145 = arith.constant 0 : i32
      %dma_start3A_146 = tpu.memref_slice %arg8[%run_scoped3A_24, %dma_start3A_144, %dma_start3A_145] : memref<2x125x128xf32, #tpu.memory_space<vmem>> -> memref<1x80x128xf32, #tpu.memory_space<vmem>>
      %dma_start3A_147 = tpu.memref_squeeze %dma_start3A_146 : memref<1x80x128xf32, #tpu.memory_space<vmem>> -> memref<80x128xf32, #tpu.memory_space<vmem>>
      tpu.enqueue_dma source(%dma_start3A_147 : memref<80x128xf32, #tpu.memory_space<vmem>>) target(%dma_start3A_143 : memref<80x128xf32, #tpu.memory_space<vmem_shared>>) target_semaphore(%run_scoped3A_135 : memref<!tpu.dma_semaphore, #tpu.memory_space<semaphore_mem>>)
      %dma_wait3A_148 = arith.constant 0 : i32
      %dma_wait3A_149 = arith.constant 0 : i32
      %dma_wait3A_150 = tpu.memref_slice %arg8[%run_scoped3A_24, %dma_wait3A_148, %dma_wait3A_149] : memref<2x125x128xf32, #tpu.memory_space<vmem>> -> memref<1x80x128xf32, #tpu.memory_space<vmem>>
      %dma_wait3A_151 = tpu.memref_squeeze %dma_wait3A_150 : memref<1x80x128xf32, #tpu.memory_space<vmem>> -> memref<80x128xf32, #tpu.memory_space<vmem>>
      %dma_wait3A_152 = arith.constant 0 : i32
      %dma_wait3A_153 = tpu.memref_slice %arg9[%add3A_23, %dma_wait3A_152] : memref<10240x128xf32, #tpu.memory_space<vmem_shared>> -> memref<80x128xf32, #tpu.memory_space<vmem_shared>>
      %dma_wait3A_154 = arith.constant 0 : i32
      %dma_wait3A_155 = tpu.memref_slice %arg9[%add3A_23, %dma_wait3A_154] : memref<10240x128xf32, #tpu.memory_space<vmem_shared>> -> memref<80x128xf32, #tpu.memory_space<vmem_shared>>
      %dma_wait3A_156 = arith.constant 0 : i32
      %dma_wait3A_157 = arith.constant 0 : i32
      %dma_wait3A_158 = tpu.memref_slice %arg8[%run_scoped3A_24, %dma_wait3A_156, %dma_wait3A_157] : memref<2x125x128xf32, #tpu.memory_space<vmem>> -> memref<1x80x128xf32, #tpu.memory_space<vmem>>
      %dma_wait3A_159 = tpu.memref_squeeze %dma_wait3A_158 : memref<1x80x128xf32, #tpu.memory_space<vmem>> -> memref<80x128xf32, #tpu.memory_space<vmem>>
      tpu.wait_dma2 semaphore(%run_scoped3A_135 : memref<!tpu.dma_semaphore, #tpu.memory_space<semaphore_mem>>) src(%dma_wait3A_159 : memref<80x128xf32, #tpu.memory_space<vmem>>) dst(%dma_wait3A_155 : memref<80x128xf32, #tpu.memory_space<vmem_shared>>)
      tpu.yield
    }) : () -> ()
    %mul3A_25 = arith.constant 640 : i32
    %mul3A_26 = arith.muli %arg1, %mul3A_25 : i32
    %add3A_27 = arith.constant 160 : i32
    %add3A_28 = arith.addi %mul3A_26, %add3A_27 : i32
    %run_scoped3A_29 = arith.constant 0 : i32
    "tpu.region"() ({
      %run_scoped3A_135 = tpu.sem_alloc : memref<!tpu.dma_semaphore, #tpu.memory_space<semaphore_mem>>
      %dma_start3A_136 = arith.constant 0 : i32
      %dma_start3A_137 = arith.constant 0 : i32
      %dma_start3A_138 = tpu.memref_slice %arg8[%run_scoped3A_29, %dma_start3A_136, %dma_start3A_137] : memref<2x125x128xf32, #tpu.memory_space<vmem>> -> memref<1x80x128xf32, #tpu.memory_space<vmem>>
      %dma_start3A_139 = tpu.memref_squeeze %dma_start3A_138 : memref<1x80x128xf32, #tpu.memory_space<vmem>> -> memref<80x128xf32, #tpu.memory_space<vmem>>
      %dma_start3A_140 = arith.constant 0 : i32
      %dma_start3A_141 = tpu.memref_slice %arg9[%add3A_28, %dma_start3A_140] : memref<10240x128xf32, #tpu.memory_space<vmem_shared>> -> memref<80x128xf32, #tpu.memory_space<vmem_shared>>
      %dma_start3A_142 = arith.constant 0 : i32
      %dma_start3A_143 = tpu.memref_slice %arg9[%add3A_28, %dma_start3A_142] : memref<10240x128xf32, #tpu.memory_space<vmem_shared>> -> memref<80x128xf32, #tpu.memory_space<vmem_shared>>
      %dma_start3A_144 = arith.constant 0 : i32
      %dma_start3A_145 = arith.constant 0 : i32
      %dma_start3A_146 = tpu.memref_slice %arg8[%run_scoped3A_29, %dma_start3A_144, %dma_start3A_145] : memref<2x125x128xf32, #tpu.memory_space<vmem>> -> memref<1x80x128xf32, #tpu.memory_space<vmem>>
      %dma_start3A_147 = tpu.memref_squeeze %dma_start3A_146 : memref<1x80x128xf32, #tpu.memory_space<vmem>> -> memref<80x128xf32, #tpu.memory_space<vmem>>
      tpu.enqueue_dma source(%dma_start3A_147 : memref<80x128xf32, #tpu.memory_space<vmem>>) target(%dma_start3A_143 : memref<80x128xf32, #tpu.memory_space<vmem_shared>>) target_semaphore(%run_scoped3A_135 : memref<!tpu.dma_semaphore, #tpu.memory_space<semaphore_mem>>)
      %dma_wait3A_148 = arith.constant 0 : i32
      %dma_wait3A_149 = arith.constant 0 : i32
      %dma_wait3A_150 = tpu.memref_slice %arg8[%run_scoped3A_29, %dma_wait3A_148, %dma_wait3A_149] : memref<2x125x128xf32, #tpu.memory_space<vmem>> -> memref<1x80x128xf32, #tpu.memory_space<vmem>>
      %dma_wait3A_151 = tpu.memref_squeeze %dma_wait3A_150 : memref<1x80x128xf32, #tpu.memory_space<vmem>> -> memref<80x128xf32, #tpu.memory_space<vmem>>
      %dma_wait3A_152 = arith.constant 0 : i32
      %dma_wait3A_153 = tpu.memref_slice %arg9[%add3A_28, %dma_wait3A_152] : memref<10240x128xf32, #tpu.memory_space<vmem_shared>> -> memref<80x128xf32, #tpu.memory_space<vmem_shared>>
      %dma_wait3A_154 = arith.constant 0 : i32
      %dma_wait3A_155 = tpu.memref_slice %arg9[%add3A_28, %dma_wait3A_154] : memref<10240x128xf32, #tpu.memory_space<vmem_shared>> -> memref<80x128xf32, #tpu.memory_space<vmem_shared>>
      %dma_wait3A_156 = arith.constant 0 : i32
      %dma_wait3A_157 = arith.constant 0 : i32
      %dma_wait3A_158 = tpu.memref_slice %arg8[%run_scoped3A_29, %dma_wait3A_156, %dma_wait3A_157] : memref<2x125x128xf32, #tpu.memory_space<vmem>> -> memref<1x80x128xf32, #tpu.memory_space<vmem>>
      %dma_wait3A_159 = tpu.memref_squeeze %dma_wait3A_158 : memref<1x80x128xf32, #tpu.memory_space<vmem>> -> memref<80x128xf32, #tpu.memory_space<vmem>>
      tpu.wait_dma2 semaphore(%run_scoped3A_135 : memref<!tpu.dma_semaphore, #tpu.memory_space<semaphore_mem>>) src(%dma_wait3A_159 : memref<80x128xf32, #tpu.memory_space<vmem>>) dst(%dma_wait3A_155 : memref<80x128xf32, #tpu.memory_space<vmem_shared>>)
      tpu.yield
    }) : () -> ()
    %mul3A_30 = arith.constant 640 : i32
    %mul3A_31 = arith.muli %arg1, %mul3A_30 : i32
    %add3A_32 = arith.constant 240 : i32
    %add3A_33 = arith.addi %mul3A_31, %add3A_32 : i32
    %run_scoped3A_34 = arith.constant 0 : i32
    "tpu.region"() ({
      %run_scoped3A_135 = tpu.sem_alloc : memref<!tpu.dma_semaphore, #tpu.memory_space<semaphore_mem>>
      %dma_start3A_136 = arith.constant 0 : i32
      %dma_start3A_137 = arith.constant 0 : i32
      %dma_start3A_138 = tpu.memref_slice %arg8[%run_scoped3A_34, %dma_start3A_136, %dma_start3A_137] : memref<2x125x128xf32, #tpu.memory_space<vmem>> -> memref<1x80x128xf32, #tpu.memory_space<vmem>>
      %dma_start3A_139 = tpu.memref_squeeze %dma_start3A_138 : memref<1x80x128xf32, #tpu.memory_space<vmem>> -> memref<80x128xf32, #tpu.memory_space<vmem>>
      %dma_start3A_140 = arith.constant 0 : i32
      %dma_start3A_141 = tpu.memref_slice %arg9[%add3A_33, %dma_start3A_140] : memref<10240x128xf32, #tpu.memory_space<vmem_shared>> -> memref<80x128xf32, #tpu.memory_space<vmem_shared>>
      %dma_start3A_142 = arith.constant 0 : i32
      %dma_start3A_143 = tpu.memref_slice %arg9[%add3A_33, %dma_start3A_142] : memref<10240x128xf32, #tpu.memory_space<vmem_shared>> -> memref<80x128xf32, #tpu.memory_space<vmem_shared>>
      %dma_start3A_144 = arith.constant 0 : i32
      %dma_start3A_145 = arith.constant 0 : i32
      %dma_start3A_146 = tpu.memref_slice %arg8[%run_scoped3A_34, %dma_start3A_144, %dma_start3A_145] : memref<2x125x128xf32, #tpu.memory_space<vmem>> -> memref<1x80x128xf32, #tpu.memory_space<vmem>>
      %dma_start3A_147 = tpu.memref_squeeze %dma_start3A_146 : memref<1x80x128xf32, #tpu.memory_space<vmem>> -> memref<80x128xf32, #tpu.memory_space<vmem>>
      tpu.enqueue_dma source(%dma_start3A_147 : memref<80x128xf32, #tpu.memory_space<vmem>>) target(%dma_start3A_143 : memref<80x128xf32, #tpu.memory_space<vmem_shared>>) target_semaphore(%run_scoped3A_135 : memref<!tpu.dma_semaphore, #tpu.memory_space<semaphore_mem>>)
      %dma_wait3A_148 = arith.constant 0 : i32
      %dma_wait3A_149 = arith.constant 0 : i32
      %dma_wait3A_150 = tpu.memref_slice %arg8[%run_scoped3A_34, %dma_wait3A_148, %dma_wait3A_149] : memref<2x125x128xf32, #tpu.memory_space<vmem>> -> memref<1x80x128xf32, #tpu.memory_space<vmem>>
      %dma_wait3A_151 = tpu.memref_squeeze %dma_wait3A_150 : memref<1x80x128xf32, #tpu.memory_space<vmem>> -> memref<80x128xf32, #tpu.memory_space<vmem>>
      %dma_wait3A_152 = arith.constant 0 : i32
      %dma_wait3A_153 = tpu.memref_slice %arg9[%add3A_33, %dma_wait3A_152] : memref<10240x128xf32, #tpu.memory_space<vmem_shared>> -> memref<80x128xf32, #tpu.memory_space<vmem_shared>>
      %dma_wait3A_154 = arith.constant 0 : i32
      %dma_wait3A_155 = tpu.memref_slice %arg9[%add3A_33, %dma_wait3A_154] : memref<10240x128xf32, #tpu.memory_space<vmem_shared>> -> memref<80x128xf32, #tpu.memory_space<vmem_shared>>
      %dma_wait3A_156 = arith.constant 0 : i32
      %dma_wait3A_157 = arith.constant 0 : i32
      %dma_wait3A_158 = tpu.memref_slice %arg8[%run_scoped3A_34, %dma_wait3A_156, %dma_wait3A_157] : memref<2x125x128xf32, #tpu.memory_space<vmem>> -> memref<1x80x128xf32, #tpu.memory_space<vmem>>
      %dma_wait3A_159 = tpu.memref_squeeze %dma_wait3A_158 : memref<1x80x128xf32, #tpu.memory_space<vmem>> -> memref<80x128xf32, #tpu.memory_space<vmem>>
      tpu.wait_dma2 semaphore(%run_scoped3A_135 : memref<!tpu.dma_semaphore, #tpu.memory_space<semaphore_mem>>) src(%dma_wait3A_159 : memref<80x128xf32, #tpu.memory_space<vmem>>) dst(%dma_wait3A_155 : memref<80x128xf32, #tpu.memory_space<vmem_shared>>)
      tpu.yield
    }) : () -> ()
    %mul3A_35 = arith.constant 640 : i32
    %mul3A_36 = arith.muli %arg1, %mul3A_35 : i32
    %add3A_37 = arith.constant 320 : i32
    %add3A_38 = arith.addi %mul3A_36, %add3A_37 : i32
    %run_scoped3A_39 = arith.constant 0 : i32
    "tpu.region"() ({
      %run_scoped3A_135 = tpu.sem_alloc : memref<!tpu.dma_semaphore, #tpu.memory_space<semaphore_mem>>
      %dma_start3A_136 = arith.constant 0 : i32
      %dma_start3A_137 = arith.constant 0 : i32
      %dma_start3A_138 = tpu.memref_slice %arg8[%run_scoped3A_39, %dma_start3A_136, %dma_start3A_137] : memref<2x125x128xf32, #tpu.memory_space<vmem>> -> memref<1x80x128xf32, #tpu.memory_space<vmem>>
      %dma_start3A_139 = tpu.memref_squeeze %dma_start3A_138 : memref<1x80x128xf32, #tpu.memory_space<vmem>> -> memref<80x128xf32, #tpu.memory_space<vmem>>
      %dma_start3A_140 = arith.constant 0 : i32
      %dma_start3A_141 = tpu.memref_slice %arg9[%add3A_38, %dma_start3A_140] : memref<10240x128xf32, #tpu.memory_space<vmem_shared>> -> memref<80x128xf32, #tpu.memory_space<vmem_shared>>
      %dma_start3A_142 = arith.constant 0 : i32
      %dma_start3A_143 = tpu.memref_slice %arg9[%add3A_38, %dma_start3A_142] : memref<10240x128xf32, #tpu.memory_space<vmem_shared>> -> memref<80x128xf32, #tpu.memory_space<vmem_shared>>
      %dma_start3A_144 = arith.constant 0 : i32
      %dma_start3A_145 = arith.constant 0 : i32
      %dma_start3A_146 = tpu.memref_slice %arg8[%run_scoped3A_39, %dma_start3A_144, %dma_start3A_145] : memref<2x125x128xf32, #tpu.memory_space<vmem>> -> memref<1x80x128xf32, #tpu.memory_space<vmem>>
      %dma_start3A_147 = tpu.memref_squeeze %dma_start3A_146 : memref<1x80x128xf32, #tpu.memory_space<vmem>> -> memref<80x128xf32, #tpu.memory_space<vmem>>
      tpu.enqueue_dma source(%dma_start3A_147 : memref<80x128xf32, #tpu.memory_space<vmem>>) target(%dma_start3A_143 : memref<80x128xf32, #tpu.memory_space<vmem_shared>>) target_semaphore(%run_scoped3A_135 : memref<!tpu.dma_semaphore, #tpu.memory_space<semaphore_mem>>)
      %dma_wait3A_148 = arith.constant 0 : i32
      %dma_wait3A_149 = arith.constant 0 : i32
      %dma_wait3A_150 = tpu.memref_slice %arg8[%run_scoped3A_39, %dma_wait3A_148, %dma_wait3A_149] : memref<2x125x128xf32, #tpu.memory_space<vmem>> -> memref<1x80x128xf32, #tpu.memory_space<vmem>>
      %dma_wait3A_151 = tpu.memref_squeeze %dma_wait3A_150 : memref<1x80x128xf32, #tpu.memory_space<vmem>> -> memref<80x128xf32, #tpu.memory_space<vmem>>
      %dma_wait3A_152 = arith.constant 0 : i32
      %dma_wait3A_153 = tpu.memref_slice %arg9[%add3A_38, %dma_wait3A_152] : memref<10240x128xf32, #tpu.memory_space<vmem_shared>> -> memref<80x128xf32, #tpu.memory_space<vmem_shared>>
      %dma_wait3A_154 = arith.constant 0 : i32
      %dma_wait3A_155 = tpu.memref_slice %arg9[%add3A_38, %dma_wait3A_154] : memref<10240x128xf32, #tpu.memory_space<vmem_shared>> -> memref<80x128xf32, #tpu.memory_space<vmem_shared>>
      %dma_wait3A_156 = arith.constant 0 : i32
      %dma_wait3A_157 = arith.constant 0 : i32
      %dma_wait3A_158 = tpu.memref_slice %arg8[%run_scoped3A_39, %dma_wait3A_156, %dma_wait3A_157] : memref<2x125x128xf32, #tpu.memory_space<vmem>> -> memref<1x80x128xf32, #tpu.memory_space<vmem>>
      %dma_wait3A_159 = tpu.memref_squeeze %dma_wait3A_158 : memref<1x80x128xf32, #tpu.memory_space<vmem>> -> memref<80x128xf32, #tpu.memory_space<vmem>>
      tpu.wait_dma2 semaphore(%run_scoped3A_135 : memref<!tpu.dma_semaphore, #tpu.memory_space<semaphore_mem>>) src(%dma_wait3A_159 : memref<80x128xf32, #tpu.memory_space<vmem>>) dst(%dma_wait3A_155 : memref<80x128xf32, #tpu.memory_space<vmem_shared>>)
      tpu.yield
    }) : () -> ()
    %mul3A_40 = arith.constant 640 : i32
    %mul3A_41 = arith.muli %arg1, %mul3A_40 : i32
    %add3A_42 = arith.constant 400 : i32
    %add3A_43 = arith.addi %mul3A_41, %add3A_42 : i32
    %run_scoped3A_44 = arith.constant 0 : i32
    "tpu.region"() ({
      %run_scoped3A_135 = tpu.sem_alloc : memref<!tpu.dma_semaphore, #tpu.memory_space<semaphore_mem>>
      %dma_start3A_136 = arith.constant 0 : i32
      %dma_start3A_137 = arith.constant 0 : i32
      %dma_start3A_138 = tpu.memref_slice %arg8[%run_scoped3A_44, %dma_start3A_136, %dma_start3A_137] : memref<2x125x128xf32, #tpu.memory_space<vmem>> -> memref<1x80x128xf32, #tpu.memory_space<vmem>>
      %dma_start3A_139 = tpu.memref_squeeze %dma_start3A_138 : memref<1x80x128xf32, #tpu.memory_space<vmem>> -> memref<80x128xf32, #tpu.memory_space<vmem>>
      %dma_start3A_140 = arith.constant 0 : i32
      %dma_start3A_141 = tpu.memref_slice %arg9[%add3A_43, %dma_start3A_140] : memref<10240x128xf32, #tpu.memory_space<vmem_shared>> -> memref<80x128xf32, #tpu.memory_space<vmem_shared>>
      %dma_start3A_142 = arith.constant 0 : i32
      %dma_start3A_143 = tpu.memref_slice %arg9[%add3A_43, %dma_start3A_142] : memref<10240x128xf32, #tpu.memory_space<vmem_shared>> -> memref<80x128xf32, #tpu.memory_space<vmem_shared>>
      %dma_start3A_144 = arith.constant 0 : i32
      %dma_start3A_145 = arith.constant 0 : i32
      %dma_start3A_146 = tpu.memref_slice %arg8[%run_scoped3A_44, %dma_start3A_144, %dma_start3A_145] : memref<2x125x128xf32, #tpu.memory_space<vmem>> -> memref<1x80x128xf32, #tpu.memory_space<vmem>>
      %dma_start3A_147 = tpu.memref_squeeze %dma_start3A_146 : memref<1x80x128xf32, #tpu.memory_space<vmem>> -> memref<80x128xf32, #tpu.memory_space<vmem>>
      tpu.enqueue_dma source(%dma_start3A_147 : memref<80x128xf32, #tpu.memory_space<vmem>>) target(%dma_start3A_143 : memref<80x128xf32, #tpu.memory_space<vmem_shared>>) target_semaphore(%run_scoped3A_135 : memref<!tpu.dma_semaphore, #tpu.memory_space<semaphore_mem>>)
      %dma_wait3A_148 = arith.constant 0 : i32
      %dma_wait3A_149 = arith.constant 0 : i32
      %dma_wait3A_150 = tpu.memref_slice %arg8[%run_scoped3A_44, %dma_wait3A_148, %dma_wait3A_149] : memref<2x125x128xf32, #tpu.memory_space<vmem>> -> memref<1x80x128xf32, #tpu.memory_space<vmem>>
      %dma_wait3A_151 = tpu.memref_squeeze %dma_wait3A_150 : memref<1x80x128xf32, #tpu.memory_space<vmem>> -> memref<80x128xf32, #tpu.memory_space<vmem>>
      %dma_wait3A_152 = arith.constant 0 : i32
      %dma_wait3A_153 = tpu.memref_slice %arg9[%add3A_43, %dma_wait3A_152] : memref<10240x128xf32, #tpu.memory_space<vmem_shared>> -> memref<80x128xf32, #tpu.memory_space<vmem_shared>>
      %dma_wait3A_154 = arith.constant 0 : i32
      %dma_wait3A_155 = tpu.memref_slice %arg9[%add3A_43, %dma_wait3A_154] : memref<10240x128xf32, #tpu.memory_space<vmem_shared>> -> memref<80x128xf32, #tpu.memory_space<vmem_shared>>
      %dma_wait3A_156 = arith.constant 0 : i32
      %dma_wait3A_157 = arith.constant 0 : i32
      %dma_wait3A_158 = tpu.memref_slice %arg8[%run_scoped3A_44, %dma_wait3A_156, %dma_wait3A_157] : memref<2x125x128xf32, #tpu.memory_space<vmem>> -> memref<1x80x128xf32, #tpu.memory_space<vmem>>
      %dma_wait3A_159 = tpu.memref_squeeze %dma_wait3A_158 : memref<1x80x128xf32, #tpu.memory_space<vmem>> -> memref<80x128xf32, #tpu.memory_space<vmem>>
      tpu.wait_dma2 semaphore(%run_scoped3A_135 : memref<!tpu.dma_semaphore, #tpu.memory_space<semaphore_mem>>) src(%dma_wait3A_159 : memref<80x128xf32, #tpu.memory_space<vmem>>) dst(%dma_wait3A_155 : memref<80x128xf32, #tpu.memory_space<vmem_shared>>)
      tpu.yield
    }) : () -> ()
    %mul3A_45 = arith.constant 640 : i32
    %mul3A_46 = arith.muli %arg1, %mul3A_45 : i32
    %add3A_47 = arith.constant 480 : i32
    %add3A_48 = arith.addi %mul3A_46, %add3A_47 : i32
    %run_scoped3A_49 = arith.constant 0 : i32
    "tpu.region"() ({
      %run_scoped3A_135 = tpu.sem_alloc : memref<!tpu.dma_semaphore, #tpu.memory_space<semaphore_mem>>
      %dma_start3A_136 = arith.constant 0 : i32
      %dma_start3A_137 = arith.constant 0 : i32
      %dma_start3A_138 = tpu.memref_slice %arg8[%run_scoped3A_49, %dma_start3A_136, %dma_start3A_137] : memref<2x125x128xf32, #tpu.memory_space<vmem>> -> memref<1x80x128xf32, #tpu.memory_space<vmem>>
      %dma_start3A_139 = tpu.memref_squeeze %dma_start3A_138 : memref<1x80x128xf32, #tpu.memory_space<vmem>> -> memref<80x128xf32, #tpu.memory_space<vmem>>
      %dma_start3A_140 = arith.constant 0 : i32
      %dma_start3A_141 = tpu.memref_slice %arg9[%add3A_48, %dma_start3A_140] : memref<10240x128xf32, #tpu.memory_space<vmem_shared>> -> memref<80x128xf32, #tpu.memory_space<vmem_shared>>
      %dma_start3A_142 = arith.constant 0 : i32
      %dma_start3A_143 = tpu.memref_slice %arg9[%add3A_48, %dma_start3A_142] : memref<10240x128xf32, #tpu.memory_space<vmem_shared>> -> memref<80x128xf32, #tpu.memory_space<vmem_shared>>
      %dma_start3A_144 = arith.constant 0 : i32
      %dma_start3A_145 = arith.constant 0 : i32
      %dma_start3A_146 = tpu.memref_slice %arg8[%run_scoped3A_49, %dma_start3A_144, %dma_start3A_145] : memref<2x125x128xf32, #tpu.memory_space<vmem>> -> memref<1x80x128xf32, #tpu.memory_space<vmem>>
      %dma_start3A_147 = tpu.memref_squeeze %dma_start3A_146 : memref<1x80x128xf32, #tpu.memory_space<vmem>> -> memref<80x128xf32, #tpu.memory_space<vmem>>
      tpu.enqueue_dma source(%dma_start3A_147 : memref<80x128xf32, #tpu.memory_space<vmem>>) target(%dma_start3A_143 : memref<80x128xf32, #tpu.memory_space<vmem_shared>>) target_semaphore(%run_scoped3A_135 : memref<!tpu.dma_semaphore, #tpu.memory_space<semaphore_mem>>)
      %dma_wait3A_148 = arith.constant 0 : i32
      %dma_wait3A_149 = arith.constant 0 : i32
      %dma_wait3A_150 = tpu.memref_slice %arg8[%run_scoped3A_49, %dma_wait3A_148, %dma_wait3A_149] : memref<2x125x128xf32, #tpu.memory_space<vmem>> -> memref<1x80x128xf32, #tpu.memory_space<vmem>>
      %dma_wait3A_151 = tpu.memref_squeeze %dma_wait3A_150 : memref<1x80x128xf32, #tpu.memory_space<vmem>> -> memref<80x128xf32, #tpu.memory_space<vmem>>
      %dma_wait3A_152 = arith.constant 0 : i32
      %dma_wait3A_153 = tpu.memref_slice %arg9[%add3A_48, %dma_wait3A_152] : memref<10240x128xf32, #tpu.memory_space<vmem_shared>> -> memref<80x128xf32, #tpu.memory_space<vmem_shared>>
      %dma_wait3A_154 = arith.constant 0 : i32
      %dma_wait3A_155 = tpu.memref_slice %arg9[%add3A_48, %dma_wait3A_154] : memref<10240x128xf32, #tpu.memory_space<vmem_shared>> -> memref<80x128xf32, #tpu.memory_space<vmem_shared>>
      %dma_wait3A_156 = arith.constant 0 : i32
      %dma_wait3A_157 = arith.constant 0 : i32
      %dma_wait3A_158 = tpu.memref_slice %arg8[%run_scoped3A_49, %dma_wait3A_156, %dma_wait3A_157] : memref<2x125x128xf32, #tpu.memory_space<vmem>> -> memref<1x80x128xf32, #tpu.memory_space<vmem>>
      %dma_wait3A_159 = tpu.memref_squeeze %dma_wait3A_158 : memref<1x80x128xf32, #tpu.memory_space<vmem>> -> memref<80x128xf32, #tpu.memory_space<vmem>>
      tpu.wait_dma2 semaphore(%run_scoped3A_135 : memref<!tpu.dma_semaphore, #tpu.memory_space<semaphore_mem>>) src(%dma_wait3A_159 : memref<80x128xf32, #tpu.memory_space<vmem>>) dst(%dma_wait3A_155 : memref<80x128xf32, #tpu.memory_space<vmem_shared>>)
      tpu.yield
    }) : () -> ()
    %mul3A_50 = arith.constant 640 : i32
    %mul3A_51 = arith.muli %arg1, %mul3A_50 : i32
    %add3A_52 = arith.constant 560 : i32
    %add3A_53 = arith.addi %mul3A_51, %add3A_52 : i32
    %run_scoped3A_54 = arith.constant 0 : i32
    "tpu.region"() ({
      %run_scoped3A_135 = tpu.sem_alloc : memref<!tpu.dma_semaphore, #tpu.memory_space<semaphore_mem>>
      %dma_start3A_136 = arith.constant 0 : i32
      %dma_start3A_137 = arith.constant 0 : i32
      %dma_start3A_138 = tpu.memref_slice %arg8[%run_scoped3A_54, %dma_start3A_136, %dma_start3A_137] : memref<2x125x128xf32, #tpu.memory_space<vmem>> -> memref<1x80x128xf32, #tpu.memory_space<vmem>>
      %dma_start3A_139 = tpu.memref_squeeze %dma_start3A_138 : memref<1x80x128xf32, #tpu.memory_space<vmem>> -> memref<80x128xf32, #tpu.memory_space<vmem>>
      %dma_start3A_140 = arith.constant 0 : i32
      %dma_start3A_141 = tpu.memref_slice %arg9[%add3A_53, %dma_start3A_140] : memref<10240x128xf32, #tpu.memory_space<vmem_shared>> -> memref<80x128xf32, #tpu.memory_space<vmem_shared>>
      %dma_start3A_142 = arith.constant 0 : i32
      %dma_start3A_143 = tpu.memref_slice %arg9[%add3A_53, %dma_start3A_142] : memref<10240x128xf32, #tpu.memory_space<vmem_shared>> -> memref<80x128xf32, #tpu.memory_space<vmem_shared>>
      %dma_start3A_144 = arith.constant 0 : i32
      %dma_start3A_145 = arith.constant 0 : i32
      %dma_start3A_146 = tpu.memref_slice %arg8[%run_scoped3A_54, %dma_start3A_144, %dma_start3A_145] : memref<2x125x128xf32, #tpu.memory_space<vmem>> -> memref<1x80x128xf32, #tpu.memory_space<vmem>>
      %dma_start3A_147 = tpu.memref_squeeze %dma_start3A_146 : memref<1x80x128xf32, #tpu.memory_space<vmem>> -> memref<80x128xf32, #tpu.memory_space<vmem>>
      tpu.enqueue_dma source(%dma_start3A_147 : memref<80x128xf32, #tpu.memory_space<vmem>>) target(%dma_start3A_143 : memref<80x128xf32, #tpu.memory_space<vmem_shared>>) target_semaphore(%run_scoped3A_135 : memref<!tpu.dma_semaphore, #tpu.memory_space<semaphore_mem>>)
      %dma_wait3A_148 = arith.constant 0 : i32
      %dma_wait3A_149 = arith.constant 0 : i32
      %dma_wait3A_150 = tpu.memref_slice %arg8[%run_scoped3A_54, %dma_wait3A_148, %dma_wait3A_149] : memref<2x125x128xf32, #tpu.memory_space<vmem>> -> memref<1x80x128xf32, #tpu.memory_space<vmem>>
      %dma_wait3A_151 = tpu.memref_squeeze %dma_wait3A_150 : memref<1x80x128xf32, #tpu.memory_space<vmem>> -> memref<80x128xf32, #tpu.memory_space<vmem>>
      %dma_wait3A_152 = arith.constant 0 : i32
      %dma_wait3A_153 = tpu.memref_slice %arg9[%add3A_53, %dma_wait3A_152] : memref<10240x128xf32, #tpu.memory_space<vmem_shared>> -> memref<80x128xf32, #tpu.memory_space<vmem_shared>>
      %dma_wait3A_154 = arith.constant 0 : i32
      %dma_wait3A_155 = tpu.memref_slice %arg9[%add3A_53, %dma_wait3A_154] : memref<10240x128xf32, #tpu.memory_space<vmem_shared>> -> memref<80x128xf32, #tpu.memory_space<vmem_shared>>
      %dma_wait3A_156 = arith.constant 0 : i32
      %dma_wait3A_157 = arith.constant 0 : i32
      %dma_wait3A_158 = tpu.memref_slice %arg8[%run_scoped3A_54, %dma_wait3A_156, %dma_wait3A_157] : memref<2x125x128xf32, #tpu.memory_space<vmem>> -> memref<1x80x128xf32, #tpu.memory_space<vmem>>
      %dma_wait3A_159 = tpu.memref_squeeze %dma_wait3A_158 : memref<1x80x128xf32, #tpu.memory_space<vmem>> -> memref<80x128xf32, #tpu.memory_space<vmem>>
      tpu.wait_dma2 semaphore(%run_scoped3A_135 : memref<!tpu.dma_semaphore, #tpu.memory_space<semaphore_mem>>) src(%dma_wait3A_159 : memref<80x128xf32, #tpu.memory_space<vmem>>) dst(%dma_wait3A_155 : memref<80x128xf32, #tpu.memory_space<vmem_shared>>)
      tpu.yield
    }) : () -> ()
    %dma_wait3A = arith.constant 0 : i32
    %dma_wait3A_55 = tpu.memref_slice %arg2[%mul3A_2, %dma_wait3A] : memref<2560x125xi32, #tpu.memory_space<hbm>> -> memref<40x125xi32, #tpu.memory_space<hbm>>
    %dma_wait3A_56 = arith.constant 0 : i32
    %dma_wait3A_57 = tpu.memref_slice %arg2[%mul3A_2, %dma_wait3A_56] : memref<2560x125xi32, #tpu.memory_space<hbm>> -> memref<40x125xi32, #tpu.memory_space<hbm>>
    tpu.wait_dma2 semaphore(%arg10 : memref<!tpu.dma_semaphore, #tpu.memory_space<semaphore_mem>>) src(%dma_wait3A_57 : memref<40x125xi32, #tpu.memory_space<hbm>>) dst(%arg6 : memref<40x125xi32, #tpu.memory_space<vmem>>)
    %dma_wait3A_58 = arith.constant 0 : i32
    %dma_wait3A_59 = tpu.memref_slice %arg3[%mul3A_2, %dma_wait3A_58] : memref<2560x125xi32, #tpu.memory_space<hbm>> -> memref<40x125xi32, #tpu.memory_space<hbm>>
    %dma_wait3A_60 = arith.constant 0 : i32
    %dma_wait3A_61 = tpu.memref_slice %arg3[%mul3A_2, %dma_wait3A_60] : memref<2560x125xi32, #tpu.memory_space<hbm>> -> memref<40x125xi32, #tpu.memory_space<hbm>>
    tpu.wait_dma2 semaphore(%arg11 : memref<!tpu.dma_semaphore, #tpu.memory_space<semaphore_mem>>) src(%dma_wait3A_61 : memref<40x125xi32, #tpu.memory_space<hbm>>) dst(%arg7 : memref<40x125xi32, #tpu.memory_space<vmem>>)
    %barrier3A = arith.constant 0 : index
    tpu.barrier barrier_id(%barrier3A)
    %mul3A_62 = arith.constant 80 : i32
    %mul3A_63 = arith.muli %add3A, %mul3A_62 : i32
    %add3A_64 = arith.constant 0 : i32
    %add3A_65 = arith.addi %mul3A_63, %add3A_64 : i32
    %dma_start3A_66 = arith.constant 0 : i32
    %dma_start3A_67 = arith.constant 0 : i32
    %dma_start3A_68 = arith.constant 0 : i32
    %dma_start3A_69 = arith.constant 0 : i32
    %dma_start3A_70 = tpu.memref_slice %arg8[%dma_start3A_67, %dma_start3A_68, %dma_start3A_69] : memref<2x125x128xf32, #tpu.memory_space<vmem>> -> memref<1x125x128xf32, #tpu.memory_space<vmem>>
    %dma_start3A_71 = tpu.memref_squeeze %dma_start3A_70 : memref<1x125x128xf32, #tpu.memory_space<vmem>> -> memref<125x128xf32, #tpu.memory_space<vmem>>
    %dma_start3A_72 = arith.constant 0 : i32
    %dma_start3A_73 = tpu.memref_slice %arg6[%dma_start3A_66, %dma_start3A_72] : memref<40x125xi32, #tpu.memory_space<vmem>> -> memref<1x125xi32, #tpu.memory_space<vmem>>
    %dma_start3A_74 = tpu.memref_squeeze %dma_start3A_73 : memref<1x125xi32, #tpu.memory_space<vmem>> -> memref<125xi32, #tpu.memory_space<vmem>>
    %dma_start3A_75 = arith.constant 0 : i32
    %dma_start3A_76 = arith.constant 0 : i32
    %dma_start3A_77 = tpu.memref_slice %arg4[%dma_start3A_75, %dma_start3A_76] : memref<10000x128xf32, #tpu.memory_space<hbm>> -> memref<10000x128xf32, #tpu.memory_space<hbm>>
    tpu.enqueue_indirect_dma source(%dma_start3A_77 : memref<10000x128xf32, #tpu.memory_space<hbm>>) target(%dma_start3A_71 : memref<125x128xf32, #tpu.memory_space<vmem>>) offsets(%dma_start3A_74 : memref<125xi32, #tpu.memory_space<vmem>>) semaphore(%arg10 : memref<!tpu.dma_semaphore, #tpu.memory_space<semaphore_mem>>)
    %dma_start3A_78 = arith.constant 1 : i32
    %dma_start3A_79 = arith.constant 1 : i32
    %dma_start3A_80 = arith.constant 0 : i32
    %dma_start3A_81 = arith.constant 0 : i32
    %dma_start3A_82 = tpu.memref_slice %arg8[%dma_start3A_79, %dma_start3A_80, %dma_start3A_81] : memref<2x125x128xf32, #tpu.memory_space<vmem>> -> memref<1x125x128xf32, #tpu.memory_space<vmem>>
    %dma_start3A_83 = tpu.memref_squeeze %dma_start3A_82 : memref<1x125x128xf32, #tpu.memory_space<vmem>> -> memref<125x128xf32, #tpu.memory_space<vmem>>
    %dma_start3A_84 = arith.constant 0 : i32
    %dma_start3A_85 = tpu.memref_slice %arg6[%dma_start3A_78, %dma_start3A_84] : memref<40x125xi32, #tpu.memory_space<vmem>> -> memref<1x125xi32, #tpu.memory_space<vmem>>
    %dma_start3A_86 = tpu.memref_squeeze %dma_start3A_85 : memref<1x125xi32, #tpu.memory_space<vmem>> -> memref<125xi32, #tpu.memory_space<vmem>>
    %dma_start3A_87 = arith.constant 0 : i32
    %dma_start3A_88 = arith.constant 0 : i32
    %dma_start3A_89 = tpu.memref_slice %arg4[%dma_start3A_87, %dma_start3A_88] : memref<10000x128xf32, #tpu.memory_space<hbm>> -> memref<10000x128xf32, #tpu.memory_space<hbm>>
    tpu.enqueue_indirect_dma source(%dma_start3A_89 : memref<10000x128xf32, #tpu.memory_space<hbm>>) target(%dma_start3A_83 : memref<125x128xf32, #tpu.memory_space<vmem>>) offsets(%dma_start3A_86 : memref<125xi32, #tpu.memory_space<vmem>>) semaphore(%arg11 : memref<!tpu.dma_semaphore, #tpu.memory_space<semaphore_mem>>)
    %scan3A_90 = arith.constant 0 : i32
    %scan3A_91 = arith.constant 0 : i32
    %scan3A_92 = arith.constant 20 : i32
    %scan3A_93 = arith.addi %scan3A_91, %scan3A_92 : i32
    %scan3A_94 = arith.constant 1 : i32
    %scan3A_95 = scf.for %scan3A_135 = %scan3A_91 to %scan3A_93 step %scan3A_94 iter_args(%scan3A_136 = %scan3A_90) -> (i32)  : i32 {
      %mul3A_137 = arith.constant 2 : i32
      %mul3A_138 = arith.muli %mul3A_137, %scan3A_135 : i32
      %add3A_139 = arith.constant 0 : i32
      %add3A_140 = arith.addi %mul3A_138, %add3A_139 : i32
      %dma_wait3A_141 = arith.constant 0 : i32
      %dma_wait3A_142 = arith.constant 0 : i32
      %dma_wait3A_143 = arith.constant 0 : i32
      %dma_wait3A_144 = tpu.memref_slice %arg8[%dma_wait3A_141, %dma_wait3A_142, %dma_wait3A_143] : memref<2x125x128xf32, #tpu.memory_space<vmem>> -> memref<1x125x128xf32, #tpu.memory_space<vmem>>
      %dma_wait3A_145 = tpu.memref_squeeze %dma_wait3A_144 : memref<1x125x128xf32, #tpu.memory_space<vmem>> -> memref<125x128xf32, #tpu.memory_space<vmem>>
      %dma_wait3A_146 = arith.constant 0 : i32
      %dma_wait3A_147 = tpu.memref_slice %arg6[%add3A_140, %dma_wait3A_146] : memref<40x125xi32, #tpu.memory_space<vmem>> -> memref<1x125xi32, #tpu.memory_space<vmem>>
      %dma_wait3A_148 = tpu.memref_squeeze %dma_wait3A_147 : memref<1x125xi32, #tpu.memory_space<vmem>> -> memref<125xi32, #tpu.memory_space<vmem>>
      %dma_wait3A_149 = arith.constant 0 : i32
      %dma_wait3A_150 = arith.constant 0 : i32
      %dma_wait3A_151 = tpu.memref_slice %arg4[%dma_wait3A_149, %dma_wait3A_150] : memref<10000x128xf32, #tpu.memory_space<hbm>> -> memref<10000x128xf32, #tpu.memory_space<hbm>>
      tpu.wait_indirect_dma semaphore(%arg10 : memref<!tpu.dma_semaphore, #tpu.memory_space<semaphore_mem>>) src(%dma_wait3A_151 : memref<10000x128xf32, #tpu.memory_space<hbm>>) dst(%dma_wait3A_145 : memref<125x128xf32, #tpu.memory_space<vmem>>)
      %run_scoped3A_152 = arith.constant 0 : i32
      "tpu.region"() ({
        %run_scoped3A_181 = tpu.sem_alloc : memref<!tpu.dma_semaphore, #tpu.memory_space<semaphore_mem>>
        %dma_start3A_182 = arith.constant 0 : i32
        %dma_start3A_183 = arith.constant 0 : i32
        %dma_start3A_184 = tpu.memref_slice %arg8[%run_scoped3A_152, %dma_start3A_182, %dma_start3A_183] : memref<2x125x128xf32, #tpu.memory_space<vmem>> -> memref<1x125x128xf32, #tpu.memory_space<vmem>>
        %dma_start3A_185 = tpu.memref_squeeze %dma_start3A_184 : memref<1x125x128xf32, #tpu.memory_space<vmem>> -> memref<125x128xf32, #tpu.memory_space<vmem>>
        %dma_start3A_186 = arith.constant 0 : i32
        %dma_start3A_187 = tpu.memref_slice %arg7[%add3A_140, %dma_start3A_186] : memref<40x125xi32, #tpu.memory_space<vmem>> -> memref<1x125xi32, #tpu.memory_space<vmem>>
        %dma_start3A_188 = tpu.memref_squeeze %dma_start3A_187 : memref<1x125xi32, #tpu.memory_space<vmem>> -> memref<125xi32, #tpu.memory_space<vmem>>
        %dma_start3A_189 = arith.constant 0 : i32
        %dma_start3A_190 = arith.constant 0 : i32
        %dma_start3A_191 = tpu.memref_slice %arg9[%dma_start3A_189, %dma_start3A_190] : memref<10240x128xf32, #tpu.memory_space<vmem_shared>> -> memref<10240x128xf32, #tpu.memory_space<vmem_shared>>
        tpu.enqueue_indirect_dma source(%dma_start3A_185 : memref<125x128xf32, #tpu.memory_space<vmem>>) target(%dma_start3A_191 : memref<10240x128xf32, #tpu.memory_space<vmem_shared>>) offsets(%dma_start3A_188 : memref<125xi32, #tpu.memory_space<vmem>>) semaphore(%run_scoped3A_181 : memref<!tpu.dma_semaphore, #tpu.memory_space<semaphore_mem>>) {add = true}
        %dma_wait3A_192 = arith.constant 0 : i32
        %dma_wait3A_193 = arith.constant 0 : i32
        %dma_wait3A_194 = tpu.memref_slice %arg8[%run_scoped3A_152, %dma_wait3A_192, %dma_wait3A_193] : memref<2x125x128xf32, #tpu.memory_space<vmem>> -> memref<1x125x128xf32, #tpu.memory_space<vmem>>
        %dma_wait3A_195 = tpu.memref_squeeze %dma_wait3A_194 : memref<1x125x128xf32, #tpu.memory_space<vmem>> -> memref<125x128xf32, #tpu.memory_space<vmem>>
        %dma_wait3A_196 = arith.constant 0 : i32
        %dma_wait3A_197 = tpu.memref_slice %arg7[%add3A_140, %dma_wait3A_196] : memref<40x125xi32, #tpu.memory_space<vmem>> -> memref<1x125xi32, #tpu.memory_space<vmem>>
        %dma_wait3A_198 = tpu.memref_squeeze %dma_wait3A_197 : memref<1x125xi32, #tpu.memory_space<vmem>> -> memref<125xi32, #tpu.memory_space<vmem>>
        %dma_wait3A_199 = arith.constant 0 : i32
        %dma_wait3A_200 = arith.constant 0 : i32
        %dma_wait3A_201 = tpu.memref_slice %arg9[%dma_wait3A_199, %dma_wait3A_200] : memref<10240x128xf32, #tpu.memory_space<vmem_shared>> -> memref<10240x128xf32, #tpu.memory_space<vmem_shared>>
        tpu.wait_indirect_dma semaphore(%run_scoped3A_181 : memref<!tpu.dma_semaphore, #tpu.memory_space<semaphore_mem>>) src(%dma_wait3A_195 : memref<125x128xf32, #tpu.memory_space<vmem>>) dst(%dma_wait3A_201 : memref<10240x128xf32, #tpu.memory_space<vmem_shared>>)
        tpu.yield
      }) : () -> ()
      %add3A_153 = arith.constant 2 : i32
      %add3A_154 = arith.addi %add3A_140, %add3A_153 : i32
      %lt3A = arith.constant 40 : i32
      %lt3A_155 = arith.cmpi slt, %add3A_154, %lt3A : i32
      %convert_element_type3A = arith.extui %lt3A_155 : i1 to i32
      %cond3A = arith.constant 0 : i32
      %cond3A_156 = arith.cmpi ne, %convert_element_type3A, %cond3A : i32
      scf.if %cond3A_156 {
        %add3A_181 = arith.constant 2 : i32
        %add3A_182 = arith.addi %add3A_140, %add3A_181 : i32
        %dma_start3A_183 = arith.constant 0 : i32
        %dma_start3A_184 = arith.constant 0 : i32
        %dma_start3A_185 = arith.constant 0 : i32
        %dma_start3A_186 = tpu.memref_slice %arg8[%dma_start3A_183, %dma_start3A_184, %dma_start3A_185] : memref<2x125x128xf32, #tpu.memory_space<vmem>> -> memref<1x125x128xf32, #tpu.memory_space<vmem>>
        %dma_start3A_187 = tpu.memref_squeeze %dma_start3A_186 : memref<1x125x128xf32, #tpu.memory_space<vmem>> -> memref<125x128xf32, #tpu.memory_space<vmem>>
        %dma_start3A_188 = arith.constant 0 : i32
        %dma_start3A_189 = tpu.memref_slice %arg6[%add3A_182, %dma_start3A_188] : memref<40x125xi32, #tpu.memory_space<vmem>> -> memref<1x125xi32, #tpu.memory_space<vmem>>
        %dma_start3A_190 = tpu.memref_squeeze %dma_start3A_189 : memref<1x125xi32, #tpu.memory_space<vmem>> -> memref<125xi32, #tpu.memory_space<vmem>>
        %dma_start3A_191 = arith.constant 0 : i32
        %dma_start3A_192 = arith.constant 0 : i32
        %dma_start3A_193 = tpu.memref_slice %arg4[%dma_start3A_191, %dma_start3A_192] : memref<10000x128xf32, #tpu.memory_space<hbm>> -> memref<10000x128xf32, #tpu.memory_space<hbm>>
        tpu.enqueue_indirect_dma source(%dma_start3A_193 : memref<10000x128xf32, #tpu.memory_space<hbm>>) target(%dma_start3A_187 : memref<125x128xf32, #tpu.memory_space<vmem>>) offsets(%dma_start3A_190 : memref<125xi32, #tpu.memory_space<vmem>>) semaphore(%arg10 : memref<!tpu.dma_semaphore, #tpu.memory_space<semaphore_mem>>)
      } else {
      }
      %mul3A_157 = arith.constant 2 : i32
      %mul3A_158 = arith.muli %mul3A_157, %scan3A_135 : i32
      %add3A_159 = arith.constant 1 : i32
      %add3A_160 = arith.addi %mul3A_158, %add3A_159 : i32
      %dma_wait3A_161 = arith.constant 1 : i32
      %dma_wait3A_162 = arith.constant 0 : i32
      %dma_wait3A_163 = arith.constant 0 : i32
      %dma_wait3A_164 = tpu.memref_slice %arg8[%dma_wait3A_161, %dma_wait3A_162, %dma_wait3A_163] : memref<2x125x128xf32, #tpu.memory_space<vmem>> -> memref<1x125x128xf32, #tpu.memory_space<vmem>>
      %dma_wait3A_165 = tpu.memref_squeeze %dma_wait3A_164 : memref<1x125x128xf32, #tpu.memory_space<vmem>> -> memref<125x128xf32, #tpu.memory_space<vmem>>
      %dma_wait3A_166 = arith.constant 0 : i32
      %dma_wait3A_167 = tpu.memref_slice %arg6[%add3A_160, %dma_wait3A_166] : memref<40x125xi32, #tpu.memory_space<vmem>> -> memref<1x125xi32, #tpu.memory_space<vmem>>
      %dma_wait3A_168 = tpu.memref_squeeze %dma_wait3A_167 : memref<1x125xi32, #tpu.memory_space<vmem>> -> memref<125xi32, #tpu.memory_space<vmem>>
      %dma_wait3A_169 = arith.constant 0 : i32
      %dma_wait3A_170 = arith.constant 0 : i32
      %dma_wait3A_171 = tpu.memref_slice %arg4[%dma_wait3A_169, %dma_wait3A_170] : memref<10000x128xf32, #tpu.memory_space<hbm>> -> memref<10000x128xf32, #tpu.memory_space<hbm>>
      tpu.wait_indirect_dma semaphore(%arg11 : memref<!tpu.dma_semaphore, #tpu.memory_space<semaphore_mem>>) src(%dma_wait3A_171 : memref<10000x128xf32, #tpu.memory_space<hbm>>) dst(%dma_wait3A_165 : memref<125x128xf32, #tpu.memory_space<vmem>>)
      %run_scoped3A_172 = arith.constant 1 : i32
      "tpu.region"() ({
        %run_scoped3A_181 = tpu.sem_alloc : memref<!tpu.dma_semaphore, #tpu.memory_space<semaphore_mem>>
        %dma_start3A_182 = arith.constant 0 : i32
        %dma_start3A_183 = arith.constant 0 : i32
        %dma_start3A_184 = tpu.memref_slice %arg8[%run_scoped3A_172, %dma_start3A_182, %dma_start3A_183] : memref<2x125x128xf32, #tpu.memory_space<vmem>> -> memref<1x125x128xf32, #tpu.memory_space<vmem>>
        %dma_start3A_185 = tpu.memref_squeeze %dma_start3A_184 : memref<1x125x128xf32, #tpu.memory_space<vmem>> -> memref<125x128xf32, #tpu.memory_space<vmem>>
        %dma_start3A_186 = arith.constant 0 : i32
        %dma_start3A_187 = tpu.memref_slice %arg7[%add3A_160, %dma_start3A_186] : memref<40x125xi32, #tpu.memory_space<vmem>> -> memref<1x125xi32, #tpu.memory_space<vmem>>
        %dma_start3A_188 = tpu.memref_squeeze %dma_start3A_187 : memref<1x125xi32, #tpu.memory_space<vmem>> -> memref<125xi32, #tpu.memory_space<vmem>>
        %dma_start3A_189 = arith.constant 0 : i32
        %dma_start3A_190 = arith.constant 0 : i32
        %dma_start3A_191 = tpu.memref_slice %arg9[%dma_start3A_189, %dma_start3A_190] : memref<10240x128xf32, #tpu.memory_space<vmem_shared>> -> memref<10240x128xf32, #tpu.memory_space<vmem_shared>>
        tpu.enqueue_indirect_dma source(%dma_start3A_185 : memref<125x128xf32, #tpu.memory_space<vmem>>) target(%dma_start3A_191 : memref<10240x128xf32, #tpu.memory_space<vmem_shared>>) offsets(%dma_start3A_188 : memref<125xi32, #tpu.memory_space<vmem>>) semaphore(%run_scoped3A_181 : memref<!tpu.dma_semaphore, #tpu.memory_space<semaphore_mem>>) {add = true}
        %dma_wait3A_192 = arith.constant 0 : i32
        %dma_wait3A_193 = arith.constant 0 : i32
        %dma_wait3A_194 = tpu.memref_slice %arg8[%run_scoped3A_172, %dma_wait3A_192, %dma_wait3A_193] : memref<2x125x128xf32, #tpu.memory_space<vmem>> -> memref<1x125x128xf32, #tpu.memory_space<vmem>>
        %dma_wait3A_195 = tpu.memref_squeeze %dma_wait3A_194 : memref<1x125x128xf32, #tpu.memory_space<vmem>> -> memref<125x128xf32, #tpu.memory_space<vmem>>
        %dma_wait3A_196 = arith.constant 0 : i32
        %dma_wait3A_197 = tpu.memref_slice %arg7[%add3A_160, %dma_wait3A_196] : memref<40x125xi32, #tpu.memory_space<vmem>> -> memref<1x125xi32, #tpu.memory_space<vmem>>
        %dma_wait3A_198 = tpu.memref_squeeze %dma_wait3A_197 : memref<1x125xi32, #tpu.memory_space<vmem>> -> memref<125xi32, #tpu.memory_space<vmem>>
        %dma_wait3A_199 = arith.constant 0 : i32
        %dma_wait3A_200 = arith.constant 0 : i32
        %dma_wait3A_201 = tpu.memref_slice %arg9[%dma_wait3A_199, %dma_wait3A_200] : memref<10240x128xf32, #tpu.memory_space<vmem_shared>> -> memref<10240x128xf32, #tpu.memory_space<vmem_shared>>
        tpu.wait_indirect_dma semaphore(%run_scoped3A_181 : memref<!tpu.dma_semaphore, #tpu.memory_space<semaphore_mem>>) src(%dma_wait3A_195 : memref<125x128xf32, #tpu.memory_space<vmem>>) dst(%dma_wait3A_201 : memref<10240x128xf32, #tpu.memory_space<vmem_shared>>)
        tpu.yield
      }) : () -> ()
      %add3A_173 = arith.constant 2 : i32
      %add3A_174 = arith.addi %add3A_160, %add3A_173 : i32
      %lt3A_175 = arith.constant 40 : i32
      %lt3A_176 = arith.cmpi slt, %add3A_174, %lt3A_175 : i32
      %convert_element_type3A_177 = arith.extui %lt3A_176 : i1 to i32
      %cond3A_178 = arith.constant 0 : i32
      %cond3A_179 = arith.cmpi ne, %convert_element_type3A_177, %cond3A_178 : i32
      scf.if %cond3A_179 {
        %add3A_181 = arith.constant 2 : i32
        %add3A_182 = arith.addi %add3A_160, %add3A_181 : i32
        %dma_start3A_183 = arith.constant 1 : i32
        %dma_start3A_184 = arith.constant 0 : i32
        %dma_start3A_185 = arith.constant 0 : i32
        %dma_start3A_186 = tpu.memref_slice %arg8[%dma_start3A_183, %dma_start3A_184, %dma_start3A_185] : memref<2x125x128xf32, #tpu.memory_space<vmem>> -> memref<1x125x128xf32, #tpu.memory_space<vmem>>
        %dma_start3A_187 = tpu.memref_squeeze %dma_start3A_186 : memref<1x125x128xf32, #tpu.memory_space<vmem>> -> memref<125x128xf32, #tpu.memory_space<vmem>>
        %dma_start3A_188 = arith.constant 0 : i32
        %dma_start3A_189 = tpu.memref_slice %arg6[%add3A_182, %dma_start3A_188] : memref<40x125xi32, #tpu.memory_space<vmem>> -> memref<1x125xi32, #tpu.memory_space<vmem>>
        %dma_start3A_190 = tpu.memref_squeeze %dma_start3A_189 : memref<1x125xi32, #tpu.memory_space<vmem>> -> memref<125xi32, #tpu.memory_space<vmem>>
        %dma_start3A_191 = arith.constant 0 : i32
        %dma_start3A_192 = arith.constant 0 : i32
        %dma_start3A_193 = tpu.memref_slice %arg4[%dma_start3A_191, %dma_start3A_192] : memref<10000x128xf32, #tpu.memory_space<hbm>> -> memref<10000x128xf32, #tpu.memory_space<hbm>>
        tpu.enqueue_indirect_dma source(%dma_start3A_193 : memref<10000x128xf32, #tpu.memory_space<hbm>>) target(%dma_start3A_187 : memref<125x128xf32, #tpu.memory_space<vmem>>) offsets(%dma_start3A_190 : memref<125xi32, #tpu.memory_space<vmem>>) semaphore(%arg11 : memref<!tpu.dma_semaphore, #tpu.memory_space<semaphore_mem>>)
      } else {
      }
      %scan3A_180 = arith.constant 0 : i32
      scf.yield %scan3A_180 : i32
    }
    %scan3A_96 = arith.constant 20 : i32
    %mul3A_97 = arith.constant 80 : i32
    %mul3A_98 = arith.muli %add3A, %mul3A_97 : i32
    %add3A_99 = arith.constant 40 : i32
    %add3A_100 = arith.addi %mul3A_98, %add3A_99 : i32
    "tpu.region"() ({
      %run_scoped3A_135 = tpu.sem_alloc : memref<!tpu.dma_semaphore, #tpu.memory_space<semaphore_mem>>
      %dma_start3A_136 = arith.constant 0 : i32
      %dma_start3A_137 = tpu.memref_slice %arg2[%add3A_100, %dma_start3A_136] : memref<2560x125xi32, #tpu.memory_space<hbm>> -> memref<40x125xi32, #tpu.memory_space<hbm>>
      %dma_start3A_138 = arith.constant 0 : i32
      %dma_start3A_139 = tpu.memref_slice %arg2[%add3A_100, %dma_start3A_138] : memref<2560x125xi32, #tpu.memory_space<hbm>> -> memref<40x125xi32, #tpu.memory_space<hbm>>
      tpu.enqueue_dma source(%dma_start3A_139 : memref<40x125xi32, #tpu.memory_space<hbm>>) target(%arg6 : memref<40x125xi32, #tpu.memory_space<vmem>>) target_semaphore(%run_scoped3A_135 : memref<!tpu.dma_semaphore, #tpu.memory_space<semaphore_mem>>)
      %dma_wait3A_140 = arith.constant 0 : i32
      %dma_wait3A_141 = tpu.memref_slice %arg2[%add3A_100, %dma_wait3A_140] : memref<2560x125xi32, #tpu.memory_space<hbm>> -> memref<40x125xi32, #tpu.memory_space<hbm>>
      %dma_wait3A_142 = arith.constant 0 : i32
      %dma_wait3A_143 = tpu.memref_slice %arg2[%add3A_100, %dma_wait3A_142] : memref<2560x125xi32, #tpu.memory_space<hbm>> -> memref<40x125xi32, #tpu.memory_space<hbm>>
      tpu.wait_dma2 semaphore(%run_scoped3A_135 : memref<!tpu.dma_semaphore, #tpu.memory_space<semaphore_mem>>) src(%dma_wait3A_143 : memref<40x125xi32, #tpu.memory_space<hbm>>) dst(%arg6 : memref<40x125xi32, #tpu.memory_space<vmem>>)
      tpu.yield
    }) : () -> ()
    "tpu.region"() ({
      %run_scoped3A_135 = tpu.sem_alloc : memref<!tpu.dma_semaphore, #tpu.memory_space<semaphore_mem>>
      %dma_start3A_136 = arith.constant 0 : i32
      %dma_start3A_137 = tpu.memref_slice %arg3[%add3A_100, %dma_start3A_136] : memref<2560x125xi32, #tpu.memory_space<hbm>> -> memref<40x125xi32, #tpu.memory_space<hbm>>
      %dma_start3A_138 = arith.constant 0 : i32
      %dma_start3A_139 = tpu.memref_slice %arg3[%add3A_100, %dma_start3A_138] : memref<2560x125xi32, #tpu.memory_space<hbm>> -> memref<40x125xi32, #tpu.memory_space<hbm>>
      tpu.enqueue_dma source(%dma_start3A_139 : memref<40x125xi32, #tpu.memory_space<hbm>>) target(%arg7 : memref<40x125xi32, #tpu.memory_space<vmem>>) target_semaphore(%run_scoped3A_135 : memref<!tpu.dma_semaphore, #tpu.memory_space<semaphore_mem>>)
      %dma_wait3A_140 = arith.constant 0 : i32
      %dma_wait3A_141 = tpu.memref_slice %arg3[%add3A_100, %dma_wait3A_140] : memref<2560x125xi32, #tpu.memory_space<hbm>> -> memref<40x125xi32, #tpu.memory_space<hbm>>
      %dma_wait3A_142 = arith.constant 0 : i32
      %dma_wait3A_143 = tpu.memref_slice %arg3[%add3A_100, %dma_wait3A_142] : memref<2560x125xi32, #tpu.memory_space<hbm>> -> memref<40x125xi32, #tpu.memory_space<hbm>>
      tpu.wait_dma2 semaphore(%run_scoped3A_135 : memref<!tpu.dma_semaphore, #tpu.memory_space<semaphore_mem>>) src(%dma_wait3A_143 : memref<40x125xi32, #tpu.memory_space<hbm>>) dst(%arg7 : memref<40x125xi32, #tpu.memory_space<vmem>>)
      tpu.yield
    }) : () -> ()
    %dma_start3A_101 = arith.constant 0 : i32
    %dma_start3A_102 = arith.constant 0 : i32
    %dma_start3A_103 = arith.constant 0 : i32
    %dma_start3A_104 = arith.constant 0 : i32
    %dma_start3A_105 = tpu.memref_slice %arg8[%dma_start3A_102, %dma_start3A_103, %dma_start3A_104] : memref<2x125x128xf32, #tpu.memory_space<vmem>> -> memref<1x125x128xf32, #tpu.memory_space<vmem>>
    %dma_start3A_106 = tpu.memref_squeeze %dma_start3A_105 : memref<1x125x128xf32, #tpu.memory_space<vmem>> -> memref<125x128xf32, #tpu.memory_space<vmem>>
    %dma_start3A_107 = arith.constant 0 : i32
    %dma_start3A_108 = tpu.memref_slice %arg6[%dma_start3A_101, %dma_start3A_107] : memref<40x125xi32, #tpu.memory_space<vmem>> -> memref<1x125xi32, #tpu.memory_space<vmem>>
    %dma_start3A_109 = tpu.memref_squeeze %dma_start3A_108 : memref<1x125xi32, #tpu.memory_space<vmem>> -> memref<125xi32, #tpu.memory_space<vmem>>
    %dma_start3A_110 = arith.constant 0 : i32
    %dma_start3A_111 = arith.constant 0 : i32
    %dma_start3A_112 = tpu.memref_slice %arg4[%dma_start3A_110, %dma_start3A_111] : memref<10000x128xf32, #tpu.memory_space<hbm>> -> memref<10000x128xf32, #tpu.memory_space<hbm>>
    tpu.enqueue_indirect_dma source(%dma_start3A_112 : memref<10000x128xf32, #tpu.memory_space<hbm>>) target(%dma_start3A_106 : memref<125x128xf32, #tpu.memory_space<vmem>>) offsets(%dma_start3A_109 : memref<125xi32, #tpu.memory_space<vmem>>) semaphore(%arg10 : memref<!tpu.dma_semaphore, #tpu.memory_space<semaphore_mem>>)
    %dma_start3A_113 = arith.constant 1 : i32
    %dma_start3A_114 = arith.constant 1 : i32
    %dma_start3A_115 = arith.constant 0 : i32
    %dma_start3A_116 = arith.constant 0 : i32
    %dma_start3A_117 = tpu.memref_slice %arg8[%dma_start3A_114, %dma_start3A_115, %dma_start3A_116] : memref<2x125x128xf32, #tpu.memory_space<vmem>> -> memref<1x125x128xf32, #tpu.memory_space<vmem>>
    %dma_start3A_118 = tpu.memref_squeeze %dma_start3A_117 : memref<1x125x128xf32, #tpu.memory_space<vmem>> -> memref<125x128xf32, #tpu.memory_space<vmem>>
    %dma_start3A_119 = arith.constant 0 : i32
    %dma_start3A_120 = tpu.memref_slice %arg6[%dma_start3A_113, %dma_start3A_119] : memref<40x125xi32, #tpu.memory_space<vmem>> -> memref<1x125xi32, #tpu.memory_space<vmem>>
    %dma_start3A_121 = tpu.memref_squeeze %dma_start3A_120 : memref<1x125xi32, #tpu.memory_space<vmem>> -> memref<125xi32, #tpu.memory_space<vmem>>
    %dma_start3A_122 = arith.constant 0 : i32
    %dma_start3A_123 = arith.constant 0 : i32
    %dma_start3A_124 = tpu.memref_slice %arg4[%dma_start3A_122, %dma_start3A_123] : memref<10000x128xf32, #tpu.memory_space<hbm>> -> memref<10000x128xf32, #tpu.memory_space<hbm>>
    tpu.enqueue_indirect_dma source(%dma_start3A_124 : memref<10000x128xf32, #tpu.memory_space<hbm>>) target(%dma_start3A_118 : memref<125x128xf32, #tpu.memory_space<vmem>>) offsets(%dma_start3A_121 : memref<125xi32, #tpu.memory_space<vmem>>) semaphore(%arg11 : memref<!tpu.dma_semaphore, #tpu.memory_space<semaphore_mem>>)
    %scan3A_125 = arith.constant 0 : i32
    %scan3A_126 = arith.constant 0 : i32
    %scan3A_127 = arith.constant 20 : i32
    %scan3A_128 = arith.addi %scan3A_126, %scan3A_127 : i32
    %scan3A_129 = arith.constant 1 : i32
    %scan3A_130 = scf.for %scan3A_135 = %scan3A_126 to %scan3A_128 step %scan3A_129 iter_args(%scan3A_136 = %scan3A_125) -> (i32)  : i32 {
      %mul3A_137 = arith.constant 2 : i32
      %mul3A_138 = arith.muli %mul3A_137, %scan3A_135 : i32
      %add3A_139 = arith.constant 0 : i32
      %add3A_140 = arith.addi %mul3A_138, %add3A_139 : i32
      %dma_wait3A_141 = arith.constant 0 : i32
      %dma_wait3A_142 = arith.constant 0 : i32
      %dma_wait3A_143 = arith.constant 0 : i32
      %dma_wait3A_144 = tpu.memref_slice %arg8[%dma_wait3A_141, %dma_wait3A_142, %dma_wait3A_143] : memref<2x125x128xf32, #tpu.memory_space<vmem>> -> memref<1x125x128xf32, #tpu.memory_space<vmem>>
      %dma_wait3A_145 = tpu.memref_squeeze %dma_wait3A_144 : memref<1x125x128xf32, #tpu.memory_space<vmem>> -> memref<125x128xf32, #tpu.memory_space<vmem>>
      %dma_wait3A_146 = arith.constant 0 : i32
      %dma_wait3A_147 = tpu.memref_slice %arg6[%add3A_140, %dma_wait3A_146] : memref<40x125xi32, #tpu.memory_space<vmem>> -> memref<1x125xi32, #tpu.memory_space<vmem>>
      %dma_wait3A_148 = tpu.memref_squeeze %dma_wait3A_147 : memref<1x125xi32, #tpu.memory_space<vmem>> -> memref<125xi32, #tpu.memory_space<vmem>>
      %dma_wait3A_149 = arith.constant 0 : i32
      %dma_wait3A_150 = arith.constant 0 : i32
      %dma_wait3A_151 = tpu.memref_slice %arg4[%dma_wait3A_149, %dma_wait3A_150] : memref<10000x128xf32, #tpu.memory_space<hbm>> -> memref<10000x128xf32, #tpu.memory_space<hbm>>
      tpu.wait_indirect_dma semaphore(%arg10 : memref<!tpu.dma_semaphore, #tpu.memory_space<semaphore_mem>>) src(%dma_wait3A_151 : memref<10000x128xf32, #tpu.memory_space<hbm>>) dst(%dma_wait3A_145 : memref<125x128xf32, #tpu.memory_space<vmem>>)
      %run_scoped3A_152 = arith.constant 0 : i32
      "tpu.region"() ({
        %run_scoped3A_181 = tpu.sem_alloc : memref<!tpu.dma_semaphore, #tpu.memory_space<semaphore_mem>>
        %dma_start3A_182 = arith.constant 0 : i32
        %dma_start3A_183 = arith.constant 0 : i32
        %dma_start3A_184 = tpu.memref_slice %arg8[%run_scoped3A_152, %dma_start3A_182, %dma_start3A_183] : memref<2x125x128xf32, #tpu.memory_space<vmem>> -> memref<1x125x128xf32, #tpu.memory_space<vmem>>
        %dma_start3A_185 = tpu.memref_squeeze %dma_start3A_184 : memref<1x125x128xf32, #tpu.memory_space<vmem>> -> memref<125x128xf32, #tpu.memory_space<vmem>>
        %dma_start3A_186 = arith.constant 0 : i32
        %dma_start3A_187 = tpu.memref_slice %arg7[%add3A_140, %dma_start3A_186] : memref<40x125xi32, #tpu.memory_space<vmem>> -> memref<1x125xi32, #tpu.memory_space<vmem>>
        %dma_start3A_188 = tpu.memref_squeeze %dma_start3A_187 : memref<1x125xi32, #tpu.memory_space<vmem>> -> memref<125xi32, #tpu.memory_space<vmem>>
        %dma_start3A_189 = arith.constant 0 : i32
        %dma_start3A_190 = arith.constant 0 : i32
        %dma_start3A_191 = tpu.memref_slice %arg9[%dma_start3A_189, %dma_start3A_190] : memref<10240x128xf32, #tpu.memory_space<vmem_shared>> -> memref<10240x128xf32, #tpu.memory_space<vmem_shared>>
        tpu.enqueue_indirect_dma source(%dma_start3A_185 : memref<125x128xf32, #tpu.memory_space<vmem>>) target(%dma_start3A_191 : memref<10240x128xf32, #tpu.memory_space<vmem_shared>>) offsets(%dma_start3A_188 : memref<125xi32, #tpu.memory_space<vmem>>) semaphore(%run_scoped3A_181 : memref<!tpu.dma_semaphore, #tpu.memory_space<semaphore_mem>>) {add = true}
        %dma_wait3A_192 = arith.constant 0 : i32
        %dma_wait3A_193 = arith.constant 0 : i32
        %dma_wait3A_194 = tpu.memref_slice %arg8[%run_scoped3A_152, %dma_wait3A_192, %dma_wait3A_193] : memref<2x125x128xf32, #tpu.memory_space<vmem>> -> memref<1x125x128xf32, #tpu.memory_space<vmem>>
        %dma_wait3A_195 = tpu.memref_squeeze %dma_wait3A_194 : memref<1x125x128xf32, #tpu.memory_space<vmem>> -> memref<125x128xf32, #tpu.memory_space<vmem>>
        %dma_wait3A_196 = arith.constant 0 : i32
        %dma_wait3A_197 = tpu.memref_slice %arg7[%add3A_140, %dma_wait3A_196] : memref<40x125xi32, #tpu.memory_space<vmem>> -> memref<1x125xi32, #tpu.memory_space<vmem>>
        %dma_wait3A_198 = tpu.memref_squeeze %dma_wait3A_197 : memref<1x125xi32, #tpu.memory_space<vmem>> -> memref<125xi32, #tpu.memory_space<vmem>>
        %dma_wait3A_199 = arith.constant 0 : i32
        %dma_wait3A_200 = arith.constant 0 : i32
        %dma_wait3A_201 = tpu.memref_slice %arg9[%dma_wait3A_199, %dma_wait3A_200] : memref<10240x128xf32, #tpu.memory_space<vmem_shared>> -> memref<10240x128xf32, #tpu.memory_space<vmem_shared>>
        tpu.wait_indirect_dma semaphore(%run_scoped3A_181 : memref<!tpu.dma_semaphore, #tpu.memory_space<semaphore_mem>>) src(%dma_wait3A_195 : memref<125x128xf32, #tpu.memory_space<vmem>>) dst(%dma_wait3A_201 : memref<10240x128xf32, #tpu.memory_space<vmem_shared>>)
        tpu.yield
      }) : () -> ()
      %add3A_153 = arith.constant 2 : i32
      %add3A_154 = arith.addi %add3A_140, %add3A_153 : i32
      %lt3A = arith.constant 40 : i32
      %lt3A_155 = arith.cmpi slt, %add3A_154, %lt3A : i32
      %convert_element_type3A = arith.extui %lt3A_155 : i1 to i32
      %cond3A = arith.constant 0 : i32
      %cond3A_156 = arith.cmpi ne, %convert_element_type3A, %cond3A : i32
      scf.if %cond3A_156 {
        %add3A_181 = arith.constant 2 : i32
        %add3A_182 = arith.addi %add3A_140, %add3A_181 : i32
        %dma_start3A_183 = arith.constant 0 : i32
        %dma_start3A_184 = arith.constant 0 : i32
        %dma_start3A_185 = arith.constant 0 : i32
        %dma_start3A_186 = tpu.memref_slice %arg8[%dma_start3A_183, %dma_start3A_184, %dma_start3A_185] : memref<2x125x128xf32, #tpu.memory_space<vmem>> -> memref<1x125x128xf32, #tpu.memory_space<vmem>>
        %dma_start3A_187 = tpu.memref_squeeze %dma_start3A_186 : memref<1x125x128xf32, #tpu.memory_space<vmem>> -> memref<125x128xf32, #tpu.memory_space<vmem>>
        %dma_start3A_188 = arith.constant 0 : i32
        %dma_start3A_189 = tpu.memref_slice %arg6[%add3A_182, %dma_start3A_188] : memref<40x125xi32, #tpu.memory_space<vmem>> -> memref<1x125xi32, #tpu.memory_space<vmem>>
        %dma_start3A_190 = tpu.memref_squeeze %dma_start3A_189 : memref<1x125xi32, #tpu.memory_space<vmem>> -> memref<125xi32, #tpu.memory_space<vmem>>
        %dma_start3A_191 = arith.constant 0 : i32
        %dma_start3A_192 = arith.constant 0 : i32
        %dma_start3A_193 = tpu.memref_slice %arg4[%dma_start3A_191, %dma_start3A_192] : memref<10000x128xf32, #tpu.memory_space<hbm>> -> memref<10000x128xf32, #tpu.memory_space<hbm>>
        tpu.enqueue_indirect_dma source(%dma_start3A_193 : memref<10000x128xf32, #tpu.memory_space<hbm>>) target(%dma_start3A_187 : memref<125x128xf32, #tpu.memory_space<vmem>>) offsets(%dma_start3A_190 : memref<125xi32, #tpu.memory_space<vmem>>) semaphore(%arg10 : memref<!tpu.dma_semaphore, #tpu.memory_space<semaphore_mem>>)
      } else {
      }
      %mul3A_157 = arith.constant 2 : i32
      %mul3A_158 = arith.muli %mul3A_157, %scan3A_135 : i32
      %add3A_159 = arith.constant 1 : i32
      %add3A_160 = arith.addi %mul3A_158, %add3A_159 : i32
      %dma_wait3A_161 = arith.constant 1 : i32
      %dma_wait3A_162 = arith.constant 0 : i32
      %dma_wait3A_163 = arith.constant 0 : i32
      %dma_wait3A_164 = tpu.memref_slice %arg8[%dma_wait3A_161, %dma_wait3A_162, %dma_wait3A_163] : memref<2x125x128xf32, #tpu.memory_space<vmem>> -> memref<1x125x128xf32, #tpu.memory_space<vmem>>
      %dma_wait3A_165 = tpu.memref_squeeze %dma_wait3A_164 : memref<1x125x128xf32, #tpu.memory_space<vmem>> -> memref<125x128xf32, #tpu.memory_space<vmem>>
      %dma_wait3A_166 = arith.constant 0 : i32
      %dma_wait3A_167 = tpu.memref_slice %arg6[%add3A_160, %dma_wait3A_166] : memref<40x125xi32, #tpu.memory_space<vmem>> -> memref<1x125xi32, #tpu.memory_space<vmem>>
      %dma_wait3A_168 = tpu.memref_squeeze %dma_wait3A_167 : memref<1x125xi32, #tpu.memory_space<vmem>> -> memref<125xi32, #tpu.memory_space<vmem>>
      %dma_wait3A_169 = arith.constant 0 : i32
      %dma_wait3A_170 = arith.constant 0 : i32
      %dma_wait3A_171 = tpu.memref_slice %arg4[%dma_wait3A_169, %dma_wait3A_170] : memref<10000x128xf32, #tpu.memory_space<hbm>> -> memref<10000x128xf32, #tpu.memory_space<hbm>>
      tpu.wait_indirect_dma semaphore(%arg11 : memref<!tpu.dma_semaphore, #tpu.memory_space<semaphore_mem>>) src(%dma_wait3A_171 : memref<10000x128xf32, #tpu.memory_space<hbm>>) dst(%dma_wait3A_165 : memref<125x128xf32, #tpu.memory_space<vmem>>)
      %run_scoped3A_172 = arith.constant 1 : i32
      "tpu.region"() ({
        %run_scoped3A_181 = tpu.sem_alloc : memref<!tpu.dma_semaphore, #tpu.memory_space<semaphore_mem>>
        %dma_start3A_182 = arith.constant 0 : i32
        %dma_start3A_183 = arith.constant 0 : i32
        %dma_start3A_184 = tpu.memref_slice %arg8[%run_scoped3A_172, %dma_start3A_182, %dma_start3A_183] : memref<2x125x128xf32, #tpu.memory_space<vmem>> -> memref<1x125x128xf32, #tpu.memory_space<vmem>>
        %dma_start3A_185 = tpu.memref_squeeze %dma_start3A_184 : memref<1x125x128xf32, #tpu.memory_space<vmem>> -> memref<125x128xf32, #tpu.memory_space<vmem>>
        %dma_start3A_186 = arith.constant 0 : i32
        %dma_start3A_187 = tpu.memref_slice %arg7[%add3A_160, %dma_start3A_186] : memref<40x125xi32, #tpu.memory_space<vmem>> -> memref<1x125xi32, #tpu.memory_space<vmem>>
        %dma_start3A_188 = tpu.memref_squeeze %dma_start3A_187 : memref<1x125xi32, #tpu.memory_space<vmem>> -> memref<125xi32, #tpu.memory_space<vmem>>
        %dma_start3A_189 = arith.constant 0 : i32
        %dma_start3A_190 = arith.constant 0 : i32
        %dma_start3A_191 = tpu.memref_slice %arg9[%dma_start3A_189, %dma_start3A_190] : memref<10240x128xf32, #tpu.memory_space<vmem_shared>> -> memref<10240x128xf32, #tpu.memory_space<vmem_shared>>
        tpu.enqueue_indirect_dma source(%dma_start3A_185 : memref<125x128xf32, #tpu.memory_space<vmem>>) target(%dma_start3A_191 : memref<10240x128xf32, #tpu.memory_space<vmem_shared>>) offsets(%dma_start3A_188 : memref<125xi32, #tpu.memory_space<vmem>>) semaphore(%run_scoped3A_181 : memref<!tpu.dma_semaphore, #tpu.memory_space<semaphore_mem>>) {add = true}
        %dma_wait3A_192 = arith.constant 0 : i32
        %dma_wait3A_193 = arith.constant 0 : i32
        %dma_wait3A_194 = tpu.memref_slice %arg8[%run_scoped3A_172, %dma_wait3A_192, %dma_wait3A_193] : memref<2x125x128xf32, #tpu.memory_space<vmem>> -> memref<1x125x128xf32, #tpu.memory_space<vmem>>
        %dma_wait3A_195 = tpu.memref_squeeze %dma_wait3A_194 : memref<1x125x128xf32, #tpu.memory_space<vmem>> -> memref<125x128xf32, #tpu.memory_space<vmem>>
        %dma_wait3A_196 = arith.constant 0 : i32
        %dma_wait3A_197 = tpu.memref_slice %arg7[%add3A_160, %dma_wait3A_196] : memref<40x125xi32, #tpu.memory_space<vmem>> -> memref<1x125xi32, #tpu.memory_space<vmem>>
        %dma_wait3A_198 = tpu.memref_squeeze %dma_wait3A_197 : memref<1x125xi32, #tpu.memory_space<vmem>> -> memref<125xi32, #tpu.memory_space<vmem>>
        %dma_wait3A_199 = arith.constant 0 : i32
        %dma_wait3A_200 = arith.constant 0 : i32
        %dma_wait3A_201 = tpu.memref_slice %arg9[%dma_wait3A_199, %dma_wait3A_200] : memref<10240x128xf32, #tpu.memory_space<vmem_shared>> -> memref<10240x128xf32, #tpu.memory_space<vmem_shared>>
        tpu.wait_indirect_dma semaphore(%run_scoped3A_181 : memref<!tpu.dma_semaphore, #tpu.memory_space<semaphore_mem>>) src(%dma_wait3A_195 : memref<125x128xf32, #tpu.memory_space<vmem>>) dst(%dma_wait3A_201 : memref<10240x128xf32, #tpu.memory_space<vmem_shared>>)
        tpu.yield
      }) : () -> ()
      %add3A_173 = arith.constant 2 : i32
      %add3A_174 = arith.addi %add3A_160, %add3A_173 : i32
      %lt3A_175 = arith.constant 40 : i32
      %lt3A_176 = arith.cmpi slt, %add3A_174, %lt3A_175 : i32
      %convert_element_type3A_177 = arith.extui %lt3A_176 : i1 to i32
      %cond3A_178 = arith.constant 0 : i32
      %cond3A_179 = arith.cmpi ne, %convert_element_type3A_177, %cond3A_178 : i32
      scf.if %cond3A_179 {
        %add3A_181 = arith.constant 2 : i32
        %add3A_182 = arith.addi %add3A_160, %add3A_181 : i32
        %dma_start3A_183 = arith.constant 1 : i32
        %dma_start3A_184 = arith.constant 0 : i32
        %dma_start3A_185 = arith.constant 0 : i32
        %dma_start3A_186 = tpu.memref_slice %arg8[%dma_start3A_183, %dma_start3A_184, %dma_start3A_185] : memref<2x125x128xf32, #tpu.memory_space<vmem>> -> memref<1x125x128xf32, #tpu.memory_space<vmem>>
        %dma_start3A_187 = tpu.memref_squeeze %dma_start3A_186 : memref<1x125x128xf32, #tpu.memory_space<vmem>> -> memref<125x128xf32, #tpu.memory_space<vmem>>
        %dma_start3A_188 = arith.constant 0 : i32
        %dma_start3A_189 = tpu.memref_slice %arg6[%add3A_182, %dma_start3A_188] : memref<40x125xi32, #tpu.memory_space<vmem>> -> memref<1x125xi32, #tpu.memory_space<vmem>>
        %dma_start3A_190 = tpu.memref_squeeze %dma_start3A_189 : memref<1x125xi32, #tpu.memory_space<vmem>> -> memref<125xi32, #tpu.memory_space<vmem>>
        %dma_start3A_191 = arith.constant 0 : i32
        %dma_start3A_192 = arith.constant 0 : i32
        %dma_start3A_193 = tpu.memref_slice %arg4[%dma_start3A_191, %dma_start3A_192] : memref<10000x128xf32, #tpu.memory_space<hbm>> -> memref<10000x128xf32, #tpu.memory_space<hbm>>
        tpu.enqueue_indirect_dma source(%dma_start3A_193 : memref<10000x128xf32, #tpu.memory_space<hbm>>) target(%dma_start3A_187 : memref<125x128xf32, #tpu.memory_space<vmem>>) offsets(%dma_start3A_190 : memref<125xi32, #tpu.memory_space<vmem>>) semaphore(%arg11 : memref<!tpu.dma_semaphore, #tpu.memory_space<semaphore_mem>>)
      } else {
      }
      %scan3A_180 = arith.constant 0 : i32
      scf.yield %scan3A_180 : i32
    }
    %scan3A_131 = arith.constant 20 : i32
    %barrier3A_132 = arith.constant 0 : index
    tpu.barrier barrier_id(%barrier3A_132)
    %mul3A_133 = arith.constant 640 : i32
    %mul3A_134 = arith.muli %arg1, %mul3A_133 : i32
    "tpu.region"() ({
      %run_scoped3A_135 = tpu.sem_alloc : memref<!tpu.dma_semaphore, #tpu.memory_space<semaphore_mem>>
      %dma_start3A_136 = arith.constant 0 : i32
      %dma_start3A_137 = tpu.memref_slice %arg5[%arg0, %mul3A_134, %dma_start3A_136] : memref<2x10240x128xf32, #tpu.memory_space<hbm>> -> memref<1x640x128xf32, #tpu.memory_space<hbm>>
      %dma_start3A_138 = tpu.memref_squeeze %dma_start3A_137 : memref<1x640x128xf32, #tpu.memory_space<hbm>> -> memref<640x128xf32, #tpu.memory_space<hbm>>
      %dma_start3A_139 = arith.constant 0 : i32
      %dma_start3A_140 = tpu.memref_slice %arg9[%mul3A_134, %dma_start3A_139] : memref<10240x128xf32, #tpu.memory_space<vmem_shared>> -> memref<640x128xf32, #tpu.memory_space<vmem_shared>>
      tpu.enqueue_dma source(%dma_start3A_140 : memref<640x128xf32, #tpu.memory_space<vmem_shared>>) target(%dma_start3A_138 : memref<640x128xf32, #tpu.memory_space<hbm>>) target_semaphore(%run_scoped3A_135 : memref<!tpu.dma_semaphore, #tpu.memory_space<semaphore_mem>>)
      %dma_wait3A_141 = arith.constant 0 : i32
      %dma_wait3A_142 = tpu.memref_slice %arg5[%arg0, %mul3A_134, %dma_wait3A_141] : memref<2x10240x128xf32, #tpu.memory_space<hbm>> -> memref<1x640x128xf32, #tpu.memory_space<hbm>>
      %dma_wait3A_143 = tpu.memref_squeeze %dma_wait3A_142 : memref<1x640x128xf32, #tpu.memory_space<hbm>> -> memref<640x128xf32, #tpu.memory_space<hbm>>
      %dma_wait3A_144 = arith.constant 0 : i32
      %dma_wait3A_145 = tpu.memref_slice %arg9[%mul3A_134, %dma_wait3A_144] : memref<10240x128xf32, #tpu.memory_space<vmem_shared>> -> memref<640x128xf32, #tpu.memory_space<vmem_shared>>
      tpu.wait_dma2 semaphore(%run_scoped3A_135 : memref<!tpu.dma_semaphore, #tpu.memory_space<semaphore_mem>>) src(%dma_wait3A_145 : memref<640x128xf32, #tpu.memory_space<vmem_shared>>) dst(%dma_wait3A_143 : memref<640x128xf32, #tpu.memory_space<hbm>>)
      tpu.yield
    }) : () -> ()
    return
  }
}

module attributes {stable_mosaic.version = 14 : i64} {
  func.func @_mid_body(%arg0: i32, %arg1: memref<2x5000x128xf32, #tpu.memory_space<vmem>>, %arg2: memref<5000x1xf32, #tpu.memory_space<vmem>>, %arg3: memref<1x128xf32, #tpu.memory_space<vmem>>, %arg4: memref<128x128xf32, #tpu.memory_space<vmem>>, %arg5: memref<5000x128xf32, #tpu.memory_space<vmem>>) attributes {dimension_semantics = [#tpu.dimension_semantics<arbitrary>], iteration_bounds = array<i64: 2>, scalar_prefetch = 0 : i64, scratch_operands = 0 : i64, tpu.core_type = #tpu.core_type<tc>, window_params = [{transform_indices = @transform_0, window_bounds = array<i64: 2, 5000, 128>}, {transform_indices = @transform_1, window_bounds = array<i64: 5000, 1>}, {pipeline_mode = #tpu.pipeline_mode<synchronous>, transform_indices = @transform_2, window_bounds = array<i64: 1, 128>}, {pipeline_mode = #tpu.pipeline_mode<synchronous>, transform_indices = @transform_3, window_bounds = array<i64: 128, 128>}, {transform_indices = @transform_4, window_bounds = array<i64: 5000, 128>}]} {
    %get3A = arith.constant 0 : index
    %get3A_0 = arith.constant 0 : index
    %get3A_1 = vector.load %arg2[%get3A, %get3A_0] : memref<5000x1xf32, #tpu.memory_space<vmem>>, vector<5000x1xf32>
    %get3A_2 = vector.shape_cast %get3A_1 : vector<5000x1xf32> to vector<5000xf32>
    %get3A_3 = arith.constant 0 : index
    %get3A_4 = arith.constant 0 : index
    %get3A_5 = arith.constant 0 : index
    %get3A_6 = vector.load %arg1[%get3A_3, %get3A_4, %get3A_5] : memref<2x5000x128xf32, #tpu.memory_space<vmem>>, vector<1x5000x128xf32>
    %get3A_7 = vector.shape_cast %get3A_6 : vector<1x5000x128xf32> to vector<5000x128xf32>
    %get3A_8 = arith.constant 1 : index
    %get3A_9 = arith.constant 0 : index
    %get3A_10 = arith.constant 0 : index
    %get3A_11 = vector.load %arg1[%get3A_8, %get3A_9, %get3A_10] : memref<2x5000x128xf32, #tpu.memory_space<vmem>>, vector<1x5000x128xf32>
    %get3A_12 = vector.shape_cast %get3A_11 : vector<1x5000x128xf32> to vector<5000x128xf32>
    %add3A = arith.addf %get3A_7, %get3A_12 : vector<5000x128xf32>
    %broadcast_in_dim3A = vector.shape_cast %get3A_2 : vector<5000xf32> to vector<5000x1xf32>
    %mul3A = vector.broadcast %broadcast_in_dim3A : vector<5000x1xf32> to vector<5000x128xf32>
    %mul3A_13 = arith.mulf %add3A, %mul3A : vector<5000x128xf32>
    %get3A_14 = arith.constant 0 : index
    %get3A_15 = arith.constant 0 : index
    %get3A_16 = vector.load %arg4[%get3A_14, %get3A_15] : memref<128x128xf32, #tpu.memory_space<vmem>>, vector<128x128xf32>
    %dot_general3A = arith.constant dense<0.000000e+00> : vector<5000x128xf32>
    %dot_general3A_17 = tpu.matmul %mul3A_13, %get3A_16, %dot_general3A {dimension_numbers = #tpu.dot_dimension_numbers<[1], [1], [0], [0], [0, 0, 1, 0], [], []>, transpose_lhs_hint = false} : vector<5000x128xf32>, vector<128x128xf32>, vector<5000x128xf32> -> vector<5000x128xf32>
    %get3A_18 = arith.constant 0 : index
    %get3A_19 = arith.constant 0 : index
    %get3A_20 = vector.load %arg3[%get3A_18, %get3A_19] : memref<1x128xf32, #tpu.memory_space<vmem>>, vector<1x128xf32>
    %get3A_21 = vector.shape_cast %get3A_20 : vector<1x128xf32> to vector<128xf32>
    %broadcast_in_dim3A_22 = vector.shape_cast %get3A_21 : vector<128xf32> to vector<1x128xf32>
    %add3A_23 = vector.broadcast %broadcast_in_dim3A_22 : vector<1x128xf32> to vector<5000x128xf32>
    %add3A_24 = arith.addf %dot_general3A_17, %add3A_23 : vector<5000x128xf32>
    %max3A = arith.constant 0.000000e+00 : f32
    %max3A_25 = vector.broadcast %max3A : f32 to vector<5000x128xf32>
    %max3A_26 = arith.maximumf %add3A_24, %max3A_25 : vector<5000x128xf32>
    %broadcast_in_dim3A_27 = vector.shape_cast %get3A_2 : vector<5000xf32> to vector<5000x1xf32>
    %mul3A_28 = vector.broadcast %broadcast_in_dim3A_27 : vector<5000x1xf32> to vector<5000x128xf32>
    %mul3A_29 = arith.mulf %max3A_26, %mul3A_28 : vector<5000x128xf32>
    %swap3A = arith.constant 0 : index
    %swap3A_30 = arith.constant 0 : index
    %swap3A_31 = vector.load %arg5[%swap3A, %swap3A_30] : memref<5000x128xf32, #tpu.memory_space<vmem>>, vector<5000x128xf32>
    tpu.vector_store %arg5[%swap3A, %swap3A_30], %mul3A_29 {strides = array<i32>} : memref<5000x128xf32, #tpu.memory_space<vmem>>, vector<5000x128xf32>,
    return
  }
  func.func @transform_0(%arg0: i32) -> (i32, i32, i32) {
    %c0_i32 = arith.constant 0 : i32
    %c0_i32_0 = arith.constant 0 : i32
    %c0_i32_1 = arith.constant 0 : i32
    return %c0_i32, %arg0, %c0_i32_0 : i32, i32, i32
  }
  func.func @transform_1(%arg0: i32) -> (i32, i32) {
    %c0_i32 = arith.constant 0 : i32
    %c0_i32_0 = arith.constant 0 : i32
    return %arg0, %c0_i32 : i32, i32
  }
  func.func @transform_2(%arg0: i32) -> (i32, i32) {
    %c0_i32 = arith.constant 0 : i32
    %c0_i32_0 = arith.constant 0 : i32
    %c0_i32_1 = arith.constant 0 : i32
    return %c0_i32, %c0_i32_0 : i32, i32
  }
  func.func @transform_3(%arg0: i32) -> (i32, i32) {
    %c0_i32 = arith.constant 0 : i32
    %c0_i32_0 = arith.constant 0 : i32
    %c0_i32_1 = arith.constant 0 : i32
    return %c0_i32, %c0_i32_0 : i32, i32
  }
  func.func @transform_4(%arg0: i32) -> (i32, i32) {
    %c0_i32 = arith.constant 0 : i32
    %c0_i32_0 = arith.constant 0 : i32
    return %arg0, %c0_i32 : i32, i32
  }
}

module attributes {stable_mosaic.version = 14 : i64} {
  func.func @_out_body(%arg0: i32, %arg1: memref<2x5000x128xf32, #tpu.memory_space<vmem>>, %arg2: memref<5000x1xf32, #tpu.memory_space<vmem>>, %arg3: memref<1x128xf32, #tpu.memory_space<vmem>>, %arg4: memref<128x128xf32, #tpu.memory_space<vmem>>, %arg5: memref<128x64xf32, #tpu.memory_space<vmem>>, %arg6: memref<1x64xf32, #tpu.memory_space<vmem>>, %arg7: memref<5000x64xf32, #tpu.memory_space<vmem>>) attributes {dimension_semantics = [#tpu.dimension_semantics<arbitrary>], iteration_bounds = array<i64: 2>, scalar_prefetch = 0 : i64, scratch_operands = 0 : i64, tpu.core_type = #tpu.core_type<tc>, window_params = [{transform_indices = @transform_0, window_bounds = array<i64: 2, 5000, 128>}, {transform_indices = @transform_1, window_bounds = array<i64: 5000, 1>}, {pipeline_mode = #tpu.pipeline_mode<synchronous>, transform_indices = @transform_2, window_bounds = array<i64: 1, 128>}, {pipeline_mode = #tpu.pipeline_mode<synchronous>, transform_indices = @transform_3, window_bounds = array<i64: 128, 128>}, {pipeline_mode = #tpu.pipeline_mode<synchronous>, transform_indices = @transform_4, window_bounds = array<i64: 128, 64>}, {pipeline_mode = #tpu.pipeline_mode<synchronous>, transform_indices = @transform_5, window_bounds = array<i64: 1, 64>}, {transform_indices = @transform_6, window_bounds = array<i64: 5000, 64>}]} {
    %get3A = arith.constant 0 : index
    %get3A_0 = arith.constant 0 : index
    %get3A_1 = vector.load %arg2[%get3A, %get3A_0] : memref<5000x1xf32, #tpu.memory_space<vmem>>, vector<5000x1xf32>
    %get3A_2 = vector.shape_cast %get3A_1 : vector<5000x1xf32> to vector<5000xf32>
    %get3A_3 = arith.constant 0 : index
    %get3A_4 = arith.constant 0 : index
    %get3A_5 = arith.constant 0 : index
    %get3A_6 = vector.load %arg1[%get3A_3, %get3A_4, %get3A_5] : memref<2x5000x128xf32, #tpu.memory_space<vmem>>, vector<1x5000x128xf32>
    %get3A_7 = vector.shape_cast %get3A_6 : vector<1x5000x128xf32> to vector<5000x128xf32>
    %get3A_8 = arith.constant 1 : index
    %get3A_9 = arith.constant 0 : index
    %get3A_10 = arith.constant 0 : index
    %get3A_11 = vector.load %arg1[%get3A_8, %get3A_9, %get3A_10] : memref<2x5000x128xf32, #tpu.memory_space<vmem>>, vector<1x5000x128xf32>
    %get3A_12 = vector.shape_cast %get3A_11 : vector<1x5000x128xf32> to vector<5000x128xf32>
    %add3A = arith.addf %get3A_7, %get3A_12 : vector<5000x128xf32>
    %broadcast_in_dim3A = vector.shape_cast %get3A_2 : vector<5000xf32> to vector<5000x1xf32>
    %mul3A = vector.broadcast %broadcast_in_dim3A : vector<5000x1xf32> to vector<5000x128xf32>
    %mul3A_13 = arith.mulf %add3A, %mul3A : vector<5000x128xf32>
    %get3A_14 = arith.constant 0 : index
    %get3A_15 = arith.constant 0 : index
    %get3A_16 = vector.load %arg4[%get3A_14, %get3A_15] : memref<128x128xf32, #tpu.memory_space<vmem>>, vector<128x128xf32>
    %dot_general3A = arith.constant dense<0.000000e+00> : vector<5000x128xf32>
    %dot_general3A_17 = tpu.matmul %mul3A_13, %get3A_16, %dot_general3A {dimension_numbers = #tpu.dot_dimension_numbers<[1], [1], [0], [0], [0, 0, 1, 0], [], []>, transpose_lhs_hint = false} : vector<5000x128xf32>, vector<128x128xf32>, vector<5000x128xf32> -> vector<5000x128xf32>
    %get3A_18 = arith.constant 0 : index
    %get3A_19 = arith.constant 0 : index
    %get3A_20 = vector.load %arg3[%get3A_18, %get3A_19] : memref<1x128xf32, #tpu.memory_space<vmem>>, vector<1x128xf32>
    %get3A_21 = vector.shape_cast %get3A_20 : vector<1x128xf32> to vector<128xf32>
    %broadcast_in_dim3A_22 = vector.shape_cast %get3A_21 : vector<128xf32> to vector<1x128xf32>
    %add3A_23 = vector.broadcast %broadcast_in_dim3A_22 : vector<1x128xf32> to vector<5000x128xf32>
    %add3A_24 = arith.addf %dot_general3A_17, %add3A_23 : vector<5000x128xf32>
    %max3A = arith.constant 0.000000e+00 : f32
    %max3A_25 = vector.broadcast %max3A : f32 to vector<5000x128xf32>
    %max3A_26 = arith.maximumf %add3A_24, %max3A_25 : vector<5000x128xf32>
    %get3A_27 = arith.constant 0 : index
    %get3A_28 = arith.constant 0 : index
    %get3A_29 = vector.load %arg5[%get3A_27, %get3A_28] : memref<128x64xf32, #tpu.memory_space<vmem>>, vector<128x64xf32>
    %dot_general3A_30 = arith.constant dense<0.000000e+00> : vector<5000x64xf32>
    %dot_general3A_31 = tpu.matmul %max3A_26, %get3A_29, %dot_general3A_30 {dimension_numbers = #tpu.dot_dimension_numbers<[1], [0], [0], [1], [0, 0, 1, 1], [], []>, transpose_lhs_hint = false} : vector<5000x128xf32>, vector<128x64xf32>, vector<5000x64xf32> -> vector<5000x64xf32>
    %get3A_32 = arith.constant 0 : index
    %get3A_33 = arith.constant 0 : index
    %get3A_34 = vector.load %arg6[%get3A_32, %get3A_33] : memref<1x64xf32, #tpu.memory_space<vmem>>, vector<1x64xf32>
    %get3A_35 = vector.shape_cast %get3A_34 : vector<1x64xf32> to vector<64xf32>
    %broadcast_in_dim3A_36 = vector.shape_cast %get3A_35 : vector<64xf32> to vector<1x64xf32>
    %add3A_37 = vector.broadcast %broadcast_in_dim3A_36 : vector<1x64xf32> to vector<5000x64xf32>
    %add3A_38 = arith.addf %dot_general3A_31, %add3A_37 : vector<5000x64xf32>
    %swap3A = arith.constant 0 : index
    %swap3A_39 = arith.constant 0 : index
    %swap3A_40 = vector.load %arg7[%swap3A, %swap3A_39] : memref<5000x64xf32, #tpu.memory_space<vmem>>, vector<5000x64xf32>
    tpu.vector_store %arg7[%swap3A, %swap3A_39], %add3A_38 {strides = array<i32>} : memref<5000x64xf32, #tpu.memory_space<vmem>>, vector<5000x64xf32>,
    return
  }
  func.func @transform_0(%arg0: i32) -> (i32, i32, i32) {
    %c0_i32 = arith.constant 0 : i32
    %c0_i32_0 = arith.constant 0 : i32
    %c0_i32_1 = arith.constant 0 : i32
    return %c0_i32, %arg0, %c0_i32_0 : i32, i32, i32
  }
  func.func @transform_1(%arg0: i32) -> (i32, i32) {
    %c0_i32 = arith.constant 0 : i32
    %c0_i32_0 = arith.constant 0 : i32
    return %arg0, %c0_i32 : i32, i32
  }
  func.func @transform_2(%arg0: i32) -> (i32, i32) {
    %c0_i32 = arith.constant 0 : i32
    %c0_i32_0 = arith.constant 0 : i32
    %c0_i32_1 = arith.constant 0 : i32
    return %c0_i32, %c0_i32_0 : i32, i32
  }
  func.func @transform_3(%arg0: i32) -> (i32, i32) {
    %c0_i32 = arith.constant 0 : i32
    %c0_i32_0 = arith.constant 0 : i32
    %c0_i32_1 = arith.constant 0 : i32
    return %c0_i32, %c0_i32_0 : i32, i32
  }
  func.func @transform_4(%arg0: i32) -> (i32, i32) {
    %c0_i32 = arith.constant 0 : i32
    %c0_i32_0 = arith.constant 0 : i32
    %c0_i32_1 = arith.constant 0 : i32
    return %c0_i32, %c0_i32_0 : i32, i32
  }
  func.func @transform_5(%arg0: i32) -> (i32, i32) {
    %c0_i32 = arith.constant 0 : i32
    %c0_i32_0 = arith.constant 0 : i32
    %c0_i32_1 = arith.constant 0 : i32
    return %c0_i32, %c0_i32_0 : i32, i32
  }
  func.func @transform_6(%arg0: i32) -> (i32, i32) {
    %c0_i32 = arith.constant 0 : i32
    %c0_i32_0 = arith.constant 0 : i32
    return %arg0, %c0_i32 : i32, i32
  }
}

</mosaic_0001>

<sc_bundles>
// kernel: kernel.10.cloned.1.call-start
scs
__scs_entry_jumppad:
0x0: {  	(pc) =	sbr.rel $0x88, $3  }
0x1: {  	(tag) =	ssettag $0x0;
	lr =	simm.s32 $0x1  }
0x2: {  	[smem:$0x3F99] =	sst lr;
	_ =	strace $0xD0000000  }
0x3: {  	_ = 	snop  }
0x4: {  	_ = 	snop  }
0x5: {  	_ = 	snop  }
0x6: {  	_ = 	snop  }
0x7: {  	_ = 	snop  }
__scs_overlays_trampoline_lowered:
0x8: {  	[smem:$0x3FA8] =	sst s0  }
0x9: {  	[smem:$0x3FA9] =	sst s1  }
0xa: {  	[smem:$0x3FAA] =	sst s2  }
0xb: {  	[smem:$0x3FAB] =	sst s3  }
0xc: {  	[smem:$0x3FAC] =	sst s4  }
0xd: {  	[smem:$0x3FAD] =	sst s5  }
0xe: {  	[smem:$0x3FAE] =	sst s6  }
0xf: {  	[smem:$0x3FAF] =	sst s7  }
0x10: {  	[smem:$0x3FB0] =	sst s8  }
0x11: {  	[smem:$0x3FB1] =	sst s9;
	s0 =	simm.s32 @!p0 $0x0  }
0x12: {  	s1 =	sld [smem:$0x3F97];
	s0 =	simm.s32 @p0 $0x1  }
0x13: {  	[smem:$0x3FB2] =	sst s0;
	s0 =	simm.s32 @!p1 $0x0  }
0x14: {  	s2 =	sld [smem:$0x3F96];
	s0 =	simm.s32 @p1 $0x1  }
0x15: {  	[smem:$0x3FB3] =	sst s0;
	s0 =	simm.s32 @!p2 $0x0  }
0x16: {  	s3 =	sld [smem:$0x3FDB];
	s0 =	simm.s32 @p2 $0x1  }
0x17: {  	s4 =	simm.s32 $0x1BF5;
	[smem:$0x3FB5] =	sst s0  }
0x18: {  	s0 =	sld [smem:$0x3F98];
	_ =	swait.ge [sflag:s4], $0x0  }
0x19: {  	s7 =	sld [smem:$0x3F99]  }
0x1a: {  	s8 =	sadd.s32 $0xFFFFE003, lr  }
0x1b: {  	s9 =	sadd.s32 $0xFFFFFEF7, lr;
	s5 =	simm.s32 $0xFFFFFFFF;
	p2 =	slt.u32 s8, $0xFFFFF086  }
0x1c: {  	p1 =	slt.u32 s9, $0xF7A;
	s5 =	simm.s32 @!p2 $0x0  }
0x1d: {  	s5 =	simm.s32 @p1 $0x1;
	p0 =	seq.s32 s7, s2  }
0x1e: {  	s7 =	smul.u32 @!p0 $0xF7A, s2;
	p2 =	seq.s32 @!p0 s5, $0x0  }
0x1f: {  	s9 =	smul.u32 $0xF7A, s1;
	s8 =	simm.s32 @!p0 $0x1BF5;
	p2 =	por !p2, p0  }
0x20: {  	[sflag:s8] =	ssyncset.s32 @!p0 $0xFFFFF086;
	s6 =	sadd.s32 @!p0 s3, s7;
	s7 =	simm.s32 @!p0 $0x108  }
0x21: {  	s3 =	sadd.s32 s3, s9;
	s6 =	sadd.s32 @!p0 $0x88, s6;
	s7 =	simm.s32 @p2 $0x1082  }
0x22: {  	[simem:s7], [sflag:s8] =	dma.local @!p0 [hbm:s6], $0xF7A  }
0x23: {  	s9 =	sor.u32 $0xD0000000, s2;
	s6 =	simm.s32 $0x108;
	_ =	swait.ge @!p0 [sflag:s8], $0x0  }
0x24: {  	s3 =	sadd.s32 $0x88, s3;
	s6 =	simm.s32 @!p1 $0x1082;
	[sflag:s4] =	ssyncset.s32 $0xFFFFF086  }
0x25: {  	[simem:s6], [sflag:s4] =	dma.local [hbm:s3], $0xF7A  }
0x26: {  	[smem:$0x3F99] =	sst s1;
	(tag) =	ssettag s2;
	_ =	strace s9  }
0x27: {  	s1 =	sld [smem:$0x3FA9]  }
0x28: {  	s2 =	sld [smem:$0x3FAA]  }
0x29: {  	s4 =	sld [smem:$0x3FAC]  }
0x2a: {  	p0 =	seq.s32 s5, $0x0;
	s5 =	sld [smem:$0x3FAD]  }
0x2b: {  	s6 =	sld [smem:$0x3FAE]  }
0x2c: {  	s7 =	sld [smem:$0x3FAF]  }
0x2d: {  	s3 =	simm.s32 $0x108;
	s8 =	sld [smem:$0x3FB0]  }
0x2e: {  	s3 =	simm.s32 @!p0 $0x1082;
	s9 =	sld [smem:$0x3FB1]  }
0x2f: {  	lr =	sadd.s32 s0, s3;
	s0 =	sld [smem:$0x3FA8]  }
0x30: {  	s3 =	sld [smem:$0x3FAB]  }
0x31: {  	[smem:$0x3FB4] =	sst s10  }
0x32: {  	s10 =	sld [smem:$0x3FB2];
	_ =	sdelay $0x3  }
0x33: {  	p0 =	seq.s32 s10, $0x1;
	s10 =	sld [smem:$0x3FB4];
	_ =	sdelay $0x3  }
0x34: {  	[smem:$0x3FB4] =	sst s10  }
0x35: {  	s10 =	sld [smem:$0x3FB3];
	_ =	sdelay $0x3  }
0x36: {  	p1 =	seq.s32 s10, $0x1;
	s10 =	sld [smem:$0x3FB4];
	_ =	sdelay $0x3  }
0x37: {  	[smem:$0x3FB4] =	sst s10  }
0x38: {  	s10 =	sld [smem:$0x3FB5]  }
0x39: {  	_ = 	snop;
	(pc) =	sbr.ind lr, $3  }
0x3a: {  	_ = 	snop  }
0x3b: {  	_ = 	snop  }
0x3c: {  	p2 =	seq.s32 s10, $0x1;
	s10 =	sld [smem:$0x3FB4]  }
0x3d: {  	_ =	shalt  }
0x3e: {  	_ =	shalt  }
0x3f: {  	_ =	shalt  }
0x40: {  	_ =	shalt  }
0x41: {  	_ =	shalt  }
0x42: {  	_ =	shalt  }
0x43: {  	_ =	shalt  }
0x44: {  	_ =	shalt  }
0x45: {  	_ =	shalt  }
0x46: {  	_ =	shalt  }
0x47: {  	_ =	shalt  }
0x48: {  	_ =	shalt  }
0x49: {  	_ =	shalt  }
0x4a: {  	_ =	shalt  }
0x4b: {  	_ =	shalt  }
0x4c: {  	_ =	shalt  }
0x4d: {  	_ =	shalt  }
0x4e: {  	_ =	shalt  }
0x4f: {  	_ =	shalt  }
0x50: {  	_ =	shalt  }
0x51: {  	_ =	shalt  }
0x52: {  	_ =	shalt  }
0x53: {  	_ =	shalt  }
0x54: {  	_ =	shalt  }
0x55: {  	_ =	shalt  }
0x56: {  	_ =	shalt  }
0x57: {  	_ =	shalt  }
0x58: {  	_ =	shalt  }
0x59: {  	_ =	shalt  }
0x5a: {  	_ =	shalt  }
0x5b: {  	_ =	shalt  }
0x5c: {  	_ =	shalt  }
0x5d: {  	_ =	shalt  }
0x5e: {  	_ =	shalt  }
0x5f: {  	_ =	shalt  }
0x60: {  	_ =	shalt  }
0x61: {  	_ =	shalt  }
0x62: {  	_ =	shalt  }
0x63: {  	_ =	shalt  }
0x64: {  	_ =	shalt  }
0x65: {  	_ =	shalt  }
0x66: {  	_ =	shalt  }
0x67: {  	_ =	shalt  }
0x68: {  	_ =	shalt  }
0x69: {  	_ =	shalt  }
0x6a: {  	_ =	shalt  }
0x6b: {  	_ =	shalt  }
0x6c: {  	_ =	shalt  }
0x6d: {  	_ =	shalt  }
0x6e: {  	_ =	shalt  }
0x6f: {  	_ =	shalt  }
0x70: {  	_ =	shalt  }
0x71: {  	_ =	shalt  }
0x72: {  	_ =	shalt  }
0x73: {  	_ =	shalt  }
0x74: {  	_ =	shalt  }
0x75: {  	_ =	shalt  }
0x76: {  	_ =	shalt  }
0x77: {  	_ =	shalt  }
0x78: {  	_ =	shalt  }
0x79: {  	_ =	shalt  }
0x7a: {  	_ =	shalt  }
0x7b: {  	_ =	shalt  }
0x7c: {  	_ =	shalt  }
0x7d: {  	_ =	shalt  }
0x7e: {  	_ =	shalt  }
0x7f: {  	_ =	shalt  }
0x80: {  	_ =	shalt  }
0x81: {  	_ =	shalt  }
0x82: {  	_ =	shalt  }
0x83: {  	_ =	shalt  }
0x84: {  	_ =	shalt  }
0x85: {  	_ =	shalt  }
0x86: {  	_ =	shalt  }
0x87: {  	_ =	shalt  }
.Lfunc_end0:
.L_simem_size_0:
called_computation.1_lowered:
.L_overlay_start_0:
0x88: {  	s2 =	sld [smem:$0x3FD9]  }
0x89: {  	s3 =	sld [smem:$0x3FFE];
	_ =	sdelay $0x1  }
0x8a: {  	s1 =	srdreg.scid  }
0x8b: {  	s0 =	sand.u32 $0x1, s1  }
0x8c: {  	s17 =	sshll.u32 s0, $0xA;
	s2 =	sadd.s32 s3, s2  }
0x8d: {  	s2 =	sadd.s32 s2, s17  }
0x8e: {  	[smem:$0x3FC0] =	sst s2  }
0x8f: {  	_ = 	snop  }
0x90: {  	s2 =	sld [smem:$0x3FD0];
	(tm) =	ssettm $0x1  }
0x91: {  	s18 =	sld [smem:$0x3FFB];
	_ =	sdelay $0x3  }
0x92: {  	_ =	strace s18  }
0x93: {  	s3 =	sld [smem:$0x3FFC];
	_ =	sdelay $0x3  }
0x94: {  	_ =	strace s3  }
0x95: {  	s3 =	sld [smem:$0x3FFD];
	_ =	sdelay $0x3  }
0x96: {  	_ =	strace s3  }
0x97: {  	_ =	strace $0x8FFFFFFF  }
0x98: {  	s19 =	sld [smem:$0x3FDB];
	_ =	sdelay $0x1  }
0x99: {  	s4 =	simm.s32 $_scs_section_size  }
0x9a: {  	s5 =	simm.s32 $_size__tile_overlayer_lowered;
	s6 =	simm.s32 $_tile_overlayer_lowered  }
0x9b: {  	s22 =	simm.s32 $0x1BFF;
	s21 =	sshll.u32 s6, $0x1;
	s3 =	sadd.s32 s4, s19  }
0x9c: {  	s7 =	simm.s32 $0x0;
	s20 =	sshll.u32 s5, $0x1;
	s5 =	sadd.s32 s21, s3  }
0x9d: {  	[timem:s7], [sflag:s22] =	dma.local [hbm:s5], s20  }
0x9e: {  	_ =	swait.ge [sflag:s22], s20  }
0x9f: {  	s4 =	ssub.s32 $0x0, s20;
	[sflag:s22] =	ssyncset.done $0x0  }
0xa0: {  	[sflag:s22] =	ssyncadd.s32 s4;
	_ =	sdelay $0x1  }
0xa1: {  	s23 =	simm.s32 $0x1B8B  }
0xa2: {  	_ =	swait.ge [sflag:s23], $0x1  }
0xa3: {  	[sflag:s23] =	ssyncset.done $0x0  }
0xa4: {  	s25 =	simm.s32 $0x1B8E;
	s24 =	sld [smem:$0x3FFE];
	[sflag:s23] =	ssyncadd.s32 $0xFFFFFFFF  }
0xa5: {  	s26 =	simm.s32 $execute0_lowered;
	[smem:$0x3FD2] =	sst s25  }
0xa6: {  	s5 =	sshll.u32 s26, $0x1;
	_ =	strace $0x80000049;
	[dreg:$0x1] =	wrdreg $0xFFFFFFFF  }
0xa7: {  	s28 =	simm.s32 $_size_execute0_lowered;
	s3 =	sadd.s32 s3, s5;
	[dreg:$0x0] =	wrdreg $0x0  }
0xa8: {  	s5 =	sshll.u32 s28, $0x1;
	[dreg:$0x2] =	wrdreg s3  }
0xa9: {  	[dreg:$0x3] =	wrdreg s5  }
0xaa: {  	[dreg:$0x4] =	wrdreg $0xC0  }
0xab: {  	_ =	task [dreg:s7], $0x5FFFF  }
0xac: {  	[dreg:$0x1] =	wrdreg $0xFFFFFFFF  }
0xad: {  	[dreg:$0x0] =	wrdreg $0x60  }
0xae: {  	[dreg:$0x2] =	wrdreg s2  }
0xaf: {  	[dreg:$0x3] =	wrdreg s24  }
0xb0: {  	[dreg:$0x4] =	wrdreg $0xA8000  }
0xb1: {  	[dreg:$0x5] =	wrdreg $0x9  }
0xb2: {  	_ =	task.clear_ibuf [dreg:s7], $0x6FFFF;
	_ =	strace $0x90000049  }
0xb3: {  	s29 =	simm.s32 $0x9;
	_ =	strace $0x8000004B  }
0xb4: {  	_ =	swait.ge [sflag:s29], $0x1  }
0xb5: {  	[sflag:s29] =	ssyncadd.s32 $0xFFFFFFFF  }
0xb6: {  	_ =	strace $0x9000004B  }
0xb7: {  	_ =	sfence  }
0xb8: {  	s30 =	sld [smem:$0x0];
	_ =	sdelay $0x2  }
0xb9: {  	s31 =	sshll.u32 s1, $0xD;
	s1 =	sshrl.u32 s1, $0x2  }
0xba: {  	s3 =	sand.u32 $0x4000, s31;
	s1 =	sadd.s32 s1, s30  }
0xbb: {  	s0 =	sor.u32 s3, s0;
	s1 =	sshll.u32 s1, $0x11  }
0xbc: {  	s0 =	sor.u32 s1, s0  }
0xbd: {  	s0 =	sadd.s32 $0x8F2B, s0  }
0xbe: {  	[sflag:s0] =	ssyncadd.remote.s32 $0x1  }
0xbf: {  	_ =	sfence.sel $0xFFFF  }
0xc0: {  	[dreg:$0x0] =	wrdreg $0xFFFFFFFF;
	(pc) =	sbr.abs _section_cstart, $3  }
0xc1: {  	[dreg:$0x1] =	wrdreg $0xFFFFFFFF  }
0xc2: {  	_ =	task.clear_ibuf [dreg:s7], $0x2FFFF;
	_ =	strace $0x9FFFFFFF  }
0xc3: {  	(tm) =	ssettm $0x7FFFFFFF  }
tec
execute0_lowered:
.L_overlay_start_1:
0x0: {  	(tag) =	ssettag $0x1  }
0x1: {  	s0 =	rddreg [dreg:$0x0]  }
0x2: {  	s5 =	rddreg [dreg:$0x1]  }
0x3: {  	s1 =	rddreg [dreg:$0x2];
	s2 =	srdreg.scid  }
0x4: {  	s3 =	simm.s32 $0x0;
	s24 =	stileid.u32;
	s20 =	simm.s32 $0x2800  }
0x5: {  	s21 =	simm.s32 $0x3;
	s22 =	simm.s32 $0x1;
	s23 =	simm.s32 $0x2  }
0x6: {  	s28 =	simm.s32 $0x2700;
	s29 =	simm.s32 $0x2780;
	s30 =	simm.s32 $0x0  }
0x7: {  	s4 =	sand.u32 $0x1, s2;
	[smem:$0x7FF] =	sst s3;
	s7 =	smul.u32 $0x14000, s24  }
0x8: {  	s8 =	sshll.u32 s24, $0x1;
	s16 =	sadd.s32 $0x1C00, s5;
	s10 =	smul.u32 $0x50000, s24  }
0x9: {  	s24 =	simm.s32 $0x7D;
	s6 =	smul.u32 $0x140000, s4;
	_ =	strace $0x8000004A  }
0xa: {  	s8 =	sor.u32 s4, s8;
	s9 =	ssub.s32 $0x2, s4;
	s4 =	sadd.s32 $0xC200, s5  }
0xb: {  	s25 =	smul.u32 $0x500, s8;
	s26 =	sshrl.u32 s9, $0x1;
	s31 =	sshrl.u32 s10, $0x2  }
0xc: {  	s13 =	smul.u32 $0x2800, s8;
	s6 =	sadd.s32 s7, s6;
	s18 =	ssub.s32 s9, s26  }
0xd: {  	s7 =	sadd.s32 s31, s1;
	s26 =	simm.s32 $0x6800;
	s6 =	sshrl.u32 s6, $0x3  }
0xe: {  	s8 =	sadd.s32 $0x2800, s7;
	s9 =	sadd.s32 $0x5000, s7;
	s10 =	sadd.s32 $0x7800, s7  }
0xf: {  	s11 =	sadd.s32 $0xA000, s7;
	s12 =	sadd.s32 $0xC800, s7;
	s15 =	sshrl.u32 s13, $0x3  }
0x10: {  	s13 =	sadd.s32 $0xF000, s7;
	s14 =	sadd.s32 $0x11800, s7;
	s18 =	smax.u32 s18, $0x1  }
0x11: {  	s17 =	sadd.s32 s6, s5;
	s5 =	sadd.s32 s0, s25;
	s19 =	sadd.s32 $0x280, s15  }
0x12: {  	s6 =	sadd.s32 s16, s25;
	s25 =	simm.s32 $0x80;
	s15 =	sadd.s32 s0, s19  }
0x13: {  	v0 =	vimm.f32 $0.0e+00;
	s16 =	sadd.s32 s16, s19;
	s17 =	sadd.s32 $0x33400, s17;
	s19 =	simm.s32 $0x1400  }
.LBB2_1:
0x14: {  	[tilespmem:s3], [sflag:$0x1] =	stream.linear.gather [hbm4b:s5+s3], $0x1400, $0x38;
	[tilespmem:$0x1E800] =	vst v63  }
0x15: {  	s31 =	simm.s32 $0x70;
	s0 =	simm.s32 $0x3C0  }
0x16: {  	[tilespmem:s19], [sflag:$0x2] =	stream.linear.gather [hbm4b:s6+s3], $0x1400, $0x38;
	[tilespmem:$0x1E800] =	vst v63  }
.LBB2_2:
0x17: {  	p0 =	sne.s32 s0, $0x9FC0;
	[tilespmem:s31+$0x2800] =	vst v0  }
0x18: {  	[tilespmem:s31+$0x2790] =	vst v0  }
0x19: {  	[tilespmem:s31+$0x27A0] =	vst v0  }
.Ltmp0:
0x1a: {  	[tilespmem:s31+$0x27B0] =	vst v0;
	(pc) =	sbr.rel @p0 .LBB2_2-.Ltmp0, $4  }
0x1b: {  	[tilespmem:s31+$0x27C0] =	vst v0  }
0x1c: {  	[tilespmem:s31+$0x27D0] =	vst v0  }
0x1d: {  	[tilespmem:s31+$0x27E0] =	vst v0  }
0x1e: {  	[tilespmem:s31+$0x27F0] =	vst v0;
	s31 =	sshra.s32 s0, $0x2;
	s0 =	sadd.s32 $0x200, s0  }
0x1f: {  	[tilespmem:s31+$0x2800] =	vst v0  }
0x20: {  	[tilespmem:s31+$0x2790] =	vst v0  }
0x21: {  	[tilespmem:s31+$0x27A0] =	vst v0  }
0x22: {  	[tilespmem:s31+$0x27B0] =	vst v0  }
0x23: {  	[tilespmem:s31+$0x27C0] =	vst v0  }
0x24: {  	[tilespmem:s31+$0x27D0] =	vst v0  }
0x25: {  	[tilespmem:s31+$0x27E0] =	vst v0  }
0x26: {  	[tilespmem:s31+$0x27F0] =	vst v0  }
0x27: {  	[spmem:s7] =	stream.linear.scatter [tilespmem:s20], [sflag:$0x3], $0x2800, $0x38;
	[tilespmem:$0x1E800] =	vst v63  }
0x28: {  	_ =	swait.ge [sflag:s21], $0x2800  }
0x29: {  	[sflag:s21] =	ssyncset.done $0x0  }
0x2a: {  	[sflag:s21] =	ssyncadd.s32 $0xFFFFD800  }
0x2b: {  	[spmem:s8] =	stream.linear.scatter [tilespmem:s20], [sflag:$0x3], $0x2800, $0x38;
	[tilespmem:$0x1E800] =	vst v63  }
0x2c: {  	_ =	swait.ge [sflag:s21], $0x2800  }
0x2d: {  	[sflag:s21] =	ssyncset.done $0x0  }
0x2e: {  	[sflag:s21] =	ssyncadd.s32 $0xFFFFD800  }
0x2f: {  	[spmem:s9] =	stream.linear.scatter [tilespmem:s20], [sflag:$0x3], $0x2800, $0x38;
	[tilespmem:$0x1E800] =	vst v63  }
0x30: {  	_ =	swait.ge [sflag:s21], $0x2800  }
0x31: {  	[sflag:s21] =	ssyncset.done $0x0  }
0x32: {  	[sflag:s21] =	ssyncadd.s32 $0xFFFFD800  }
0x33: {  	[spmem:s10] =	stream.linear.scatter [tilespmem:s20], [sflag:$0x3], $0x2800, $0x38;
	[tilespmem:$0x1E800] =	vst v63  }
0x34: {  	_ =	swait.ge [sflag:s21], $0x2800  }
0x35: {  	[sflag:s21] =	ssyncset.done $0x0  }
0x36: {  	[sflag:s21] =	ssyncadd.s32 $0xFFFFD800  }
0x37: {  	[spmem:s11] =	stream.linear.scatter [tilespmem:s20], [sflag:$0x3], $0x2800, $0x38;
	[tilespmem:$0x1E800] =	vst v63  }
0x38: {  	_ =	swait.ge [sflag:s21], $0x2800  }
0x39: {  	[sflag:s21] =	ssyncset.done $0x0  }
0x3a: {  	[sflag:s21] =	ssyncadd.s32 $0xFFFFD800  }
0x3b: {  	[spmem:s12] =	stream.linear.scatter [tilespmem:s20], [sflag:$0x3], $0x2800, $0x38;
	[tilespmem:$0x1E800] =	vst v63  }
0x3c: {  	_ =	swait.ge [sflag:s21], $0x2800  }
0x3d: {  	[sflag:s21] =	ssyncset.done $0x0  }
0x3e: {  	[sflag:s21] =	ssyncadd.s32 $0xFFFFD800  }
0x3f: {  	[spmem:s13] =	stream.linear.scatter [tilespmem:s20], [sflag:$0x3], $0x2800, $0x38;
	[tilespmem:$0x1E800] =	vst v63  }
0x40: {  	_ =	swait.ge [sflag:s21], $0x2800  }
0x41: {  	[sflag:s21] =	ssyncset.done $0x0  }
0x42: {  	[sflag:s21] =	ssyncadd.s32 $0xFFFFD800  }
0x43: {  	[spmem:s14] =	stream.linear.scatter [tilespmem:s20], [sflag:$0x3], $0x2800, $0x38;
	[tilespmem:$0x1E800] =	vst v63  }
0x44: {  	_ =	swait.ge [sflag:s21], $0x2800  }
0x45: {  	[sflag:s21] =	ssyncset.done $0x0  }
0x46: {  	[sflag:s21] =	ssyncadd.s32 $0xFFFFD800  }
0x47: {  	_ =	swait.ge [sflag:s22], $0x1400  }
0x48: {  	[sflag:s22] =	ssyncset.done $0x0  }
0x49: {  	[sflag:s22] =	ssyncadd.s32 $0xFFFFEC00  }
0x4a: {  	_ =	swait.ge [sflag:s23], $0x1400  }
0x4b: {  	[sflag:s23] =	ssyncset.done $0x0  }
0x4c: {  	[sflag:s23] =	ssyncadd.s32 $0xFFFFEC00  }
0x4d: {  	s0 =	simm.s32 $0x0;
	[bflag:$0x0] =	sbarrier.arrive $0xFFFF  }
0x4e: {  	[tilespmem:s20], [sflag:$0x1] =	stream.indirect.gather [hbm4b:s4+s24], $0x80, s0, s24, $0xb8;
	[tilespmem:$0x1E800] =	vst v63  }
0x4f: {  	_ = 	snop  }
0x50: {  	[tilespmem:s26], [sflag:$0x2] =	stream.indirect.gather [hbm4b:s4+s24], $0x80, s25, s24, $0xb8;
	[tilespmem:$0x1E800] =	vst v63  }
0x51: {  	_ =	swait.ge [sflag:s22], $0x3E80  }
0x52: {  	[sflag:s22] =	ssyncset.done $0x0  }
0x53: {  	s2 =	simm.s32 $0x1400;
	[sflag:s22] =	ssyncadd.s32 $0xFFFFC180  }
0x54: {  	[spmem:s1] =	stream.indirect.scatter.add.f32 [tilespmem:s20], [sflag:$0x3], $0x80, s2, s24, $0xb8;
	[tilespmem:$0x1E800] =	vst v63  }
0x55: {  	_ =	swait.ge [sflag:s21], $0x3E80  }
0x56: {  	[sflag:s21] =	ssyncset.done $0x0  }
0x57: {  	s2 =	simm.s32 $0x100;
	[sflag:s21] =	ssyncadd.s32 $0xFFFFC180  }
0x58: {  	[tilespmem:s20], [sflag:$0x1] =	stream.indirect.gather [hbm4b:s4+s24], $0x80, s2, s24, $0xb8;
	[tilespmem:$0x1E800] =	vst v63  }
0x59: {  	_ =	swait.ge [sflag:s23], $0x3E80  }
0x5a: {  	[sflag:s23] =	ssyncset.done $0x0  }
0x5b: {  	s2 =	simm.s32 $0x1480;
	[sflag:s23] =	ssyncadd.s32 $0xFFFFC180  }
0x5c: {  	[spmem:s1] =	stream.indirect.scatter.add.f32 [tilespmem:s26], [sflag:$0x3], $0x80, s2, s24, $0xb8;
	[tilespmem:$0x1E800] =	vst v63  }
0x5d: {  	_ =	swait.ge [sflag:s21], $0x3E80  }
0x5e: {  	[sflag:s21] =	ssyncset.done $0x0  }
0x5f: {  	s31 =	simm.s32 $0x400;
	s0 =	simm.s32 $0x180;
	[sflag:s21] =	ssyncadd.s32 $0xFFFFC180  }
.LBB2_4:
0x60: {  	[tilespmem:s26], [sflag:$0x2] =	stream.indirect.gather [hbm4b:s4+s24], $0x80, s0, s24, $0xb8;
	[tilespmem:$0x1E800] =	vst v63  }
0x61: {  	s0 =	smov.u32 s31  }
0x62: {  	p0 =	sne.s32 s31, $0x4800;
	s31 =	sadd.s32 $0x400, s31;
	_ =	swait.ge [sflag:s22], $0x3E80  }
0x63: {  	s0 =	sshra.s32 s0, $0x2;
	[sflag:s22] =	ssyncset.done $0x0  }
0x64: {  	s2 =	sadd.s32 $0x1400, s0;
	[sflag:s22] =	ssyncadd.s32 $0xFFFFC180  }
0x65: {  	[spmem:s1] =	stream.indirect.scatter.add.f32 [tilespmem:s20], [sflag:$0x3], $0x80, s2, s24, $0xb8;
	[tilespmem:$0x1E800] =	vst v63  }
0x66: {  	_ =	swait.ge [sflag:s21], $0x3E80  }
0x67: {  	[sflag:s21] =	ssyncset.done $0x0  }
0x68: {  	s2 =	sadd.s32 $0x100, s0;
	[sflag:s21] =	ssyncadd.s32 $0xFFFFC180  }
0x69: {  	[tilespmem:s20], [sflag:$0x1] =	stream.indirect.gather [hbm4b:s4+s24], $0x80, s2, s24, $0xb8;
	[tilespmem:$0x1E800] =	vst v63  }
0x6a: {  	_ =	swait.ge [sflag:s23], $0x3E80  }
0x6b: {  	[sflag:s23] =	ssyncset.done $0x0  }
.Ltmp1:
0x6c: {  	s2 =	sadd.s32 $0x1480, s0;
	[sflag:s23] =	ssyncadd.s32 $0xFFFFC180;
	(pc) =	sbr.rel @p0 .LBB2_4-.Ltmp1, $4  }
0x6d: {  	[spmem:s1] =	stream.indirect.scatter.add.f32 [tilespmem:s26], [sflag:$0x3], $0x80, s2, s24, $0xb8;
	[tilespmem:$0x1E800] =	vst v63  }
0x6e: {  	_ =	swait.ge [sflag:s21], $0x3E80  }
0x6f: {  	[sflag:s21] =	ssyncset.done $0x0  }
0x70: {  	s0 =	sadd.s32 $0x180, s0;
	[sflag:s21] =	ssyncadd.s32 $0xFFFFC180  }
0x71: {  	[tilespmem:s26], [sflag:$0x2] =	stream.indirect.gather [hbm4b:s4+s24], $0x80, s0, s24, $0xb8;
	[tilespmem:$0x1E800] =	vst v63  }
0x72: {  	_ =	swait.ge [sflag:s22], $0x3E80  }
0x73: {  	[sflag:s22] =	ssyncset.done $0x0  }
0x74: {  	[sflag:s22] =	ssyncadd.s32 $0xFFFFC180  }
0x75: {  	[spmem:s1] =	stream.indirect.scatter.add.f32 [tilespmem:s20], [sflag:$0x3], $0x80, s28, s24, $0xb8;
	[tilespmem:$0x1E800] =	vst v63  }
0x76: {  	_ =	swait.ge [sflag:s21], $0x3E80  }
0x77: {  	[sflag:s21] =	ssyncset.done $0x0  }
0x78: {  	[sflag:s21] =	ssyncadd.s32 $0xFFFFC180  }
0x79: {  	_ =	swait.ge [sflag:s23], $0x3E80  }
0x7a: {  	[sflag:s23] =	ssyncset.done $0x0  }
0x7b: {  	[sflag:s23] =	ssyncadd.s32 $0xFFFFC180  }
0x7c: {  	[spmem:s1] =	stream.indirect.scatter.add.f32 [tilespmem:s26], [sflag:$0x3], $0x80, s29, s24, $0xb8;
	[tilespmem:$0x1E800] =	vst v63  }
0x7d: {  	_ =	swait.ge [sflag:s21], $0x3E80  }
0x7e: {  	[sflag:s21] =	ssyncset.done $0x0  }
0x7f: {  	s2 =	simm.s32 $0x0;
	[sflag:s21] =	ssyncadd.s32 $0xFFFFC180  }
0x80: {  	[tilespmem:s2], [sflag:$0x3] =	stream.linear.gather [hbm4b:s15+s2], $0x1400, $0x38;
	[tilespmem:$0x1E800] =	vst v63  }
0x81: {  	_ =	swait.ge [sflag:s21], $0x1400  }
0x82: {  	[sflag:s21] =	ssyncset.done $0x0  }
0x83: {  	[sflag:s21] =	ssyncadd.s32 $0xFFFFEC00  }
0x84: {  	[tilespmem:s19], [sflag:$0x3] =	stream.linear.gather [hbm4b:s16+s2], $0x1400, $0x38;
	[tilespmem:$0x1E800] =	vst v63  }
0x85: {  	_ =	swait.ge [sflag:s21], $0x1400  }
0x86: {  	[sflag:s21] =	ssyncset.done $0x0  }
0x87: {  	[sflag:s21] =	ssyncadd.s32 $0xFFFFEC00  }
0x88: {  	[tilespmem:s20], [sflag:$0x1] =	stream.indirect.gather [hbm4b:s4+s24], $0x80, s2, s24, $0xb8;
	[tilespmem:$0x1E800] =	vst v63  }
0x89: {  	_ = 	snop  }
0x8a: {  	[tilespmem:s26], [sflag:$0x2] =	stream.indirect.gather [hbm4b:s4+s24], $0x80, s25, s24, $0xb8;
	[tilespmem:$0x1E800] =	vst v63  }
0x8b: {  	_ =	swait.ge [sflag:s22], $0x3E80  }
0x8c: {  	[sflag:s22] =	ssyncset.done $0x0  }
0x8d: {  	s2 =	simm.s32 $0x1400;
	[sflag:s22] =	ssyncadd.s32 $0xFFFFC180  }
0x8e: {  	[spmem:s1] =	stream.indirect.scatter.add.f32 [tilespmem:s20], [sflag:$0x3], $0x80, s2, s24, $0xb8;
	[tilespmem:$0x1E800] =	vst v63  }
0x8f: {  	_ =	swait.ge [sflag:s21], $0x3E80  }
0x90: {  	[sflag:s21] =	ssyncset.done $0x0  }
0x91: {  	s2 =	simm.s32 $0x100;
	[sflag:s21] =	ssyncadd.s32 $0xFFFFC180  }
0x92: {  	[tilespmem:s20], [sflag:$0x1] =	stream.indirect.gather [hbm4b:s4+s24], $0x80, s2, s24, $0xb8;
	[tilespmem:$0x1E800] =	vst v63  }
0x93: {  	_ =	swait.ge [sflag:s23], $0x3E80  }
0x94: {  	[sflag:s23] =	ssyncset.done $0x0  }
0x95: {  	s2 =	simm.s32 $0x1480;
	[sflag:s23] =	ssyncadd.s32 $0xFFFFC180  }
0x96: {  	[spmem:s1] =	stream.indirect.scatter.add.f32 [tilespmem:s26], [sflag:$0x3], $0x80, s2, s24, $0xb8;
	[tilespmem:$0x1E800] =	vst v63  }
0x97: {  	_ =	swait.ge [sflag:s21], $0x3E80  }
0x98: {  	[sflag:s21] =	ssyncset.done $0x0  }
0x99: {  	s31 =	simm.s32 $0x400;
	s0 =	simm.s32 $0x180;
	[sflag:s21] =	ssyncadd.s32 $0xFFFFC180  }
.LBB2_6:
0x9a: {  	[tilespmem:s26], [sflag:$0x2] =	stream.indirect.gather [hbm4b:s4+s24], $0x80, s0, s24, $0xb8;
	[tilespmem:$0x1E800] =	vst v63  }
0x9b: {  	s0 =	smov.u32 s31  }
0x9c: {  	p0 =	sne.s32 s31, $0x4800;
	s31 =	sadd.s32 $0x400, s31;
	_ =	swait.ge [sflag:s22], $0x3E80  }
0x9d: {  	s0 =	sshra.s32 s0, $0x2;
	[sflag:s22] =	ssyncset.done $0x0  }
0x9e: {  	s2 =	sadd.s32 $0x1400, s0;
	[sflag:s22] =	ssyncadd.s32 $0xFFFFC180  }
0x9f: {  	[spmem:s1] =	stream.indirect.scatter.add.f32 [tilespmem:s20], [sflag:$0x3], $0x80, s2, s24, $0xb8;
	[tilespmem:$0x1E800] =	vst v63  }
0xa0: {  	_ =	swait.ge [sflag:s21], $0x3E80  }
0xa1: {  	[sflag:s21] =	ssyncset.done $0x0  }
0xa2: {  	s2 =	sadd.s32 $0x100, s0;
	[sflag:s21] =	ssyncadd.s32 $0xFFFFC180  }
0xa3: {  	[tilespmem:s20], [sflag:$0x1] =	stream.indirect.gather [hbm4b:s4+s24], $0x80, s2, s24, $0xb8;
	[tilespmem:$0x1E800] =	vst v63  }
0xa4: {  	_ =	swait.ge [sflag:s23], $0x3E80  }
0xa5: {  	[sflag:s23] =	ssyncset.done $0x0  }
.Ltmp2:
0xa6: {  	s2 =	sadd.s32 $0x1480, s0;
	[sflag:s23] =	ssyncadd.s32 $0xFFFFC180;
	(pc) =	sbr.rel @p0 .LBB2_6-.Ltmp2, $4  }
0xa7: {  	[spmem:s1] =	stream.indirect.scatter.add.f32 [tilespmem:s26], [sflag:$0x3], $0x80, s2, s24, $0xb8;
	[tilespmem:$0x1E800] =	vst v63  }
0xa8: {  	_ =	swait.ge [sflag:s21], $0x3E80  }
0xa9: {  	[sflag:s21] =	ssyncset.done $0x0  }
0xaa: {  	s0 =	sadd.s32 $0x180, s0;
	[sflag:s21] =	ssyncadd.s32 $0xFFFFC180  }
0xab: {  	[tilespmem:s26], [sflag:$0x2] =	stream.indirect.gather [hbm4b:s4+s24], $0x80, s0, s24, $0xb8;
	[tilespmem:$0x1E800] =	vst v63  }
0xac: {  	_ =	swait.ge [sflag:s22], $0x3E80  }
0xad: {  	[sflag:s22] =	ssyncset.done $0x0  }
0xae: {  	[sflag:s22] =	ssyncadd.s32 $0xFFFFC180  }
0xaf: {  	[spmem:s1] =	stream.indirect.scatter.add.f32 [tilespmem:s20], [sflag:$0x3], $0x80, s28, s24, $0xb8;
	[tilespmem:$0x1E800] =	vst v63  }
0xb0: {  	_ =	swait.ge [sflag:s21], $0x3E80  }
0xb1: {  	[sflag:s21] =	ssyncset.done $0x0  }
0xb2: {  	[sflag:s21] =	ssyncadd.s32 $0xFFFFC180  }
0xb3: {  	_ =	swait.ge [sflag:s23], $0x3E80  }
0xb4: {  	[sflag:s23] =	ssyncset.done $0x0  }
0xb5: {  	[sflag:s23] =	ssyncadd.s32 $0xFFFFC180  }
0xb6: {  	[spmem:s1] =	stream.indirect.scatter.add.f32 [tilespmem:s26], [sflag:$0x3], $0x80, s29, s24, $0xb8;
	[tilespmem:$0x1E800] =	vst v63  }
0xb7: {  	s31 =	stileid.u32;
	_ =	swait.ge [sflag:s21], $0x3E80  }
0xb8: {  	s2 =	sshrl.u32 s7, $0x3;
	s30 =	sadd.s32 $0x1, s30;
	[sflag:s21] =	ssyncset.done $0x0  }
0xb9: {  	s0 =	sshll.u32 s31, $0x6;
	p0 =	sne.s32 s30, s18;
	[sflag:s21] =	ssyncadd.s32 $0xFFFFC180  }
.Ltmp3:
0xba: {  	s0 =	sor.u32 $0x1C03, s0;
	[bflag:$0x0] =	sbarrier.arrive $0xFFFF;
	(pc) =	sbr.rel @p0 .LBB2_1-.Ltmp3, $4  }
0xbb: {  	[hbm:s17], [sflag:s0] =	dma.local [spmem:s2], $0x2800  }
0xbc: {  	_ =	swait.ge [sflag:s21], $0x2800  }
0xbd: {  	[sflag:s21] =	ssyncset.done $0x0  }
0xbe: {  	[sflag:s21] =	ssyncadd.s32 $0xFFFFD800  }
0xbf: {  	_ =	sfence.sel $0x180000  }
0xc0: {  	[bflag:$0x0] =	sbarrier.arrive $0xFFFF  }
0xc1: {  	_ =	strace $0x9000004A  }
0xc2: {  	s0 =	stileid.u32;
	[bflag:$0x2] =	sbarrier.arrive $0xFFFF  }
0xc3: {  	p0 =	sne.s32 s0, $0x0;
	s0 =	rddreg [dreg:$0x3]  }
0xc4: {  	s0 =	sadd.s32 @!p0 $0x100000, s0  }
0xc5: {  	[sflag:s0] =	ssyncadd.tile.s32 @!p0 $0x1;
	_ =	shalt  }
.Lfunc_end2:
_tile_overlayer_lowered:
.L_overlay_start_2:
0xc6: {  	(tag) =	ssettag $0x2  }
0xc7: {  	s0 =	rddreg [dreg:$0x0];
	s2 =	stileid.u32  }
0xc8: {  	s1 =	rddreg [dreg:$0x1];
	p0 =	sne.s32 s2, $0x0  }
0xc9: {  	s3 =	rddreg [dreg:$0x2];
	[bflag:$0x3] =	sbarrier.arrive $0xFFFF;
	s2 =	simm.s32 @!p0 $0x1C03  }
0xca: {  	[timem:s3], [sflag:s2] =	dma.local @!p0 [hbm:s0], s1  }
0xcb: {  	s0 =	simm.s32 @!p0 $0x3  }
0xcc: {  	_ =	swait.ge @!p0 [sflag:s0], s1  }
0xcd: {  	s1 =	ssub.s32 @!p0 $0x0, s1;
	[sflag:s0] =	ssyncset.done @!p0 $0x0  }
0xce: {  	[sflag:s0] =	ssyncadd.s32 @!p0 s1  }
0xcf: {  	[bflag:$0x3] =	sbarrier.arrive $0xFFFF  }
0xd0: {  	_ =	shalt  }

// kernel: kernel.13.cloned.1.call-start
scs
__scs_entry_jumppad:
0x0: {  	(pc) =	sbr.rel $0x88, $3  }
0x1: {  	(tag) =	ssettag $0x0;
	lr =	simm.s32 $0x1  }
0x2: {  	[smem:$0x3F99] =	sst lr;
	_ =	strace $0xD0000000  }
0x3: {  	_ = 	snop  }
0x4: {  	_ = 	snop  }
0x5: {  	_ = 	snop  }
0x6: {  	_ = 	snop  }
0x7: {  	_ = 	snop  }
__scs_overlays_trampoline_lowered:
0x8: {  	[smem:$0x3FA8] =	sst s0  }
0x9: {  	[smem:$0x3FA9] =	sst s1  }
0xa: {  	[smem:$0x3FAA] =	sst s2  }
0xb: {  	[smem:$0x3FAB] =	sst s3  }
0xc: {  	[smem:$0x3FAC] =	sst s4  }
0xd: {  	[smem:$0x3FAD] =	sst s5  }
0xe: {  	[smem:$0x3FAE] =	sst s6  }
0xf: {  	[smem:$0x3FAF] =	sst s7  }
0x10: {  	[smem:$0x3FB0] =	sst s8  }
0x11: {  	[smem:$0x3FB1] =	sst s9;
	s0 =	simm.s32 @!p0 $0x0  }
0x12: {  	s1 =	sld [smem:$0x3F97];
	s0 =	simm.s32 @p0 $0x1  }
0x13: {  	[smem:$0x3FB2] =	sst s0;
	s0 =	simm.s32 @!p1 $0x0  }
0x14: {  	s2 =	sld [smem:$0x3F96];
	s0 =	simm.s32 @p1 $0x1  }
0x15: {  	[smem:$0x3FB3] =	sst s0;
	s0 =	simm.s32 @!p2 $0x0  }
0x16: {  	s3 =	sld [smem:$0x3FDB];
	s0 =	simm.s32 @p2 $0x1  }
0x17: {  	s4 =	simm.s32 $0x1BF5;
	[smem:$0x3FB5] =	sst s0  }
0x18: {  	s0 =	sld [smem:$0x3F98];
	_ =	swait.ge [sflag:s4], $0x0  }
0x19: {  	s7 =	sld [smem:$0x3F99]  }
0x1a: {  	s8 =	sadd.s32 $0xFFFFE003, lr  }
0x1b: {  	s9 =	sadd.s32 $0xFFFFFEF7, lr;
	s5 =	simm.s32 $0xFFFFFFFF;
	p2 =	slt.u32 s8, $0xFFFFF086  }
0x1c: {  	p1 =	slt.u32 s9, $0xF7A;
	s5 =	simm.s32 @!p2 $0x0  }
0x1d: {  	s5 =	simm.s32 @p1 $0x1;
	p0 =	seq.s32 s7, s2  }
0x1e: {  	s7 =	smul.u32 @!p0 $0xF7A, s2;
	p2 =	seq.s32 @!p0 s5, $0x0  }
0x1f: {  	s9 =	smul.u32 $0xF7A, s1;
	s8 =	simm.s32 @!p0 $0x1BF5;
	p2 =	por !p2, p0  }
0x20: {  	[sflag:s8] =	ssyncset.s32 @!p0 $0xFFFFF086;
	s6 =	sadd.s32 @!p0 s3, s7;
	s7 =	simm.s32 @!p0 $0x108  }
0x21: {  	s3 =	sadd.s32 s3, s9;
	s6 =	sadd.s32 @!p0 $0x88, s6;
	s7 =	simm.s32 @p2 $0x1082  }
0x22: {  	[simem:s7], [sflag:s8] =	dma.local @!p0 [hbm:s6], $0xF7A  }
0x23: {  	s9 =	sor.u32 $0xD0000000, s2;
	s6 =	simm.s32 $0x108;
	_ =	swait.ge @!p0 [sflag:s8], $0x0  }
0x24: {  	s3 =	sadd.s32 $0x88, s3;
	s6 =	simm.s32 @!p1 $0x1082;
	[sflag:s4] =	ssyncset.s32 $0xFFFFF086  }
0x25: {  	[simem:s6], [sflag:s4] =	dma.local [hbm:s3], $0xF7A  }
0x26: {  	[smem:$0x3F99] =	sst s1;
	(tag) =	ssettag s2;
	_ =	strace s9  }
0x27: {  	s1 =	sld [smem:$0x3FA9]  }
0x28: {  	s2 =	sld [smem:$0x3FAA]  }
0x29: {  	s4 =	sld [smem:$0x3FAC]  }
0x2a: {  	p0 =	seq.s32 s5, $0x0;
	s5 =	sld [smem:$0x3FAD]  }
0x2b: {  	s6 =	sld [smem:$0x3FAE]  }
0x2c: {  	s7 =	sld [smem:$0x3FAF]  }
0x2d: {  	s3 =	simm.s32 $0x108;
	s8 =	sld [smem:$0x3FB0]  }
0x2e: {  	s3 =	simm.s32 @!p0 $0x1082;
	s9 =	sld [smem:$0x3FB1]  }
0x2f: {  	lr =	sadd.s32 s0, s3;
	s0 =	sld [smem:$0x3FA8]  }
0x30: {  	s3 =	sld [smem:$0x3FAB]  }
0x31: {  	[smem:$0x3FB4] =	sst s10  }
0x32: {  	s10 =	sld [smem:$0x3FB2];
	_ =	sdelay $0x3  }
0x33: {  	p0 =	seq.s32 s10, $0x1;
	s10 =	sld [smem:$0x3FB4];
	_ =	sdelay $0x3  }
0x34: {  	[smem:$0x3FB4] =	sst s10  }
0x35: {  	s10 =	sld [smem:$0x3FB3];
	_ =	sdelay $0x3  }
0x36: {  	p1 =	seq.s32 s10, $0x1;
	s10 =	sld [smem:$0x3FB4];
	_ =	sdelay $0x3  }
0x37: {  	[smem:$0x3FB4] =	sst s10  }
0x38: {  	s10 =	sld [smem:$0x3FB5]  }
0x39: {  	_ = 	snop;
	(pc) =	sbr.ind lr, $3  }
0x3a: {  	_ = 	snop  }
0x3b: {  	_ = 	snop  }
0x3c: {  	p2 =	seq.s32 s10, $0x1;
	s10 =	sld [smem:$0x3FB4]  }
0x3d: {  	_ =	shalt  }
0x3e: {  	_ =	shalt  }
0x3f: {  	_ =	shalt  }
0x40: {  	_ =	shalt  }
0x41: {  	_ =	shalt  }
0x42: {  	_ =	shalt  }
0x43: {  	_ =	shalt  }
0x44: {  	_ =	shalt  }
0x45: {  	_ =	shalt  }
0x46: {  	_ =	shalt  }
0x47: {  	_ =	shalt  }
0x48: {  	_ =	shalt  }
0x49: {  	_ =	shalt  }
0x4a: {  	_ =	shalt  }
0x4b: {  	_ =	shalt  }
0x4c: {  	_ =	shalt  }
0x4d: {  	_ =	shalt  }
0x4e: {  	_ =	shalt  }
0x4f: {  	_ =	shalt  }
0x50: {  	_ =	shalt  }
0x51: {  	_ =	shalt  }
0x52: {  	_ =	shalt  }
0x53: {  	_ =	shalt  }
0x54: {  	_ =	shalt  }
0x55: {  	_ =	shalt  }
0x56: {  	_ =	shalt  }
0x57: {  	_ =	shalt  }
0x58: {  	_ =	shalt  }
0x59: {  	_ =	shalt  }
0x5a: {  	_ =	shalt  }
0x5b: {  	_ =	shalt  }
0x5c: {  	_ =	shalt  }
0x5d: {  	_ =	shalt  }
0x5e: {  	_ =	shalt  }
0x5f: {  	_ =	shalt  }
0x60: {  	_ =	shalt  }
0x61: {  	_ =	shalt  }
0x62: {  	_ =	shalt  }
0x63: {  	_ =	shalt  }
0x64: {  	_ =	shalt  }
0x65: {  	_ =	shalt  }
0x66: {  	_ =	shalt  }
0x67: {  	_ =	shalt  }
0x68: {  	_ =	shalt  }
0x69: {  	_ =	shalt  }
0x6a: {  	_ =	shalt  }
0x6b: {  	_ =	shalt  }
0x6c: {  	_ =	shalt  }
0x6d: {  	_ =	shalt  }
0x6e: {  	_ =	shalt  }
0x6f: {  	_ =	shalt  }
0x70: {  	_ =	shalt  }
0x71: {  	_ =	shalt  }
0x72: {  	_ =	shalt  }
0x73: {  	_ =	shalt  }
0x74: {  	_ =	shalt  }
0x75: {  	_ =	shalt  }
0x76: {  	_ =	shalt  }
0x77: {  	_ =	shalt  }
0x78: {  	_ =	shalt  }
0x79: {  	_ =	shalt  }
0x7a: {  	_ =	shalt  }
0x7b: {  	_ =	shalt  }
0x7c: {  	_ =	shalt  }
0x7d: {  	_ =	shalt  }
0x7e: {  	_ =	shalt  }
0x7f: {  	_ =	shalt  }
0x80: {  	_ =	shalt  }
0x81: {  	_ =	shalt  }
0x82: {  	_ =	shalt  }
0x83: {  	_ =	shalt  }
0x84: {  	_ =	shalt  }
0x85: {  	_ =	shalt  }
0x86: {  	_ =	shalt  }
0x87: {  	_ =	shalt  }
.Lfunc_end0:
.L_simem_size_0:
called_computation.2_lowered:
.L_overlay_start_0:
0x88: {  	s2 =	sld [smem:$0x3FD9]  }
0x89: {  	s3 =	sld [smem:$0x3FFE];
	_ =	sdelay $0x1  }
0x8a: {  	s1 =	srdreg.scid  }
0x8b: {  	s0 =	sand.u32 $0x1, s1  }
0x8c: {  	s17 =	sshll.u32 s0, $0xA;
	s2 =	sadd.s32 s3, s2  }
0x8d: {  	s2 =	sadd.s32 s2, s17  }
0x8e: {  	[smem:$0x3FC0] =	sst s2  }
0x8f: {  	_ = 	snop  }
0x90: {  	s2 =	sld [smem:$0x3FD0];
	(tm) =	ssettm $0x1  }
0x91: {  	s18 =	sld [smem:$0x3FFB];
	_ =	sdelay $0x3  }
0x92: {  	_ =	strace s18  }
0x93: {  	s3 =	sld [smem:$0x3FFC];
	_ =	sdelay $0x3  }
0x94: {  	_ =	strace s3  }
0x95: {  	s3 =	sld [smem:$0x3FFD];
	_ =	sdelay $0x3  }
0x96: {  	_ =	strace s3  }
0x97: {  	_ =	strace $0x8FFFFFFF  }
0x98: {  	s19 =	sld [smem:$0x3FDB];
	_ =	sdelay $0x1  }
0x99: {  	s4 =	simm.s32 $_scs_section_size  }
0x9a: {  	s5 =	simm.s32 $_size__tile_overlayer_lowered;
	s6 =	simm.s32 $_tile_overlayer_lowered  }
0x9b: {  	s22 =	simm.s32 $0x1BFF;
	s21 =	sshll.u32 s6, $0x1;
	s3 =	sadd.s32 s4, s19  }
0x9c: {  	s7 =	simm.s32 $0x0;
	s20 =	sshll.u32 s5, $0x1;
	s5 =	sadd.s32 s21, s3  }
0x9d: {  	[timem:s7], [sflag:s22] =	dma.local [hbm:s5], s20  }
0x9e: {  	_ =	swait.ge [sflag:s22], s20  }
0x9f: {  	s4 =	ssub.s32 $0x0, s20;
	[sflag:s22] =	ssyncset.done $0x0  }
0xa0: {  	[sflag:s22] =	ssyncadd.s32 s4;
	_ =	sdelay $0x1  }
0xa1: {  	s23 =	simm.s32 $0x1B8B  }
0xa2: {  	_ =	swait.ge [sflag:s23], $0x1  }
0xa3: {  	[sflag:s23] =	ssyncset.done $0x0  }
0xa4: {  	s25 =	simm.s32 $0x1B8E;
	s24 =	sld [smem:$0x3FFE];
	[sflag:s23] =	ssyncadd.s32 $0xFFFFFFFF  }
0xa5: {  	s26 =	simm.s32 $execute0_lowered;
	[smem:$0x3FD2] =	sst s25  }
0xa6: {  	s5 =	sshll.u32 s26, $0x1;
	_ =	strace $0x8000004C;
	[dreg:$0x1] =	wrdreg $0xFFFFFFFF  }
0xa7: {  	s28 =	simm.s32 $_size_execute0_lowered;
	s3 =	sadd.s32 s3, s5;
	[dreg:$0x0] =	wrdreg $0x0  }
0xa8: {  	s5 =	sshll.u32 s28, $0x1;
	[dreg:$0x2] =	wrdreg s3  }
0xa9: {  	[dreg:$0x3] =	wrdreg s5  }
0xaa: {  	[dreg:$0x4] =	wrdreg $0xC0  }
0xab: {  	_ =	task [dreg:s7], $0x5FFFF  }
0xac: {  	[dreg:$0x1] =	wrdreg $0xFFFFFFFF  }
0xad: {  	[dreg:$0x0] =	wrdreg $0x60  }
0xae: {  	[dreg:$0x2] =	wrdreg s2  }
0xaf: {  	[dreg:$0x3] =	wrdreg s24  }
0xb0: {  	[dreg:$0x4] =	wrdreg $0xA8000  }
0xb1: {  	[dreg:$0x5] =	wrdreg $0x9  }
0xb2: {  	_ =	task.clear_ibuf [dreg:s7], $0x6FFFF;
	_ =	strace $0x9000004C  }
0xb3: {  	s29 =	simm.s32 $0x9;
	_ =	strace $0x8000004E  }
0xb4: {  	_ =	swait.ge [sflag:s29], $0x1  }
0xb5: {  	[sflag:s29] =	ssyncadd.s32 $0xFFFFFFFF  }
0xb6: {  	_ =	strace $0x9000004E  }
0xb7: {  	_ =	sfence  }
0xb8: {  	s30 =	sld [smem:$0x0];
	_ =	sdelay $0x2  }
0xb9: {  	s31 =	sshll.u32 s1, $0xD;
	s1 =	sshrl.u32 s1, $0x2  }
0xba: {  	s3 =	sand.u32 $0x4000, s31;
	s1 =	sadd.s32 s1, s30  }
0xbb: {  	s0 =	sor.u32 s3, s0;
	s1 =	sshll.u32 s1, $0x11  }
0xbc: {  	s0 =	sor.u32 s1, s0  }
0xbd: {  	s0 =	sadd.s32 $0x8F2B, s0  }
0xbe: {  	[sflag:s0] =	ssyncadd.remote.s32 $0x1  }
0xbf: {  	_ =	sfence.sel $0xFFFF  }
0xc0: {  	[dreg:$0x0] =	wrdreg $0xFFFFFFFF;
	(pc) =	sbr.abs _section_cstart, $3  }
0xc1: {  	[dreg:$0x1] =	wrdreg $0xFFFFFFFF  }
0xc2: {  	_ =	task.clear_ibuf [dreg:s7], $0x2FFFF;
	_ =	strace $0x9FFFFFFF  }
0xc3: {  	(tm) =	ssettm $0x7FFFFFFF  }
tec
execute0_lowered:
.L_overlay_start_1:
0x0: {  	(tag) =	ssettag $0x1  }
0x1: {  	s0 =	rddreg [dreg:$0x0]  }
0x2: {  	s5 =	rddreg [dreg:$0x1]  }
0x3: {  	s1 =	rddreg [dreg:$0x2];
	s2 =	srdreg.scid  }
0x4: {  	s3 =	simm.s32 $0x0;
	s24 =	stileid.u32;
	s20 =	simm.s32 $0x2800  }
0x5: {  	s21 =	simm.s32 $0x3;
	s22 =	simm.s32 $0x1;
	s23 =	simm.s32 $0x2  }
0x6: {  	s28 =	simm.s32 $0x2700;
	s29 =	simm.s32 $0x2780;
	s30 =	simm.s32 $0x0  }
0x7: {  	s4 =	sand.u32 $0x1, s2;
	[smem:$0x7FF] =	sst s3;
	s7 =	smul.u32 $0x14000, s24  }
0x8: {  	s8 =	sshll.u32 s24, $0x1;
	s16 =	sadd.s32 $0x1C00, s5;
	s10 =	smul.u32 $0x50000, s24  }
0x9: {  	s24 =	simm.s32 $0x7D;
	s6 =	smul.u32 $0x140000, s4;
	_ =	strace $0x8000004D  }
0xa: {  	s8 =	sor.u32 s4, s8;
	s9 =	ssub.s32 $0x2, s4;
	s4 =	sadd.s32 $0xBC00, s5  }
0xb: {  	s25 =	smul.u32 $0x500, s8;
	s26 =	sshrl.u32 s9, $0x1;
	s31 =	sshrl.u32 s10, $0x2  }
0xc: {  	s13 =	smul.u32 $0x2800, s8;
	s6 =	sadd.s32 s7, s6;
	s18 =	ssub.s32 s9, s26  }
0xd: {  	s7 =	sadd.s32 s31, s1;
	s26 =	simm.s32 $0x6800;
	s6 =	sshrl.u32 s6, $0x3  }
0xe: {  	s8 =	sadd.s32 $0x2800, s7;
	s9 =	sadd.s32 $0x5000, s7;
	s10 =	sadd.s32 $0x7800, s7  }
0xf: {  	s11 =	sadd.s32 $0xA000, s7;
	s12 =	sadd.s32 $0xC800, s7;
	s15 =	sshrl.u32 s13, $0x3  }
0x10: {  	s13 =	sadd.s32 $0xF000, s7;
	s14 =	sadd.s32 $0x11800, s7;
	s18 =	smax.u32 s18, $0x1  }
0x11: {  	s17 =	sadd.s32 s6, s5;
	s5 =	sadd.s32 s0, s25;
	s19 =	sadd.s32 $0x280, s15  }
0x12: {  	s6 =	sadd.s32 s16, s25;
	s25 =	simm.s32 $0x80;
	s15 =	sadd.s32 s0, s19  }
0x13: {  	v0 =	vimm.f32 $0.0e+00;
	s16 =	sadd.s32 s16, s19;
	s17 =	sadd.s32 $0x32E00, s17;
	s19 =	simm.s32 $0x1400  }
.LBB2_1:
0x14: {  	[tilespmem:s3], [sflag:$0x1] =	stream.linear.gather [hbm4b:s5+s3], $0x1400, $0x38;
	[tilespmem:$0x1E800] =	vst v63  }
0x15: {  	s31 =	simm.s32 $0x70;
	s0 =	simm.s32 $0x3C0  }
0x16: {  	[tilespmem:s19], [sflag:$0x2] =	stream.linear.gather [hbm4b:s6+s3], $0x1400, $0x38;
	[tilespmem:$0x1E800] =	vst v63  }
.LBB2_2:
0x17: {  	p0 =	sne.s32 s0, $0x9FC0;
	[tilespmem:s31+$0x2800] =	vst v0  }
0x18: {  	[tilespmem:s31+$0x2790] =	vst v0  }
0x19: {  	[tilespmem:s31+$0x27A0] =	vst v0  }
.Ltmp0:
0x1a: {  	[tilespmem:s31+$0x27B0] =	vst v0;
	(pc) =	sbr.rel @p0 .LBB2_2-.Ltmp0, $4  }
0x1b: {  	[tilespmem:s31+$0x27C0] =	vst v0  }
0x1c: {  	[tilespmem:s31+$0x27D0] =	vst v0  }
0x1d: {  	[tilespmem:s31+$0x27E0] =	vst v0  }
0x1e: {  	[tilespmem:s31+$0x27F0] =	vst v0;
	s31 =	sshra.s32 s0, $0x2;
	s0 =	sadd.s32 $0x200, s0  }
0x1f: {  	[tilespmem:s31+$0x2800] =	vst v0  }
0x20: {  	[tilespmem:s31+$0x2790] =	vst v0  }
0x21: {  	[tilespmem:s31+$0x27A0] =	vst v0  }
0x22: {  	[tilespmem:s31+$0x27B0] =	vst v0  }
0x23: {  	[tilespmem:s31+$0x27C0] =	vst v0  }
0x24: {  	[tilespmem:s31+$0x27D0] =	vst v0  }
0x25: {  	[tilespmem:s31+$0x27E0] =	vst v0  }
0x26: {  	[tilespmem:s31+$0x27F0] =	vst v0  }
0x27: {  	[spmem:s7] =	stream.linear.scatter [tilespmem:s20], [sflag:$0x3], $0x2800, $0x38;
	[tilespmem:$0x1E800] =	vst v63  }
0x28: {  	_ =	swait.ge [sflag:s21], $0x2800  }
0x29: {  	[sflag:s21] =	ssyncset.done $0x0  }
0x2a: {  	[sflag:s21] =	ssyncadd.s32 $0xFFFFD800  }
0x2b: {  	[spmem:s8] =	stream.linear.scatter [tilespmem:s20], [sflag:$0x3], $0x2800, $0x38;
	[tilespmem:$0x1E800] =	vst v63  }
0x2c: {  	_ =	swait.ge [sflag:s21], $0x2800  }
0x2d: {  	[sflag:s21] =	ssyncset.done $0x0  }
0x2e: {  	[sflag:s21] =	ssyncadd.s32 $0xFFFFD800  }
0x2f: {  	[spmem:s9] =	stream.linear.scatter [tilespmem:s20], [sflag:$0x3], $0x2800, $0x38;
	[tilespmem:$0x1E800] =	vst v63  }
0x30: {  	_ =	swait.ge [sflag:s21], $0x2800  }
0x31: {  	[sflag:s21] =	ssyncset.done $0x0  }
0x32: {  	[sflag:s21] =	ssyncadd.s32 $0xFFFFD800  }
0x33: {  	[spmem:s10] =	stream.linear.scatter [tilespmem:s20], [sflag:$0x3], $0x2800, $0x38;
	[tilespmem:$0x1E800] =	vst v63  }
0x34: {  	_ =	swait.ge [sflag:s21], $0x2800  }
0x35: {  	[sflag:s21] =	ssyncset.done $0x0  }
0x36: {  	[sflag:s21] =	ssyncadd.s32 $0xFFFFD800  }
0x37: {  	[spmem:s11] =	stream.linear.scatter [tilespmem:s20], [sflag:$0x3], $0x2800, $0x38;
	[tilespmem:$0x1E800] =	vst v63  }
0x38: {  	_ =	swait.ge [sflag:s21], $0x2800  }
0x39: {  	[sflag:s21] =	ssyncset.done $0x0  }
0x3a: {  	[sflag:s21] =	ssyncadd.s32 $0xFFFFD800  }
0x3b: {  	[spmem:s12] =	stream.linear.scatter [tilespmem:s20], [sflag:$0x3], $0x2800, $0x38;
	[tilespmem:$0x1E800] =	vst v63  }
0x3c: {  	_ =	swait.ge [sflag:s21], $0x2800  }
0x3d: {  	[sflag:s21] =	ssyncset.done $0x0  }
0x3e: {  	[sflag:s21] =	ssyncadd.s32 $0xFFFFD800  }
0x3f: {  	[spmem:s13] =	stream.linear.scatter [tilespmem:s20], [sflag:$0x3], $0x2800, $0x38;
	[tilespmem:$0x1E800] =	vst v63  }
0x40: {  	_ =	swait.ge [sflag:s21], $0x2800  }
0x41: {  	[sflag:s21] =	ssyncset.done $0x0  }
0x42: {  	[sflag:s21] =	ssyncadd.s32 $0xFFFFD800  }
0x43: {  	[spmem:s14] =	stream.linear.scatter [tilespmem:s20], [sflag:$0x3], $0x2800, $0x38;
	[tilespmem:$0x1E800] =	vst v63  }
0x44: {  	_ =	swait.ge [sflag:s21], $0x2800  }
0x45: {  	[sflag:s21] =	ssyncset.done $0x0  }
0x46: {  	[sflag:s21] =	ssyncadd.s32 $0xFFFFD800  }
0x47: {  	_ =	swait.ge [sflag:s22], $0x1400  }
0x48: {  	[sflag:s22] =	ssyncset.done $0x0  }
0x49: {  	[sflag:s22] =	ssyncadd.s32 $0xFFFFEC00  }
0x4a: {  	_ =	swait.ge [sflag:s23], $0x1400  }
0x4b: {  	[sflag:s23] =	ssyncset.done $0x0  }
0x4c: {  	[sflag:s23] =	ssyncadd.s32 $0xFFFFEC00  }
0x4d: {  	s0 =	simm.s32 $0x0;
	[bflag:$0x0] =	sbarrier.arrive $0xFFFF  }
0x4e: {  	[tilespmem:s20], [sflag:$0x1] =	stream.indirect.gather [hbm4b:s4+s24], $0x80, s0, s24, $0xb8;
	[tilespmem:$0x1E800] =	vst v63  }
0x4f: {  	_ = 	snop  }
0x50: {  	[tilespmem:s26], [sflag:$0x2] =	stream.indirect.gather [hbm4b:s4+s24], $0x80, s25, s24, $0xb8;
	[tilespmem:$0x1E800] =	vst v63  }
0x51: {  	_ =	swait.ge [sflag:s22], $0x3E80  }
0x52: {  	[sflag:s22] =	ssyncset.done $0x0  }
0x53: {  	s2 =	simm.s32 $0x1400;
	[sflag:s22] =	ssyncadd.s32 $0xFFFFC180  }
0x54: {  	[spmem:s1] =	stream.indirect.scatter.add.f32 [tilespmem:s20], [sflag:$0x3], $0x80, s2, s24, $0xb8;
	[tilespmem:$0x1E800] =	vst v63  }
0x55: {  	_ =	swait.ge [sflag:s21], $0x3E80  }
0x56: {  	[sflag:s21] =	ssyncset.done $0x0  }
0x57: {  	s2 =	simm.s32 $0x100;
	[sflag:s21] =	ssyncadd.s32 $0xFFFFC180  }
0x58: {  	[tilespmem:s20], [sflag:$0x1] =	stream.indirect.gather [hbm4b:s4+s24], $0x80, s2, s24, $0xb8;
	[tilespmem:$0x1E800] =	vst v63  }
0x59: {  	_ =	swait.ge [sflag:s23], $0x3E80  }
0x5a: {  	[sflag:s23] =	ssyncset.done $0x0  }
0x5b: {  	s2 =	simm.s32 $0x1480;
	[sflag:s23] =	ssyncadd.s32 $0xFFFFC180  }
0x5c: {  	[spmem:s1] =	stream.indirect.scatter.add.f32 [tilespmem:s26], [sflag:$0x3], $0x80, s2, s24, $0xb8;
	[tilespmem:$0x1E800] =	vst v63  }
0x5d: {  	_ =	swait.ge [sflag:s21], $0x3E80  }
0x5e: {  	[sflag:s21] =	ssyncset.done $0x0  }
0x5f: {  	s31 =	simm.s32 $0x400;
	s0 =	simm.s32 $0x180;
	[sflag:s21] =	ssyncadd.s32 $0xFFFFC180  }
.LBB2_4:
0x60: {  	[tilespmem:s26], [sflag:$0x2] =	stream.indirect.gather [hbm4b:s4+s24], $0x80, s0, s24, $0xb8;
	[tilespmem:$0x1E800] =	vst v63  }
0x61: {  	s0 =	smov.u32 s31  }
0x62: {  	p0 =	sne.s32 s31, $0x4800;
	s31 =	sadd.s32 $0x400, s31;
	_ =	swait.ge [sflag:s22], $0x3E80  }
0x63: {  	s0 =	sshra.s32 s0, $0x2;
	[sflag:s22] =	ssyncset.done $0x0  }
0x64: {  	s2 =	sadd.s32 $0x1400, s0;
	[sflag:s22] =	ssyncadd.s32 $0xFFFFC180  }
0x65: {  	[spmem:s1] =	stream.indirect.scatter.add.f32 [tilespmem:s20], [sflag:$0x3], $0x80, s2, s24, $0xb8;
	[tilespmem:$0x1E800] =	vst v63  }
0x66: {  	_ =	swait.ge [sflag:s21], $0x3E80  }
0x67: {  	[sflag:s21] =	ssyncset.done $0x0  }
0x68: {  	s2 =	sadd.s32 $0x100, s0;
	[sflag:s21] =	ssyncadd.s32 $0xFFFFC180  }
0x69: {  	[tilespmem:s20], [sflag:$0x1] =	stream.indirect.gather [hbm4b:s4+s24], $0x80, s2, s24, $0xb8;
	[tilespmem:$0x1E800] =	vst v63  }
0x6a: {  	_ =	swait.ge [sflag:s23], $0x3E80  }
0x6b: {  	[sflag:s23] =	ssyncset.done $0x0  }
.Ltmp1:
0x6c: {  	s2 =	sadd.s32 $0x1480, s0;
	[sflag:s23] =	ssyncadd.s32 $0xFFFFC180;
	(pc) =	sbr.rel @p0 .LBB2_4-.Ltmp1, $4  }
0x6d: {  	[spmem:s1] =	stream.indirect.scatter.add.f32 [tilespmem:s26], [sflag:$0x3], $0x80, s2, s24, $0xb8;
	[tilespmem:$0x1E800] =	vst v63  }
0x6e: {  	_ =	swait.ge [sflag:s21], $0x3E80  }
0x6f: {  	[sflag:s21] =	ssyncset.done $0x0  }
0x70: {  	s0 =	sadd.s32 $0x180, s0;
	[sflag:s21] =	ssyncadd.s32 $0xFFFFC180  }
0x71: {  	[tilespmem:s26], [sflag:$0x2] =	stream.indirect.gather [hbm4b:s4+s24], $0x80, s0, s24, $0xb8;
	[tilespmem:$0x1E800] =	vst v63  }
0x72: {  	_ =	swait.ge [sflag:s22], $0x3E80  }
0x73: {  	[sflag:s22] =	ssyncset.done $0x0  }
0x74: {  	[sflag:s22] =	ssyncadd.s32 $0xFFFFC180  }
0x75: {  	[spmem:s1] =	stream.indirect.scatter.add.f32 [tilespmem:s20], [sflag:$0x3], $0x80, s28, s24, $0xb8;
	[tilespmem:$0x1E800] =	vst v63  }
0x76: {  	_ =	swait.ge [sflag:s21], $0x3E80  }
0x77: {  	[sflag:s21] =	ssyncset.done $0x0  }
0x78: {  	[sflag:s21] =	ssyncadd.s32 $0xFFFFC180  }
0x79: {  	_ =	swait.ge [sflag:s23], $0x3E80  }
0x7a: {  	[sflag:s23] =	ssyncset.done $0x0  }
0x7b: {  	[sflag:s23] =	ssyncadd.s32 $0xFFFFC180  }
0x7c: {  	[spmem:s1] =	stream.indirect.scatter.add.f32 [tilespmem:s26], [sflag:$0x3], $0x80, s29, s24, $0xb8;
	[tilespmem:$0x1E800] =	vst v63  }
0x7d: {  	_ =	swait.ge [sflag:s21], $0x3E80  }
0x7e: {  	[sflag:s21] =	ssyncset.done $0x0  }
0x7f: {  	s2 =	simm.s32 $0x0;
	[sflag:s21] =	ssyncadd.s32 $0xFFFFC180  }
0x80: {  	[tilespmem:s2], [sflag:$0x3] =	stream.linear.gather [hbm4b:s15+s2], $0x1400, $0x38;
	[tilespmem:$0x1E800] =	vst v63  }
0x81: {  	_ =	swait.ge [sflag:s21], $0x1400  }
0x82: {  	[sflag:s21] =	ssyncset.done $0x0  }
0x83: {  	[sflag:s21] =	ssyncadd.s32 $0xFFFFEC00  }
0x84: {  	[tilespmem:s19], [sflag:$0x3] =	stream.linear.gather [hbm4b:s16+s2], $0x1400, $0x38;
	[tilespmem:$0x1E800] =	vst v63  }
0x85: {  	_ =	swait.ge [sflag:s21], $0x1400  }
0x86: {  	[sflag:s21] =	ssyncset.done $0x0  }
0x87: {  	[sflag:s21] =	ssyncadd.s32 $0xFFFFEC00  }
0x88: {  	[tilespmem:s20], [sflag:$0x1] =	stream.indirect.gather [hbm4b:s4+s24], $0x80, s2, s24, $0xb8;
	[tilespmem:$0x1E800] =	vst v63  }
0x89: {  	_ = 	snop  }
0x8a: {  	[tilespmem:s26], [sflag:$0x2] =	stream.indirect.gather [hbm4b:s4+s24], $0x80, s25, s24, $0xb8;
	[tilespmem:$0x1E800] =	vst v63  }
0x8b: {  	_ =	swait.ge [sflag:s22], $0x3E80  }
0x8c: {  	[sflag:s22] =	ssyncset.done $0x0  }
0x8d: {  	s2 =	simm.s32 $0x1400;
	[sflag:s22] =	ssyncadd.s32 $0xFFFFC180  }
0x8e: {  	[spmem:s1] =	stream.indirect.scatter.add.f32 [tilespmem:s20], [sflag:$0x3], $0x80, s2, s24, $0xb8;
	[tilespmem:$0x1E800] =	vst v63  }
0x8f: {  	_ =	swait.ge [sflag:s21], $0x3E80  }
0x90: {  	[sflag:s21] =	ssyncset.done $0x0  }
0x91: {  	s2 =	simm.s32 $0x100;
	[sflag:s21] =	ssyncadd.s32 $0xFFFFC180  }
0x92: {  	[tilespmem:s20], [sflag:$0x1] =	stream.indirect.gather [hbm4b:s4+s24], $0x80, s2, s24, $0xb8;
	[tilespmem:$0x1E800] =	vst v63  }
0x93: {  	_ =	swait.ge [sflag:s23], $0x3E80  }
0x94: {  	[sflag:s23] =	ssyncset.done $0x0  }
0x95: {  	s2 =	simm.s32 $0x1480;
	[sflag:s23] =	ssyncadd.s32 $0xFFFFC180  }
0x96: {  	[spmem:s1] =	stream.indirect.scatter.add.f32 [tilespmem:s26], [sflag:$0x3], $0x80, s2, s24, $0xb8;
	[tilespmem:$0x1E800] =	vst v63  }
0x97: {  	_ =	swait.ge [sflag:s21], $0x3E80  }
0x98: {  	[sflag:s21] =	ssyncset.done $0x0  }
0x99: {  	s31 =	simm.s32 $0x400;
	s0 =	simm.s32 $0x180;
	[sflag:s21] =	ssyncadd.s32 $0xFFFFC180  }
.LBB2_6:
0x9a: {  	[tilespmem:s26], [sflag:$0x2] =	stream.indirect.gather [hbm4b:s4+s24], $0x80, s0, s24, $0xb8;
	[tilespmem:$0x1E800] =	vst v63  }
0x9b: {  	s0 =	smov.u32 s31  }
0x9c: {  	p0 =	sne.s32 s31, $0x4800;
	s31 =	sadd.s32 $0x400, s31;
	_ =	swait.ge [sflag:s22], $0x3E80  }
0x9d: {  	s0 =	sshra.s32 s0, $0x2;
	[sflag:s22] =	ssyncset.done $0x0  }
0x9e: {  	s2 =	sadd.s32 $0x1400, s0;
	[sflag:s22] =	ssyncadd.s32 $0xFFFFC180  }
0x9f: {  	[spmem:s1] =	stream.indirect.scatter.add.f32 [tilespmem:s20], [sflag:$0x3], $0x80, s2, s24, $0xb8;
	[tilespmem:$0x1E800] =	vst v63  }
0xa0: {  	_ =	swait.ge [sflag:s21], $0x3E80  }
0xa1: {  	[sflag:s21] =	ssyncset.done $0x0  }
0xa2: {  	s2 =	sadd.s32 $0x100, s0;
	[sflag:s21] =	ssyncadd.s32 $0xFFFFC180  }
0xa3: {  	[tilespmem:s20], [sflag:$0x1] =	stream.indirect.gather [hbm4b:s4+s24], $0x80, s2, s24, $0xb8;
	[tilespmem:$0x1E800] =	vst v63  }
0xa4: {  	_ =	swait.ge [sflag:s23], $0x3E80  }
0xa5: {  	[sflag:s23] =	ssyncset.done $0x0  }
.Ltmp2:
0xa6: {  	s2 =	sadd.s32 $0x1480, s0;
	[sflag:s23] =	ssyncadd.s32 $0xFFFFC180;
	(pc) =	sbr.rel @p0 .LBB2_6-.Ltmp2, $4  }
0xa7: {  	[spmem:s1] =	stream.indirect.scatter.add.f32 [tilespmem:s26], [sflag:$0x3], $0x80, s2, s24, $0xb8;
	[tilespmem:$0x1E800] =	vst v63  }
0xa8: {  	_ =	swait.ge [sflag:s21], $0x3E80  }
0xa9: {  	[sflag:s21] =	ssyncset.done $0x0  }
0xaa: {  	s0 =	sadd.s32 $0x180, s0;
	[sflag:s21] =	ssyncadd.s32 $0xFFFFC180  }
0xab: {  	[tilespmem:s26], [sflag:$0x2] =	stream.indirect.gather [hbm4b:s4+s24], $0x80, s0, s24, $0xb8;
	[tilespmem:$0x1E800] =	vst v63  }
0xac: {  	_ =	swait.ge [sflag:s22], $0x3E80  }
0xad: {  	[sflag:s22] =	ssyncset.done $0x0  }
0xae: {  	[sflag:s22] =	ssyncadd.s32 $0xFFFFC180  }
0xaf: {  	[spmem:s1] =	stream.indirect.scatter.add.f32 [tilespmem:s20], [sflag:$0x3], $0x80, s28, s24, $0xb8;
	[tilespmem:$0x1E800] =	vst v63  }
0xb0: {  	_ =	swait.ge [sflag:s21], $0x3E80  }
0xb1: {  	[sflag:s21] =	ssyncset.done $0x0  }
0xb2: {  	[sflag:s21] =	ssyncadd.s32 $0xFFFFC180  }
0xb3: {  	_ =	swait.ge [sflag:s23], $0x3E80  }
0xb4: {  	[sflag:s23] =	ssyncset.done $0x0  }
0xb5: {  	[sflag:s23] =	ssyncadd.s32 $0xFFFFC180  }
0xb6: {  	[spmem:s1] =	stream.indirect.scatter.add.f32 [tilespmem:s26], [sflag:$0x3], $0x80, s29, s24, $0xb8;
	[tilespmem:$0x1E800] =	vst v63  }
0xb7: {  	s31 =	stileid.u32;
	_ =	swait.ge [sflag:s21], $0x3E80  }
0xb8: {  	s2 =	sshrl.u32 s7, $0x3;
	s30 =	sadd.s32 $0x1, s30;
	[sflag:s21] =	ssyncset.done $0x0  }
0xb9: {  	s0 =	sshll.u32 s31, $0x6;
	p0 =	sne.s32 s30, s18;
	[sflag:s21] =	ssyncadd.s32 $0xFFFFC180  }
.Ltmp3:
0xba: {  	s0 =	sor.u32 $0x1C03, s0;
	[bflag:$0x0] =	sbarrier.arrive $0xFFFF;
	(pc) =	sbr.rel @p0 .LBB2_1-.Ltmp3, $4  }
0xbb: {  	[hbm:s17], [sflag:s0] =	dma.local [spmem:s2], $0x2800  }
0xbc: {  	_ =	swait.ge [sflag:s21], $0x2800  }
0xbd: {  	[sflag:s21] =	ssyncset.done $0x0  }
0xbe: {  	[sflag:s21] =	ssyncadd.s32 $0xFFFFD800  }
0xbf: {  	_ =	sfence.sel $0x180000  }
0xc0: {  	[bflag:$0x0] =	sbarrier.arrive $0xFFFF  }
0xc1: {  	_ =	strace $0x9000004D  }
0xc2: {  	s0 =	stileid.u32;
	[bflag:$0x2] =	sbarrier.arrive $0xFFFF  }
0xc3: {  	p0 =	sne.s32 s0, $0x0;
	s0 =	rddreg [dreg:$0x3]  }
0xc4: {  	s0 =	sadd.s32 @!p0 $0x100000, s0  }
0xc5: {  	[sflag:s0] =	ssyncadd.tile.s32 @!p0 $0x1;
	_ =	shalt  }
.Lfunc_end2:
_tile_overlayer_lowered:
.L_overlay_start_2:
0xc6: {  	(tag) =	ssettag $0x2  }
0xc7: {  	s0 =	rddreg [dreg:$0x0];
	s2 =	stileid.u32  }
0xc8: {  	s1 =	rddreg [dreg:$0x1];
	p0 =	sne.s32 s2, $0x0  }
0xc9: {  	s3 =	rddreg [dreg:$0x2];
	[bflag:$0x3] =	sbarrier.arrive $0xFFFF;
	s2 =	simm.s32 @!p0 $0x1C03  }
0xca: {  	[timem:s3], [sflag:s2] =	dma.local @!p0 [hbm:s0], s1  }
0xcb: {  	s0 =	simm.s32 @!p0 $0x3  }
0xcc: {  	_ =	swait.ge @!p0 [sflag:s0], s1  }
0xcd: {  	s1 =	ssub.s32 @!p0 $0x0, s1;
	[sflag:s0] =	ssyncset.done @!p0 $0x0  }
0xce: {  	[sflag:s0] =	ssyncadd.s32 @!p0 s1  }
0xcf: {  	[bflag:$0x3] =	sbarrier.arrive $0xFFFF  }
0xd0: {  	_ =	shalt  }

// kernel: kernel.7.cloned.1.call-start
scs
__scs_entry_jumppad:
0x0: {  	(pc) =	sbr.rel $0x88, $3  }
0x1: {  	(tag) =	ssettag $0x0;
	lr =	simm.s32 $0x1  }
0x2: {  	[smem:$0x3F99] =	sst lr;
	_ =	strace $0xD0000000  }
0x3: {  	_ = 	snop  }
0x4: {  	_ = 	snop  }
0x5: {  	_ = 	snop  }
0x6: {  	_ = 	snop  }
0x7: {  	_ = 	snop  }
__scs_overlays_trampoline_lowered:
0x8: {  	[smem:$0x3FA8] =	sst s0  }
0x9: {  	[smem:$0x3FA9] =	sst s1  }
0xa: {  	[smem:$0x3FAA] =	sst s2  }
0xb: {  	[smem:$0x3FAB] =	sst s3  }
0xc: {  	[smem:$0x3FAC] =	sst s4  }
0xd: {  	[smem:$0x3FAD] =	sst s5  }
0xe: {  	[smem:$0x3FAE] =	sst s6  }
0xf: {  	[smem:$0x3FAF] =	sst s7  }
0x10: {  	[smem:$0x3FB0] =	sst s8  }
0x11: {  	[smem:$0x3FB1] =	sst s9;
	s0 =	simm.s32 @!p0 $0x0  }
0x12: {  	s1 =	sld [smem:$0x3F97];
	s0 =	simm.s32 @p0 $0x1  }
0x13: {  	[smem:$0x3FB2] =	sst s0;
	s0 =	simm.s32 @!p1 $0x0  }
0x14: {  	s2 =	sld [smem:$0x3F96];
	s0 =	simm.s32 @p1 $0x1  }
0x15: {  	[smem:$0x3FB3] =	sst s0;
	s0 =	simm.s32 @!p2 $0x0  }
0x16: {  	s3 =	sld [smem:$0x3FDB];
	s0 =	simm.s32 @p2 $0x1  }
0x17: {  	s4 =	simm.s32 $0x1BF5;
	[smem:$0x3FB5] =	sst s0  }
0x18: {  	s0 =	sld [smem:$0x3F98];
	_ =	swait.ge [sflag:s4], $0x0  }
0x19: {  	s7 =	sld [smem:$0x3F99]  }
0x1a: {  	s8 =	sadd.s32 $0xFFFFE003, lr  }
0x1b: {  	s9 =	sadd.s32 $0xFFFFFEF7, lr;
	s5 =	simm.s32 $0xFFFFFFFF;
	p2 =	slt.u32 s8, $0xFFFFF086  }
0x1c: {  	p1 =	slt.u32 s9, $0xF7A;
	s5 =	simm.s32 @!p2 $0x0  }
0x1d: {  	s5 =	simm.s32 @p1 $0x1;
	p0 =	seq.s32 s7, s2  }
0x1e: {  	s7 =	smul.u32 @!p0 $0xF7A, s2;
	p2 =	seq.s32 @!p0 s5, $0x0  }
0x1f: {  	s9 =	smul.u32 $0xF7A, s1;
	s8 =	simm.s32 @!p0 $0x1BF5;
	p2 =	por !p2, p0  }
0x20: {  	[sflag:s8] =	ssyncset.s32 @!p0 $0xFFFFF086;
	s6 =	sadd.s32 @!p0 s3, s7;
	s7 =	simm.s32 @!p0 $0x108  }
0x21: {  	s3 =	sadd.s32 s3, s9;
	s6 =	sadd.s32 @!p0 $0x88, s6;
	s7 =	simm.s32 @p2 $0x1082  }
0x22: {  	[simem:s7], [sflag:s8] =	dma.local @!p0 [hbm:s6], $0xF7A  }
0x23: {  	s9 =	sor.u32 $0xD0000000, s2;
	s6 =	simm.s32 $0x108;
	_ =	swait.ge @!p0 [sflag:s8], $0x0  }
0x24: {  	s3 =	sadd.s32 $0x88, s3;
	s6 =	simm.s32 @!p1 $0x1082;
	[sflag:s4] =	ssyncset.s32 $0xFFFFF086  }
0x25: {  	[simem:s6], [sflag:s4] =	dma.local [hbm:s3], $0xF7A  }
0x26: {  	[smem:$0x3F99] =	sst s1;
	(tag) =	ssettag s2;
	_ =	strace s9  }
0x27: {  	s1 =	sld [smem:$0x3FA9]  }
0x28: {  	s2 =	sld [smem:$0x3FAA]  }
0x29: {  	s4 =	sld [smem:$0x3FAC]  }
0x2a: {  	p0 =	seq.s32 s5, $0x0;
	s5 =	sld [smem:$0x3FAD]  }
0x2b: {  	s6 =	sld [smem:$0x3FAE]  }
0x2c: {  	s7 =	sld [smem:$0x3FAF]  }
0x2d: {  	s3 =	simm.s32 $0x108;
	s8 =	sld [smem:$0x3FB0]  }
0x2e: {  	s3 =	simm.s32 @!p0 $0x1082;
	s9 =	sld [smem:$0x3FB1]  }
0x2f: {  	lr =	sadd.s32 s0, s3;
	s0 =	sld [smem:$0x3FA8]  }
0x30: {  	s3 =	sld [smem:$0x3FAB]  }
0x31: {  	[smem:$0x3FB4] =	sst s10  }
0x32: {  	s10 =	sld [smem:$0x3FB2];
	_ =	sdelay $0x3  }
0x33: {  	p0 =	seq.s32 s10, $0x1;
	s10 =	sld [smem:$0x3FB4];
	_ =	sdelay $0x3  }
0x34: {  	[smem:$0x3FB4] =	sst s10  }
0x35: {  	s10 =	sld [smem:$0x3FB3];
	_ =	sdelay $0x3  }
0x36: {  	p1 =	seq.s32 s10, $0x1;
	s10 =	sld [smem:$0x3FB4];
	_ =	sdelay $0x3  }
0x37: {  	[smem:$0x3FB4] =	sst s10  }
0x38: {  	s10 =	sld [smem:$0x3FB5]  }
0x39: {  	_ = 	snop;
	(pc) =	sbr.ind lr, $3  }
0x3a: {  	_ = 	snop  }
0x3b: {  	_ = 	snop  }
0x3c: {  	p2 =	seq.s32 s10, $0x1;
	s10 =	sld [smem:$0x3FB4]  }
0x3d: {  	_ =	shalt  }
0x3e: {  	_ =	shalt  }
0x3f: {  	_ =	shalt  }
0x40: {  	_ =	shalt  }
0x41: {  	_ =	shalt  }
0x42: {  	_ =	shalt  }
0x43: {  	_ =	shalt  }
0x44: {  	_ =	shalt  }
0x45: {  	_ =	shalt  }
0x46: {  	_ =	shalt  }
0x47: {  	_ =	shalt  }
0x48: {  	_ =	shalt  }
0x49: {  	_ =	shalt  }
0x4a: {  	_ =	shalt  }
0x4b: {  	_ =	shalt  }
0x4c: {  	_ =	shalt  }
0x4d: {  	_ =	shalt  }
0x4e: {  	_ =	shalt  }
0x4f: {  	_ =	shalt  }
0x50: {  	_ =	shalt  }
0x51: {  	_ =	shalt  }
0x52: {  	_ =	shalt  }
0x53: {  	_ =	shalt  }
0x54: {  	_ =	shalt  }
0x55: {  	_ =	shalt  }
0x56: {  	_ =	shalt  }
0x57: {  	_ =	shalt  }
0x58: {  	_ =	shalt  }
0x59: {  	_ =	shalt  }
0x5a: {  	_ =	shalt  }
0x5b: {  	_ =	shalt  }
0x5c: {  	_ =	shalt  }
0x5d: {  	_ =	shalt  }
0x5e: {  	_ =	shalt  }
0x5f: {  	_ =	shalt  }
0x60: {  	_ =	shalt  }
0x61: {  	_ =	shalt  }
0x62: {  	_ =	shalt  }
0x63: {  	_ =	shalt  }
0x64: {  	_ =	shalt  }
0x65: {  	_ =	shalt  }
0x66: {  	_ =	shalt  }
0x67: {  	_ =	shalt  }
0x68: {  	_ =	shalt  }
0x69: {  	_ =	shalt  }
0x6a: {  	_ =	shalt  }
0x6b: {  	_ =	shalt  }
0x6c: {  	_ =	shalt  }
0x6d: {  	_ =	shalt  }
0x6e: {  	_ =	shalt  }
0x6f: {  	_ =	shalt  }
0x70: {  	_ =	shalt  }
0x71: {  	_ =	shalt  }
0x72: {  	_ =	shalt  }
0x73: {  	_ =	shalt  }
0x74: {  	_ =	shalt  }
0x75: {  	_ =	shalt  }
0x76: {  	_ =	shalt  }
0x77: {  	_ =	shalt  }
0x78: {  	_ =	shalt  }
0x79: {  	_ =	shalt  }
0x7a: {  	_ =	shalt  }
0x7b: {  	_ =	shalt  }
0x7c: {  	_ =	shalt  }
0x7d: {  	_ =	shalt  }
0x7e: {  	_ =	shalt  }
0x7f: {  	_ =	shalt  }
0x80: {  	_ =	shalt  }
0x81: {  	_ =	shalt  }
0x82: {  	_ =	shalt  }
0x83: {  	_ =	shalt  }
0x84: {  	_ =	shalt  }
0x85: {  	_ =	shalt  }
0x86: {  	_ =	shalt  }
0x87: {  	_ =	shalt  }
.Lfunc_end0:
.L_simem_size_0:
called_computation_lowered:
.L_overlay_start_0:
0x88: {  	s2 =	sld [smem:$0x3FD9]  }
0x89: {  	s3 =	sld [smem:$0x3FFE];
	_ =	sdelay $0x1  }
0x8a: {  	s1 =	srdreg.scid  }
0x8b: {  	s0 =	sand.u32 $0x1, s1  }
0x8c: {  	s17 =	sshll.u32 s0, $0xA;
	s2 =	sadd.s32 s3, s2  }
0x8d: {  	s2 =	sadd.s32 s2, s17  }
0x8e: {  	[smem:$0x3FC0] =	sst s2  }
0x8f: {  	_ = 	snop  }
0x90: {  	s2 =	sld [smem:$0x3FC9];
	(tm) =	ssettm $0x1  }
0x91: {  	s18 =	sld [smem:$0x3FFB];
	_ =	sdelay $0x3  }
0x92: {  	_ =	strace s18  }
0x93: {  	s3 =	sld [smem:$0x3FFC];
	_ =	sdelay $0x3  }
0x94: {  	_ =	strace s3  }
0x95: {  	s3 =	sld [smem:$0x3FFD];
	_ =	sdelay $0x3  }
0x96: {  	_ =	strace s3  }
0x97: {  	_ =	strace $0x8FFFFFFF  }
0x98: {  	s19 =	sld [smem:$0x3FDB];
	_ =	sdelay $0x1  }
0x99: {  	s4 =	simm.s32 $_scs_section_size  }
0x9a: {  	s5 =	simm.s32 $_size__tile_overlayer_lowered;
	s6 =	simm.s32 $_tile_overlayer_lowered  }
0x9b: {  	s22 =	simm.s32 $0x1BFF;
	s21 =	sshll.u32 s6, $0x1;
	s3 =	sadd.s32 s4, s19  }
0x9c: {  	s7 =	simm.s32 $0x0;
	s20 =	sshll.u32 s5, $0x1;
	s5 =	sadd.s32 s21, s3  }
0x9d: {  	[timem:s7], [sflag:s22] =	dma.local [hbm:s5], s20  }
0x9e: {  	_ =	swait.ge [sflag:s22], s20  }
0x9f: {  	s4 =	ssub.s32 $0x0, s20;
	[sflag:s22] =	ssyncset.done $0x0  }
0xa0: {  	[sflag:s22] =	ssyncadd.s32 s4;
	_ =	sdelay $0x1  }
0xa1: {  	s23 =	simm.s32 $0x1B8B  }
0xa2: {  	_ =	swait.ge [sflag:s23], $0x1  }
0xa3: {  	[sflag:s23] =	ssyncset.done $0x0  }
0xa4: {  	s25 =	simm.s32 $0x1B8E;
	s24 =	sld [smem:$0x3FFE];
	[sflag:s23] =	ssyncadd.s32 $0xFFFFFFFF  }
0xa5: {  	s26 =	simm.s32 $execute0_lowered;
	[smem:$0x3FD2] =	sst s25  }
0xa6: {  	s5 =	sshll.u32 s26, $0x1;
	_ =	strace $0x80000046;
	[dreg:$0x1] =	wrdreg $0xFFFFFFFF  }
0xa7: {  	s28 =	simm.s32 $_size_execute0_lowered;
	s3 =	sadd.s32 s3, s5;
	[dreg:$0x0] =	wrdreg $0x0  }
0xa8: {  	s5 =	sshll.u32 s28, $0x1;
	[dreg:$0x2] =	wrdreg s3  }
0xa9: {  	[dreg:$0x3] =	wrdreg s5  }
0xaa: {  	[dreg:$0x4] =	wrdreg $0xC0  }
0xab: {  	_ =	task [dreg:s7], $0x5FFFF  }
0xac: {  	[dreg:$0x1] =	wrdreg $0xFFFFFFFF  }
0xad: {  	[dreg:$0x0] =	wrdreg $0x60  }
0xae: {  	[dreg:$0x2] =	wrdreg s24  }
0xaf: {  	[dreg:$0x3] =	wrdreg s2  }
0xb0: {  	[dreg:$0x4] =	wrdreg $0x11A800  }
0xb1: {  	[dreg:$0x5] =	wrdreg $0x9  }
0xb2: {  	_ =	task.clear_ibuf [dreg:s7], $0x6FFFF;
	_ =	strace $0x90000046  }
0xb3: {  	s29 =	simm.s32 $0x9;
	_ =	strace $0x80000048  }
0xb4: {  	_ =	swait.ge [sflag:s29], $0x1  }
0xb5: {  	[sflag:s29] =	ssyncadd.s32 $0xFFFFFFFF  }
0xb6: {  	_ =	strace $0x90000048  }
0xb7: {  	_ =	sfence  }
0xb8: {  	s30 =	sld [smem:$0x0];
	_ =	sdelay $0x2  }
0xb9: {  	s31 =	sshll.u32 s1, $0xD;
	s1 =	sshrl.u32 s1, $0x2  }
0xba: {  	s3 =	sand.u32 $0x4000, s31;
	s1 =	sadd.s32 s1, s30  }
0xbb: {  	s0 =	sor.u32 s3, s0;
	s1 =	sshll.u32 s1, $0x11  }
0xbc: {  	s0 =	sor.u32 s1, s0  }
0xbd: {  	s0 =	sadd.s32 $0x8F2B, s0  }
0xbe: {  	[sflag:s0] =	ssyncadd.remote.s32 $0x1  }
0xbf: {  	_ =	sfence.sel $0xFFFF  }
0xc0: {  	[dreg:$0x0] =	wrdreg $0xFFFFFFFF;
	(pc) =	sbr.abs _section_cstart, $3  }
0xc1: {  	[dreg:$0x1] =	wrdreg $0xFFFFFFFF  }
0xc2: {  	_ =	task.clear_ibuf [dreg:s7], $0x2FFFF;
	_ =	strace $0x9FFFFFFF  }
0xc3: {  	(tm) =	ssettm $0x7FFFFFFF  }
tec
execute0_lowered:
.L_overlay_start_1:
0x0: {  	(tag) =	ssettag $0x1  }
0x1: {  	s4 =	rddreg [dreg:$0x0]  }
0x2: {  	s0 =	stileid.u32;
	s6 =	rddreg [dreg:$0x1]  }
0x3: {  	s1 =	srdreg.scid;
	s2 =	rddreg [dreg:$0x2]  }
0x4: {  	s3 =	simm.s32 $0x0;
	s15 =	simm.s32 $0x7D;
	s16 =	simm.s32 $0x5000  }
0x5: {  	s17 =	simm.s32 $0x2;
	s18 =	simm.s32 $0x5080;
	s19 =	simm.s32 $0x0  }
0x6: {  	s5 =	sand.u32 $0x1, s1;
	s30 =	sshll.u32 s0, $0x1;
	s1 =	rddreg [dreg:$0x3]  }
0x7: {  	[smem:$0x7FF] =	sst s3;
	s7 =	smul.u32 $0xA00, s0;
	s12 =	sor.u32 s5, s30  }
0x8: {  	_ =	strace $0x80000047;
	s5 =	ssub.s32 $0x2, s5;
	s8 =	smul.u32 $0x190, s12  }
0x9: {  	s10 =	smul.u32 $0x1900, s12;
	s11 =	sadd.s32 s7, s4;
	s31 =	sshrl.u32 s5, $0x1  }
0xa: {  	v0 =	vimm.f32 $1.000000000e+00;
	v1 =	vimm.f32 $0.0e+00;
	v2 =	vimm.s32 $0x0;
	s7 =	sshrl.u32 s7, $0x2;
	p0 =	sgt.u32 s12, $0x18;
	s12 =	simm.s32 $0x11880  }
.Ltmp0:
0xb: {  	v3 =	vimm.s32 $0x1;
	v4 =	vimm.s32 $0x2;
	v5 =	vimm.s32 $0x3;
	s14 =	ssub.s32 s5, s31;
	s5 =	sadd.s32 s7, s2;
	(pc) =	sbr.rel .LBB2_1-.Ltmp0, $4  }
0xc: {  	v6 =	vimm.s32 $0x4;
	v7 =	vimm.s32 $0x5;
	v8 =	vimm.s32 $0x6;
	s9 =	sshrl.u32 s8, $0x3;
	s13 =	sadd.s32 s10, s4;
	s6 =	sadd.s32 s6, s10  }
0xd: {  	v9 =	vimm.s32 $0x7;
	v10 =	vimm.s32 $0x8;
	v11 =	vimm.s32 $0x9;
	s7 =	sadd.s32 $0x190, s5;
	s8 =	sadd.s32 s8, s2;
	s9 =	sadd.s32 s9, s4  }
0xe: {  	v12 =	vimm.s32 $0xA;
	v13 =	vimm.s32 $0xB;
	v14 =	vimm.s32 $0xC;
	s4 =	sadd.s32 $0x1C00, s11;
	s10 =	sadd.s32 $0xC200, s13;
	s11 =	smax.u32 s14, $0x1  }
0xf: {  	v15 =	vimm.s32 $0xD;
	v16 =	vimm.s32 $0xE;
	v17 =	vimm.s32 $0xF;
	s13 =	simm.s32 $0x3;
	s14 =	simm.s32 $0x1;
	s9 =	sadd.s32 $0xBC00, s9  }
.LBB2_9:
0x10: {  	s19 =	sadd.s32 $0x1, s19  }
0x11: {  	p1 =	sne.s32 s19, s11  }
.Ltmp1:
0x12: {  	_ = 	snop;
	(pc) =	sbr.rel @!p1 .LBB2_10-.Ltmp1, $1  }
0x13: {  	_ =	sdelay $0x3  }
.LBB2_1:
0x14: {  	[tilespmem:s3], [sflag:$0x1] =	stream.linear.gather [hbm4b:s4+s3], $0x5000, $0x38;
	[tilespmem:$0x11D00] =	vst v63  }
0x15: {  	s20 =	simm.s32 @!p0 $0x0;
	s21 =	simm.s32 @!p0 $0x5080  }
0x16: {  	[tilespmem:s21], [sflag:$0x2] =	stream.linear.gather @!p0 [hbm4b:s6+s20], $0xC800, $0x38;
	[tilespmem:$0x11D00] =	vst v63  }
0x17: {  	[tilespmem:$0x5000] =	vst v0  }
0x18: {  	[tilespmem:$0x5010] =	vst v0  }
0x19: {  	[tilespmem:$0x5020] =	vst v0  }
0x1a: {  	[tilespmem:$0x5030] =	vst v0  }
0x1b: {  	[tilespmem:$0x5040] =	vst v0  }
0x1c: {  	[tilespmem:$0x5050] =	vst v0  }
0x1d: {  	[tilespmem:$0x5060] =	vst v0  }
0x1e: {  	[tilespmem:$0x5070] =	vst v0  }
0x1f: {  	[tilespmem:$0x11880] =	vst v1  }
0x20: {  	[tilespmem:$0x11890] =	vst v1  }
0x21: {  	[tilespmem:$0x118A0] =	vst v1  }
0x22: {  	[tilespmem:$0x118B0] =	vst v1  }
0x23: {  	[tilespmem:$0x118C0] =	vst v1  }
0x24: {  	[tilespmem:$0x118D0] =	vst v1  }
0x25: {  	[tilespmem:$0x118E0] =	vst v1  }
0x26: {  	[tilespmem:$0x118F0] =	vst v1  }
0x27: {  	[tilespmem:$0x11900] =	vst v1  }
0x28: {  	[tilespmem:$0x11910] =	vst v1  }
0x29: {  	[tilespmem:$0x11920] =	vst v1  }
0x2a: {  	[tilespmem:$0x11930] =	vst v1  }
0x2b: {  	[tilespmem:$0x11940] =	vst v1  }
0x2c: {  	[tilespmem:$0x11950] =	vst v1  }
0x2d: {  	[tilespmem:$0x11960] =	vst v1  }
0x2e: {  	[tilespmem:$0x11970] =	vst v1  }
0x2f: {  	[tilespmem:$0x11980] =	vst v1  }
0x30: {  	[tilespmem:$0x11990] =	vst v1  }
0x31: {  	[tilespmem:$0x119A0] =	vst v1  }
0x32: {  	[tilespmem:$0x119B0] =	vst v1  }
0x33: {  	[tilespmem:$0x119C0] =	vst v1  }
0x34: {  	[tilespmem:$0x119D0] =	vst v1  }
0x35: {  	[tilespmem:$0x119E0] =	vst v1  }
0x36: {  	[tilespmem:$0x119F0] =	vst v1  }
0x37: {  	[tilespmem:$0x11A00] =	vst v1  }
0x38: {  	[spmem:s5] =	stream.linear.scatter [tilespmem:s12], [sflag:$0x3], $0x190, $0x38;
	[tilespmem:$0x11D00] =	vst v63  }
0x39: {  	_ =	swait.ge [sflag:s13], $0x190  }
0x3a: {  	[sflag:s13] =	ssyncset.done $0x0  }
0x3b: {  	[sflag:s13] =	ssyncadd.s32 $0xFFFFFE70  }
0x3c: {  	[spmem:s7] =	stream.linear.scatter [tilespmem:s12], [sflag:$0x3], $0xF0, $0x38;
	[tilespmem:$0x11D00] =	vst v63  }
0x3d: {  	_ =	swait.ge [sflag:s13], $0xF0  }
0x3e: {  	[sflag:s13] =	ssyncset.done $0x0  }
0x3f: {  	[sflag:s13] =	ssyncadd.s32 $0xFFFFFF10  }
0x40: {  	_ =	swait.ge [sflag:s14], $0x5000  }
0x41: {  	[sflag:s14] =	ssyncset.done $0x0  }
0x42: {  	[sflag:s14] =	ssyncadd.s32 $0xFFFFB000  }
0x43: {  	s31 =	simm.s32 $0x0;
	[bflag:$0x0] =	sbarrier.arrive $0xFFFF  }
0x44: {  	[spmem:s2] =	stream.indirect.scatter.add.f32 [tilespmem:s16], [sflag:$0x3], $0x1, s31, s15, $0xb8;
	[tilespmem:$0x11D00] =	vst v63  }
0x45: {  	_ =	swait.ge [sflag:s13], $0x7D  }
0x46: {  	s20 =	simm.s32 $0x200;
	[sflag:s13] =	ssyncset.done $0x0  }
.LBB2_2:
0x47: {  	s21 =	sshra.s32 s20, $0x2;
	[sflag:s13] =	ssyncadd.s32 $0xFFFFFF83;
	p1 =	sne.s32 s20, $0x13E00  }
0x48: {  	[spmem:s2] =	stream.indirect.scatter.add.f32 [tilespmem:s16], [sflag:$0x3], $0x1, s21, s15, $0xb8;
	[tilespmem:$0x11D00] =	vst v63  }
.Ltmp2:
0x49: {  	_ = 	snop;
	(pc) =	sbr.rel @p1 .LBB2_2-.Ltmp2, $4  }
0x4a: {  	_ = 	snop  }
0x4b: {  	s20 =	sadd.s32 $0x200, s20  }
0x4c: {  	_ =	swait.ge [sflag:s13], $0x7D  }
0x4d: {  	[sflag:s13] =	ssyncset.done $0x0  }
.Ltmp3:
0x4e: {  	(pc) =	sbr.rel @p0 .LBB2_9-.Ltmp3, $3  }
0x4f: {  	_ = 	snop  }
0x50: {  	[sflag:s13] =	ssyncadd.s32 $0xFFFFFF83  }
0x51: {  	[bflag:$0x0] =	sbarrier.arrive $0xFFFF;
	_ =	sdelay $0x1  }
0x52: {  	[tilespmem:s12], [sflag:$0x3] =	stream.linear.gather [spmem:s8], $0x190, $0x38;
	[tilespmem:$0x11D00] =	vst v63  }
0x53: {  	_ =	swait.ge [sflag:s13], $0x190  }
0x54: {  	[sflag:s13] =	ssyncset.done $0x0  }
0x55: {  	s20 =	simm.s32 $0x0;
	s21 =	simm.s32 $0x40;
	[sflag:s13] =	ssyncadd.s32 $0xFFFFFE70  }
.LBB2_5:
0x56: {  	p1 =	sne.s32 s21, $0x600;
	v18 =	vld [tilespmem:s20+$0x11880];
	_ =	sdelay $0x4  }
0x57: {  	v19 =	vshra.s32 v18, $0x1;
	v20 =	vmul.f32 $5.000000000e-01, v18  }
0x58: {  	v19 =	vsub.s32 $0x5F3759DF, v19  }
0x59: {  	v21 =	vmul.f32 v19, v20;
	_ =	sdelay $0x1  }
0x5a: {  	v21 =	vmul.f32 v19, v21;
	_ =	sdelay $0x1  }
0x5b: {  	v21 =	vsub.f32 $1.500000000e+00, v21;
	_ =	sdelay $0x1  }
0x5c: {  	v19 =	vmul.f32 v19, v21;
	_ =	sdelay $0x1  }
0x5d: {  	v21 =	vmul.f32 v19, v20;
	_ =	sdelay $0x1  }
0x5e: {  	v21 =	vmul.f32 v21, v19;
	_ =	sdelay $0x1  }
0x5f: {  	v21 =	vsub.f32 $1.500000000e+00, v21;
	_ =	sdelay $0x1  }
0x60: {  	v19 =	vmul.f32 v21, v19;
	_ =	sdelay $0x1  }
0x61: {  	v20 =	vmul.f32 v19, v20;
	_ =	sdelay $0x1  }
0x62: {  	v20 =	vmul.f32 v20, v19;
	_ =	sdelay $0x1  }
0x63: {  	v20 =	vsub.f32 $1.500000000e+00, v20  }
.Ltmp4:
0x64: {  	(pc) =	sbr.rel @p1 .LBB2_5-.Ltmp4, $4  }
0x65: {  	v19 =	vmul.f32 v20, v19  }
0x66: {  	vm0 =	vgt.f32 v18, $0.0e+00  }
0x67: {  	v18 =	vnsel vm0, $0x0, v19  }
0x68: {  	[tilespmem:s20+$0x11880] =	vst v18;
	s20 =	sshra.s32 s21, $0x2;
	s21 =	sadd.s32 $0x40, s21  }
0x69: {  	v18 =	vld [tilespmem:s20+$0x11880];
	_ =	sdelay $0x4  }
0x6a: {  	v19 =	vshra.s32 v18, $0x1;
	v20 =	vmul.f32 $5.000000000e-01, v18  }
0x6b: {  	v19 =	vsub.s32 $0x5F3759DF, v19  }
0x6c: {  	v21 =	vmul.f32 v19, v20;
	_ =	sdelay $0x1  }
0x6d: {  	v21 =	vmul.f32 v19, v21;
	_ =	sdelay $0x1  }
0x6e: {  	v21 =	vsub.f32 $1.500000000e+00, v21;
	_ =	sdelay $0x1  }
0x6f: {  	v19 =	vmul.f32 v19, v21;
	_ =	sdelay $0x1  }
0x70: {  	v21 =	vmul.f32 v19, v20;
	_ =	sdelay $0x1  }
0x71: {  	v21 =	vmul.f32 v21, v19;
	_ =	sdelay $0x1  }
0x72: {  	v21 =	vsub.f32 $1.500000000e+00, v21;
	_ =	sdelay $0x1  }
0x73: {  	v19 =	vmul.f32 v21, v19;
	_ =	sdelay $0x1  }
0x74: {  	v20 =	vmul.f32 v19, v20;
	_ =	sdelay $0x1  }
0x75: {  	v20 =	vmul.f32 v20, v19;
	_ =	sdelay $0x1  }
0x76: {  	v20 =	vsub.f32 $1.500000000e+00, v20;
	_ =	sdelay $0x1  }
0x77: {  	v19 =	vmul.f32 v20, v19  }
0x78: {  	vm0 =	vgt.f32 v18, $0.0e+00  }
0x79: {  	v18 =	vnsel vm0, $0x0, v19  }
0x7a: {  	[tilespmem:s20+$0x11880] =	vst v18;
	s20 =	simm.s32 $0x0  }
0x7b: {  	[hbm4b:s9+s20] =	stream.linear.scatter [tilespmem:s12], [sflag:$0x3], $0x190, $0x38;
	[tilespmem:$0x11D00] =	vst v63  }
0x7c: {  	_ =	swait.ge [sflag:s13], $0x190  }
0x7d: {  	[sflag:s13] =	ssyncset.done $0x0  }
0x7e: {  	[sflag:s13] =	ssyncadd.s32 $0xFFFFFE70  }
0x7f: {  	_ =	swait.ge [sflag:s17], $0xC800  }
0x80: {  	[sflag:s17] =	ssyncset.done $0x0  }
0x81: {  	[sflag:s17] =	ssyncadd.s32 $0xFFFF3800  }
.LBB2_7:
0x82: {  	s21 =	sshll.u32 s20, $0x4  }
0x83: {  	s21 =	sand.u32 $0x3FFFFFF0, s21  }
0x84: {  	s31 =	sshll.u32 s20, $0xB;
	v18 =	vld [tilespmem:s21+$0x11880]  }
0x85: {  	s21 =	sand.u32 $0x3FFFF800, s31  }
0x86: {  	v19 =	vld [tilespmem:s21+$0x5080]  }
0x87: {  	v20 =	vld [tilespmem:s21+$0x5090]  }
0x88: {  	v21 =	vld [tilespmem:s21+$0x50A0]  }
0x89: {  	v23 =	vld [tilespmem:s21+$0x50B0];
	v22 =	vperm.xlane v18, v2  }
0x8a: {  	v24 =	vld [tilespmem:s21+$0x50C0]  }
0x8b: {  	v25 =	vld [tilespmem:s21+$0x50D0];
	v19 =	vmul.f32 v19, v22  }
0x8c: {  	v26 =	vld [tilespmem:s21+$0x50E0];
	v20 =	vmul.f32 v20, v22  }
0x8d: {  	v43 =	vld [tilespmem:s21+$0x50F0];
	[tilespmem:s21+$0x5080] =	vst v19;
	v19 =	vmul.f32 v21, v22  }
0x8e: {  	v45 =	vld [tilespmem:s21+$0x5100];
	v44 =	vmul.f32 v23, v22;
	[tilespmem:s21+$0x5090] =	vst v20  }
0x8f: {  	v46 =	vld [tilespmem:s21+$0x5110];
	[tilespmem:s21+$0x50A0] =	vst v19;
	v19 =	vmul.f32 v24, v22  }
0x90: {  	v48 =	vld [tilespmem:s21+$0x5120];
	v47 =	vmul.f32 v25, v22;
	[tilespmem:s21+$0x50B0] =	vst v44  }
0x91: {  	v27 =	vld [tilespmem:s21+$0x5130];
	v49 =	vperm.xlane v18, v3;
	[tilespmem:s21+$0x50C0] =	vst v19;
	v19 =	vmul.f32 v26, v22  }
0x92: {  	v51 =	vld [tilespmem:s21+$0x5140];
	v50 =	vmul.f32 v43, v22;
	[tilespmem:s21+$0x50D0] =	vst v47  }
0x93: {  	v52 =	vld [tilespmem:s21+$0x5150];
	[tilespmem:s21+$0x50E0] =	vst v19;
	v19 =	vmul.f32 v45, v49  }
0x94: {  	v54 =	vld [tilespmem:s21+$0x5160];
	v53 =	vmul.f32 v46, v49;
	[tilespmem:s21+$0x50F0] =	vst v50  }
0x95: {  	v55 =	vld [tilespmem:s21+$0x5170];
	[tilespmem:s21+$0x5100] =	vst v19;
	v19 =	vmul.f32 v48, v49  }
0x96: {  	v57 =	vld [tilespmem:s21+$0x5180];
	v56 =	vmul.f32 v27, v49;
	[tilespmem:s21+$0x5110] =	vst v53  }
0x97: {  	v58 =	vld [tilespmem:s21+$0x5190];
	[tilespmem:s21+$0x5120] =	vst v19;
	v19 =	vmul.f32 v51, v49  }
0x98: {  	v60 =	vld [tilespmem:s21+$0x51A0];
	v59 =	vmul.f32 v52, v49;
	[tilespmem:s21+$0x5130] =	vst v56  }
0x99: {  	v62 =	vld [tilespmem:s21+$0x51B0];
	v61 =	vperm.xlane v18, v4;
	[tilespmem:s21+$0x5140] =	vst v19;
	v19 =	vmul.f32 v54, v49  }
0x9a: {  	v28 =	vld [tilespmem:s21+$0x51C0];
	v63 =	vmul.f32 v55, v49;
	[tilespmem:s21+$0x5150] =	vst v59  }
0x9b: {  	v29 =	vld [tilespmem:s21+$0x51D0];
	[tilespmem:s21+$0x5160] =	vst v19;
	v19 =	vmul.f32 v57, v61  }
0x9c: {  	v31 =	vld [tilespmem:s21+$0x51E0];
	v30 =	vmul.f32 v58, v61;
	[tilespmem:s21+$0x5170] =	vst v63  }
0x9d: {  	v32 =	vld [tilespmem:s21+$0x51F0];
	[tilespmem:s21+$0x5180] =	vst v19;
	v19 =	vmul.f32 v60, v61  }
0x9e: {  	v34 =	vld [tilespmem:s21+$0x5200];
	v33 =	vmul.f32 v62, v61;
	[tilespmem:s21+$0x5190] =	vst v30  }
0x9f: {  	v35 =	vld [tilespmem:s21+$0x5210];
	[tilespmem:s21+$0x51A0] =	vst v19;
	v19 =	vmul.f32 v28, v61  }
0xa0: {  	v37 =	vld [tilespmem:s21+$0x5220];
	v36 =	vmul.f32 v29, v61;
	[tilespmem:s21+$0x51B0] =	vst v33  }
0xa1: {  	v39 =	vld [tilespmem:s21+$0x5230];
	v38 =	vperm.xlane v18, v5;
	[tilespmem:s21+$0x51C0] =	vst v19;
	v19 =	vmul.f32 v31, v61  }
0xa2: {  	v41 =	vld [tilespmem:s21+$0x5240];
	v40 =	vmul.f32 v32, v61;
	[tilespmem:s21+$0x51D0] =	vst v36  }
0xa3: {  	v45 =	vld [tilespmem:s21+$0x5270];
	[tilespmem:s21+$0x51E0] =	vst v19;
	v19 =	vmul.f32 v34, v38  }
0xa4: {  	v43 =	vmul.f32 v35, v38;
	[tilespmem:s21+$0x51F0] =	vst v40;
	v44 =	vld [tilespmem:s21+$0x5260]  }
0xa5: {  	v42 =	vld [tilespmem:s21+$0x5250];
	[tilespmem:s21+$0x5200] =	vst v19;
	v19 =	vmul.f32 v37, v38  }
0xa6: {  	v46 =	vmul.f32 v39, v38;
	[tilespmem:s21+$0x5210] =	vst v43;
	v47 =	vld [tilespmem:s21+$0x5280]  }
0xa7: {  	v52 =	vld [tilespmem:s21+$0x52B0];
	[tilespmem:s21+$0x5220] =	vst v19;
	v19 =	vmul.f32 v41, v38  }
0xa8: {  	[tilespmem:s21+$0x5230] =	vst v46;
	v50 =	vld [tilespmem:s21+$0x52A0];
	v53 =	vmul.f32 v45, v38  }
0xa9: {  	v55 =	vld [tilespmem:s21+$0x52D0];
	v51 =	vperm.xlane v18, v6;
	[tilespmem:s21+$0x5240] =	vst v19;
	v19 =	vmul.f32 v44, v38  }
0xaa: {  	v49 =	vmul.f32 v42, v38;
	v54 =	vld [tilespmem:s21+$0x52C0];
	[tilespmem:s21+$0x5270] =	vst v53  }
0xab: {  	v58 =	vld [tilespmem:s21+$0x52F0];
	[tilespmem:s21+$0x5260] =	vst v19;
	v19 =	vmul.f32 v47, v51  }
0xac: {  	v59 =	vmul.f32 v52, v51;
	[tilespmem:s21+$0x5250] =	vst v49;
	v57 =	vld [tilespmem:s21+$0x52E0]  }
0xad: {  	v48 =	vld [tilespmem:s21+$0x5290];
	[tilespmem:s21+$0x5280] =	vst v19;
	v19 =	vmul.f32 v50, v51  }
0xae: {  	v62 =	vmul.f32 v55, v51;
	[tilespmem:s21+$0x52B0] =	vst v59;
	v60 =	vld [tilespmem:s21+$0x5300]  }
0xaf: {  	v40 =	vld [tilespmem:s21+$0x5390];
	[tilespmem:s21+$0x52A0] =	vst v19;
	v19 =	vmul.f32 v54, v51  }
0xb0: {  	v63 =	vld [tilespmem:s21+$0x5320];
	v32 =	vmul.f32 v58, v51;
	[tilespmem:s21+$0x52D0] =	vst v62  }
0xb1: {  	v30 =	vperm.xlane v18, v7;
	v61 =	vld [tilespmem:s21+$0x5310];
	[tilespmem:s21+$0x52C0] =	vst v19;
	v19 =	vmul.f32 v57, v51  }
0xb2: {  	v33 =	vld [tilespmem:s21+$0x5340];
	v43 =	vperm.xlane v18, v8;
	v56 =	vmul.f32 v48, v51;
	[tilespmem:s21+$0x52F0] =	vst v32  }
0xb3: {  	v53 =	vld [tilespmem:s21+$0x5410];
	[tilespmem:s21+$0x52E0] =	vst v19;
	v19 =	vmul.f32 v60, v30  }
0xb4: {  	v36 =	vld [tilespmem:s21+$0x5360];
	v48 =	vmul.f32 v40, v43;
	[tilespmem:s21+$0x5290] =	vst v56  }
0xb5: {  	v31 =	vld [tilespmem:s21+$0x5330];
	[tilespmem:s21+$0x5300] =	vst v19;
	v19 =	vmul.f32 v63, v30  }
0xb6: {  	v39 =	vld [tilespmem:s21+$0x5380];
	[tilespmem:s21+$0x5390] =	vst v48;
	v56 =	vperm.xlane v18, v9;
	v35 =	vmul.f32 v61, v30  }
0xb7: {  	v34 =	vld [tilespmem:s21+$0x5350];
	[tilespmem:s21+$0x5320] =	vst v19;
	v19 =	vmul.f32 v33, v30  }
0xb8: {  	v42 =	vld [tilespmem:s21+$0x53A0];
	v61 =	vmul.f32 v53, v56;
	[tilespmem:s21+$0x5310] =	vst v35  }
0xb9: {  	v37 =	vld [tilespmem:s21+$0x5370];
	[tilespmem:s21+$0x5340] =	vst v19;
	v19 =	vmul.f32 v36, v30  }
0xba: {  	v46 =	vld [tilespmem:s21+$0x53C0];
	[tilespmem:s21+$0x5410] =	vst v61;
	v38 =	vmul.f32 v31, v30  }
0xbb: {  	v47 =	vld [tilespmem:s21+$0x53D0];
	[tilespmem:s21+$0x5360] =	vst v19;
	v19 =	vmul.f32 v39, v43  }
0xbc: {  	v49 =	vld [tilespmem:s21+$0x53E0];
	v41 =	vmul.f32 v34, v30;
	[tilespmem:s21+$0x5330] =	vst v38  }
0xbd: {  	v38 =	vld [tilespmem:s21+$0x54D0];
	[tilespmem:s21+$0x5380] =	vst v19;
	v19 =	vmul.f32 v42, v43  }
0xbe: {  	v52 =	vld [tilespmem:s21+$0x5400];
	[tilespmem:s21+$0x5350] =	vst v41;
	v45 =	vmul.f32 v37, v30  }
0xbf: {  	v44 =	vld [tilespmem:s21+$0x53B0];
	[tilespmem:s21+$0x53A0] =	vst v19;
	v19 =	vmul.f32 v46, v43  }
0xc0: {  	v55 =	vld [tilespmem:s21+$0x5420];
	v34 =	vperm.xlane v18, v10;
	[tilespmem:s21+$0x5370] =	vst v45;
	v54 =	vmul.f32 v47, v43  }
0xc1: {  	v50 =	vld [tilespmem:s21+$0x53F0];
	[tilespmem:s21+$0x53C0] =	vst v19;
	v19 =	vmul.f32 v49, v43  }
0xc2: {  	v59 =	vld [tilespmem:s21+$0x5440];
	v45 =	vmul.f32 v38, v34;
	[tilespmem:s21+$0x53D0] =	vst v54  }
0xc3: {  	v57 =	vld [tilespmem:s21+$0x5430];
	[tilespmem:s21+$0x53E0] =	vst v19;
	v19 =	vmul.f32 v52, v56  }
0xc4: {  	v62 =	vld [tilespmem:s21+$0x5460];
	v51 =	vmul.f32 v44, v43;
	[tilespmem:s21+$0x54D0] =	vst v45  }
0xc5: {  	v60 =	vld [tilespmem:s21+$0x5450];
	[tilespmem:s21+$0x5400] =	vst v19;
	v19 =	vmul.f32 v55, v56  }
0xc6: {  	v58 =	vmul.f32 v50, v43;
	[tilespmem:s21+$0x53B0] =	vst v51;
	v30 =	vld [tilespmem:s21+$0x5480]  }
0xc7: {  	v51 =	vld [tilespmem:s21+$0x5550];
	[tilespmem:s21+$0x5420] =	vst v19;
	v19 =	vmul.f32 v59, v56  }
0xc8: {  	[tilespmem:s21+$0x53F0] =	vst v58;
	v29 =	vmul.f32 v57, v56;
	v33 =	vld [tilespmem:s21+$0x54A0]  }
0xc9: {  	v63 =	vld [tilespmem:s21+$0x5470];
	[tilespmem:s21+$0x5440] =	vst v19;
	v19 =	vmul.f32 v62, v56  }
0xca: {  	v37 =	vld [tilespmem:s21+$0x54C0];
	v47 =	vperm.xlane v18, v11;
	[tilespmem:s21+$0x5430] =	vst v29;
	v32 =	vmul.f32 v60, v56  }
0xcb: {  	v61 =	vld [tilespmem:s21+$0x55B0];
	[tilespmem:s21+$0x5460] =	vst v19;
	v19 =	vmul.f32 v30, v34  }
0xcc: {  	v40 =	vld [tilespmem:s21+$0x54E0];
	v58 =	vmul.f32 v51, v47;
	[tilespmem:s21+$0x5450] =	vst v32  }
0xcd: {  	v31 =	vld [tilespmem:s21+$0x5490];
	[tilespmem:s21+$0x5480] =	vst v19;
	v19 =	vmul.f32 v33, v34  }
0xce: {  	v60 =	vperm.xlane v18, v12;
	v36 =	vmul.f32 v63, v56;
	[tilespmem:s21+$0x5550] =	vst v58;
	v43 =	vld [tilespmem:s21+$0x5500]  }
0xcf: {  	v57 =	vld [tilespmem:s21+$0x5590];
	[tilespmem:s21+$0x54A0] =	vst v19;
	v19 =	vmul.f32 v37, v34  }
0xd0: {  	v32 =	vmul.f32 v61, v60;
	[tilespmem:s21+$0x5470] =	vst v36;
	v46 =	vld [tilespmem:s21+$0x5520]  }
0xd1: {  	v35 =	vld [tilespmem:s21+$0x54B0];
	[tilespmem:s21+$0x54C0] =	vst v19;
	v19 =	vmul.f32 v40, v34  }
0xd2: {  	v50 =	vld [tilespmem:s21+$0x5540];
	v39 =	vmul.f32 v31, v34;
	[tilespmem:s21+$0x55B0] =	vst v32  }
0xd3: {  	v28 =	vld [tilespmem:s21+$0x55D0];
	[tilespmem:s21+$0x54E0] =	vst v19;
	v19 =	vmul.f32 v43, v47  }
0xd4: {  	v53 =	vld [tilespmem:s21+$0x5560];
	v29 =	vmul.f32 v57, v60;
	[tilespmem:s21+$0x5490] =	vst v39  }
0xd5: {  	v31 =	vld [tilespmem:s21+$0x55F0];
	[tilespmem:s21+$0x5500] =	vst v19;
	v19 =	vmul.f32 v46, v47  }
0xd6: {  	v42 =	vmul.f32 v35, v34;
	[tilespmem:s21+$0x5590] =	vst v29;
	v56 =	vld [tilespmem:s21+$0x5580]  }
0xd7: {  	v41 =	vld [tilespmem:s21+$0x54F0];
	[tilespmem:s21+$0x5520] =	vst v19;
	v19 =	vmul.f32 v50, v47  }
0xd8: {  	v35 =	vmul.f32 v28, v60;
	[tilespmem:s21+$0x54B0] =	vst v42;
	v59 =	vld [tilespmem:s21+$0x55A0]  }
0xd9: {  	v44 =	vld [tilespmem:s21+$0x5510];
	[tilespmem:s21+$0x5540] =	vst v19;
	v19 =	vmul.f32 v53, v47  }
0xda: {  	v63 =	vld [tilespmem:s21+$0x55C0];
	[tilespmem:s21+$0x55D0] =	vst v35;
	v39 =	vmul.f32 v31, v60  }
0xdb: {  	v48 =	vld [tilespmem:s21+$0x5530];
	[tilespmem:s21+$0x5560] =	vst v19;
	v19 =	vmul.f32 v56, v60  }
0xdc: {  	v49 =	vmul.f32 v41, v34;
	[tilespmem:s21+$0x55F0] =	vst v39;
	v30 =	vld [tilespmem:s21+$0x55E0]  }
0xdd: {  	v54 =	vld [tilespmem:s21+$0x5570];
	[tilespmem:s21+$0x5580] =	vst v19;
	v19 =	vmul.f32 v59, v60  }
0xde: {  	[tilespmem:s21+$0x54F0] =	vst v49;
	v52 =	vmul.f32 v44, v47;
	v33 =	vld [tilespmem:s21+$0x5600]  }
0xdf: {  	v38 =	vld [tilespmem:s21+$0x5630];
	[tilespmem:s21+$0x55A0] =	vst v19;
	v19 =	vmul.f32 v63, v60  }
0xe0: {  	v36 =	vld [tilespmem:s21+$0x5620];
	[tilespmem:s21+$0x5510] =	vst v52;
	v55 =	vmul.f32 v48, v47  }
0xe1: {  	v41 =	vld [tilespmem:s21+$0x5650];
	v37 =	vperm.xlane v18, v13;
	[tilespmem:s21+$0x55C0] =	vst v19;
	v19 =	vmul.f32 v30, v60  }
0xe2: {  	[tilespmem:s21+$0x5530] =	vst v55;
	v62 =	vmul.f32 v54, v47;
	v40 =	vld [tilespmem:s21+$0x5640]  }
0xe3: {  	v44 =	vld [tilespmem:s21+$0x5670];
	[tilespmem:s21+$0x55E0] =	vst v19;
	v19 =	vmul.f32 v33, v37  }
0xe4: {  	[tilespmem:s21+$0x5570] =	vst v62;
	v45 =	vmul.f32 v38, v37;
	v43 =	vld [tilespmem:s21+$0x5660]  }
0xe5: {  	v34 =	vld [tilespmem:s21+$0x5610];
	[tilespmem:s21+$0x5600] =	vst v19;
	v19 =	vmul.f32 v36, v37  }
0xe6: {  	v48 =	vmul.f32 v41, v37;
	[tilespmem:s21+$0x5630] =	vst v45;
	v46 =	vld [tilespmem:s21+$0x5680]  }
0xe7: {  	v51 =	vld [tilespmem:s21+$0x56B0];
	[tilespmem:s21+$0x5620] =	vst v19;
	v19 =	vmul.f32 v40, v37  }
0xe8: {  	v49 =	vld [tilespmem:s21+$0x56A0];
	v52 =	vmul.f32 v44, v37;
	[tilespmem:s21+$0x5650] =	vst v48  }
0xe9: {  	v54 =	vld [tilespmem:s21+$0x56D0];
	v50 =	vperm.xlane v18, v14;
	[tilespmem:s21+$0x5640] =	vst v19;
	v19 =	vmul.f32 v43, v37  }
0xea: {  	[tilespmem:s21+$0x5670] =	vst v52;
	v42 =	vmul.f32 v34, v37;
	v53 =	vld [tilespmem:s21+$0x56C0]  }
0xeb: {  	v57 =	vld [tilespmem:s21+$0x56F0];
	[tilespmem:s21+$0x5660] =	vst v19;
	v19 =	vmul.f32 v46, v50  }
0xec: {  	[tilespmem:s21+$0x5610] =	vst v42;
	v58 =	vmul.f32 v51, v50;
	v56 =	vld [tilespmem:s21+$0x56E0]  }
0xed: {  	v47 =	vld [tilespmem:s21+$0x5690];
	[tilespmem:s21+$0x5680] =	vst v19;
	v19 =	vmul.f32 v49, v50  }
0xee: {  	v61 =	vmul.f32 v54, v50;
	[tilespmem:s21+$0x56B0] =	vst v58;
	v59 =	vld [tilespmem:s21+$0x5700]  }
0xef: {  	v39 =	vld [tilespmem:s21+$0x5790];
	[tilespmem:s21+$0x56A0] =	vst v19;
	v19 =	vmul.f32 v53, v50  }
0xf0: {  	v62 =	vld [tilespmem:s21+$0x5720];
	v31 =	vmul.f32 v57, v50;
	[tilespmem:s21+$0x56D0] =	vst v61  }
0xf1: {  	v63 =	vperm.xlane v18, v15;
	v60 =	vld [tilespmem:s21+$0x5710];
	[tilespmem:s21+$0x56C0] =	vst v19;
	v19 =	vmul.f32 v56, v50  }
0xf2: {  	v32 =	vld [tilespmem:s21+$0x5740];
	v42 =	vperm.xlane v18, v16;
	[tilespmem:s21+$0x56F0] =	vst v31;
	v55 =	vmul.f32 v47, v50  }
0xf3: {  	v33 =	vld [tilespmem:s21+$0x5750];
	[tilespmem:s21+$0x56E0] =	vst v19;
	v19 =	vmul.f32 v59, v63  }
0xf4: {  	v35 =	vld [tilespmem:s21+$0x5760];
	v47 =	vmul.f32 v39, v42;
	[tilespmem:s21+$0x5690] =	vst v55  }
0xf5: {  	v30 =	vld [tilespmem:s21+$0x5730];
	[tilespmem:s21+$0x5700] =	vst v19;
	v19 =	vmul.f32 v62, v63  }
0xf6: {  	v38 =	vld [tilespmem:s21+$0x5780];
	[tilespmem:s21+$0x5790] =	vst v47;
	v34 =	vmul.f32 v60, v63  }
0xf7: {  	v36 =	vld [tilespmem:s21+$0x5770];
	[tilespmem:s21+$0x5720] =	vst v19;
	v19 =	vmul.f32 v32, v63  }
0xf8: {  	v41 =	vld [tilespmem:s21+$0x57A0];
	[tilespmem:s21+$0x5710] =	vst v34;
	v40 =	vmul.f32 v33, v63  }
0xf9: {  	v46 =	vld [tilespmem:s21+$0x57D0];
	[tilespmem:s21+$0x5740] =	vst v19;
	v19 =	vmul.f32 v35, v63  }
0xfa: {  	v45 =	vld [tilespmem:s21+$0x57C0];
	v37 =	vmul.f32 v30, v63;
	[tilespmem:s21+$0x5750] =	vst v40  }
0xfb: {  	v43 =	vld [tilespmem:s21+$0x57B0];
	[tilespmem:s21+$0x5760] =	vst v19;
	v19 =	vmul.f32 v38, v42  }
0xfc: {  	v48 =	vld [tilespmem:s21+$0x57E0];
	v44 =	vmul.f32 v36, v63;
	[tilespmem:s21+$0x5730] =	vst v37  }
0xfd: {  	v49 =	vld [tilespmem:s21+$0x57F0];
	[tilespmem:s21+$0x5780] =	vst v19;
	v19 =	vmul.f32 v41, v42  }
0xfe: {  	v51 =	vld [tilespmem:s21+$0x5800];
	[tilespmem:s21+$0x5770] =	vst v44;
	v53 =	vmul.f32 v46, v42  }
0xff: {  	v52 =	vld [tilespmem:s21+$0x5810];
	[tilespmem:s21+$0x57A0] =	vst v19;
	v19 =	vmul.f32 v45, v42  }
0x100: {  	v54 =	vld [tilespmem:s21+$0x5820];
	v50 =	vmul.f32 v43, v42;
	[tilespmem:s21+$0x57D0] =	vst v53  }
0x101: {  	v18 =	vperm.xlane v18, v17;
	v55 =	vld [tilespmem:s21+$0x5830];
	[tilespmem:s21+$0x57C0] =	vst v19;
	v19 =	vmul.f32 v48, v42  }
0x102: {  	v57 =	vld [tilespmem:s21+$0x5840];
	v56 =	vmul.f32 v49, v42;
	[tilespmem:s21+$0x57B0] =	vst v50  }
0x103: {  	v58 =	vld [tilespmem:s21+$0x5850];
	[tilespmem:s21+$0x57E0] =	vst v19;
	v19 =	vmul.f32 v51, v18  }
0x104: {  	v60 =	vld [tilespmem:s21+$0x5860];
	v59 =	vmul.f32 v52, v18;
	[tilespmem:s21+$0x57F0] =	vst v56  }
0x105: {  	v61 =	vld [tilespmem:s21+$0x5870];
	[tilespmem:s21+$0x5800] =	vst v19;
	v19 =	vmul.f32 v54, v18  }
0x106: {  	[tilespmem:s21+$0x5810] =	vst v59;
	v62 =	vmul.f32 v55, v18  }
0x107: {  	p1 =	sne.s32 s20, $0x18;
	[tilespmem:s21+$0x5820] =	vst v19;
	v19 =	vmul.f32 v57, v18  }
.Ltmp5:
0x108: {  	[tilespmem:s21+$0x5830] =	vst v62;
	v63 =	vmul.f32 v58, v18;
	(pc) =	sbr.rel @p1 .LBB2_7-.Ltmp5, $4  }
0x109: {  	[tilespmem:s21+$0x5840] =	vst v19;
	v19 =	vmul.f32 v60, v18  }
0x10a: {  	[tilespmem:s21+$0x5850] =	vst v63;
	v18 =	vmul.f32 v61, v18  }
0x10b: {  	[tilespmem:s21+$0x5860] =	vst v19  }
0x10c: {  	s20 =	sadd.s32 $0x1, s20;
	[tilespmem:s21+$0x5870] =	vst v18  }
.Ltmp6:
0x10d: {  	(pc) =	sbr.rel .LBB2_9-.Ltmp6, $4  }
0x10e: {  	[hbm4b:s10+s3] =	stream.linear.scatter [tilespmem:s18], [sflag:$0x3], $0xC800, $0x38;
	[tilespmem:$0x11D00] =	vst v63  }
0x10f: {  	_ =	swait.ge [sflag:s13], $0xC800  }
0x110: {  	[sflag:s13] =	ssyncset.done $0x0  }
0x111: {  	[sflag:s13] =	ssyncadd.s32 $0xFFFF3800  }
.LBB2_10:
0x112: {  	_ =	sfence.sel $0x180000  }
0x113: {  	[bflag:$0x0] =	sbarrier.arrive $0xFFFF  }
0x114: {  	p0 =	sne.s32 s0, $0x0;
	_ =	strace $0x90000047  }
0x115: {  	s0 =	sadd.s32 @!p0 $0x100000, s1;
	[bflag:$0x2] =	sbarrier.arrive $0xFFFF  }
0x116: {  	[sflag:s0] =	ssyncadd.tile.s32 @!p0 $0x1;
	_ =	shalt  }
.Lfunc_end2:
_tile_overlayer_lowered:
.L_overlay_start_2:
0x117: {  	(tag) =	ssettag $0x2  }
0x118: {  	s0 =	rddreg [dreg:$0x0];
	s2 =	stileid.u32  }
0x119: {  	s1 =	rddreg [dreg:$0x1];
	p0 =	sne.s32 s2, $0x0  }
0x11a: {  	s3 =	rddreg [dreg:$0x2];
	[bflag:$0x3] =	sbarrier.arrive $0xFFFF;
	s2 =	simm.s32 @!p0 $0x1C03  }
0x11b: {  	[timem:s3], [sflag:s2] =	dma.local @!p0 [hbm:s0], s1  }
0x11c: {  	s0 =	simm.s32 @!p0 $0x3  }
0x11d: {  	_ =	swait.ge @!p0 [sflag:s0], s1  }
0x11e: {  	s1 =	ssub.s32 @!p0 $0x0, s1;
	[sflag:s0] =	ssyncset.done @!p0 $0x0  }
0x11f: {  	[sflag:s0] =	ssyncadd.s32 @!p0 s1  }
0x120: {  	[bflag:$0x3] =	sbarrier.arrive $0xFFFF  }
0x121: {  	_ =	shalt  }

</sc_bundles>
